<compile_context>
chip_gen: v7x
topology: tpu7x:2x2x1
jax: 0.10.2.dev20260603
libtpu: 0.0.44.dev20260713+nightly
codegen_flags: <defaults>
</compile_context>

<pallas_src>
import functools

import jax
import jax.numpy as jnp
from jax import lax
from jax.experimental import pallas as pl
from jax.experimental.pallas import tpu as pltpu
from jax.experimental.pallas import tpu_sc as plsc

N = 10000
D = 128
HD = D // 2
L = 3
E = 320000

NC = 2
NS = 16
NW = NC * NS

NPAD = 10240
ROWS_PER_TILE = NPAD // NS
K = 80
EW = K * 128
E_PAD = NW * EW
K2 = 2 * K
N_PAD_ROWS = NPAD - N


def _sc_mesh():
    return plsc.VectorSubcoreMesh(
        core_axis_name="c", subcore_axis_name="s", num_cores=NC, num_subcores=NS
    )


@functools.cache
def _build_deg_kernel():
    return functools.partial(
        pl.kernel,
        out_type=[
            jax.ShapeDtypeStruct((NPAD,), jnp.float32),
            jax.ShapeDtypeStruct((NPAD,), jnp.float32),
        ],
        mesh=_sc_mesh(),
        scratch_types=[
            pltpu.VMEM((K, 128), jnp.int32),
            pltpu.VMEM((128,), jnp.float32),
            pltpu.VMEM((640,), jnp.float32),
            pltpu.VMEM_SHARED((NPAD,), jnp.float32),
        ],
    )(_deg_body)


def _deg_body(dst_hbm, dega_hbm, degb_hbm, dstv, onesv, zbuf, acc):
    c = lax.axis_index("c")
    s = lax.axis_index("s")
    wid = c * NS + s
    r0 = s * ROWS_PER_TILE

    for i in range(8):
        onesv[pl.ds(16 * i, 16)] = jnp.ones((16,), jnp.float32)
    for i in range(40):
        zbuf[pl.ds(16 * i, 16)] = jnp.zeros((16,), jnp.float32)
    pltpu.sync_copy(zbuf.at[pl.ds(0, ROWS_PER_TILE)], acc.at[pl.ds(r0, ROWS_PER_TILE)])
    pltpu.sync_copy(dst_hbm.at[wid], dstv)
    plsc.subcore_barrier()

    def body(j, _):
        pltpu.sync_copy(onesv, acc.at[dstv.at[j]], add=True)
        return 0

    lax.fori_loop(0, K, body, 0)
    plsc.subcore_barrier()

    @pl.when(c == 0)
    def _():
        pltpu.sync_copy(acc.at[pl.ds(r0, ROWS_PER_TILE)], dega_hbm.at[pl.ds(r0, ROWS_PER_TILE)])

    @pl.when(c == 1)
    def _():
        pltpu.sync_copy(acc.at[pl.ds(r0, ROWS_PER_TILE)], degb_hbm.at[pl.ds(r0, ROWS_PER_TILE)])


@functools.cache
def _build_segsum_kernel():
    return functools.partial(
        pl.kernel,
        out_type=[
            jax.ShapeDtypeStruct((NPAD, HD), jnp.float32),
            jax.ShapeDtypeStruct((NPAD, HD), jnp.float32),
        ],
        mesh=_sc_mesh(),
        compiler_params=pltpu.CompilerParams(use_tc_tiling_on_sc=False),
        scratch_types=[
            pltpu.VMEM((K2, 128), jnp.int32),
            pltpu.VMEM((K2, 128), jnp.int32),
            pltpu.VMEM((128, HD), jnp.float32),
            pltpu.VMEM((128, HD), jnp.float32),
            pltpu.VMEM((128, HD), jnp.float32),
            pltpu.VMEM((128, HD), jnp.float32),
            pltpu.SemaphoreType.DMA,
            pltpu.SemaphoreType.DMA,
            pltpu.SemaphoreType.DMA,
            pltpu.SemaphoreType.DMA,
            pltpu.VMEM_SHARED((NPAD, HD), jnp.float32),
        ],
    )(_segsum_body)


def _segsum_body(hs2_hbm, src_hbm, dst_hbm, zeros_hbm, outa_hbm, outb_hbm,
                 srcv, dstv, rows0, rows1, rows2, rows3,
                 sem0, sem1, sem2, sem3, acc):
    c = lax.axis_index("c")
    s = lax.axis_index("s")
    r0 = s * ROWS_PER_TILE

    pltpu.sync_copy(src_hbm.at[s], srcv)
    pltpu.sync_copy(dst_hbm.at[s], dstv)
    pltpu.sync_copy(zeros_hbm.at[pl.ds(r0, ROWS_PER_TILE)],
                    acc.at[pl.ds(r0, ROWS_PER_TILE)])

    def rewrite(j, _):
        for k in range(8):
            v = srcv[j, pl.ds(16 * k, 16)]
            srcv[j, pl.ds(16 * k, 16)] = 2 * v + c
        return 0

    lax.fori_loop(0, K2, rewrite, 0)
    plsc.subcore_barrier()

    bufs = (rows0, rows1, rows2, rows3)
    sems = (sem0, sem1, sem2, sem3)
    for b in range(4):
        pltpu.async_copy(hs2_hbm.at[srcv.at[b]], bufs[b], sems[b])

    def body(g, _):
        for b in range(4):
            j = 4 * g + b
            pltpu.make_async_copy(hs2_hbm.at[srcv.at[j]], bufs[b], sems[b]).wait()
            pltpu.sync_copy(bufs[b], acc.at[dstv.at[j]], add=True)
            pltpu.async_copy(hs2_hbm.at[srcv.at[j + 4]], bufs[b], sems[b])
        return 0

    lax.fori_loop(0, K2 // 4 - 1, body, 0)
    for b in range(4):
        j = K2 - 4 + b
        pltpu.make_async_copy(hs2_hbm.at[srcv.at[j]], bufs[b], sems[b]).wait()
        pltpu.sync_copy(bufs[b], acc.at[dstv.at[j]], add=True)
    plsc.subcore_barrier()

    @pl.when(c == 0)
    def _():
        pltpu.sync_copy(acc.at[pl.ds(r0, ROWS_PER_TILE)],
                        outa_hbm.at[pl.ds(r0, ROWS_PER_TILE)])

    @pl.when(c == 1)
    def _():
        pltpu.sync_copy(acc.at[pl.ds(r0, ROWS_PER_TILE)],
                        outb_hbm.at[pl.ds(r0, ROWS_PER_TILE)])


R = NPAD // NS


def _mm_scale_body(x_ref, w_ref, dega_ref, degb_ref, out_ref):
    dinv = lax.rsqrt(dega_ref[...] + degb_ref[...] + 1.0)
    out_ref[...] = jnp.dot(x_ref[...], w_ref[...],
                           preferred_element_type=jnp.float32) * dinv


def _mm_scale(x, w, dega, degb):
    return pl.pallas_call(
        _mm_scale_body,
        grid=(NPAD // R,),
        in_specs=[
            pl.BlockSpec((R, D), lambda i: (i, 0)),
            pl.BlockSpec((D, D), lambda i: (0, 0)),
            pl.BlockSpec((R, 1), lambda i: (i, 0)),
            pl.BlockSpec((R, 1), lambda i: (i, 0)),
        ],
        out_specs=pl.BlockSpec((R, D), lambda i: (i, 0)),
        out_shape=jax.ShapeDtypeStruct((NPAD, D), jnp.float32),
    )(x, w, dega, degb)


def _post_body_mm(acca_ref, accb_ref, hs_ref, dega_ref, degb_ref, b_ref,
                  xin_ref, g_ref, be_ref, w_ref, xout_ref, hs2_ref,
                  ys_ref, s1_ref, s2_ref):
    _post_core("mm", acca_ref, accb_ref, hs_ref, dega_ref, degb_ref, b_ref,
               xin_ref, g_ref, be_ref, w_ref, xout_ref, hs2_ref,
               ys_ref, s1_ref, s2_ref)


def _post_body_final(acca_ref, accb_ref, hs_ref, dega_ref, degb_ref, b_ref,
                     xin_ref, g_ref, be_ref, w_ref, xout_ref,
                     ys_ref, s1_ref, s2_ref):
    _post_core("final", acca_ref, accb_ref, hs_ref, dega_ref, degb_ref, b_ref,
               xin_ref, g_ref, be_ref, w_ref, xout_ref, None,
               ys_ref, s1_ref, s2_ref)


def _post_core(mode, acca_ref, accb_ref, hs_ref, dega_ref, degb_ref, b_ref,
               xin_ref, g_ref, be_ref, w_ref, xout_ref, hs2_ref,
               ys_ref, s1_ref, s2_ref):
    j = pl.program_id(0)
    i = pl.program_id(1)
    dinv = lax.rsqrt(dega_ref[...] + degb_ref[...] + 1.0)
    row = lax.broadcasted_iota(jnp.int32, (R, 1), 0) + i * R

    @pl.when(j == 0)
    def _():
        accf = jnp.concatenate([acca_ref[...], accb_ref[...]], axis=1)
        y = (accf + hs_ref[...]) * dinv + b_ref[...]
        y = jnp.where(row < N, y, 0.0)
        ys_ref[pl.ds(i * R, R), :] = y
        p1 = jnp.sum(y, axis=0, keepdims=True)
        p2 = jnp.sum(y * y, axis=0, keepdims=True)

        @pl.when(i == 0)
        def _():
            s1_ref[...] = p1
            s2_ref[...] = p2

        @pl.when(i > 0)
        def _():
            s1_ref[...] += p1
            s2_ref[...] += p2

    @pl.when(j == 1)
    def _():
        mu = s1_ref[...] * (1.0 / N)
        var = s2_ref[...] * (1.0 / N) - mu * mu
        rstd = lax.rsqrt(var + 1e-5)
        z = g_ref[...] * (ys_ref[pl.ds(i * R, R), :] - mu) * rstd + be_ref[...]
        z = jnp.maximum(z, 0.0)
        n1 = jnp.sqrt(jnp.sum(z * z, axis=1, keepdims=True))
        z = z / jnp.maximum(n1, 1e-12)
        t = xin_ref[...] + z
        if mode == "final":
            n2 = jnp.sqrt(jnp.sum(t * t, axis=1, keepdims=True))
            t = t / jnp.maximum(n2, 1e-12)
        t = jnp.where(row < N, t, 0.0)
        xout_ref[...] = t
        if mode == "mm":
            hs2_ref[...] = jnp.dot(t, w_ref[...],
                                   preferred_element_type=jnp.float32) * dinv


def _post(mode, acca, accb, hs, dega, degb, b, xin, g, be, w):
    z16 = lambda j, i: (0, 0)
    p0 = lambda j, i: ((1 - j) * i, 0)
    p1 = lambda j, i: (j * i, 0)
    both = lambda j, i: (i, 0)
    out_shapes = [jax.ShapeDtypeStruct((NPAD, D), jnp.float32)]
    out_specs = [pl.BlockSpec((R, D), p1)]
    if mode == "mm":
        out_shapes.append(jax.ShapeDtypeStruct((NPAD, D), jnp.float32))
        out_specs.append(pl.BlockSpec((R, D), p1))
    res = pl.pallas_call(
        _post_body_mm if mode == "mm" else _post_body_final,
        grid=(2, NS),
        in_specs=[
            pl.BlockSpec((R, HD), p0),
            pl.BlockSpec((R, HD), p0),
            pl.BlockSpec((R, D), p0),
            pl.BlockSpec((R, 1), both),
            pl.BlockSpec((R, 1), both),
            pl.BlockSpec((1, D), z16),
            pl.BlockSpec((R, D), p1),
            pl.BlockSpec((1, D), z16),
            pl.BlockSpec((1, D), z16),
            pl.BlockSpec((D, D), z16),
        ],
        out_specs=out_specs,
        out_shape=out_shapes,
        scratch_shapes=[
            pltpu.VMEM((NPAD, D), jnp.float32),
            pltpu.VMEM((1, D), jnp.float32),
            pltpu.VMEM((1, D), jnp.float32),
        ],
    )(acca, accb, hs, dega, degb, b, xin, g, be, w)
    if mode == "mm":
        return res[0], res[1]
    return res[0]


def kernel(x, edge_index, W, b, gamma, beta):
    src = edge_index[0]
    dst = edge_index[1]
    pad_idx = (N + (jnp.arange(E_PAD - E, dtype=jnp.int32) % N_PAD_ROWS))
    src_full = jnp.concatenate([src, pad_idx])
    dst_full = jnp.concatenate([dst, pad_idx])
    dst_p = dst_full.reshape(NW, K, 128)
    src_p2 = src_full.reshape(NS, K2, 128)
    dst_p2 = dst_full.reshape(NS, K2, 128)
    zeros_acc = jnp.zeros((NPAD, HD), jnp.float32)
    x_p = jnp.concatenate([x, jnp.zeros((NPAD - N, D), jnp.float32)], axis=0)

    dega, degb = _build_deg_kernel()(dst_p)
    dega2 = dega.reshape(NPAD, 1)
    degb2 = degb.reshape(NPAD, 1)

    hs = _mm_scale(x_p, W[0], dega2, degb2)
    for i in range(L):
        hs2 = hs.reshape(2 * NPAD, HD)
        acca, accb = _build_segsum_kernel()(hs2, src_p2, dst_p2, zeros_acc)
        if i < L - 1:
            x_p, hs = _post("mm", acca, accb, hs, dega2, degb2,
                            b[i].reshape(1, D), x_p, gamma[i].reshape(1, D),
                            beta[i].reshape(1, D), W[i + 1])
        else:
            x_p = _post("final", acca, accb, hs, dega2, degb2,
                        b[i].reshape(1, D), x_p, gamma[i].reshape(1, D),
                        beta[i].reshape(1, D), W[i])

    return x_p[:N]

# --- scband reference (transcript-rebuilt; emitter-appended) ---
"""Pipeline reference for scband-gnnstack-stage-65352222376552 (READ-ONLY COPY).

The authoritative reference and input builder live on the scoring server;
editing this copy changes nothing except your own understanding.
"""

import jax, jax.numpy as jnp
import numpy as np

N = 10000
E = 320000
D = 128
L = 3

def setup_inputs(seed: int = 0) -> dict:
    key = jax.random.key(seed)
    ks = jax.random.split(key, 6)
    x = jax.random.normal(ks[0], (N, D), dtype=jnp.float32)
    edge_index = jax.random.randint(ks[1], (2, E), 0, N, dtype=jnp.int32)
    W = jax.random.normal(ks[2], (L, D, D), dtype=jnp.float32) / np.sqrt(D)
    b = jnp.zeros((L, D), dtype=jnp.float32)
    gamma = jnp.ones((L, D), dtype=jnp.float32)
    beta = jnp.zeros((L, D), dtype=jnp.float32)
    return {"x": x, "edge_index": edge_index, "W": W, "b": b, "gamma": gamma, "beta": beta}

def _gcn_conv(x, src, dst, W, b):
    # GCNConv with added self-loops and symmetric normalization
    h = x @ W
    loop = jnp.arange(N, dtype=src.dtype)
    s = jnp.concatenate([src, loop])
    d = jnp.concatenate([dst, loop])
    deg = jnp.zeros((N,), x.dtype).at[d].add(1.0)
    dinv = 1.0 / jnp.sqrt(deg)
    coef = (dinv[s] * dinv[d])[:, None]
    out = jnp.zeros_like(h).at[d].add(h[s] * coef)
    return out + b

def _bn(x, gamma, beta):
    mu = x.mean(axis=0)
    var = x.var(axis=0)
    return gamma * (x - mu) / jnp.sqrt(var + 1e-5) + beta

def _l2norm(x):
    n = jnp.linalg.norm(x, axis=-1, keepdims=True)
    return x / jnp.maximum(n, 1e-12)

def reference(x, edge_index, W, b, gamma, beta):
    src = edge_index[0]
    dst = edge_index[1]
    for i in range(L):
        x_in = x
        h = _gcn_conv(x_in, src, dst, W[i], b[i])
        h = _bn(h, gamma[i], beta[i])          # batch_norm=True
        h = jax.nn.relu(h)                     # act='relu'; dropout(0.2) is identity in eval
        h = _l2norm(h)                         # per-layer l2_norm=True
        x = x_in + h                           # stage_type='skipsum'
    x = _l2norm(x)                             # final_l2_norm=True
    return x

if __name__ == "__main__":
    import jax
    _d = setup_inputs()
    print(jax.jit(kernel)(*tuple(_d.values())))

</pallas_src>

<mosaic_0001>
#map = affine_map<(d0, d1) -> (0, 0)>
#map1 = affine_map<(d0, d1) -> (0, 0, 0)>
module attributes {stable_mosaic.version = 14 : i64} {
  func.func @_segsum_body(%arg0: i32, %arg1: i32, %arg2: memref<20480x64xf32, #tpu.memory_space<hbm>>, %arg3: memref<16x160x128xi32, #tpu.memory_space<hbm>>, %arg4: memref<16x160x128xi32, #tpu.memory_space<hbm>>, %arg5: memref<10240x64xf32, #tpu.memory_space<hbm>>, %arg6: memref<10240x64xf32, #tpu.memory_space<hbm>>, %arg7: memref<10240x64xf32, #tpu.memory_space<hbm>>, %arg8: memref<160x128xi32, #tpu.memory_space<vmem>>, %arg9: memref<160x128xi32, #tpu.memory_space<vmem>>, %arg10: memref<128x64xf32, #tpu.memory_space<vmem>>, %arg11: memref<128x64xf32, #tpu.memory_space<vmem>>, %arg12: memref<128x64xf32, #tpu.memory_space<vmem>>, %arg13: memref<128x64xf32, #tpu.memory_space<vmem>>, %arg14: memref<!tpu.dma_semaphore, #tpu.memory_space<semaphore_mem>>, %arg15: memref<!tpu.dma_semaphore, #tpu.memory_space<semaphore_mem>>, %arg16: memref<!tpu.dma_semaphore, #tpu.memory_space<semaphore_mem>>, %arg17: memref<!tpu.dma_semaphore, #tpu.memory_space<semaphore_mem>>, %arg18: memref<10240x64xf32, #tpu.memory_space<vmem_shared>>) attributes {dimension_semantics = [#tpu.dimension_semantics<core_parallel>, #tpu.dimension_semantics<subcore_parallel>], iteration_bounds = array<i64: 2, 16>, scalar_prefetch = 0 : i64, scratch_operands = 11 : i64, tpu.core_type = #tpu.core_type<sc_vector_subcore>, window_params = [{transform_indices = #map}, {transform_indices = #map1}, {transform_indices = #map1}, {transform_indices = #map}, {transform_indices = #map}, {transform_indices = #map}]} {
    %mul3A = arith.constant 640 : i32
    %mul3A_0 = arith.muli %arg1, %mul3A : i32
    "tpu.region"() ({
      %run_scoped3A_79 = tpu.sem_alloc : memref<!tpu.dma_semaphore, #tpu.memory_space<semaphore_mem>>
      %dma_start3A_80 = arith.constant 0 : i32
      %dma_start3A_81 = arith.constant 0 : i32
      %dma_start3A_82 = tpu.memref_slice %arg3[%arg1, %dma_start3A_80, %dma_start3A_81] : memref<16x160x128xi32, #tpu.memory_space<hbm>> -> memref<1x160x128xi32, #tpu.memory_space<hbm>>
      %dma_start3A_83 = tpu.memref_squeeze %dma_start3A_82 : memref<1x160x128xi32, #tpu.memory_space<hbm>> -> memref<160x128xi32, #tpu.memory_space<hbm>>
      %dma_start3A_84 = arith.constant 0 : i32
      %dma_start3A_85 = arith.constant 0 : i32
      %dma_start3A_86 = tpu.memref_slice %arg3[%arg1, %dma_start3A_84, %dma_start3A_85] : memref<16x160x128xi32, #tpu.memory_space<hbm>> -> memref<1x160x128xi32, #tpu.memory_space<hbm>>
      %dma_start3A_87 = tpu.memref_squeeze %dma_start3A_86 : memref<1x160x128xi32, #tpu.memory_space<hbm>> -> memref<160x128xi32, #tpu.memory_space<hbm>>
      tpu.enqueue_dma source(%dma_start3A_87 : memref<160x128xi32, #tpu.memory_space<hbm>>) target(%arg8 : memref<160x128xi32, #tpu.memory_space<vmem>>) target_semaphore(%run_scoped3A_79 : memref<!tpu.dma_semaphore, #tpu.memory_space<semaphore_mem>>)
      %dma_wait3A_88 = arith.constant 0 : i32
      %dma_wait3A_89 = arith.constant 0 : i32
      %dma_wait3A_90 = tpu.memref_slice %arg3[%arg1, %dma_wait3A_88, %dma_wait3A_89] : memref<16x160x128xi32, #tpu.memory_space<hbm>> -> memref<1x160x128xi32, #tpu.memory_space<hbm>>
      %dma_wait3A_91 = tpu.memref_squeeze %dma_wait3A_90 : memref<1x160x128xi32, #tpu.memory_space<hbm>> -> memref<160x128xi32, #tpu.memory_space<hbm>>
      %dma_wait3A_92 = arith.constant 0 : i32
      %dma_wait3A_93 = arith.constant 0 : i32
      %dma_wait3A_94 = tpu.memref_slice %arg3[%arg1, %dma_wait3A_92, %dma_wait3A_93] : memref<16x160x128xi32, #tpu.memory_space<hbm>> -> memref<1x160x128xi32, #tpu.memory_space<hbm>>
      %dma_wait3A_95 = tpu.memref_squeeze %dma_wait3A_94 : memref<1x160x128xi32, #tpu.memory_space<hbm>> -> memref<160x128xi32, #tpu.memory_space<hbm>>
      tpu.wait_dma2 semaphore(%run_scoped3A_79 : memref<!tpu.dma_semaphore, #tpu.memory_space<semaphore_mem>>) src(%dma_wait3A_95 : memref<160x128xi32, #tpu.memory_space<hbm>>) dst(%arg8 : memref<160x128xi32, #tpu.memory_space<vmem>>)
      tpu.yield
    }) : () -> ()
    "tpu.region"() ({
      %run_scoped3A_79 = tpu.sem_alloc : memref<!tpu.dma_semaphore, #tpu.memory_space<semaphore_mem>>
      %dma_start3A_80 = arith.constant 0 : i32
      %dma_start3A_81 = arith.constant 0 : i32
      %dma_start3A_82 = tpu.memref_slice %arg4[%arg1, %dma_start3A_80, %dma_start3A_81] : memref<16x160x128xi32, #tpu.memory_space<hbm>> -> memref<1x160x128xi32, #tpu.memory_space<hbm>>
      %dma_start3A_83 = tpu.memref_squeeze %dma_start3A_82 : memref<1x160x128xi32, #tpu.memory_space<hbm>> -> memref<160x128xi32, #tpu.memory_space<hbm>>
      %dma_start3A_84 = arith.constant 0 : i32
      %dma_start3A_85 = arith.constant 0 : i32
      %dma_start3A_86 = tpu.memref_slice %arg4[%arg1, %dma_start3A_84, %dma_start3A_85] : memref<16x160x128xi32, #tpu.memory_space<hbm>> -> memref<1x160x128xi32, #tpu.memory_space<hbm>>
      %dma_start3A_87 = tpu.memref_squeeze %dma_start3A_86 : memref<1x160x128xi32, #tpu.memory_space<hbm>> -> memref<160x128xi32, #tpu.memory_space<hbm>>
      tpu.enqueue_dma source(%dma_start3A_87 : memref<160x128xi32, #tpu.memory_space<hbm>>) target(%arg9 : memref<160x128xi32, #tpu.memory_space<vmem>>) target_semaphore(%run_scoped3A_79 : memref<!tpu.dma_semaphore, #tpu.memory_space<semaphore_mem>>)
      %dma_wait3A_88 = arith.constant 0 : i32
      %dma_wait3A_89 = arith.constant 0 : i32
      %dma_wait3A_90 = tpu.memref_slice %arg4[%arg1, %dma_wait3A_88, %dma_wait3A_89] : memref<16x160x128xi32, #tpu.memory_space<hbm>> -> memref<1x160x128xi32, #tpu.memory_space<hbm>>
      %dma_wait3A_91 = tpu.memref_squeeze %dma_wait3A_90 : memref<1x160x128xi32, #tpu.memory_space<hbm>> -> memref<160x128xi32, #tpu.memory_space<hbm>>
      %dma_wait3A_92 = arith.constant 0 : i32
      %dma_wait3A_93 = arith.constant 0 : i32
      %dma_wait3A_94 = tpu.memref_slice %arg4[%arg1, %dma_wait3A_92, %dma_wait3A_93] : memref<16x160x128xi32, #tpu.memory_space<hbm>> -> memref<1x160x128xi32, #tpu.memory_space<hbm>>
      %dma_wait3A_95 = tpu.memref_squeeze %dma_wait3A_94 : memref<1x160x128xi32, #tpu.memory_space<hbm>> -> memref<160x128xi32, #tpu.memory_space<hbm>>
      tpu.wait_dma2 semaphore(%run_scoped3A_79 : memref<!tpu.dma_semaphore, #tpu.memory_space<semaphore_mem>>) src(%dma_wait3A_95 : memref<160x128xi32, #tpu.memory_space<hbm>>) dst(%arg9 : memref<160x128xi32, #tpu.memory_space<vmem>>)
      tpu.yield
    }) : () -> ()
    "tpu.region"() ({
      %run_scoped3A_79 = tpu.sem_alloc : memref<!tpu.dma_semaphore, #tpu.memory_space<semaphore_mem>>
      %dma_start3A_80 = arith.constant 0 : i32
      %dma_start3A_81 = tpu.memref_slice %arg18[%mul3A_0, %dma_start3A_80] : memref<10240x64xf32, #tpu.memory_space<vmem_shared>> -> memref<640x64xf32, #tpu.memory_space<vmem_shared>>
      %dma_start3A_82 = arith.constant 0 : i32
      %dma_start3A_83 = tpu.memref_slice %arg5[%mul3A_0, %dma_start3A_82] : memref<10240x64xf32, #tpu.memory_space<hbm>> -> memref<640x64xf32, #tpu.memory_space<hbm>>
      tpu.enqueue_dma source(%dma_start3A_83 : memref<640x64xf32, #tpu.memory_space<hbm>>) target(%dma_start3A_81 : memref<640x64xf32, #tpu.memory_space<vmem_shared>>) target_semaphore(%run_scoped3A_79 : memref<!tpu.dma_semaphore, #tpu.memory_space<semaphore_mem>>)
      %dma_wait3A_84 = arith.constant 0 : i32
      %dma_wait3A_85 = tpu.memref_slice %arg18[%mul3A_0, %dma_wait3A_84] : memref<10240x64xf32, #tpu.memory_space<vmem_shared>> -> memref<640x64xf32, #tpu.memory_space<vmem_shared>>
      %dma_wait3A_86 = arith.constant 0 : i32
      %dma_wait3A_87 = tpu.memref_slice %arg5[%mul3A_0, %dma_wait3A_86] : memref<10240x64xf32, #tpu.memory_space<hbm>> -> memref<640x64xf32, #tpu.memory_space<hbm>>
      tpu.wait_dma2 semaphore(%run_scoped3A_79 : memref<!tpu.dma_semaphore, #tpu.memory_space<semaphore_mem>>) src(%dma_wait3A_87 : memref<640x64xf32, #tpu.memory_space<hbm>>) dst(%dma_wait3A_85 : memref<640x64xf32, #tpu.memory_space<vmem_shared>>)
      tpu.yield
    }) : () -> ()
    %scan3A = arith.constant 0 : i32
    %scan3A_1 = arith.constant 0 : i32
    %scan3A_2 = arith.constant 160 : i32
    %scan3A_3 = arith.addi %scan3A_1, %scan3A_2 : i32
    %scan3A_4 = arith.constant 1 : i32
    %scan3A_5 = scf.for %scan3A_79 = %scan3A_1 to %scan3A_3 step %scan3A_4 iter_args(%scan3A_80 = %scan3A) -> (i32)  : i32 {
      %get3A = arith.index_cast %scan3A_79 : i32 to index
      %get3A_81 = arith.constant 0 : index
      %get3A_82 = tpu.vector_load %arg8[%get3A, %get3A_81] {strides = array<i32>} : memref<160x128xi32, #tpu.memory_space<vmem>>, vector<1x16xi32>,
      %get3A_83 = vector.shape_cast %get3A_82 : vector<1x16xi32> to vector<16xi32>
      %mul3A_84 = arith.constant 2 : i32
      %mul3A_85 = vector.broadcast %mul3A_84 : i32 to vector<16xi32>
      %mul3A_86 = arith.muli %mul3A_85, %get3A_83 : vector<16xi32>
      %add3A = vector.broadcast %arg0 : i32 to vector<16xi32>
      %add3A_87 = arith.addi %mul3A_86, %add3A : vector<16xi32>
      %swap3A = arith.index_cast %scan3A_79 : i32 to index
      %swap3A_88 = arith.constant 0 : index
      %swap3A_89 = tpu.vector_load %arg8[%swap3A, %swap3A_88] {strides = array<i32>} : memref<160x128xi32, #tpu.memory_space<vmem>>, vector<1x16xi32>,
      %swap3A_90 = vector.shape_cast %swap3A_89 : vector<1x16xi32> to vector<16xi32>
      %swap3A_91 = vector.shape_cast %add3A_87 : vector<16xi32> to vector<1x16xi32>
      tpu.vector_store %arg8[%swap3A, %swap3A_88], %swap3A_91 {strides = array<i32>} : memref<160x128xi32, #tpu.memory_space<vmem>>, vector<1x16xi32>,
      %get3A_92 = arith.index_cast %scan3A_79 : i32 to index
      %get3A_93 = arith.constant 16 : index
      %get3A_94 = tpu.vector_load %arg8[%get3A_92, %get3A_93] {strides = array<i32>} : memref<160x128xi32, #tpu.memory_space<vmem>>, vector<1x16xi32>,
      %get3A_95 = vector.shape_cast %get3A_94 : vector<1x16xi32> to vector<16xi32>
      %mul3A_96 = arith.constant 2 : i32
      %mul3A_97 = vector.broadcast %mul3A_96 : i32 to vector<16xi32>
      %mul3A_98 = arith.muli %mul3A_97, %get3A_95 : vector<16xi32>
      %add3A_99 = vector.broadcast %arg0 : i32 to vector<16xi32>
      %add3A_100 = arith.addi %mul3A_98, %add3A_99 : vector<16xi32>
      %swap3A_101 = arith.index_cast %scan3A_79 : i32 to index
      %swap3A_102 = arith.constant 16 : index
      %swap3A_103 = tpu.vector_load %arg8[%swap3A_101, %swap3A_102] {strides = array<i32>} : memref<160x128xi32, #tpu.memory_space<vmem>>, vector<1x16xi32>,
      %swap3A_104 = vector.shape_cast %swap3A_103 : vector<1x16xi32> to vector<16xi32>
      %swap3A_105 = vector.shape_cast %add3A_100 : vector<16xi32> to vector<1x16xi32>
      tpu.vector_store %arg8[%swap3A_101, %swap3A_102], %swap3A_105 {strides = array<i32>} : memref<160x128xi32, #tpu.memory_space<vmem>>, vector<1x16xi32>,
      %get3A_106 = arith.index_cast %scan3A_79 : i32 to index
      %get3A_107 = arith.constant 32 : index
      %get3A_108 = tpu.vector_load %arg8[%get3A_106, %get3A_107] {strides = array<i32>} : memref<160x128xi32, #tpu.memory_space<vmem>>, vector<1x16xi32>,
      %get3A_109 = vector.shape_cast %get3A_108 : vector<1x16xi32> to vector<16xi32>
      %mul3A_110 = arith.constant 2 : i32
      %mul3A_111 = vector.broadcast %mul3A_110 : i32 to vector<16xi32>
      %mul3A_112 = arith.muli %mul3A_111, %get3A_109 : vector<16xi32>
      %add3A_113 = vector.broadcast %arg0 : i32 to vector<16xi32>
      %add3A_114 = arith.addi %mul3A_112, %add3A_113 : vector<16xi32>
      %swap3A_115 = arith.index_cast %scan3A_79 : i32 to index
      %swap3A_116 = arith.constant 32 : index
      %swap3A_117 = tpu.vector_load %arg8[%swap3A_115, %swap3A_116] {strides = array<i32>} : memref<160x128xi32, #tpu.memory_space<vmem>>, vector<1x16xi32>,
      %swap3A_118 = vector.shape_cast %swap3A_117 : vector<1x16xi32> to vector<16xi32>
      %swap3A_119 = vector.shape_cast %add3A_114 : vector<16xi32> to vector<1x16xi32>
      tpu.vector_store %arg8[%swap3A_115, %swap3A_116], %swap3A_119 {strides = array<i32>} : memref<160x128xi32, #tpu.memory_space<vmem>>, vector<1x16xi32>,
      %get3A_120 = arith.index_cast %scan3A_79 : i32 to index
      %get3A_121 = arith.constant 48 : index
      %get3A_122 = tpu.vector_load %arg8[%get3A_120, %get3A_121] {strides = array<i32>} : memref<160x128xi32, #tpu.memory_space<vmem>>, vector<1x16xi32>,
      %get3A_123 = vector.shape_cast %get3A_122 : vector<1x16xi32> to vector<16xi32>
      %mul3A_124 = arith.constant 2 : i32
      %mul3A_125 = vector.broadcast %mul3A_124 : i32 to vector<16xi32>
      %mul3A_126 = arith.muli %mul3A_125, %get3A_123 : vector<16xi32>
      %add3A_127 = vector.broadcast %arg0 : i32 to vector<16xi32>
      %add3A_128 = arith.addi %mul3A_126, %add3A_127 : vector<16xi32>
      %swap3A_129 = arith.index_cast %scan3A_79 : i32 to index
      %swap3A_130 = arith.constant 48 : index
      %swap3A_131 = tpu.vector_load %arg8[%swap3A_129, %swap3A_130] {strides = array<i32>} : memref<160x128xi32, #tpu.memory_space<vmem>>, vector<1x16xi32>,
      %swap3A_132 = vector.shape_cast %swap3A_131 : vector<1x16xi32> to vector<16xi32>
      %swap3A_133 = vector.shape_cast %add3A_128 : vector<16xi32> to vector<1x16xi32>
      tpu.vector_store %arg8[%swap3A_129, %swap3A_130], %swap3A_133 {strides = array<i32>} : memref<160x128xi32, #tpu.memory_space<vmem>>, vector<1x16xi32>,
      %get3A_134 = arith.index_cast %scan3A_79 : i32 to index
      %get3A_135 = arith.constant 64 : index
      %get3A_136 = tpu.vector_load %arg8[%get3A_134, %get3A_135] {strides = array<i32>} : memref<160x128xi32, #tpu.memory_space<vmem>>, vector<1x16xi32>,
      %get3A_137 = vector.shape_cast %get3A_136 : vector<1x16xi32> to vector<16xi32>
      %mul3A_138 = arith.constant 2 : i32
      %mul3A_139 = vector.broadcast %mul3A_138 : i32 to vector<16xi32>
      %mul3A_140 = arith.muli %mul3A_139, %get3A_137 : vector<16xi32>
      %add3A_141 = vector.broadcast %arg0 : i32 to vector<16xi32>
      %add3A_142 = arith.addi %mul3A_140, %add3A_141 : vector<16xi32>
      %swap3A_143 = arith.index_cast %scan3A_79 : i32 to index
      %swap3A_144 = arith.constant 64 : index
      %swap3A_145 = tpu.vector_load %arg8[%swap3A_143, %swap3A_144] {strides = array<i32>} : memref<160x128xi32, #tpu.memory_space<vmem>>, vector<1x16xi32>,
      %swap3A_146 = vector.shape_cast %swap3A_145 : vector<1x16xi32> to vector<16xi32>
      %swap3A_147 = vector.shape_cast %add3A_142 : vector<16xi32> to vector<1x16xi32>
      tpu.vector_store %arg8[%swap3A_143, %swap3A_144], %swap3A_147 {strides = array<i32>} : memref<160x128xi32, #tpu.memory_space<vmem>>, vector<1x16xi32>,
      %get3A_148 = arith.index_cast %scan3A_79 : i32 to index
      %get3A_149 = arith.constant 80 : index
      %get3A_150 = tpu.vector_load %arg8[%get3A_148, %get3A_149] {strides = array<i32>} : memref<160x128xi32, #tpu.memory_space<vmem>>, vector<1x16xi32>,
      %get3A_151 = vector.shape_cast %get3A_150 : vector<1x16xi32> to vector<16xi32>
      %mul3A_152 = arith.constant 2 : i32
      %mul3A_153 = vector.broadcast %mul3A_152 : i32 to vector<16xi32>
      %mul3A_154 = arith.muli %mul3A_153, %get3A_151 : vector<16xi32>
      %add3A_155 = vector.broadcast %arg0 : i32 to vector<16xi32>
      %add3A_156 = arith.addi %mul3A_154, %add3A_155 : vector<16xi32>
      %swap3A_157 = arith.index_cast %scan3A_79 : i32 to index
      %swap3A_158 = arith.constant 80 : index
      %swap3A_159 = tpu.vector_load %arg8[%swap3A_157, %swap3A_158] {strides = array<i32>} : memref<160x128xi32, #tpu.memory_space<vmem>>, vector<1x16xi32>,
      %swap3A_160 = vector.shape_cast %swap3A_159 : vector<1x16xi32> to vector<16xi32>
      %swap3A_161 = vector.shape_cast %add3A_156 : vector<16xi32> to vector<1x16xi32>
      tpu.vector_store %arg8[%swap3A_157, %swap3A_158], %swap3A_161 {strides = array<i32>} : memref<160x128xi32, #tpu.memory_space<vmem>>, vector<1x16xi32>,
      %get3A_162 = arith.index_cast %scan3A_79 : i32 to index
      %get3A_163 = arith.constant 96 : index
      %get3A_164 = tpu.vector_load %arg8[%get3A_162, %get3A_163] {strides = array<i32>} : memref<160x128xi32, #tpu.memory_space<vmem>>, vector<1x16xi32>,
      %get3A_165 = vector.shape_cast %get3A_164 : vector<1x16xi32> to vector<16xi32>
      %mul3A_166 = arith.constant 2 : i32
      %mul3A_167 = vector.broadcast %mul3A_166 : i32 to vector<16xi32>
      %mul3A_168 = arith.muli %mul3A_167, %get3A_165 : vector<16xi32>
      %add3A_169 = vector.broadcast %arg0 : i32 to vector<16xi32>
      %add3A_170 = arith.addi %mul3A_168, %add3A_169 : vector<16xi32>
      %swap3A_171 = arith.index_cast %scan3A_79 : i32 to index
      %swap3A_172 = arith.constant 96 : index
      %swap3A_173 = tpu.vector_load %arg8[%swap3A_171, %swap3A_172] {strides = array<i32>} : memref<160x128xi32, #tpu.memory_space<vmem>>, vector<1x16xi32>,
      %swap3A_174 = vector.shape_cast %swap3A_173 : vector<1x16xi32> to vector<16xi32>
      %swap3A_175 = vector.shape_cast %add3A_170 : vector<16xi32> to vector<1x16xi32>
      tpu.vector_store %arg8[%swap3A_171, %swap3A_172], %swap3A_175 {strides = array<i32>} : memref<160x128xi32, #tpu.memory_space<vmem>>, vector<1x16xi32>,
      %get3A_176 = arith.index_cast %scan3A_79 : i32 to index
      %get3A_177 = arith.constant 112 : index
      %get3A_178 = tpu.vector_load %arg8[%get3A_176, %get3A_177] {strides = array<i32>} : memref<160x128xi32, #tpu.memory_space<vmem>>, vector<1x16xi32>,
      %get3A_179 = vector.shape_cast %get3A_178 : vector<1x16xi32> to vector<16xi32>
      %mul3A_180 = arith.constant 2 : i32
      %mul3A_181 = vector.broadcast %mul3A_180 : i32 to vector<16xi32>
      %mul3A_182 = arith.muli %mul3A_181, %get3A_179 : vector<16xi32>
      %add3A_183 = vector.broadcast %arg0 : i32 to vector<16xi32>
      %add3A_184 = arith.addi %mul3A_182, %add3A_183 : vector<16xi32>
      %swap3A_185 = arith.index_cast %scan3A_79 : i32 to index
      %swap3A_186 = arith.constant 112 : index
      %swap3A_187 = tpu.vector_load %arg8[%swap3A_185, %swap3A_186] {strides = array<i32>} : memref<160x128xi32, #tpu.memory_space<vmem>>, vector<1x16xi32>,
      %swap3A_188 = vector.shape_cast %swap3A_187 : vector<1x16xi32> to vector<16xi32>
      %swap3A_189 = vector.shape_cast %add3A_184 : vector<16xi32> to vector<1x16xi32>
      tpu.vector_store %arg8[%swap3A_185, %swap3A_186], %swap3A_189 {strides = array<i32>} : memref<160x128xi32, #tpu.memory_space<vmem>>, vector<1x16xi32>,
      %scan3A_190 = arith.constant 0 : i32
      scf.yield %scan3A_190 : i32
    }
    %scan3A_6 = arith.constant 160 : i32
    %barrier3A = arith.constant 0 : index
    tpu.barrier barrier_id(%barrier3A)
    %dma_start3A = arith.constant 0 : i32
    %dma_start3A_7 = arith.constant 0 : i32
    %dma_start3A_8 = tpu.memref_slice %arg8[%dma_start3A, %dma_start3A_7] : memref<160x128xi32, #tpu.memory_space<vmem>> -> memref<1x128xi32, #tpu.memory_space<vmem>>
    %dma_start3A_9 = tpu.memref_squeeze %dma_start3A_8 : memref<1x128xi32, #tpu.memory_space<vmem>> -> memref<128xi32, #tpu.memory_space<vmem>>
    %dma_start3A_10 = arith.constant 0 : i32
    %dma_start3A_11 = arith.constant 0 : i32
    %dma_start3A_12 = tpu.memref_slice %arg2[%dma_start3A_10, %dma_start3A_11] : memref<20480x64xf32, #tpu.memory_space<hbm>> -> memref<20480x64xf32, #tpu.memory_space<hbm>>
    tpu.enqueue_indirect_dma source(%dma_start3A_12 : memref<20480x64xf32, #tpu.memory_space<hbm>>) target(%arg10 : memref<128x64xf32, #tpu.memory_space<vmem>>) offsets(%dma_start3A_9 : memref<128xi32, #tpu.memory_space<vmem>>) semaphore(%arg14 : memref<!tpu.dma_semaphore, #tpu.memory_space<semaphore_mem>>)
    %dma_start3A_13 = arith.constant 1 : i32
    %dma_start3A_14 = arith.constant 0 : i32
    %dma_start3A_15 = tpu.memref_slice %arg8[%dma_start3A_13, %dma_start3A_14] : memref<160x128xi32, #tpu.memory_space<vmem>> -> memref<1x128xi32, #tpu.memory_space<vmem>>
    %dma_start3A_16 = tpu.memref_squeeze %dma_start3A_15 : memref<1x128xi32, #tpu.memory_space<vmem>> -> memref<128xi32, #tpu.memory_space<vmem>>
    %dma_start3A_17 = arith.constant 0 : i32
    %dma_start3A_18 = arith.constant 0 : i32
    %dma_start3A_19 = tpu.memref_slice %arg2[%dma_start3A_17, %dma_start3A_18] : memref<20480x64xf32, #tpu.memory_space<hbm>> -> memref<20480x64xf32, #tpu.memory_space<hbm>>
    tpu.enqueue_indirect_dma source(%dma_start3A_19 : memref<20480x64xf32, #tpu.memory_space<hbm>>) target(%arg11 : memref<128x64xf32, #tpu.memory_space<vmem>>) offsets(%dma_start3A_16 : memref<128xi32, #tpu.memory_space<vmem>>) semaphore(%arg15 : memref<!tpu.dma_semaphore, #tpu.memory_space<semaphore_mem>>)
    %dma_start3A_20 = arith.constant 2 : i32
    %dma_start3A_21 = arith.constant 0 : i32
    %dma_start3A_22 = tpu.memref_slice %arg8[%dma_start3A_20, %dma_start3A_21] : memref<160x128xi32, #tpu.memory_space<vmem>> -> memref<1x128xi32, #tpu.memory_space<vmem>>
    %dma_start3A_23 = tpu.memref_squeeze %dma_start3A_22 : memref<1x128xi32, #tpu.memory_space<vmem>> -> memref<128xi32, #tpu.memory_space<vmem>>
    %dma_start3A_24 = arith.constant 0 : i32
    %dma_start3A_25 = arith.constant 0 : i32
    %dma_start3A_26 = tpu.memref_slice %arg2[%dma_start3A_24, %dma_start3A_25] : memref<20480x64xf32, #tpu.memory_space<hbm>> -> memref<20480x64xf32, #tpu.memory_space<hbm>>
    tpu.enqueue_indirect_dma source(%dma_start3A_26 : memref<20480x64xf32, #tpu.memory_space<hbm>>) target(%arg12 : memref<128x64xf32, #tpu.memory_space<vmem>>) offsets(%dma_start3A_23 : memref<128xi32, #tpu.memory_space<vmem>>) semaphore(%arg16 : memref<!tpu.dma_semaphore, #tpu.memory_space<semaphore_mem>>)
    %dma_start3A_27 = arith.constant 3 : i32
    %dma_start3A_28 = arith.constant 0 : i32
    %dma_start3A_29 = tpu.memref_slice %arg8[%dma_start3A_27, %dma_start3A_28] : memref<160x128xi32, #tpu.memory_space<vmem>> -> memref<1x128xi32, #tpu.memory_space<vmem>>
    %dma_start3A_30 = tpu.memref_squeeze %dma_start3A_29 : memref<1x128xi32, #tpu.memory_space<vmem>> -> memref<128xi32, #tpu.memory_space<vmem>>
    %dma_start3A_31 = arith.constant 0 : i32
    %dma_start3A_32 = arith.constant 0 : i32
    %dma_start3A_33 = tpu.memref_slice %arg2[%dma_start3A_31, %dma_start3A_32] : memref<20480x64xf32, #tpu.memory_space<hbm>> -> memref<20480x64xf32, #tpu.memory_space<hbm>>
    tpu.enqueue_indirect_dma source(%dma_start3A_33 : memref<20480x64xf32, #tpu.memory_space<hbm>>) target(%arg13 : memref<128x64xf32, #tpu.memory_space<vmem>>) offsets(%dma_start3A_30 : memref<128xi32, #tpu.memory_space<vmem>>) semaphore(%arg17 : memref<!tpu.dma_semaphore, #tpu.memory_space<semaphore_mem>>)
    %scan3A_34 = arith.constant 0 : i32
    %scan3A_35 = arith.constant 0 : i32
    %scan3A_36 = arith.constant 39 : i32
    %scan3A_37 = arith.addi %scan3A_35, %scan3A_36 : i32
    %scan3A_38 = arith.constant 1 : i32
    %scan3A_39 = scf.for %scan3A_79 = %scan3A_35 to %scan3A_37 step %scan3A_38 iter_args(%scan3A_80 = %scan3A_34) -> (i32)  : i32 {
      %mul3A_81 = arith.constant 4 : i32
      %mul3A_82 = arith.muli %mul3A_81, %scan3A_79 : i32
      %add3A = arith.constant 0 : i32
      %add3A_83 = arith.addi %mul3A_82, %add3A : i32
      %dma_wait3A_84 = arith.constant 0 : i32
      %dma_wait3A_85 = tpu.memref_slice %arg8[%add3A_83, %dma_wait3A_84] : memref<160x128xi32, #tpu.memory_space<vmem>> -> memref<1x128xi32, #tpu.memory_space<vmem>>
      %dma_wait3A_86 = tpu.memref_squeeze %dma_wait3A_85 : memref<1x128xi32, #tpu.memory_space<vmem>> -> memref<128xi32, #tpu.memory_space<vmem>>
      %dma_wait3A_87 = arith.constant 0 : i32
      %dma_wait3A_88 = arith.constant 0 : i32
      %dma_wait3A_89 = tpu.memref_slice %arg2[%dma_wait3A_87, %dma_wait3A_88] : memref<20480x64xf32, #tpu.memory_space<hbm>> -> memref<20480x64xf32, #tpu.memory_space<hbm>>
      tpu.wait_indirect_dma semaphore(%arg14 : memref<!tpu.dma_semaphore, #tpu.memory_space<semaphore_mem>>) src(%dma_wait3A_89 : memref<20480x64xf32, #tpu.memory_space<hbm>>) dst(%arg10 : memref<128x64xf32, #tpu.memory_space<vmem>>)
      "tpu.region"() ({
        %run_scoped3A_153 = tpu.sem_alloc : memref<!tpu.dma_semaphore, #tpu.memory_space<semaphore_mem>>
        %dma_start3A_154 = arith.constant 0 : i32
        %dma_start3A_155 = tpu.memref_slice %arg9[%add3A_83, %dma_start3A_154] : memref<160x128xi32, #tpu.memory_space<vmem>> -> memref<1x128xi32, #tpu.memory_space<vmem>>
        %dma_start3A_156 = tpu.memref_squeeze %dma_start3A_155 : memref<1x128xi32, #tpu.memory_space<vmem>> -> memref<128xi32, #tpu.memory_space<vmem>>
        %dma_start3A_157 = arith.constant 0 : i32
        %dma_start3A_158 = arith.constant 0 : i32
        %dma_start3A_159 = tpu.memref_slice %arg18[%dma_start3A_157, %dma_start3A_158] : memref<10240x64xf32, #tpu.memory_space<vmem_shared>> -> memref<10240x64xf32, #tpu.memory_space<vmem_shared>>
        tpu.enqueue_indirect_dma source(%arg10 : memref<128x64xf32, #tpu.memory_space<vmem>>) target(%dma_start3A_159 : memref<10240x64xf32, #tpu.memory_space<vmem_shared>>) offsets(%dma_start3A_156 : memref<128xi32, #tpu.memory_space<vmem>>) semaphore(%run_scoped3A_153 : memref<!tpu.dma_semaphore, #tpu.memory_space<semaphore_mem>>) {add = true}
        %dma_wait3A_160 = arith.constant 0 : i32
        %dma_wait3A_161 = tpu.memref_slice %arg9[%add3A_83, %dma_wait3A_160] : memref<160x128xi32, #tpu.memory_space<vmem>> -> memref<1x128xi32, #tpu.memory_space<vmem>>
        %dma_wait3A_162 = tpu.memref_squeeze %dma_wait3A_161 : memref<1x128xi32, #tpu.memory_space<vmem>> -> memref<128xi32, #tpu.memory_space<vmem>>
        %dma_wait3A_163 = arith.constant 0 : i32
        %dma_wait3A_164 = arith.constant 0 : i32
        %dma_wait3A_165 = tpu.memref_slice %arg18[%dma_wait3A_163, %dma_wait3A_164] : memref<10240x64xf32, #tpu.memory_space<vmem_shared>> -> memref<10240x64xf32, #tpu.memory_space<vmem_shared>>
        tpu.wait_indirect_dma semaphore(%run_scoped3A_153 : memref<!tpu.dma_semaphore, #tpu.memory_space<semaphore_mem>>) src(%arg10 : memref<128x64xf32, #tpu.memory_space<vmem>>) dst(%dma_wait3A_165 : memref<10240x64xf32, #tpu.memory_space<vmem_shared>>)
        tpu.yield
      }) : () -> ()
      %add3A_90 = arith.constant 4 : i32
      %add3A_91 = arith.addi %add3A_83, %add3A_90 : i32
      %dma_start3A_92 = arith.constant 0 : i32
      %dma_start3A_93 = tpu.memref_slice %arg8[%add3A_91, %dma_start3A_92] : memref<160x128xi32, #tpu.memory_space<vmem>> -> memref<1x128xi32, #tpu.memory_space<vmem>>
      %dma_start3A_94 = tpu.memref_squeeze %dma_start3A_93 : memref<1x128xi32, #tpu.memory_space<vmem>> -> memref<128xi32, #tpu.memory_space<vmem>>
      %dma_start3A_95 = arith.constant 0 : i32
      %dma_start3A_96 = arith.constant 0 : i32
      %dma_start3A_97 = tpu.memref_slice %arg2[%dma_start3A_95, %dma_start3A_96] : memref<20480x64xf32, #tpu.memory_space<hbm>> -> memref<20480x64xf32, #tpu.memory_space<hbm>>
      tpu.enqueue_indirect_dma source(%dma_start3A_97 : memref<20480x64xf32, #tpu.memory_space<hbm>>) target(%arg10 : memref<128x64xf32, #tpu.memory_space<vmem>>) offsets(%dma_start3A_94 : memref<128xi32, #tpu.memory_space<vmem>>) semaphore(%arg14 : memref<!tpu.dma_semaphore, #tpu.memory_space<semaphore_mem>>)
      %mul3A_98 = arith.constant 4 : i32
      %mul3A_99 = arith.muli %mul3A_98, %scan3A_79 : i32
      %add3A_100 = arith.constant 1 : i32
      %add3A_101 = arith.addi %mul3A_99, %add3A_100 : i32
      %dma_wait3A_102 = arith.constant 0 : i32
      %dma_wait3A_103 = tpu.memref_slice %arg8[%add3A_101, %dma_wait3A_102] : memref<160x128xi32, #tpu.memory_space<vmem>> -> memref<1x128xi32, #tpu.memory_space<vmem>>
      %dma_wait3A_104 = tpu.memref_squeeze %dma_wait3A_103 : memref<1x128xi32, #tpu.memory_space<vmem>> -> memref<128xi32, #tpu.memory_space<vmem>>
      %dma_wait3A_105 = arith.constant 0 : i32
      %dma_wait3A_106 = arith.constant 0 : i32
      %dma_wait3A_107 = tpu.memref_slice %arg2[%dma_wait3A_105, %dma_wait3A_106] : memref<20480x64xf32, #tpu.memory_space<hbm>> -> memref<20480x64xf32, #tpu.memory_space<hbm>>
      tpu.wait_indirect_dma semaphore(%arg15 : memref<!tpu.dma_semaphore, #tpu.memory_space<semaphore_mem>>) src(%dma_wait3A_107 : memref<20480x64xf32, #tpu.memory_space<hbm>>) dst(%arg11 : memref<128x64xf32, #tpu.memory_space<vmem>>)
      "tpu.region"() ({
        %run_scoped3A_153 = tpu.sem_alloc : memref<!tpu.dma_semaphore, #tpu.memory_space<semaphore_mem>>
        %dma_start3A_154 = arith.constant 0 : i32
        %dma_start3A_155 = tpu.memref_slice %arg9[%add3A_101, %dma_start3A_154] : memref<160x128xi32, #tpu.memory_space<vmem>> -> memref<1x128xi32, #tpu.memory_space<vmem>>
        %dma_start3A_156 = tpu.memref_squeeze %dma_start3A_155 : memref<1x128xi32, #tpu.memory_space<vmem>> -> memref<128xi32, #tpu.memory_space<vmem>>
        %dma_start3A_157 = arith.constant 0 : i32
        %dma_start3A_158 = arith.constant 0 : i32
        %dma_start3A_159 = tpu.memref_slice %arg18[%dma_start3A_157, %dma_start3A_158] : memref<10240x64xf32, #tpu.memory_space<vmem_shared>> -> memref<10240x64xf32, #tpu.memory_space<vmem_shared>>
        tpu.enqueue_indirect_dma source(%arg11 : memref<128x64xf32, #tpu.memory_space<vmem>>) target(%dma_start3A_159 : memref<10240x64xf32, #tpu.memory_space<vmem_shared>>) offsets(%dma_start3A_156 : memref<128xi32, #tpu.memory_space<vmem>>) semaphore(%run_scoped3A_153 : memref<!tpu.dma_semaphore, #tpu.memory_space<semaphore_mem>>) {add = true}
        %dma_wait3A_160 = arith.constant 0 : i32
        %dma_wait3A_161 = tpu.memref_slice %arg9[%add3A_101, %dma_wait3A_160] : memref<160x128xi32, #tpu.memory_space<vmem>> -> memref<1x128xi32, #tpu.memory_space<vmem>>
        %dma_wait3A_162 = tpu.memref_squeeze %dma_wait3A_161 : memref<1x128xi32, #tpu.memory_space<vmem>> -> memref<128xi32, #tpu.memory_space<vmem>>
        %dma_wait3A_163 = arith.constant 0 : i32
        %dma_wait3A_164 = arith.constant 0 : i32
        %dma_wait3A_165 = tpu.memref_slice %arg18[%dma_wait3A_163, %dma_wait3A_164] : memref<10240x64xf32, #tpu.memory_space<vmem_shared>> -> memref<10240x64xf32, #tpu.memory_space<vmem_shared>>
        tpu.wait_indirect_dma semaphore(%run_scoped3A_153 : memref<!tpu.dma_semaphore, #tpu.memory_space<semaphore_mem>>) src(%arg11 : memref<128x64xf32, #tpu.memory_space<vmem>>) dst(%dma_wait3A_165 : memref<10240x64xf32, #tpu.memory_space<vmem_shared>>)
        tpu.yield
      }) : () -> ()
      %add3A_108 = arith.constant 4 : i32
      %add3A_109 = arith.addi %add3A_101, %add3A_108 : i32
      %dma_start3A_110 = arith.constant 0 : i32
      %dma_start3A_111 = tpu.memref_slice %arg8[%add3A_109, %dma_start3A_110] : memref<160x128xi32, #tpu.memory_space<vmem>> -> memref<1x128xi32, #tpu.memory_space<vmem>>
      %dma_start3A_112 = tpu.memref_squeeze %dma_start3A_111 : memref<1x128xi32, #tpu.memory_space<vmem>> -> memref<128xi32, #tpu.memory_space<vmem>>
      %dma_start3A_113 = arith.constant 0 : i32
      %dma_start3A_114 = arith.constant 0 : i32
      %dma_start3A_115 = tpu.memref_slice %arg2[%dma_start3A_113, %dma_start3A_114] : memref<20480x64xf32, #tpu.memory_space<hbm>> -> memref<20480x64xf32, #tpu.memory_space<hbm>>
      tpu.enqueue_indirect_dma source(%dma_start3A_115 : memref<20480x64xf32, #tpu.memory_space<hbm>>) target(%arg11 : memref<128x64xf32, #tpu.memory_space<vmem>>) offsets(%dma_start3A_112 : memref<128xi32, #tpu.memory_space<vmem>>) semaphore(%arg15 : memref<!tpu.dma_semaphore, #tpu.memory_space<semaphore_mem>>)
      %mul3A_116 = arith.constant 4 : i32
      %mul3A_117 = arith.muli %mul3A_116, %scan3A_79 : i32
      %add3A_118 = arith.constant 2 : i32
      %add3A_119 = arith.addi %mul3A_117, %add3A_118 : i32
      %dma_wait3A_120 = arith.constant 0 : i32
      %dma_wait3A_121 = tpu.memref_slice %arg8[%add3A_119, %dma_wait3A_120] : memref<160x128xi32, #tpu.memory_space<vmem>> -> memref<1x128xi32, #tpu.memory_space<vmem>>
      %dma_wait3A_122 = tpu.memref_squeeze %dma_wait3A_121 : memref<1x128xi32, #tpu.memory_space<vmem>> -> memref<128xi32, #tpu.memory_space<vmem>>
      %dma_wait3A_123 = arith.constant 0 : i32
      %dma_wait3A_124 = arith.constant 0 : i32
      %dma_wait3A_125 = tpu.memref_slice %arg2[%dma_wait3A_123, %dma_wait3A_124] : memref<20480x64xf32, #tpu.memory_space<hbm>> -> memref<20480x64xf32, #tpu.memory_space<hbm>>
      tpu.wait_indirect_dma semaphore(%arg16 : memref<!tpu.dma_semaphore, #tpu.memory_space<semaphore_mem>>) src(%dma_wait3A_125 : memref<20480x64xf32, #tpu.memory_space<hbm>>) dst(%arg12 : memref<128x64xf32, #tpu.memory_space<vmem>>)
      "tpu.region"() ({
        %run_scoped3A_153 = tpu.sem_alloc : memref<!tpu.dma_semaphore, #tpu.memory_space<semaphore_mem>>
        %dma_start3A_154 = arith.constant 0 : i32
        %dma_start3A_155 = tpu.memref_slice %arg9[%add3A_119, %dma_start3A_154] : memref<160x128xi32, #tpu.memory_space<vmem>> -> memref<1x128xi32, #tpu.memory_space<vmem>>
        %dma_start3A_156 = tpu.memref_squeeze %dma_start3A_155 : memref<1x128xi32, #tpu.memory_space<vmem>> -> memref<128xi32, #tpu.memory_space<vmem>>
        %dma_start3A_157 = arith.constant 0 : i32
        %dma_start3A_158 = arith.constant 0 : i32
        %dma_start3A_159 = tpu.memref_slice %arg18[%dma_start3A_157, %dma_start3A_158] : memref<10240x64xf32, #tpu.memory_space<vmem_shared>> -> memref<10240x64xf32, #tpu.memory_space<vmem_shared>>
        tpu.enqueue_indirect_dma source(%arg12 : memref<128x64xf32, #tpu.memory_space<vmem>>) target(%dma_start3A_159 : memref<10240x64xf32, #tpu.memory_space<vmem_shared>>) offsets(%dma_start3A_156 : memref<128xi32, #tpu.memory_space<vmem>>) semaphore(%run_scoped3A_153 : memref<!tpu.dma_semaphore, #tpu.memory_space<semaphore_mem>>) {add = true}
        %dma_wait3A_160 = arith.constant 0 : i32
        %dma_wait3A_161 = tpu.memref_slice %arg9[%add3A_119, %dma_wait3A_160] : memref<160x128xi32, #tpu.memory_space<vmem>> -> memref<1x128xi32, #tpu.memory_space<vmem>>
        %dma_wait3A_162 = tpu.memref_squeeze %dma_wait3A_161 : memref<1x128xi32, #tpu.memory_space<vmem>> -> memref<128xi32, #tpu.memory_space<vmem>>
        %dma_wait3A_163 = arith.constant 0 : i32
        %dma_wait3A_164 = arith.constant 0 : i32
        %dma_wait3A_165 = tpu.memref_slice %arg18[%dma_wait3A_163, %dma_wait3A_164] : memref<10240x64xf32, #tpu.memory_space<vmem_shared>> -> memref<10240x64xf32, #tpu.memory_space<vmem_shared>>
        tpu.wait_indirect_dma semaphore(%run_scoped3A_153 : memref<!tpu.dma_semaphore, #tpu.memory_space<semaphore_mem>>) src(%arg12 : memref<128x64xf32, #tpu.memory_space<vmem>>) dst(%dma_wait3A_165 : memref<10240x64xf32, #tpu.memory_space<vmem_shared>>)
        tpu.yield
      }) : () -> ()
      %add3A_126 = arith.constant 4 : i32
      %add3A_127 = arith.addi %add3A_119, %add3A_126 : i32
      %dma_start3A_128 = arith.constant 0 : i32
      %dma_start3A_129 = tpu.memref_slice %arg8[%add3A_127, %dma_start3A_128] : memref<160x128xi32, #tpu.memory_space<vmem>> -> memref<1x128xi32, #tpu.memory_space<vmem>>
      %dma_start3A_130 = tpu.memref_squeeze %dma_start3A_129 : memref<1x128xi32, #tpu.memory_space<vmem>> -> memref<128xi32, #tpu.memory_space<vmem>>
      %dma_start3A_131 = arith.constant 0 : i32
      %dma_start3A_132 = arith.constant 0 : i32
      %dma_start3A_133 = tpu.memref_slice %arg2[%dma_start3A_131, %dma_start3A_132] : memref<20480x64xf32, #tpu.memory_space<hbm>> -> memref<20480x64xf32, #tpu.memory_space<hbm>>
      tpu.enqueue_indirect_dma source(%dma_start3A_133 : memref<20480x64xf32, #tpu.memory_space<hbm>>) target(%arg12 : memref<128x64xf32, #tpu.memory_space<vmem>>) offsets(%dma_start3A_130 : memref<128xi32, #tpu.memory_space<vmem>>) semaphore(%arg16 : memref<!tpu.dma_semaphore, #tpu.memory_space<semaphore_mem>>)
      %mul3A_134 = arith.constant 4 : i32
      %mul3A_135 = arith.muli %mul3A_134, %scan3A_79 : i32
      %add3A_136 = arith.constant 3 : i32
      %add3A_137 = arith.addi %mul3A_135, %add3A_136 : i32
      %dma_wait3A_138 = arith.constant 0 : i32
      %dma_wait3A_139 = tpu.memref_slice %arg8[%add3A_137, %dma_wait3A_138] : memref<160x128xi32, #tpu.memory_space<vmem>> -> memref<1x128xi32, #tpu.memory_space<vmem>>
      %dma_wait3A_140 = tpu.memref_squeeze %dma_wait3A_139 : memref<1x128xi32, #tpu.memory_space<vmem>> -> memref<128xi32, #tpu.memory_space<vmem>>
      %dma_wait3A_141 = arith.constant 0 : i32
      %dma_wait3A_142 = arith.constant 0 : i32
      %dma_wait3A_143 = tpu.memref_slice %arg2[%dma_wait3A_141, %dma_wait3A_142] : memref<20480x64xf32, #tpu.memory_space<hbm>> -> memref<20480x64xf32, #tpu.memory_space<hbm>>
      tpu.wait_indirect_dma semaphore(%arg17 : memref<!tpu.dma_semaphore, #tpu.memory_space<semaphore_mem>>) src(%dma_wait3A_143 : memref<20480x64xf32, #tpu.memory_space<hbm>>) dst(%arg13 : memref<128x64xf32, #tpu.memory_space<vmem>>)
      "tpu.region"() ({
        %run_scoped3A_153 = tpu.sem_alloc : memref<!tpu.dma_semaphore, #tpu.memory_space<semaphore_mem>>
        %dma_start3A_154 = arith.constant 0 : i32
        %dma_start3A_155 = tpu.memref_slice %arg9[%add3A_137, %dma_start3A_154] : memref<160x128xi32, #tpu.memory_space<vmem>> -> memref<1x128xi32, #tpu.memory_space<vmem>>
        %dma_start3A_156 = tpu.memref_squeeze %dma_start3A_155 : memref<1x128xi32, #tpu.memory_space<vmem>> -> memref<128xi32, #tpu.memory_space<vmem>>
        %dma_start3A_157 = arith.constant 0 : i32
        %dma_start3A_158 = arith.constant 0 : i32
        %dma_start3A_159 = tpu.memref_slice %arg18[%dma_start3A_157, %dma_start3A_158] : memref<10240x64xf32, #tpu.memory_space<vmem_shared>> -> memref<10240x64xf32, #tpu.memory_space<vmem_shared>>
        tpu.enqueue_indirect_dma source(%arg13 : memref<128x64xf32, #tpu.memory_space<vmem>>) target(%dma_start3A_159 : memref<10240x64xf32, #tpu.memory_space<vmem_shared>>) offsets(%dma_start3A_156 : memref<128xi32, #tpu.memory_space<vmem>>) semaphore(%run_scoped3A_153 : memref<!tpu.dma_semaphore, #tpu.memory_space<semaphore_mem>>) {add = true}
        %dma_wait3A_160 = arith.constant 0 : i32
        %dma_wait3A_161 = tpu.memref_slice %arg9[%add3A_137, %dma_wait3A_160] : memref<160x128xi32, #tpu.memory_space<vmem>> -> memref<1x128xi32, #tpu.memory_space<vmem>>
        %dma_wait3A_162 = tpu.memref_squeeze %dma_wait3A_161 : memref<1x128xi32, #tpu.memory_space<vmem>> -> memref<128xi32, #tpu.memory_space<vmem>>
        %dma_wait3A_163 = arith.constant 0 : i32
        %dma_wait3A_164 = arith.constant 0 : i32
        %dma_wait3A_165 = tpu.memref_slice %arg18[%dma_wait3A_163, %dma_wait3A_164] : memref<10240x64xf32, #tpu.memory_space<vmem_shared>> -> memref<10240x64xf32, #tpu.memory_space<vmem_shared>>
        tpu.wait_indirect_dma semaphore(%run_scoped3A_153 : memref<!tpu.dma_semaphore, #tpu.memory_space<semaphore_mem>>) src(%arg13 : memref<128x64xf32, #tpu.memory_space<vmem>>) dst(%dma_wait3A_165 : memref<10240x64xf32, #tpu.memory_space<vmem_shared>>)
        tpu.yield
      }) : () -> ()
      %add3A_144 = arith.constant 4 : i32
      %add3A_145 = arith.addi %add3A_137, %add3A_144 : i32
      %dma_start3A_146 = arith.constant 0 : i32
      %dma_start3A_147 = tpu.memref_slice %arg8[%add3A_145, %dma_start3A_146] : memref<160x128xi32, #tpu.memory_space<vmem>> -> memref<1x128xi32, #tpu.memory_space<vmem>>
      %dma_start3A_148 = tpu.memref_squeeze %dma_start3A_147 : memref<1x128xi32, #tpu.memory_space<vmem>> -> memref<128xi32, #tpu.memory_space<vmem>>
      %dma_start3A_149 = arith.constant 0 : i32
      %dma_start3A_150 = arith.constant 0 : i32
      %dma_start3A_151 = tpu.memref_slice %arg2[%dma_start3A_149, %dma_start3A_150] : memref<20480x64xf32, #tpu.memory_space<hbm>> -> memref<20480x64xf32, #tpu.memory_space<hbm>>
      tpu.enqueue_indirect_dma source(%dma_start3A_151 : memref<20480x64xf32, #tpu.memory_space<hbm>>) target(%arg13 : memref<128x64xf32, #tpu.memory_space<vmem>>) offsets(%dma_start3A_148 : memref<128xi32, #tpu.memory_space<vmem>>) semaphore(%arg17 : memref<!tpu.dma_semaphore, #tpu.memory_space<semaphore_mem>>)
      %scan3A_152 = arith.constant 0 : i32
      scf.yield %scan3A_152 : i32
    }
    %scan3A_40 = arith.constant 39 : i32
    %dma_wait3A = arith.constant 156 : i32
    %dma_wait3A_41 = arith.constant 0 : i32
    %dma_wait3A_42 = tpu.memref_slice %arg8[%dma_wait3A, %dma_wait3A_41] : memref<160x128xi32, #tpu.memory_space<vmem>> -> memref<1x128xi32, #tpu.memory_space<vmem>>
    %dma_wait3A_43 = tpu.memref_squeeze %dma_wait3A_42 : memref<1x128xi32, #tpu.memory_space<vmem>> -> memref<128xi32, #tpu.memory_space<vmem>>
    %dma_wait3A_44 = arith.constant 0 : i32
    %dma_wait3A_45 = arith.constant 0 : i32
    %dma_wait3A_46 = tpu.memref_slice %arg2[%dma_wait3A_44, %dma_wait3A_45] : memref<20480x64xf32, #tpu.memory_space<hbm>> -> memref<20480x64xf32, #tpu.memory_space<hbm>>
    tpu.wait_indirect_dma semaphore(%arg14 : memref<!tpu.dma_semaphore, #tpu.memory_space<semaphore_mem>>) src(%dma_wait3A_46 : memref<20480x64xf32, #tpu.memory_space<hbm>>) dst(%arg10 : memref<128x64xf32, #tpu.memory_space<vmem>>)
    %run_scoped3A = arith.constant 156 : i32
    "tpu.region"() ({
      %run_scoped3A_79 = tpu.sem_alloc : memref<!tpu.dma_semaphore, #tpu.memory_space<semaphore_mem>>
      %dma_start3A_80 = arith.constant 0 : i32
      %dma_start3A_81 = tpu.memref_slice %arg9[%run_scoped3A, %dma_start3A_80] : memref<160x128xi32, #tpu.memory_space<vmem>> -> memref<1x128xi32, #tpu.memory_space<vmem>>
      %dma_start3A_82 = tpu.memref_squeeze %dma_start3A_81 : memref<1x128xi32, #tpu.memory_space<vmem>> -> memref<128xi32, #tpu.memory_space<vmem>>
      %dma_start3A_83 = arith.constant 0 : i32
      %dma_start3A_84 = arith.constant 0 : i32
      %dma_start3A_85 = tpu.memref_slice %arg18[%dma_start3A_83, %dma_start3A_84] : memref<10240x64xf32, #tpu.memory_space<vmem_shared>> -> memref<10240x64xf32, #tpu.memory_space<vmem_shared>>
      tpu.enqueue_indirect_dma source(%arg10 : memref<128x64xf32, #tpu.memory_space<vmem>>) target(%dma_start3A_85 : memref<10240x64xf32, #tpu.memory_space<vmem_shared>>) offsets(%dma_start3A_82 : memref<128xi32, #tpu.memory_space<vmem>>) semaphore(%run_scoped3A_79 : memref<!tpu.dma_semaphore, #tpu.memory_space<semaphore_mem>>) {add = true}
      %dma_wait3A_86 = arith.constant 0 : i32
      %dma_wait3A_87 = tpu.memref_slice %arg9[%run_scoped3A, %dma_wait3A_86] : memref<160x128xi32, #tpu.memory_space<vmem>> -> memref<1x128xi32, #tpu.memory_space<vmem>>
      %dma_wait3A_88 = tpu.memref_squeeze %dma_wait3A_87 : memref<1x128xi32, #tpu.memory_space<vmem>> -> memref<128xi32, #tpu.memory_space<vmem>>
      %dma_wait3A_89 = arith.constant 0 : i32
      %dma_wait3A_90 = arith.constant 0 : i32
      %dma_wait3A_91 = tpu.memref_slice %arg18[%dma_wait3A_89, %dma_wait3A_90] : memref<10240x64xf32, #tpu.memory_space<vmem_shared>> -> memref<10240x64xf32, #tpu.memory_space<vmem_shared>>
      tpu.wait_indirect_dma semaphore(%run_scoped3A_79 : memref<!tpu.dma_semaphore, #tpu.memory_space<semaphore_mem>>) src(%arg10 : memref<128x64xf32, #tpu.memory_space<vmem>>) dst(%dma_wait3A_91 : memref<10240x64xf32, #tpu.memory_space<vmem_shared>>)
      tpu.yield
    }) : () -> ()
    %dma_wait3A_47 = arith.constant 157 : i32
    %dma_wait3A_48 = arith.constant 0 : i32
    %dma_wait3A_49 = tpu.memref_slice %arg8[%dma_wait3A_47, %dma_wait3A_48] : memref<160x128xi32, #tpu.memory_space<vmem>> -> memref<1x128xi32, #tpu.memory_space<vmem>>
    %dma_wait3A_50 = tpu.memref_squeeze %dma_wait3A_49 : memref<1x128xi32, #tpu.memory_space<vmem>> -> memref<128xi32, #tpu.memory_space<vmem>>
    %dma_wait3A_51 = arith.constant 0 : i32
    %dma_wait3A_52 = arith.constant 0 : i32
    %dma_wait3A_53 = tpu.memref_slice %arg2[%dma_wait3A_51, %dma_wait3A_52] : memref<20480x64xf32, #tpu.memory_space<hbm>> -> memref<20480x64xf32, #tpu.memory_space<hbm>>
    tpu.wait_indirect_dma semaphore(%arg15 : memref<!tpu.dma_semaphore, #tpu.memory_space<semaphore_mem>>) src(%dma_wait3A_53 : memref<20480x64xf32, #tpu.memory_space<hbm>>) dst(%arg11 : memref<128x64xf32, #tpu.memory_space<vmem>>)
    %run_scoped3A_54 = arith.constant 157 : i32
    "tpu.region"() ({
      %run_scoped3A_79 = tpu.sem_alloc : memref<!tpu.dma_semaphore, #tpu.memory_space<semaphore_mem>>
      %dma_start3A_80 = arith.constant 0 : i32
      %dma_start3A_81 = tpu.memref_slice %arg9[%run_scoped3A_54, %dma_start3A_80] : memref<160x128xi32, #tpu.memory_space<vmem>> -> memref<1x128xi32, #tpu.memory_space<vmem>>
      %dma_start3A_82 = tpu.memref_squeeze %dma_start3A_81 : memref<1x128xi32, #tpu.memory_space<vmem>> -> memref<128xi32, #tpu.memory_space<vmem>>
      %dma_start3A_83 = arith.constant 0 : i32
      %dma_start3A_84 = arith.constant 0 : i32
      %dma_start3A_85 = tpu.memref_slice %arg18[%dma_start3A_83, %dma_start3A_84] : memref<10240x64xf32, #tpu.memory_space<vmem_shared>> -> memref<10240x64xf32, #tpu.memory_space<vmem_shared>>
      tpu.enqueue_indirect_dma source(%arg11 : memref<128x64xf32, #tpu.memory_space<vmem>>) target(%dma_start3A_85 : memref<10240x64xf32, #tpu.memory_space<vmem_shared>>) offsets(%dma_start3A_82 : memref<128xi32, #tpu.memory_space<vmem>>) semaphore(%run_scoped3A_79 : memref<!tpu.dma_semaphore, #tpu.memory_space<semaphore_mem>>) {add = true}
      %dma_wait3A_86 = arith.constant 0 : i32
      %dma_wait3A_87 = tpu.memref_slice %arg9[%run_scoped3A_54, %dma_wait3A_86] : memref<160x128xi32, #tpu.memory_space<vmem>> -> memref<1x128xi32, #tpu.memory_space<vmem>>
      %dma_wait3A_88 = tpu.memref_squeeze %dma_wait3A_87 : memref<1x128xi32, #tpu.memory_space<vmem>> -> memref<128xi32, #tpu.memory_space<vmem>>
      %dma_wait3A_89 = arith.constant 0 : i32
      %dma_wait3A_90 = arith.constant 0 : i32
      %dma_wait3A_91 = tpu.memref_slice %arg18[%dma_wait3A_89, %dma_wait3A_90] : memref<10240x64xf32, #tpu.memory_space<vmem_shared>> -> memref<10240x64xf32, #tpu.memory_space<vmem_shared>>
      tpu.wait_indirect_dma semaphore(%run_scoped3A_79 : memref<!tpu.dma_semaphore, #tpu.memory_space<semaphore_mem>>) src(%arg11 : memref<128x64xf32, #tpu.memory_space<vmem>>) dst(%dma_wait3A_91 : memref<10240x64xf32, #tpu.memory_space<vmem_shared>>)
      tpu.yield
    }) : () -> ()
    %dma_wait3A_55 = arith.constant 158 : i32
    %dma_wait3A_56 = arith.constant 0 : i32
    %dma_wait3A_57 = tpu.memref_slice %arg8[%dma_wait3A_55, %dma_wait3A_56] : memref<160x128xi32, #tpu.memory_space<vmem>> -> memref<1x128xi32, #tpu.memory_space<vmem>>
    %dma_wait3A_58 = tpu.memref_squeeze %dma_wait3A_57 : memref<1x128xi32, #tpu.memory_space<vmem>> -> memref<128xi32, #tpu.memory_space<vmem>>
    %dma_wait3A_59 = arith.constant 0 : i32
    %dma_wait3A_60 = arith.constant 0 : i32
    %dma_wait3A_61 = tpu.memref_slice %arg2[%dma_wait3A_59, %dma_wait3A_60] : memref<20480x64xf32, #tpu.memory_space<hbm>> -> memref<20480x64xf32, #tpu.memory_space<hbm>>
    tpu.wait_indirect_dma semaphore(%arg16 : memref<!tpu.dma_semaphore, #tpu.memory_space<semaphore_mem>>) src(%dma_wait3A_61 : memref<20480x64xf32, #tpu.memory_space<hbm>>) dst(%arg12 : memref<128x64xf32, #tpu.memory_space<vmem>>)
    %run_scoped3A_62 = arith.constant 158 : i32
    "tpu.region"() ({
      %run_scoped3A_79 = tpu.sem_alloc : memref<!tpu.dma_semaphore, #tpu.memory_space<semaphore_mem>>
      %dma_start3A_80 = arith.constant 0 : i32
      %dma_start3A_81 = tpu.memref_slice %arg9[%run_scoped3A_62, %dma_start3A_80] : memref<160x128xi32, #tpu.memory_space<vmem>> -> memref<1x128xi32, #tpu.memory_space<vmem>>
      %dma_start3A_82 = tpu.memref_squeeze %dma_start3A_81 : memref<1x128xi32, #tpu.memory_space<vmem>> -> memref<128xi32, #tpu.memory_space<vmem>>
      %dma_start3A_83 = arith.constant 0 : i32
      %dma_start3A_84 = arith.constant 0 : i32
      %dma_start3A_85 = tpu.memref_slice %arg18[%dma_start3A_83, %dma_start3A_84] : memref<10240x64xf32, #tpu.memory_space<vmem_shared>> -> memref<10240x64xf32, #tpu.memory_space<vmem_shared>>
      tpu.enqueue_indirect_dma source(%arg12 : memref<128x64xf32, #tpu.memory_space<vmem>>) target(%dma_start3A_85 : memref<10240x64xf32, #tpu.memory_space<vmem_shared>>) offsets(%dma_start3A_82 : memref<128xi32, #tpu.memory_space<vmem>>) semaphore(%run_scoped3A_79 : memref<!tpu.dma_semaphore, #tpu.memory_space<semaphore_mem>>) {add = true}
      %dma_wait3A_86 = arith.constant 0 : i32
      %dma_wait3A_87 = tpu.memref_slice %arg9[%run_scoped3A_62, %dma_wait3A_86] : memref<160x128xi32, #tpu.memory_space<vmem>> -> memref<1x128xi32, #tpu.memory_space<vmem>>
      %dma_wait3A_88 = tpu.memref_squeeze %dma_wait3A_87 : memref<1x128xi32, #tpu.memory_space<vmem>> -> memref<128xi32, #tpu.memory_space<vmem>>
      %dma_wait3A_89 = arith.constant 0 : i32
      %dma_wait3A_90 = arith.constant 0 : i32
      %dma_wait3A_91 = tpu.memref_slice %arg18[%dma_wait3A_89, %dma_wait3A_90] : memref<10240x64xf32, #tpu.memory_space<vmem_shared>> -> memref<10240x64xf32, #tpu.memory_space<vmem_shared>>
      tpu.wait_indirect_dma semaphore(%run_scoped3A_79 : memref<!tpu.dma_semaphore, #tpu.memory_space<semaphore_mem>>) src(%arg12 : memref<128x64xf32, #tpu.memory_space<vmem>>) dst(%dma_wait3A_91 : memref<10240x64xf32, #tpu.memory_space<vmem_shared>>)
      tpu.yield
    }) : () -> ()
    %dma_wait3A_63 = arith.constant 159 : i32
    %dma_wait3A_64 = arith.constant 0 : i32
    %dma_wait3A_65 = tpu.memref_slice %arg8[%dma_wait3A_63, %dma_wait3A_64] : memref<160x128xi32, #tpu.memory_space<vmem>> -> memref<1x128xi32, #tpu.memory_space<vmem>>
    %dma_wait3A_66 = tpu.memref_squeeze %dma_wait3A_65 : memref<1x128xi32, #tpu.memory_space<vmem>> -> memref<128xi32, #tpu.memory_space<vmem>>
    %dma_wait3A_67 = arith.constant 0 : i32
    %dma_wait3A_68 = arith.constant 0 : i32
    %dma_wait3A_69 = tpu.memref_slice %arg2[%dma_wait3A_67, %dma_wait3A_68] : memref<20480x64xf32, #tpu.memory_space<hbm>> -> memref<20480x64xf32, #tpu.memory_space<hbm>>
    tpu.wait_indirect_dma semaphore(%arg17 : memref<!tpu.dma_semaphore, #tpu.memory_space<semaphore_mem>>) src(%dma_wait3A_69 : memref<20480x64xf32, #tpu.memory_space<hbm>>) dst(%arg13 : memref<128x64xf32, #tpu.memory_space<vmem>>)
    %run_scoped3A_70 = arith.constant 159 : i32
    "tpu.region"() ({
      %run_scoped3A_79 = tpu.sem_alloc : memref<!tpu.dma_semaphore, #tpu.memory_space<semaphore_mem>>
      %dma_start3A_80 = arith.constant 0 : i32
      %dma_start3A_81 = tpu.memref_slice %arg9[%run_scoped3A_70, %dma_start3A_80] : memref<160x128xi32, #tpu.memory_space<vmem>> -> memref<1x128xi32, #tpu.memory_space<vmem>>
      %dma_start3A_82 = tpu.memref_squeeze %dma_start3A_81 : memref<1x128xi32, #tpu.memory_space<vmem>> -> memref<128xi32, #tpu.memory_space<vmem>>
      %dma_start3A_83 = arith.constant 0 : i32
      %dma_start3A_84 = arith.constant 0 : i32
      %dma_start3A_85 = tpu.memref_slice %arg18[%dma_start3A_83, %dma_start3A_84] : memref<10240x64xf32, #tpu.memory_space<vmem_shared>> -> memref<10240x64xf32, #tpu.memory_space<vmem_shared>>
      tpu.enqueue_indirect_dma source(%arg13 : memref<128x64xf32, #tpu.memory_space<vmem>>) target(%dma_start3A_85 : memref<10240x64xf32, #tpu.memory_space<vmem_shared>>) offsets(%dma_start3A_82 : memref<128xi32, #tpu.memory_space<vmem>>) semaphore(%run_scoped3A_79 : memref<!tpu.dma_semaphore, #tpu.memory_space<semaphore_mem>>) {add = true}
      %dma_wait3A_86 = arith.constant 0 : i32
      %dma_wait3A_87 = tpu.memref_slice %arg9[%run_scoped3A_70, %dma_wait3A_86] : memref<160x128xi32, #tpu.memory_space<vmem>> -> memref<1x128xi32, #tpu.memory_space<vmem>>
      %dma_wait3A_88 = tpu.memref_squeeze %dma_wait3A_87 : memref<1x128xi32, #tpu.memory_space<vmem>> -> memref<128xi32, #tpu.memory_space<vmem>>
      %dma_wait3A_89 = arith.constant 0 : i32
      %dma_wait3A_90 = arith.constant 0 : i32
      %dma_wait3A_91 = tpu.memref_slice %arg18[%dma_wait3A_89, %dma_wait3A_90] : memref<10240x64xf32, #tpu.memory_space<vmem_shared>> -> memref<10240x64xf32, #tpu.memory_space<vmem_shared>>
      tpu.wait_indirect_dma semaphore(%run_scoped3A_79 : memref<!tpu.dma_semaphore, #tpu.memory_space<semaphore_mem>>) src(%arg13 : memref<128x64xf32, #tpu.memory_space<vmem>>) dst(%dma_wait3A_91 : memref<10240x64xf32, #tpu.memory_space<vmem_shared>>)
      tpu.yield
    }) : () -> ()
    %barrier3A_71 = arith.constant 0 : index
    tpu.barrier barrier_id(%barrier3A_71)
    %eq3A = arith.constant 0 : i32
    %eq3A_72 = arith.cmpi eq, %arg0, %eq3A : i32
    %convert_element_type3A = arith.extui %eq3A_72 : i1 to i32
    %cond3A = arith.constant 0 : i32
    %cond3A_73 = arith.cmpi ne, %convert_element_type3A, %cond3A : i32
    scf.if %cond3A_73 {
      "tpu.region"() ({
        %run_scoped3A_79 = tpu.sem_alloc : memref<!tpu.dma_semaphore, #tpu.memory_space<semaphore_mem>>
        %dma_start3A_80 = arith.constant 0 : i32
        %dma_start3A_81 = tpu.memref_slice %arg6[%mul3A_0, %dma_start3A_80] : memref<10240x64xf32, #tpu.memory_space<hbm>> -> memref<640x64xf32, #tpu.memory_space<hbm>>
        %dma_start3A_82 = arith.constant 0 : i32
        %dma_start3A_83 = tpu.memref_slice %arg18[%mul3A_0, %dma_start3A_82] : memref<10240x64xf32, #tpu.memory_space<vmem_shared>> -> memref<640x64xf32, #tpu.memory_space<vmem_shared>>
        tpu.enqueue_dma source(%dma_start3A_83 : memref<640x64xf32, #tpu.memory_space<vmem_shared>>) target(%dma_start3A_81 : memref<640x64xf32, #tpu.memory_space<hbm>>) target_semaphore(%run_scoped3A_79 : memref<!tpu.dma_semaphore, #tpu.memory_space<semaphore_mem>>)
        %dma_wait3A_84 = arith.constant 0 : i32
        %dma_wait3A_85 = tpu.memref_slice %arg6[%mul3A_0, %dma_wait3A_84] : memref<10240x64xf32, #tpu.memory_space<hbm>> -> memref<640x64xf32, #tpu.memory_space<hbm>>
        %dma_wait3A_86 = arith.constant 0 : i32
        %dma_wait3A_87 = tpu.memref_slice %arg18[%mul3A_0, %dma_wait3A_86] : memref<10240x64xf32, #tpu.memory_space<vmem_shared>> -> memref<640x64xf32, #tpu.memory_space<vmem_shared>>
        tpu.wait_dma2 semaphore(%run_scoped3A_79 : memref<!tpu.dma_semaphore, #tpu.memory_space<semaphore_mem>>) src(%dma_wait3A_87 : memref<640x64xf32, #tpu.memory_space<vmem_shared>>) dst(%dma_wait3A_85 : memref<640x64xf32, #tpu.memory_space<hbm>>)
        tpu.yield
      }) : () -> ()
    } else {
    }
    %eq3A_74 = arith.constant 1 : i32
    %eq3A_75 = arith.cmpi eq, %arg0, %eq3A_74 : i32
    %convert_element_type3A_76 = arith.extui %eq3A_75 : i1 to i32
    %cond3A_77 = arith.constant 0 : i32
    %cond3A_78 = arith.cmpi ne, %convert_element_type3A_76, %cond3A_77 : i32
    scf.if %cond3A_78 {
      "tpu.region"() ({
        %run_scoped3A_79 = tpu.sem_alloc : memref<!tpu.dma_semaphore, #tpu.memory_space<semaphore_mem>>
        %dma_start3A_80 = arith.constant 0 : i32
        %dma_start3A_81 = tpu.memref_slice %arg7[%mul3A_0, %dma_start3A_80] : memref<10240x64xf32, #tpu.memory_space<hbm>> -> memref<640x64xf32, #tpu.memory_space<hbm>>
        %dma_start3A_82 = arith.constant 0 : i32
        %dma_start3A_83 = tpu.memref_slice %arg18[%mul3A_0, %dma_start3A_82] : memref<10240x64xf32, #tpu.memory_space<vmem_shared>> -> memref<640x64xf32, #tpu.memory_space<vmem_shared>>
        tpu.enqueue_dma source(%dma_start3A_83 : memref<640x64xf32, #tpu.memory_space<vmem_shared>>) target(%dma_start3A_81 : memref<640x64xf32, #tpu.memory_space<hbm>>) target_semaphore(%run_scoped3A_79 : memref<!tpu.dma_semaphore, #tpu.memory_space<semaphore_mem>>)
        %dma_wait3A_84 = arith.constant 0 : i32
        %dma_wait3A_85 = tpu.memref_slice %arg7[%mul3A_0, %dma_wait3A_84] : memref<10240x64xf32, #tpu.memory_space<hbm>> -> memref<640x64xf32, #tpu.memory_space<hbm>>
        %dma_wait3A_86 = arith.constant 0 : i32
        %dma_wait3A_87 = tpu.memref_slice %arg18[%mul3A_0, %dma_wait3A_86] : memref<10240x64xf32, #tpu.memory_space<vmem_shared>> -> memref<640x64xf32, #tpu.memory_space<vmem_shared>>
        tpu.wait_dma2 semaphore(%run_scoped3A_79 : memref<!tpu.dma_semaphore, #tpu.memory_space<semaphore_mem>>) src(%dma_wait3A_87 : memref<640x64xf32, #tpu.memory_space<vmem_shared>>) dst(%dma_wait3A_85 : memref<640x64xf32, #tpu.memory_space<hbm>>)
        tpu.yield
      }) : () -> ()
    } else {
    }
    return
  }
}

#map = affine_map<(d0, d1) -> (0, 0)>
#map1 = affine_map<(d0, d1) -> (0, 0, 0)>
module attributes {stable_mosaic.version = 14 : i64} {
  func.func @_segsum_body(%arg0: i32, %arg1: i32, %arg2: memref<20480x64xf32, #tpu.memory_space<hbm>>, %arg3: memref<16x160x128xi32, #tpu.memory_space<hbm>>, %arg4: memref<16x160x128xi32, #tpu.memory_space<hbm>>, %arg5: memref<10240x64xf32, #tpu.memory_space<hbm>>, %arg6: memref<10240x64xf32, #tpu.memory_space<hbm>>, %arg7: memref<10240x64xf32, #tpu.memory_space<hbm>>, %arg8: memref<160x128xi32, #tpu.memory_space<vmem>>, %arg9: memref<160x128xi32, #tpu.memory_space<vmem>>, %arg10: memref<128x64xf32, #tpu.memory_space<vmem>>, %arg11: memref<128x64xf32, #tpu.memory_space<vmem>>, %arg12: memref<128x64xf32, #tpu.memory_space<vmem>>, %arg13: memref<128x64xf32, #tpu.memory_space<vmem>>, %arg14: memref<!tpu.dma_semaphore, #tpu.memory_space<semaphore_mem>>, %arg15: memref<!tpu.dma_semaphore, #tpu.memory_space<semaphore_mem>>, %arg16: memref<!tpu.dma_semaphore, #tpu.memory_space<semaphore_mem>>, %arg17: memref<!tpu.dma_semaphore, #tpu.memory_space<semaphore_mem>>, %arg18: memref<10240x64xf32, #tpu.memory_space<vmem_shared>>) attributes {dimension_semantics = [#tpu.dimension_semantics<core_parallel>, #tpu.dimension_semantics<subcore_parallel>], iteration_bounds = array<i64: 2, 16>, scalar_prefetch = 0 : i64, scratch_operands = 11 : i64, tpu.core_type = #tpu.core_type<sc_vector_subcore>, window_params = [{transform_indices = #map}, {transform_indices = #map1}, {transform_indices = #map1}, {transform_indices = #map}, {transform_indices = #map}, {transform_indices = #map}]} {
    %mul3A = arith.constant 640 : i32
    %mul3A_0 = arith.muli %arg1, %mul3A : i32
    "tpu.region"() ({
      %run_scoped3A_79 = tpu.sem_alloc : memref<!tpu.dma_semaphore, #tpu.memory_space<semaphore_mem>>
      %dma_start3A_80 = arith.constant 0 : i32
      %dma_start3A_81 = arith.constant 0 : i32
      %dma_start3A_82 = tpu.memref_slice %arg3[%arg1, %dma_start3A_80, %dma_start3A_81] : memref<16x160x128xi32, #tpu.memory_space<hbm>> -> memref<1x160x128xi32, #tpu.memory_space<hbm>>
      %dma_start3A_83 = tpu.memref_squeeze %dma_start3A_82 : memref<1x160x128xi32, #tpu.memory_space<hbm>> -> memref<160x128xi32, #tpu.memory_space<hbm>>
      %dma_start3A_84 = arith.constant 0 : i32
      %dma_start3A_85 = arith.constant 0 : i32
      %dma_start3A_86 = tpu.memref_slice %arg3[%arg1, %dma_start3A_84, %dma_start3A_85] : memref<16x160x128xi32, #tpu.memory_space<hbm>> -> memref<1x160x128xi32, #tpu.memory_space<hbm>>
      %dma_start3A_87 = tpu.memref_squeeze %dma_start3A_86 : memref<1x160x128xi32, #tpu.memory_space<hbm>> -> memref<160x128xi32, #tpu.memory_space<hbm>>
      tpu.enqueue_dma source(%dma_start3A_87 : memref<160x128xi32, #tpu.memory_space<hbm>>) target(%arg8 : memref<160x128xi32, #tpu.memory_space<vmem>>) target_semaphore(%run_scoped3A_79 : memref<!tpu.dma_semaphore, #tpu.memory_space<semaphore_mem>>)
      %dma_wait3A_88 = arith.constant 0 : i32
      %dma_wait3A_89 = arith.constant 0 : i32
      %dma_wait3A_90 = tpu.memref_slice %arg3[%arg1, %dma_wait3A_88, %dma_wait3A_89] : memref<16x160x128xi32, #tpu.memory_space<hbm>> -> memref<1x160x128xi32, #tpu.memory_space<hbm>>
      %dma_wait3A_91 = tpu.memref_squeeze %dma_wait3A_90 : memref<1x160x128xi32, #tpu.memory_space<hbm>> -> memref<160x128xi32, #tpu.memory_space<hbm>>
      %dma_wait3A_92 = arith.constant 0 : i32
      %dma_wait3A_93 = arith.constant 0 : i32
      %dma_wait3A_94 = tpu.memref_slice %arg3[%arg1, %dma_wait3A_92, %dma_wait3A_93] : memref<16x160x128xi32, #tpu.memory_space<hbm>> -> memref<1x160x128xi32, #tpu.memory_space<hbm>>
      %dma_wait3A_95 = tpu.memref_squeeze %dma_wait3A_94 : memref<1x160x128xi32, #tpu.memory_space<hbm>> -> memref<160x128xi32, #tpu.memory_space<hbm>>
      tpu.wait_dma2 semaphore(%run_scoped3A_79 : memref<!tpu.dma_semaphore, #tpu.memory_space<semaphore_mem>>) src(%dma_wait3A_95 : memref<160x128xi32, #tpu.memory_space<hbm>>) dst(%arg8 : memref<160x128xi32, #tpu.memory_space<vmem>>)
      tpu.yield
    }) : () -> ()
    "tpu.region"() ({
      %run_scoped3A_79 = tpu.sem_alloc : memref<!tpu.dma_semaphore, #tpu.memory_space<semaphore_mem>>
      %dma_start3A_80 = arith.constant 0 : i32
      %dma_start3A_81 = arith.constant 0 : i32
      %dma_start3A_82 = tpu.memref_slice %arg4[%arg1, %dma_start3A_80, %dma_start3A_81] : memref<16x160x128xi32, #tpu.memory_space<hbm>> -> memref<1x160x128xi32, #tpu.memory_space<hbm>>
      %dma_start3A_83 = tpu.memref_squeeze %dma_start3A_82 : memref<1x160x128xi32, #tpu.memory_space<hbm>> -> memref<160x128xi32, #tpu.memory_space<hbm>>
      %dma_start3A_84 = arith.constant 0 : i32
      %dma_start3A_85 = arith.constant 0 : i32
      %dma_start3A_86 = tpu.memref_slice %arg4[%arg1, %dma_start3A_84, %dma_start3A_85] : memref<16x160x128xi32, #tpu.memory_space<hbm>> -> memref<1x160x128xi32, #tpu.memory_space<hbm>>
      %dma_start3A_87 = tpu.memref_squeeze %dma_start3A_86 : memref<1x160x128xi32, #tpu.memory_space<hbm>> -> memref<160x128xi32, #tpu.memory_space<hbm>>
      tpu.enqueue_dma source(%dma_start3A_87 : memref<160x128xi32, #tpu.memory_space<hbm>>) target(%arg9 : memref<160x128xi32, #tpu.memory_space<vmem>>) target_semaphore(%run_scoped3A_79 : memref<!tpu.dma_semaphore, #tpu.memory_space<semaphore_mem>>)
      %dma_wait3A_88 = arith.constant 0 : i32
      %dma_wait3A_89 = arith.constant 0 : i32
      %dma_wait3A_90 = tpu.memref_slice %arg4[%arg1, %dma_wait3A_88, %dma_wait3A_89] : memref<16x160x128xi32, #tpu.memory_space<hbm>> -> memref<1x160x128xi32, #tpu.memory_space<hbm>>
      %dma_wait3A_91 = tpu.memref_squeeze %dma_wait3A_90 : memref<1x160x128xi32, #tpu.memory_space<hbm>> -> memref<160x128xi32, #tpu.memory_space<hbm>>
      %dma_wait3A_92 = arith.constant 0 : i32
      %dma_wait3A_93 = arith.constant 0 : i32
      %dma_wait3A_94 = tpu.memref_slice %arg4[%arg1, %dma_wait3A_92, %dma_wait3A_93] : memref<16x160x128xi32, #tpu.memory_space<hbm>> -> memref<1x160x128xi32, #tpu.memory_space<hbm>>
      %dma_wait3A_95 = tpu.memref_squeeze %dma_wait3A_94 : memref<1x160x128xi32, #tpu.memory_space<hbm>> -> memref<160x128xi32, #tpu.memory_space<hbm>>
      tpu.wait_dma2 semaphore(%run_scoped3A_79 : memref<!tpu.dma_semaphore, #tpu.memory_space<semaphore_mem>>) src(%dma_wait3A_95 : memref<160x128xi32, #tpu.memory_space<hbm>>) dst(%arg9 : memref<160x128xi32, #tpu.memory_space<vmem>>)
      tpu.yield
    }) : () -> ()
    "tpu.region"() ({
      %run_scoped3A_79 = tpu.sem_alloc : memref<!tpu.dma_semaphore, #tpu.memory_space<semaphore_mem>>
      %dma_start3A_80 = arith.constant 0 : i32
      %dma_start3A_81 = tpu.memref_slice %arg18[%mul3A_0, %dma_start3A_80] : memref<10240x64xf32, #tpu.memory_space<vmem_shared>> -> memref<640x64xf32, #tpu.memory_space<vmem_shared>>
      %dma_start3A_82 = arith.constant 0 : i32
      %dma_start3A_83 = tpu.memref_slice %arg5[%mul3A_0, %dma_start3A_82] : memref<10240x64xf32, #tpu.memory_space<hbm>> -> memref<640x64xf32, #tpu.memory_space<hbm>>
      tpu.enqueue_dma source(%dma_start3A_83 : memref<640x64xf32, #tpu.memory_space<hbm>>) target(%dma_start3A_81 : memref<640x64xf32, #tpu.memory_space<vmem_shared>>) target_semaphore(%run_scoped3A_79 : memref<!tpu.dma_semaphore, #tpu.memory_space<semaphore_mem>>)
      %dma_wait3A_84 = arith.constant 0 : i32
      %dma_wait3A_85 = tpu.memref_slice %arg18[%mul3A_0, %dma_wait3A_84] : memref<10240x64xf32, #tpu.memory_space<vmem_shared>> -> memref<640x64xf32, #tpu.memory_space<vmem_shared>>
      %dma_wait3A_86 = arith.constant 0 : i32
      %dma_wait3A_87 = tpu.memref_slice %arg5[%mul3A_0, %dma_wait3A_86] : memref<10240x64xf32, #tpu.memory_space<hbm>> -> memref<640x64xf32, #tpu.memory_space<hbm>>
      tpu.wait_dma2 semaphore(%run_scoped3A_79 : memref<!tpu.dma_semaphore, #tpu.memory_space<semaphore_mem>>) src(%dma_wait3A_87 : memref<640x64xf32, #tpu.memory_space<hbm>>) dst(%dma_wait3A_85 : memref<640x64xf32, #tpu.memory_space<vmem_shared>>)
      tpu.yield
    }) : () -> ()
    %scan3A = arith.constant 0 : i32
    %scan3A_1 = arith.constant 0 : i32
    %scan3A_2 = arith.constant 160 : i32
    %scan3A_3 = arith.addi %scan3A_1, %scan3A_2 : i32
    %scan3A_4 = arith.constant 1 : i32
    %scan3A_5 = scf.for %scan3A_79 = %scan3A_1 to %scan3A_3 step %scan3A_4 iter_args(%scan3A_80 = %scan3A) -> (i32)  : i32 {
      %get3A = arith.index_cast %scan3A_79 : i32 to index
      %get3A_81 = arith.constant 0 : index
      %get3A_82 = tpu.vector_load %arg8[%get3A, %get3A_81] {strides = array<i32>} : memref<160x128xi32, #tpu.memory_space<vmem>>, vector<1x16xi32>,
      %get3A_83 = vector.shape_cast %get3A_82 : vector<1x16xi32> to vector<16xi32>
      %mul3A_84 = arith.constant 2 : i32
      %mul3A_85 = vector.broadcast %mul3A_84 : i32 to vector<16xi32>
      %mul3A_86 = arith.muli %mul3A_85, %get3A_83 : vector<16xi32>
      %add3A = vector.broadcast %arg0 : i32 to vector<16xi32>
      %add3A_87 = arith.addi %mul3A_86, %add3A : vector<16xi32>
      %swap3A = arith.index_cast %scan3A_79 : i32 to index
      %swap3A_88 = arith.constant 0 : index
      %swap3A_89 = tpu.vector_load %arg8[%swap3A, %swap3A_88] {strides = array<i32>} : memref<160x128xi32, #tpu.memory_space<vmem>>, vector<1x16xi32>,
      %swap3A_90 = vector.shape_cast %swap3A_89 : vector<1x16xi32> to vector<16xi32>
      %swap3A_91 = vector.shape_cast %add3A_87 : vector<16xi32> to vector<1x16xi32>
      tpu.vector_store %arg8[%swap3A, %swap3A_88], %swap3A_91 {strides = array<i32>} : memref<160x128xi32, #tpu.memory_space<vmem>>, vector<1x16xi32>,
      %get3A_92 = arith.index_cast %scan3A_79 : i32 to index
      %get3A_93 = arith.constant 16 : index
      %get3A_94 = tpu.vector_load %arg8[%get3A_92, %get3A_93] {strides = array<i32>} : memref<160x128xi32, #tpu.memory_space<vmem>>, vector<1x16xi32>,
      %get3A_95 = vector.shape_cast %get3A_94 : vector<1x16xi32> to vector<16xi32>
      %mul3A_96 = arith.constant 2 : i32
      %mul3A_97 = vector.broadcast %mul3A_96 : i32 to vector<16xi32>
      %mul3A_98 = arith.muli %mul3A_97, %get3A_95 : vector<16xi32>
      %add3A_99 = vector.broadcast %arg0 : i32 to vector<16xi32>
      %add3A_100 = arith.addi %mul3A_98, %add3A_99 : vector<16xi32>
      %swap3A_101 = arith.index_cast %scan3A_79 : i32 to index
      %swap3A_102 = arith.constant 16 : index
      %swap3A_103 = tpu.vector_load %arg8[%swap3A_101, %swap3A_102] {strides = array<i32>} : memref<160x128xi32, #tpu.memory_space<vmem>>, vector<1x16xi32>,
      %swap3A_104 = vector.shape_cast %swap3A_103 : vector<1x16xi32> to vector<16xi32>
      %swap3A_105 = vector.shape_cast %add3A_100 : vector<16xi32> to vector<1x16xi32>
      tpu.vector_store %arg8[%swap3A_101, %swap3A_102], %swap3A_105 {strides = array<i32>} : memref<160x128xi32, #tpu.memory_space<vmem>>, vector<1x16xi32>,
      %get3A_106 = arith.index_cast %scan3A_79 : i32 to index
      %get3A_107 = arith.constant 32 : index
      %get3A_108 = tpu.vector_load %arg8[%get3A_106, %get3A_107] {strides = array<i32>} : memref<160x128xi32, #tpu.memory_space<vmem>>, vector<1x16xi32>,
      %get3A_109 = vector.shape_cast %get3A_108 : vector<1x16xi32> to vector<16xi32>
      %mul3A_110 = arith.constant 2 : i32
      %mul3A_111 = vector.broadcast %mul3A_110 : i32 to vector<16xi32>
      %mul3A_112 = arith.muli %mul3A_111, %get3A_109 : vector<16xi32>
      %add3A_113 = vector.broadcast %arg0 : i32 to vector<16xi32>
      %add3A_114 = arith.addi %mul3A_112, %add3A_113 : vector<16xi32>
      %swap3A_115 = arith.index_cast %scan3A_79 : i32 to index
      %swap3A_116 = arith.constant 32 : index
      %swap3A_117 = tpu.vector_load %arg8[%swap3A_115, %swap3A_116] {strides = array<i32>} : memref<160x128xi32, #tpu.memory_space<vmem>>, vector<1x16xi32>,
      %swap3A_118 = vector.shape_cast %swap3A_117 : vector<1x16xi32> to vector<16xi32>
      %swap3A_119 = vector.shape_cast %add3A_114 : vector<16xi32> to vector<1x16xi32>
      tpu.vector_store %arg8[%swap3A_115, %swap3A_116], %swap3A_119 {strides = array<i32>} : memref<160x128xi32, #tpu.memory_space<vmem>>, vector<1x16xi32>,
      %get3A_120 = arith.index_cast %scan3A_79 : i32 to index
      %get3A_121 = arith.constant 48 : index
      %get3A_122 = tpu.vector_load %arg8[%get3A_120, %get3A_121] {strides = array<i32>} : memref<160x128xi32, #tpu.memory_space<vmem>>, vector<1x16xi32>,
      %get3A_123 = vector.shape_cast %get3A_122 : vector<1x16xi32> to vector<16xi32>
      %mul3A_124 = arith.constant 2 : i32
      %mul3A_125 = vector.broadcast %mul3A_124 : i32 to vector<16xi32>
      %mul3A_126 = arith.muli %mul3A_125, %get3A_123 : vector<16xi32>
      %add3A_127 = vector.broadcast %arg0 : i32 to vector<16xi32>
      %add3A_128 = arith.addi %mul3A_126, %add3A_127 : vector<16xi32>
      %swap3A_129 = arith.index_cast %scan3A_79 : i32 to index
      %swap3A_130 = arith.constant 48 : index
      %swap3A_131 = tpu.vector_load %arg8[%swap3A_129, %swap3A_130] {strides = array<i32>} : memref<160x128xi32, #tpu.memory_space<vmem>>, vector<1x16xi32>,
      %swap3A_132 = vector.shape_cast %swap3A_131 : vector<1x16xi32> to vector<16xi32>
      %swap3A_133 = vector.shape_cast %add3A_128 : vector<16xi32> to vector<1x16xi32>
      tpu.vector_store %arg8[%swap3A_129, %swap3A_130], %swap3A_133 {strides = array<i32>} : memref<160x128xi32, #tpu.memory_space<vmem>>, vector<1x16xi32>,
      %get3A_134 = arith.index_cast %scan3A_79 : i32 to index
      %get3A_135 = arith.constant 64 : index
      %get3A_136 = tpu.vector_load %arg8[%get3A_134, %get3A_135] {strides = array<i32>} : memref<160x128xi32, #tpu.memory_space<vmem>>, vector<1x16xi32>,
      %get3A_137 = vector.shape_cast %get3A_136 : vector<1x16xi32> to vector<16xi32>
      %mul3A_138 = arith.constant 2 : i32
      %mul3A_139 = vector.broadcast %mul3A_138 : i32 to vector<16xi32>
      %mul3A_140 = arith.muli %mul3A_139, %get3A_137 : vector<16xi32>
      %add3A_141 = vector.broadcast %arg0 : i32 to vector<16xi32>
      %add3A_142 = arith.addi %mul3A_140, %add3A_141 : vector<16xi32>
      %swap3A_143 = arith.index_cast %scan3A_79 : i32 to index
      %swap3A_144 = arith.constant 64 : index
      %swap3A_145 = tpu.vector_load %arg8[%swap3A_143, %swap3A_144] {strides = array<i32>} : memref<160x128xi32, #tpu.memory_space<vmem>>, vector<1x16xi32>,
      %swap3A_146 = vector.shape_cast %swap3A_145 : vector<1x16xi32> to vector<16xi32>
      %swap3A_147 = vector.shape_cast %add3A_142 : vector<16xi32> to vector<1x16xi32>
      tpu.vector_store %arg8[%swap3A_143, %swap3A_144], %swap3A_147 {strides = array<i32>} : memref<160x128xi32, #tpu.memory_space<vmem>>, vector<1x16xi32>,
      %get3A_148 = arith.index_cast %scan3A_79 : i32 to index
      %get3A_149 = arith.constant 80 : index
      %get3A_150 = tpu.vector_load %arg8[%get3A_148, %get3A_149] {strides = array<i32>} : memref<160x128xi32, #tpu.memory_space<vmem>>, vector<1x16xi32>,
      %get3A_151 = vector.shape_cast %get3A_150 : vector<1x16xi32> to vector<16xi32>
      %mul3A_152 = arith.constant 2 : i32
      %mul3A_153 = vector.broadcast %mul3A_152 : i32 to vector<16xi32>
      %mul3A_154 = arith.muli %mul3A_153, %get3A_151 : vector<16xi32>
      %add3A_155 = vector.broadcast %arg0 : i32 to vector<16xi32>
      %add3A_156 = arith.addi %mul3A_154, %add3A_155 : vector<16xi32>
      %swap3A_157 = arith.index_cast %scan3A_79 : i32 to index
      %swap3A_158 = arith.constant 80 : index
      %swap3A_159 = tpu.vector_load %arg8[%swap3A_157, %swap3A_158] {strides = array<i32>} : memref<160x128xi32, #tpu.memory_space<vmem>>, vector<1x16xi32>,
      %swap3A_160 = vector.shape_cast %swap3A_159 : vector<1x16xi32> to vector<16xi32>
      %swap3A_161 = vector.shape_cast %add3A_156 : vector<16xi32> to vector<1x16xi32>
      tpu.vector_store %arg8[%swap3A_157, %swap3A_158], %swap3A_161 {strides = array<i32>} : memref<160x128xi32, #tpu.memory_space<vmem>>, vector<1x16xi32>,
      %get3A_162 = arith.index_cast %scan3A_79 : i32 to index
      %get3A_163 = arith.constant 96 : index
      %get3A_164 = tpu.vector_load %arg8[%get3A_162, %get3A_163] {strides = array<i32>} : memref<160x128xi32, #tpu.memory_space<vmem>>, vector<1x16xi32>,
      %get3A_165 = vector.shape_cast %get3A_164 : vector<1x16xi32> to vector<16xi32>
      %mul3A_166 = arith.constant 2 : i32
      %mul3A_167 = vector.broadcast %mul3A_166 : i32 to vector<16xi32>
      %mul3A_168 = arith.muli %mul3A_167, %get3A_165 : vector<16xi32>
      %add3A_169 = vector.broadcast %arg0 : i32 to vector<16xi32>
      %add3A_170 = arith.addi %mul3A_168, %add3A_169 : vector<16xi32>
      %swap3A_171 = arith.index_cast %scan3A_79 : i32 to index
      %swap3A_172 = arith.constant 96 : index
      %swap3A_173 = tpu.vector_load %arg8[%swap3A_171, %swap3A_172] {strides = array<i32>} : memref<160x128xi32, #tpu.memory_space<vmem>>, vector<1x16xi32>,
      %swap3A_174 = vector.shape_cast %swap3A_173 : vector<1x16xi32> to vector<16xi32>
      %swap3A_175 = vector.shape_cast %add3A_170 : vector<16xi32> to vector<1x16xi32>
      tpu.vector_store %arg8[%swap3A_171, %swap3A_172], %swap3A_175 {strides = array<i32>} : memref<160x128xi32, #tpu.memory_space<vmem>>, vector<1x16xi32>,
      %get3A_176 = arith.index_cast %scan3A_79 : i32 to index
      %get3A_177 = arith.constant 112 : index
      %get3A_178 = tpu.vector_load %arg8[%get3A_176, %get3A_177] {strides = array<i32>} : memref<160x128xi32, #tpu.memory_space<vmem>>, vector<1x16xi32>,
      %get3A_179 = vector.shape_cast %get3A_178 : vector<1x16xi32> to vector<16xi32>
      %mul3A_180 = arith.constant 2 : i32
      %mul3A_181 = vector.broadcast %mul3A_180 : i32 to vector<16xi32>
      %mul3A_182 = arith.muli %mul3A_181, %get3A_179 : vector<16xi32>
      %add3A_183 = vector.broadcast %arg0 : i32 to vector<16xi32>
      %add3A_184 = arith.addi %mul3A_182, %add3A_183 : vector<16xi32>
      %swap3A_185 = arith.index_cast %scan3A_79 : i32 to index
      %swap3A_186 = arith.constant 112 : index
      %swap3A_187 = tpu.vector_load %arg8[%swap3A_185, %swap3A_186] {strides = array<i32>} : memref<160x128xi32, #tpu.memory_space<vmem>>, vector<1x16xi32>,
      %swap3A_188 = vector.shape_cast %swap3A_187 : vector<1x16xi32> to vector<16xi32>
      %swap3A_189 = vector.shape_cast %add3A_184 : vector<16xi32> to vector<1x16xi32>
      tpu.vector_store %arg8[%swap3A_185, %swap3A_186], %swap3A_189 {strides = array<i32>} : memref<160x128xi32, #tpu.memory_space<vmem>>, vector<1x16xi32>,
      %scan3A_190 = arith.constant 0 : i32
      scf.yield %scan3A_190 : i32
    }
    %scan3A_6 = arith.constant 160 : i32
    %barrier3A = arith.constant 0 : index
    tpu.barrier barrier_id(%barrier3A)
    %dma_start3A = arith.constant 0 : i32
    %dma_start3A_7 = arith.constant 0 : i32
    %dma_start3A_8 = tpu.memref_slice %arg8[%dma_start3A, %dma_start3A_7] : memref<160x128xi32, #tpu.memory_space<vmem>> -> memref<1x128xi32, #tpu.memory_space<vmem>>
    %dma_start3A_9 = tpu.memref_squeeze %dma_start3A_8 : memref<1x128xi32, #tpu.memory_space<vmem>> -> memref<128xi32, #tpu.memory_space<vmem>>
    %dma_start3A_10 = arith.constant 0 : i32
    %dma_start3A_11 = arith.constant 0 : i32
    %dma_start3A_12 = tpu.memref_slice %arg2[%dma_start3A_10, %dma_start3A_11] : memref<20480x64xf32, #tpu.memory_space<hbm>> -> memref<20480x64xf32, #tpu.memory_space<hbm>>
    tpu.enqueue_indirect_dma source(%dma_start3A_12 : memref<20480x64xf32, #tpu.memory_space<hbm>>) target(%arg10 : memref<128x64xf32, #tpu.memory_space<vmem>>) offsets(%dma_start3A_9 : memref<128xi32, #tpu.memory_space<vmem>>) semaphore(%arg14 : memref<!tpu.dma_semaphore, #tpu.memory_space<semaphore_mem>>)
    %dma_start3A_13 = arith.constant 1 : i32
    %dma_start3A_14 = arith.constant 0 : i32
    %dma_start3A_15 = tpu.memref_slice %arg8[%dma_start3A_13, %dma_start3A_14] : memref<160x128xi32, #tpu.memory_space<vmem>> -> memref<1x128xi32, #tpu.memory_space<vmem>>
    %dma_start3A_16 = tpu.memref_squeeze %dma_start3A_15 : memref<1x128xi32, #tpu.memory_space<vmem>> -> memref<128xi32, #tpu.memory_space<vmem>>
    %dma_start3A_17 = arith.constant 0 : i32
    %dma_start3A_18 = arith.constant 0 : i32
    %dma_start3A_19 = tpu.memref_slice %arg2[%dma_start3A_17, %dma_start3A_18] : memref<20480x64xf32, #tpu.memory_space<hbm>> -> memref<20480x64xf32, #tpu.memory_space<hbm>>
    tpu.enqueue_indirect_dma source(%dma_start3A_19 : memref<20480x64xf32, #tpu.memory_space<hbm>>) target(%arg11 : memref<128x64xf32, #tpu.memory_space<vmem>>) offsets(%dma_start3A_16 : memref<128xi32, #tpu.memory_space<vmem>>) semaphore(%arg15 : memref<!tpu.dma_semaphore, #tpu.memory_space<semaphore_mem>>)
    %dma_start3A_20 = arith.constant 2 : i32
    %dma_start3A_21 = arith.constant 0 : i32
    %dma_start3A_22 = tpu.memref_slice %arg8[%dma_start3A_20, %dma_start3A_21] : memref<160x128xi32, #tpu.memory_space<vmem>> -> memref<1x128xi32, #tpu.memory_space<vmem>>
    %dma_start3A_23 = tpu.memref_squeeze %dma_start3A_22 : memref<1x128xi32, #tpu.memory_space<vmem>> -> memref<128xi32, #tpu.memory_space<vmem>>
    %dma_start3A_24 = arith.constant 0 : i32
    %dma_start3A_25 = arith.constant 0 : i32
    %dma_start3A_26 = tpu.memref_slice %arg2[%dma_start3A_24, %dma_start3A_25] : memref<20480x64xf32, #tpu.memory_space<hbm>> -> memref<20480x64xf32, #tpu.memory_space<hbm>>
    tpu.enqueue_indirect_dma source(%dma_start3A_26 : memref<20480x64xf32, #tpu.memory_space<hbm>>) target(%arg12 : memref<128x64xf32, #tpu.memory_space<vmem>>) offsets(%dma_start3A_23 : memref<128xi32, #tpu.memory_space<vmem>>) semaphore(%arg16 : memref<!tpu.dma_semaphore, #tpu.memory_space<semaphore_mem>>)
    %dma_start3A_27 = arith.constant 3 : i32
    %dma_start3A_28 = arith.constant 0 : i32
    %dma_start3A_29 = tpu.memref_slice %arg8[%dma_start3A_27, %dma_start3A_28] : memref<160x128xi32, #tpu.memory_space<vmem>> -> memref<1x128xi32, #tpu.memory_space<vmem>>
    %dma_start3A_30 = tpu.memref_squeeze %dma_start3A_29 : memref<1x128xi32, #tpu.memory_space<vmem>> -> memref<128xi32, #tpu.memory_space<vmem>>
    %dma_start3A_31 = arith.constant 0 : i32
    %dma_start3A_32 = arith.constant 0 : i32
    %dma_start3A_33 = tpu.memref_slice %arg2[%dma_start3A_31, %dma_start3A_32] : memref<20480x64xf32, #tpu.memory_space<hbm>> -> memref<20480x64xf32, #tpu.memory_space<hbm>>
    tpu.enqueue_indirect_dma source(%dma_start3A_33 : memref<20480x64xf32, #tpu.memory_space<hbm>>) target(%arg13 : memref<128x64xf32, #tpu.memory_space<vmem>>) offsets(%dma_start3A_30 : memref<128xi32, #tpu.memory_space<vmem>>) semaphore(%arg17 : memref<!tpu.dma_semaphore, #tpu.memory_space<semaphore_mem>>)
    %scan3A_34 = arith.constant 0 : i32
    %scan3A_35 = arith.constant 0 : i32
    %scan3A_36 = arith.constant 39 : i32
    %scan3A_37 = arith.addi %scan3A_35, %scan3A_36 : i32
    %scan3A_38 = arith.constant 1 : i32
    %scan3A_39 = scf.for %scan3A_79 = %scan3A_35 to %scan3A_37 step %scan3A_38 iter_args(%scan3A_80 = %scan3A_34) -> (i32)  : i32 {
      %mul3A_81 = arith.constant 4 : i32
      %mul3A_82 = arith.muli %mul3A_81, %scan3A_79 : i32
      %add3A = arith.constant 0 : i32
      %add3A_83 = arith.addi %mul3A_82, %add3A : i32
      %dma_wait3A_84 = arith.constant 0 : i32
      %dma_wait3A_85 = tpu.memref_slice %arg8[%add3A_83, %dma_wait3A_84] : memref<160x128xi32, #tpu.memory_space<vmem>> -> memref<1x128xi32, #tpu.memory_space<vmem>>
      %dma_wait3A_86 = tpu.memref_squeeze %dma_wait3A_85 : memref<1x128xi32, #tpu.memory_space<vmem>> -> memref<128xi32, #tpu.memory_space<vmem>>
      %dma_wait3A_87 = arith.constant 0 : i32
      %dma_wait3A_88 = arith.constant 0 : i32
      %dma_wait3A_89 = tpu.memref_slice %arg2[%dma_wait3A_87, %dma_wait3A_88] : memref<20480x64xf32, #tpu.memory_space<hbm>> -> memref<20480x64xf32, #tpu.memory_space<hbm>>
      tpu.wait_indirect_dma semaphore(%arg14 : memref<!tpu.dma_semaphore, #tpu.memory_space<semaphore_mem>>) src(%dma_wait3A_89 : memref<20480x64xf32, #tpu.memory_space<hbm>>) dst(%arg10 : memref<128x64xf32, #tpu.memory_space<vmem>>)
      "tpu.region"() ({
        %run_scoped3A_153 = tpu.sem_alloc : memref<!tpu.dma_semaphore, #tpu.memory_space<semaphore_mem>>
        %dma_start3A_154 = arith.constant 0 : i32
        %dma_start3A_155 = tpu.memref_slice %arg9[%add3A_83, %dma_start3A_154] : memref<160x128xi32, #tpu.memory_space<vmem>> -> memref<1x128xi32, #tpu.memory_space<vmem>>
        %dma_start3A_156 = tpu.memref_squeeze %dma_start3A_155 : memref<1x128xi32, #tpu.memory_space<vmem>> -> memref<128xi32, #tpu.memory_space<vmem>>
        %dma_start3A_157 = arith.constant 0 : i32
        %dma_start3A_158 = arith.constant 0 : i32
        %dma_start3A_159 = tpu.memref_slice %arg18[%dma_start3A_157, %dma_start3A_158] : memref<10240x64xf32, #tpu.memory_space<vmem_shared>> -> memref<10240x64xf32, #tpu.memory_space<vmem_shared>>
        tpu.enqueue_indirect_dma source(%arg10 : memref<128x64xf32, #tpu.memory_space<vmem>>) target(%dma_start3A_159 : memref<10240x64xf32, #tpu.memory_space<vmem_shared>>) offsets(%dma_start3A_156 : memref<128xi32, #tpu.memory_space<vmem>>) semaphore(%run_scoped3A_153 : memref<!tpu.dma_semaphore, #tpu.memory_space<semaphore_mem>>) {add = true}
        %dma_wait3A_160 = arith.constant 0 : i32
        %dma_wait3A_161 = tpu.memref_slice %arg9[%add3A_83, %dma_wait3A_160] : memref<160x128xi32, #tpu.memory_space<vmem>> -> memref<1x128xi32, #tpu.memory_space<vmem>>
        %dma_wait3A_162 = tpu.memref_squeeze %dma_wait3A_161 : memref<1x128xi32, #tpu.memory_space<vmem>> -> memref<128xi32, #tpu.memory_space<vmem>>
        %dma_wait3A_163 = arith.constant 0 : i32
        %dma_wait3A_164 = arith.constant 0 : i32
        %dma_wait3A_165 = tpu.memref_slice %arg18[%dma_wait3A_163, %dma_wait3A_164] : memref<10240x64xf32, #tpu.memory_space<vmem_shared>> -> memref<10240x64xf32, #tpu.memory_space<vmem_shared>>
        tpu.wait_indirect_dma semaphore(%run_scoped3A_153 : memref<!tpu.dma_semaphore, #tpu.memory_space<semaphore_mem>>) src(%arg10 : memref<128x64xf32, #tpu.memory_space<vmem>>) dst(%dma_wait3A_165 : memref<10240x64xf32, #tpu.memory_space<vmem_shared>>)
        tpu.yield
      }) : () -> ()
      %add3A_90 = arith.constant 4 : i32
      %add3A_91 = arith.addi %add3A_83, %add3A_90 : i32
      %dma_start3A_92 = arith.constant 0 : i32
      %dma_start3A_93 = tpu.memref_slice %arg8[%add3A_91, %dma_start3A_92] : memref<160x128xi32, #tpu.memory_space<vmem>> -> memref<1x128xi32, #tpu.memory_space<vmem>>
      %dma_start3A_94 = tpu.memref_squeeze %dma_start3A_93 : memref<1x128xi32, #tpu.memory_space<vmem>> -> memref<128xi32, #tpu.memory_space<vmem>>
      %dma_start3A_95 = arith.constant 0 : i32
      %dma_start3A_96 = arith.constant 0 : i32
      %dma_start3A_97 = tpu.memref_slice %arg2[%dma_start3A_95, %dma_start3A_96] : memref<20480x64xf32, #tpu.memory_space<hbm>> -> memref<20480x64xf32, #tpu.memory_space<hbm>>
      tpu.enqueue_indirect_dma source(%dma_start3A_97 : memref<20480x64xf32, #tpu.memory_space<hbm>>) target(%arg10 : memref<128x64xf32, #tpu.memory_space<vmem>>) offsets(%dma_start3A_94 : memref<128xi32, #tpu.memory_space<vmem>>) semaphore(%arg14 : memref<!tpu.dma_semaphore, #tpu.memory_space<semaphore_mem>>)
      %mul3A_98 = arith.constant 4 : i32
      %mul3A_99 = arith.muli %mul3A_98, %scan3A_79 : i32
      %add3A_100 = arith.constant 1 : i32
      %add3A_101 = arith.addi %mul3A_99, %add3A_100 : i32
      %dma_wait3A_102 = arith.constant 0 : i32
      %dma_wait3A_103 = tpu.memref_slice %arg8[%add3A_101, %dma_wait3A_102] : memref<160x128xi32, #tpu.memory_space<vmem>> -> memref<1x128xi32, #tpu.memory_space<vmem>>
      %dma_wait3A_104 = tpu.memref_squeeze %dma_wait3A_103 : memref<1x128xi32, #tpu.memory_space<vmem>> -> memref<128xi32, #tpu.memory_space<vmem>>
      %dma_wait3A_105 = arith.constant 0 : i32
      %dma_wait3A_106 = arith.constant 0 : i32
      %dma_wait3A_107 = tpu.memref_slice %arg2[%dma_wait3A_105, %dma_wait3A_106] : memref<20480x64xf32, #tpu.memory_space<hbm>> -> memref<20480x64xf32, #tpu.memory_space<hbm>>
      tpu.wait_indirect_dma semaphore(%arg15 : memref<!tpu.dma_semaphore, #tpu.memory_space<semaphore_mem>>) src(%dma_wait3A_107 : memref<20480x64xf32, #tpu.memory_space<hbm>>) dst(%arg11 : memref<128x64xf32, #tpu.memory_space<vmem>>)
      "tpu.region"() ({
        %run_scoped3A_153 = tpu.sem_alloc : memref<!tpu.dma_semaphore, #tpu.memory_space<semaphore_mem>>
        %dma_start3A_154 = arith.constant 0 : i32
        %dma_start3A_155 = tpu.memref_slice %arg9[%add3A_101, %dma_start3A_154] : memref<160x128xi32, #tpu.memory_space<vmem>> -> memref<1x128xi32, #tpu.memory_space<vmem>>
        %dma_start3A_156 = tpu.memref_squeeze %dma_start3A_155 : memref<1x128xi32, #tpu.memory_space<vmem>> -> memref<128xi32, #tpu.memory_space<vmem>>
        %dma_start3A_157 = arith.constant 0 : i32
        %dma_start3A_158 = arith.constant 0 : i32
        %dma_start3A_159 = tpu.memref_slice %arg18[%dma_start3A_157, %dma_start3A_158] : memref<10240x64xf32, #tpu.memory_space<vmem_shared>> -> memref<10240x64xf32, #tpu.memory_space<vmem_shared>>
        tpu.enqueue_indirect_dma source(%arg11 : memref<128x64xf32, #tpu.memory_space<vmem>>) target(%dma_start3A_159 : memref<10240x64xf32, #tpu.memory_space<vmem_shared>>) offsets(%dma_start3A_156 : memref<128xi32, #tpu.memory_space<vmem>>) semaphore(%run_scoped3A_153 : memref<!tpu.dma_semaphore, #tpu.memory_space<semaphore_mem>>) {add = true}
        %dma_wait3A_160 = arith.constant 0 : i32
        %dma_wait3A_161 = tpu.memref_slice %arg9[%add3A_101, %dma_wait3A_160] : memref<160x128xi32, #tpu.memory_space<vmem>> -> memref<1x128xi32, #tpu.memory_space<vmem>>
        %dma_wait3A_162 = tpu.memref_squeeze %dma_wait3A_161 : memref<1x128xi32, #tpu.memory_space<vmem>> -> memref<128xi32, #tpu.memory_space<vmem>>
        %dma_wait3A_163 = arith.constant 0 : i32
        %dma_wait3A_164 = arith.constant 0 : i32
        %dma_wait3A_165 = tpu.memref_slice %arg18[%dma_wait3A_163, %dma_wait3A_164] : memref<10240x64xf32, #tpu.memory_space<vmem_shared>> -> memref<10240x64xf32, #tpu.memory_space<vmem_shared>>
        tpu.wait_indirect_dma semaphore(%run_scoped3A_153 : memref<!tpu.dma_semaphore, #tpu.memory_space<semaphore_mem>>) src(%arg11 : memref<128x64xf32, #tpu.memory_space<vmem>>) dst(%dma_wait3A_165 : memref<10240x64xf32, #tpu.memory_space<vmem_shared>>)
        tpu.yield
      }) : () -> ()
      %add3A_108 = arith.constant 4 : i32
      %add3A_109 = arith.addi %add3A_101, %add3A_108 : i32
      %dma_start3A_110 = arith.constant 0 : i32
      %dma_start3A_111 = tpu.memref_slice %arg8[%add3A_109, %dma_start3A_110] : memref<160x128xi32, #tpu.memory_space<vmem>> -> memref<1x128xi32, #tpu.memory_space<vmem>>
      %dma_start3A_112 = tpu.memref_squeeze %dma_start3A_111 : memref<1x128xi32, #tpu.memory_space<vmem>> -> memref<128xi32, #tpu.memory_space<vmem>>
      %dma_start3A_113 = arith.constant 0 : i32
      %dma_start3A_114 = arith.constant 0 : i32
      %dma_start3A_115 = tpu.memref_slice %arg2[%dma_start3A_113, %dma_start3A_114] : memref<20480x64xf32, #tpu.memory_space<hbm>> -> memref<20480x64xf32, #tpu.memory_space<hbm>>
      tpu.enqueue_indirect_dma source(%dma_start3A_115 : memref<20480x64xf32, #tpu.memory_space<hbm>>) target(%arg11 : memref<128x64xf32, #tpu.memory_space<vmem>>) offsets(%dma_start3A_112 : memref<128xi32, #tpu.memory_space<vmem>>) semaphore(%arg15 : memref<!tpu.dma_semaphore, #tpu.memory_space<semaphore_mem>>)
      %mul3A_116 = arith.constant 4 : i32
      %mul3A_117 = arith.muli %mul3A_116, %scan3A_79 : i32
      %add3A_118 = arith.constant 2 : i32
      %add3A_119 = arith.addi %mul3A_117, %add3A_118 : i32
      %dma_wait3A_120 = arith.constant 0 : i32
      %dma_wait3A_121 = tpu.memref_slice %arg8[%add3A_119, %dma_wait3A_120] : memref<160x128xi32, #tpu.memory_space<vmem>> -> memref<1x128xi32, #tpu.memory_space<vmem>>
      %dma_wait3A_122 = tpu.memref_squeeze %dma_wait3A_121 : memref<1x128xi32, #tpu.memory_space<vmem>> -> memref<128xi32, #tpu.memory_space<vmem>>
      %dma_wait3A_123 = arith.constant 0 : i32
      %dma_wait3A_124 = arith.constant 0 : i32
      %dma_wait3A_125 = tpu.memref_slice %arg2[%dma_wait3A_123, %dma_wait3A_124] : memref<20480x64xf32, #tpu.memory_space<hbm>> -> memref<20480x64xf32, #tpu.memory_space<hbm>>
      tpu.wait_indirect_dma semaphore(%arg16 : memref<!tpu.dma_semaphore, #tpu.memory_space<semaphore_mem>>) src(%dma_wait3A_125 : memref<20480x64xf32, #tpu.memory_space<hbm>>) dst(%arg12 : memref<128x64xf32, #tpu.memory_space<vmem>>)
      "tpu.region"() ({
        %run_scoped3A_153 = tpu.sem_alloc : memref<!tpu.dma_semaphore, #tpu.memory_space<semaphore_mem>>
        %dma_start3A_154 = arith.constant 0 : i32
        %dma_start3A_155 = tpu.memref_slice %arg9[%add3A_119, %dma_start3A_154] : memref<160x128xi32, #tpu.memory_space<vmem>> -> memref<1x128xi32, #tpu.memory_space<vmem>>
        %dma_start3A_156 = tpu.memref_squeeze %dma_start3A_155 : memref<1x128xi32, #tpu.memory_space<vmem>> -> memref<128xi32, #tpu.memory_space<vmem>>
        %dma_start3A_157 = arith.constant 0 : i32
        %dma_start3A_158 = arith.constant 0 : i32
        %dma_start3A_159 = tpu.memref_slice %arg18[%dma_start3A_157, %dma_start3A_158] : memref<10240x64xf32, #tpu.memory_space<vmem_shared>> -> memref<10240x64xf32, #tpu.memory_space<vmem_shared>>
        tpu.enqueue_indirect_dma source(%arg12 : memref<128x64xf32, #tpu.memory_space<vmem>>) target(%dma_start3A_159 : memref<10240x64xf32, #tpu.memory_space<vmem_shared>>) offsets(%dma_start3A_156 : memref<128xi32, #tpu.memory_space<vmem>>) semaphore(%run_scoped3A_153 : memref<!tpu.dma_semaphore, #tpu.memory_space<semaphore_mem>>) {add = true}
        %dma_wait3A_160 = arith.constant 0 : i32
        %dma_wait3A_161 = tpu.memref_slice %arg9[%add3A_119, %dma_wait3A_160] : memref<160x128xi32, #tpu.memory_space<vmem>> -> memref<1x128xi32, #tpu.memory_space<vmem>>
        %dma_wait3A_162 = tpu.memref_squeeze %dma_wait3A_161 : memref<1x128xi32, #tpu.memory_space<vmem>> -> memref<128xi32, #tpu.memory_space<vmem>>
        %dma_wait3A_163 = arith.constant 0 : i32
        %dma_wait3A_164 = arith.constant 0 : i32
        %dma_wait3A_165 = tpu.memref_slice %arg18[%dma_wait3A_163, %dma_wait3A_164] : memref<10240x64xf32, #tpu.memory_space<vmem_shared>> -> memref<10240x64xf32, #tpu.memory_space<vmem_shared>>
        tpu.wait_indirect_dma semaphore(%run_scoped3A_153 : memref<!tpu.dma_semaphore, #tpu.memory_space<semaphore_mem>>) src(%arg12 : memref<128x64xf32, #tpu.memory_space<vmem>>) dst(%dma_wait3A_165 : memref<10240x64xf32, #tpu.memory_space<vmem_shared>>)
        tpu.yield
      }) : () -> ()
      %add3A_126 = arith.constant 4 : i32
      %add3A_127 = arith.addi %add3A_119, %add3A_126 : i32
      %dma_start3A_128 = arith.constant 0 : i32
      %dma_start3A_129 = tpu.memref_slice %arg8[%add3A_127, %dma_start3A_128] : memref<160x128xi32, #tpu.memory_space<vmem>> -> memref<1x128xi32, #tpu.memory_space<vmem>>
      %dma_start3A_130 = tpu.memref_squeeze %dma_start3A_129 : memref<1x128xi32, #tpu.memory_space<vmem>> -> memref<128xi32, #tpu.memory_space<vmem>>
      %dma_start3A_131 = arith.constant 0 : i32
      %dma_start3A_132 = arith.constant 0 : i32
      %dma_start3A_133 = tpu.memref_slice %arg2[%dma_start3A_131, %dma_start3A_132] : memref<20480x64xf32, #tpu.memory_space<hbm>> -> memref<20480x64xf32, #tpu.memory_space<hbm>>
      tpu.enqueue_indirect_dma source(%dma_start3A_133 : memref<20480x64xf32, #tpu.memory_space<hbm>>) target(%arg12 : memref<128x64xf32, #tpu.memory_space<vmem>>) offsets(%dma_start3A_130 : memref<128xi32, #tpu.memory_space<vmem>>) semaphore(%arg16 : memref<!tpu.dma_semaphore, #tpu.memory_space<semaphore_mem>>)
      %mul3A_134 = arith.constant 4 : i32
      %mul3A_135 = arith.muli %mul3A_134, %scan3A_79 : i32
      %add3A_136 = arith.constant 3 : i32
      %add3A_137 = arith.addi %mul3A_135, %add3A_136 : i32
      %dma_wait3A_138 = arith.constant 0 : i32
      %dma_wait3A_139 = tpu.memref_slice %arg8[%add3A_137, %dma_wait3A_138] : memref<160x128xi32, #tpu.memory_space<vmem>> -> memref<1x128xi32, #tpu.memory_space<vmem>>
      %dma_wait3A_140 = tpu.memref_squeeze %dma_wait3A_139 : memref<1x128xi32, #tpu.memory_space<vmem>> -> memref<128xi32, #tpu.memory_space<vmem>>
      %dma_wait3A_141 = arith.constant 0 : i32
      %dma_wait3A_142 = arith.constant 0 : i32
      %dma_wait3A_143 = tpu.memref_slice %arg2[%dma_wait3A_141, %dma_wait3A_142] : memref<20480x64xf32, #tpu.memory_space<hbm>> -> memref<20480x64xf32, #tpu.memory_space<hbm>>
      tpu.wait_indirect_dma semaphore(%arg17 : memref<!tpu.dma_semaphore, #tpu.memory_space<semaphore_mem>>) src(%dma_wait3A_143 : memref<20480x64xf32, #tpu.memory_space<hbm>>) dst(%arg13 : memref<128x64xf32, #tpu.memory_space<vmem>>)
      "tpu.region"() ({
        %run_scoped3A_153 = tpu.sem_alloc : memref<!tpu.dma_semaphore, #tpu.memory_space<semaphore_mem>>
        %dma_start3A_154 = arith.constant 0 : i32
        %dma_start3A_155 = tpu.memref_slice %arg9[%add3A_137, %dma_start3A_154] : memref<160x128xi32, #tpu.memory_space<vmem>> -> memref<1x128xi32, #tpu.memory_space<vmem>>
        %dma_start3A_156 = tpu.memref_squeeze %dma_start3A_155 : memref<1x128xi32, #tpu.memory_space<vmem>> -> memref<128xi32, #tpu.memory_space<vmem>>
        %dma_start3A_157 = arith.constant 0 : i32
        %dma_start3A_158 = arith.constant 0 : i32
        %dma_start3A_159 = tpu.memref_slice %arg18[%dma_start3A_157, %dma_start3A_158] : memref<10240x64xf32, #tpu.memory_space<vmem_shared>> -> memref<10240x64xf32, #tpu.memory_space<vmem_shared>>
        tpu.enqueue_indirect_dma source(%arg13 : memref<128x64xf32, #tpu.memory_space<vmem>>) target(%dma_start3A_159 : memref<10240x64xf32, #tpu.memory_space<vmem_shared>>) offsets(%dma_start3A_156 : memref<128xi32, #tpu.memory_space<vmem>>) semaphore(%run_scoped3A_153 : memref<!tpu.dma_semaphore, #tpu.memory_space<semaphore_mem>>) {add = true}
        %dma_wait3A_160 = arith.constant 0 : i32
        %dma_wait3A_161 = tpu.memref_slice %arg9[%add3A_137, %dma_wait3A_160] : memref<160x128xi32, #tpu.memory_space<vmem>> -> memref<1x128xi32, #tpu.memory_space<vmem>>
        %dma_wait3A_162 = tpu.memref_squeeze %dma_wait3A_161 : memref<1x128xi32, #tpu.memory_space<vmem>> -> memref<128xi32, #tpu.memory_space<vmem>>
        %dma_wait3A_163 = arith.constant 0 : i32
        %dma_wait3A_164 = arith.constant 0 : i32
        %dma_wait3A_165 = tpu.memref_slice %arg18[%dma_wait3A_163, %dma_wait3A_164] : memref<10240x64xf32, #tpu.memory_space<vmem_shared>> -> memref<10240x64xf32, #tpu.memory_space<vmem_shared>>
        tpu.wait_indirect_dma semaphore(%run_scoped3A_153 : memref<!tpu.dma_semaphore, #tpu.memory_space<semaphore_mem>>) src(%arg13 : memref<128x64xf32, #tpu.memory_space<vmem>>) dst(%dma_wait3A_165 : memref<10240x64xf32, #tpu.memory_space<vmem_shared>>)
        tpu.yield
      }) : () -> ()
      %add3A_144 = arith.constant 4 : i32
      %add3A_145 = arith.addi %add3A_137, %add3A_144 : i32
      %dma_start3A_146 = arith.constant 0 : i32
      %dma_start3A_147 = tpu.memref_slice %arg8[%add3A_145, %dma_start3A_146] : memref<160x128xi32, #tpu.memory_space<vmem>> -> memref<1x128xi32, #tpu.memory_space<vmem>>
      %dma_start3A_148 = tpu.memref_squeeze %dma_start3A_147 : memref<1x128xi32, #tpu.memory_space<vmem>> -> memref<128xi32, #tpu.memory_space<vmem>>
      %dma_start3A_149 = arith.constant 0 : i32
      %dma_start3A_150 = arith.constant 0 : i32
      %dma_start3A_151 = tpu.memref_slice %arg2[%dma_start3A_149, %dma_start3A_150] : memref<20480x64xf32, #tpu.memory_space<hbm>> -> memref<20480x64xf32, #tpu.memory_space<hbm>>
      tpu.enqueue_indirect_dma source(%dma_start3A_151 : memref<20480x64xf32, #tpu.memory_space<hbm>>) target(%arg13 : memref<128x64xf32, #tpu.memory_space<vmem>>) offsets(%dma_start3A_148 : memref<128xi32, #tpu.memory_space<vmem>>) semaphore(%arg17 : memref<!tpu.dma_semaphore, #tpu.memory_space<semaphore_mem>>)
      %scan3A_152 = arith.constant 0 : i32
      scf.yield %scan3A_152 : i32
    }
    %scan3A_40 = arith.constant 39 : i32
    %dma_wait3A = arith.constant 156 : i32
    %dma_wait3A_41 = arith.constant 0 : i32
    %dma_wait3A_42 = tpu.memref_slice %arg8[%dma_wait3A, %dma_wait3A_41] : memref<160x128xi32, #tpu.memory_space<vmem>> -> memref<1x128xi32, #tpu.memory_space<vmem>>
    %dma_wait3A_43 = tpu.memref_squeeze %dma_wait3A_42 : memref<1x128xi32, #tpu.memory_space<vmem>> -> memref<128xi32, #tpu.memory_space<vmem>>
    %dma_wait3A_44 = arith.constant 0 : i32
    %dma_wait3A_45 = arith.constant 0 : i32
    %dma_wait3A_46 = tpu.memref_slice %arg2[%dma_wait3A_44, %dma_wait3A_45] : memref<20480x64xf32, #tpu.memory_space<hbm>> -> memref<20480x64xf32, #tpu.memory_space<hbm>>
    tpu.wait_indirect_dma semaphore(%arg14 : memref<!tpu.dma_semaphore, #tpu.memory_space<semaphore_mem>>) src(%dma_wait3A_46 : memref<20480x64xf32, #tpu.memory_space<hbm>>) dst(%arg10 : memref<128x64xf32, #tpu.memory_space<vmem>>)
    %run_scoped3A = arith.constant 156 : i32
    "tpu.region"() ({
      %run_scoped3A_79 = tpu.sem_alloc : memref<!tpu.dma_semaphore, #tpu.memory_space<semaphore_mem>>
      %dma_start3A_80 = arith.constant 0 : i32
      %dma_start3A_81 = tpu.memref_slice %arg9[%run_scoped3A, %dma_start3A_80] : memref<160x128xi32, #tpu.memory_space<vmem>> -> memref<1x128xi32, #tpu.memory_space<vmem>>
      %dma_start3A_82 = tpu.memref_squeeze %dma_start3A_81 : memref<1x128xi32, #tpu.memory_space<vmem>> -> memref<128xi32, #tpu.memory_space<vmem>>
      %dma_start3A_83 = arith.constant 0 : i32
      %dma_start3A_84 = arith.constant 0 : i32
      %dma_start3A_85 = tpu.memref_slice %arg18[%dma_start3A_83, %dma_start3A_84] : memref<10240x64xf32, #tpu.memory_space<vmem_shared>> -> memref<10240x64xf32, #tpu.memory_space<vmem_shared>>
      tpu.enqueue_indirect_dma source(%arg10 : memref<128x64xf32, #tpu.memory_space<vmem>>) target(%dma_start3A_85 : memref<10240x64xf32, #tpu.memory_space<vmem_shared>>) offsets(%dma_start3A_82 : memref<128xi32, #tpu.memory_space<vmem>>) semaphore(%run_scoped3A_79 : memref<!tpu.dma_semaphore, #tpu.memory_space<semaphore_mem>>) {add = true}
      %dma_wait3A_86 = arith.constant 0 : i32
      %dma_wait3A_87 = tpu.memref_slice %arg9[%run_scoped3A, %dma_wait3A_86] : memref<160x128xi32, #tpu.memory_space<vmem>> -> memref<1x128xi32, #tpu.memory_space<vmem>>
      %dma_wait3A_88 = tpu.memref_squeeze %dma_wait3A_87 : memref<1x128xi32, #tpu.memory_space<vmem>> -> memref<128xi32, #tpu.memory_space<vmem>>
      %dma_wait3A_89 = arith.constant 0 : i32
      %dma_wait3A_90 = arith.constant 0 : i32
      %dma_wait3A_91 = tpu.memref_slice %arg18[%dma_wait3A_89, %dma_wait3A_90] : memref<10240x64xf32, #tpu.memory_space<vmem_shared>> -> memref<10240x64xf32, #tpu.memory_space<vmem_shared>>
      tpu.wait_indirect_dma semaphore(%run_scoped3A_79 : memref<!tpu.dma_semaphore, #tpu.memory_space<semaphore_mem>>) src(%arg10 : memref<128x64xf32, #tpu.memory_space<vmem>>) dst(%dma_wait3A_91 : memref<10240x64xf32, #tpu.memory_space<vmem_shared>>)
      tpu.yield
    }) : () -> ()
    %dma_wait3A_47 = arith.constant 157 : i32
    %dma_wait3A_48 = arith.constant 0 : i32
    %dma_wait3A_49 = tpu.memref_slice %arg8[%dma_wait3A_47, %dma_wait3A_48] : memref<160x128xi32, #tpu.memory_space<vmem>> -> memref<1x128xi32, #tpu.memory_space<vmem>>
    %dma_wait3A_50 = tpu.memref_squeeze %dma_wait3A_49 : memref<1x128xi32, #tpu.memory_space<vmem>> -> memref<128xi32, #tpu.memory_space<vmem>>
    %dma_wait3A_51 = arith.constant 0 : i32
    %dma_wait3A_52 = arith.constant 0 : i32
    %dma_wait3A_53 = tpu.memref_slice %arg2[%dma_wait3A_51, %dma_wait3A_52] : memref<20480x64xf32, #tpu.memory_space<hbm>> -> memref<20480x64xf32, #tpu.memory_space<hbm>>
    tpu.wait_indirect_dma semaphore(%arg15 : memref<!tpu.dma_semaphore, #tpu.memory_space<semaphore_mem>>) src(%dma_wait3A_53 : memref<20480x64xf32, #tpu.memory_space<hbm>>) dst(%arg11 : memref<128x64xf32, #tpu.memory_space<vmem>>)
    %run_scoped3A_54 = arith.constant 157 : i32
    "tpu.region"() ({
      %run_scoped3A_79 = tpu.sem_alloc : memref<!tpu.dma_semaphore, #tpu.memory_space<semaphore_mem>>
      %dma_start3A_80 = arith.constant 0 : i32
      %dma_start3A_81 = tpu.memref_slice %arg9[%run_scoped3A_54, %dma_start3A_80] : memref<160x128xi32, #tpu.memory_space<vmem>> -> memref<1x128xi32, #tpu.memory_space<vmem>>
      %dma_start3A_82 = tpu.memref_squeeze %dma_start3A_81 : memref<1x128xi32, #tpu.memory_space<vmem>> -> memref<128xi32, #tpu.memory_space<vmem>>
      %dma_start3A_83 = arith.constant 0 : i32
      %dma_start3A_84 = arith.constant 0 : i32
      %dma_start3A_85 = tpu.memref_slice %arg18[%dma_start3A_83, %dma_start3A_84] : memref<10240x64xf32, #tpu.memory_space<vmem_shared>> -> memref<10240x64xf32, #tpu.memory_space<vmem_shared>>
      tpu.enqueue_indirect_dma source(%arg11 : memref<128x64xf32, #tpu.memory_space<vmem>>) target(%dma_start3A_85 : memref<10240x64xf32, #tpu.memory_space<vmem_shared>>) offsets(%dma_start3A_82 : memref<128xi32, #tpu.memory_space<vmem>>) semaphore(%run_scoped3A_79 : memref<!tpu.dma_semaphore, #tpu.memory_space<semaphore_mem>>) {add = true}
      %dma_wait3A_86 = arith.constant 0 : i32
      %dma_wait3A_87 = tpu.memref_slice %arg9[%run_scoped3A_54, %dma_wait3A_86] : memref<160x128xi32, #tpu.memory_space<vmem>> -> memref<1x128xi32, #tpu.memory_space<vmem>>
      %dma_wait3A_88 = tpu.memref_squeeze %dma_wait3A_87 : memref<1x128xi32, #tpu.memory_space<vmem>> -> memref<128xi32, #tpu.memory_space<vmem>>
      %dma_wait3A_89 = arith.constant 0 : i32
      %dma_wait3A_90 = arith.constant 0 : i32
      %dma_wait3A_91 = tpu.memref_slice %arg18[%dma_wait3A_89, %dma_wait3A_90] : memref<10240x64xf32, #tpu.memory_space<vmem_shared>> -> memref<10240x64xf32, #tpu.memory_space<vmem_shared>>
      tpu.wait_indirect_dma semaphore(%run_scoped3A_79 : memref<!tpu.dma_semaphore, #tpu.memory_space<semaphore_mem>>) src(%arg11 : memref<128x64xf32, #tpu.memory_space<vmem>>) dst(%dma_wait3A_91 : memref<10240x64xf32, #tpu.memory_space<vmem_shared>>)
      tpu.yield
    }) : () -> ()
    %dma_wait3A_55 = arith.constant 158 : i32
    %dma_wait3A_56 = arith.constant 0 : i32
    %dma_wait3A_57 = tpu.memref_slice %arg8[%dma_wait3A_55, %dma_wait3A_56] : memref<160x128xi32, #tpu.memory_space<vmem>> -> memref<1x128xi32, #tpu.memory_space<vmem>>
    %dma_wait3A_58 = tpu.memref_squeeze %dma_wait3A_57 : memref<1x128xi32, #tpu.memory_space<vmem>> -> memref<128xi32, #tpu.memory_space<vmem>>
    %dma_wait3A_59 = arith.constant 0 : i32
    %dma_wait3A_60 = arith.constant 0 : i32
    %dma_wait3A_61 = tpu.memref_slice %arg2[%dma_wait3A_59, %dma_wait3A_60] : memref<20480x64xf32, #tpu.memory_space<hbm>> -> memref<20480x64xf32, #tpu.memory_space<hbm>>
    tpu.wait_indirect_dma semaphore(%arg16 : memref<!tpu.dma_semaphore, #tpu.memory_space<semaphore_mem>>) src(%dma_wait3A_61 : memref<20480x64xf32, #tpu.memory_space<hbm>>) dst(%arg12 : memref<128x64xf32, #tpu.memory_space<vmem>>)
    %run_scoped3A_62 = arith.constant 158 : i32
    "tpu.region"() ({
      %run_scoped3A_79 = tpu.sem_alloc : memref<!tpu.dma_semaphore, #tpu.memory_space<semaphore_mem>>
      %dma_start3A_80 = arith.constant 0 : i32
      %dma_start3A_81 = tpu.memref_slice %arg9[%run_scoped3A_62, %dma_start3A_80] : memref<160x128xi32, #tpu.memory_space<vmem>> -> memref<1x128xi32, #tpu.memory_space<vmem>>
      %dma_start3A_82 = tpu.memref_squeeze %dma_start3A_81 : memref<1x128xi32, #tpu.memory_space<vmem>> -> memref<128xi32, #tpu.memory_space<vmem>>
      %dma_start3A_83 = arith.constant 0 : i32
      %dma_start3A_84 = arith.constant 0 : i32
      %dma_start3A_85 = tpu.memref_slice %arg18[%dma_start3A_83, %dma_start3A_84] : memref<10240x64xf32, #tpu.memory_space<vmem_shared>> -> memref<10240x64xf32, #tpu.memory_space<vmem_shared>>
      tpu.enqueue_indirect_dma source(%arg12 : memref<128x64xf32, #tpu.memory_space<vmem>>) target(%dma_start3A_85 : memref<10240x64xf32, #tpu.memory_space<vmem_shared>>) offsets(%dma_start3A_82 : memref<128xi32, #tpu.memory_space<vmem>>) semaphore(%run_scoped3A_79 : memref<!tpu.dma_semaphore, #tpu.memory_space<semaphore_mem>>) {add = true}
      %dma_wait3A_86 = arith.constant 0 : i32
      %dma_wait3A_87 = tpu.memref_slice %arg9[%run_scoped3A_62, %dma_wait3A_86] : memref<160x128xi32, #tpu.memory_space<vmem>> -> memref<1x128xi32, #tpu.memory_space<vmem>>
      %dma_wait3A_88 = tpu.memref_squeeze %dma_wait3A_87 : memref<1x128xi32, #tpu.memory_space<vmem>> -> memref<128xi32, #tpu.memory_space<vmem>>
      %dma_wait3A_89 = arith.constant 0 : i32
      %dma_wait3A_90 = arith.constant 0 : i32
      %dma_wait3A_91 = tpu.memref_slice %arg18[%dma_wait3A_89, %dma_wait3A_90] : memref<10240x64xf32, #tpu.memory_space<vmem_shared>> -> memref<10240x64xf32, #tpu.memory_space<vmem_shared>>
      tpu.wait_indirect_dma semaphore(%run_scoped3A_79 : memref<!tpu.dma_semaphore, #tpu.memory_space<semaphore_mem>>) src(%arg12 : memref<128x64xf32, #tpu.memory_space<vmem>>) dst(%dma_wait3A_91 : memref<10240x64xf32, #tpu.memory_space<vmem_shared>>)
      tpu.yield
    }) : () -> ()
    %dma_wait3A_63 = arith.constant 159 : i32
    %dma_wait3A_64 = arith.constant 0 : i32
    %dma_wait3A_65 = tpu.memref_slice %arg8[%dma_wait3A_63, %dma_wait3A_64] : memref<160x128xi32, #tpu.memory_space<vmem>> -> memref<1x128xi32, #tpu.memory_space<vmem>>
    %dma_wait3A_66 = tpu.memref_squeeze %dma_wait3A_65 : memref<1x128xi32, #tpu.memory_space<vmem>> -> memref<128xi32, #tpu.memory_space<vmem>>
    %dma_wait3A_67 = arith.constant 0 : i32
    %dma_wait3A_68 = arith.constant 0 : i32
    %dma_wait3A_69 = tpu.memref_slice %arg2[%dma_wait3A_67, %dma_wait3A_68] : memref<20480x64xf32, #tpu.memory_space<hbm>> -> memref<20480x64xf32, #tpu.memory_space<hbm>>
    tpu.wait_indirect_dma semaphore(%arg17 : memref<!tpu.dma_semaphore, #tpu.memory_space<semaphore_mem>>) src(%dma_wait3A_69 : memref<20480x64xf32, #tpu.memory_space<hbm>>) dst(%arg13 : memref<128x64xf32, #tpu.memory_space<vmem>>)
    %run_scoped3A_70 = arith.constant 159 : i32
    "tpu.region"() ({
      %run_scoped3A_79 = tpu.sem_alloc : memref<!tpu.dma_semaphore, #tpu.memory_space<semaphore_mem>>
      %dma_start3A_80 = arith.constant 0 : i32
      %dma_start3A_81 = tpu.memref_slice %arg9[%run_scoped3A_70, %dma_start3A_80] : memref<160x128xi32, #tpu.memory_space<vmem>> -> memref<1x128xi32, #tpu.memory_space<vmem>>
      %dma_start3A_82 = tpu.memref_squeeze %dma_start3A_81 : memref<1x128xi32, #tpu.memory_space<vmem>> -> memref<128xi32, #tpu.memory_space<vmem>>
      %dma_start3A_83 = arith.constant 0 : i32
      %dma_start3A_84 = arith.constant 0 : i32
      %dma_start3A_85 = tpu.memref_slice %arg18[%dma_start3A_83, %dma_start3A_84] : memref<10240x64xf32, #tpu.memory_space<vmem_shared>> -> memref<10240x64xf32, #tpu.memory_space<vmem_shared>>
      tpu.enqueue_indirect_dma source(%arg13 : memref<128x64xf32, #tpu.memory_space<vmem>>) target(%dma_start3A_85 : memref<10240x64xf32, #tpu.memory_space<vmem_shared>>) offsets(%dma_start3A_82 : memref<128xi32, #tpu.memory_space<vmem>>) semaphore(%run_scoped3A_79 : memref<!tpu.dma_semaphore, #tpu.memory_space<semaphore_mem>>) {add = true}
      %dma_wait3A_86 = arith.constant 0 : i32
      %dma_wait3A_87 = tpu.memref_slice %arg9[%run_scoped3A_70, %dma_wait3A_86] : memref<160x128xi32, #tpu.memory_space<vmem>> -> memref<1x128xi32, #tpu.memory_space<vmem>>
      %dma_wait3A_88 = tpu.memref_squeeze %dma_wait3A_87 : memref<1x128xi32, #tpu.memory_space<vmem>> -> memref<128xi32, #tpu.memory_space<vmem>>
      %dma_wait3A_89 = arith.constant 0 : i32
      %dma_wait3A_90 = arith.constant 0 : i32
      %dma_wait3A_91 = tpu.memref_slice %arg18[%dma_wait3A_89, %dma_wait3A_90] : memref<10240x64xf32, #tpu.memory_space<vmem_shared>> -> memref<10240x64xf32, #tpu.memory_space<vmem_shared>>
      tpu.wait_indirect_dma semaphore(%run_scoped3A_79 : memref<!tpu.dma_semaphore, #tpu.memory_space<semaphore_mem>>) src(%arg13 : memref<128x64xf32, #tpu.memory_space<vmem>>) dst(%dma_wait3A_91 : memref<10240x64xf32, #tpu.memory_space<vmem_shared>>)
      tpu.yield
    }) : () -> ()
    %barrier3A_71 = arith.constant 0 : index
    tpu.barrier barrier_id(%barrier3A_71)
    %eq3A = arith.constant 0 : i32
    %eq3A_72 = arith.cmpi eq, %arg0, %eq3A : i32
    %convert_element_type3A = arith.extui %eq3A_72 : i1 to i32
    %cond3A = arith.constant 0 : i32
    %cond3A_73 = arith.cmpi ne, %convert_element_type3A, %cond3A : i32
    scf.if %cond3A_73 {
      "tpu.region"() ({
        %run_scoped3A_79 = tpu.sem_alloc : memref<!tpu.dma_semaphore, #tpu.memory_space<semaphore_mem>>
        %dma_start3A_80 = arith.constant 0 : i32
        %dma_start3A_81 = tpu.memref_slice %arg6[%mul3A_0, %dma_start3A_80] : memref<10240x64xf32, #tpu.memory_space<hbm>> -> memref<640x64xf32, #tpu.memory_space<hbm>>
        %dma_start3A_82 = arith.constant 0 : i32
        %dma_start3A_83 = tpu.memref_slice %arg18[%mul3A_0, %dma_start3A_82] : memref<10240x64xf32, #tpu.memory_space<vmem_shared>> -> memref<640x64xf32, #tpu.memory_space<vmem_shared>>
        tpu.enqueue_dma source(%dma_start3A_83 : memref<640x64xf32, #tpu.memory_space<vmem_shared>>) target(%dma_start3A_81 : memref<640x64xf32, #tpu.memory_space<hbm>>) target_semaphore(%run_scoped3A_79 : memref<!tpu.dma_semaphore, #tpu.memory_space<semaphore_mem>>)
        %dma_wait3A_84 = arith.constant 0 : i32
        %dma_wait3A_85 = tpu.memref_slice %arg6[%mul3A_0, %dma_wait3A_84] : memref<10240x64xf32, #tpu.memory_space<hbm>> -> memref<640x64xf32, #tpu.memory_space<hbm>>
        %dma_wait3A_86 = arith.constant 0 : i32
        %dma_wait3A_87 = tpu.memref_slice %arg18[%mul3A_0, %dma_wait3A_86] : memref<10240x64xf32, #tpu.memory_space<vmem_shared>> -> memref<640x64xf32, #tpu.memory_space<vmem_shared>>
        tpu.wait_dma2 semaphore(%run_scoped3A_79 : memref<!tpu.dma_semaphore, #tpu.memory_space<semaphore_mem>>) src(%dma_wait3A_87 : memref<640x64xf32, #tpu.memory_space<vmem_shared>>) dst(%dma_wait3A_85 : memref<640x64xf32, #tpu.memory_space<hbm>>)
        tpu.yield
      }) : () -> ()
    } else {
    }
    %eq3A_74 = arith.constant 1 : i32
    %eq3A_75 = arith.cmpi eq, %arg0, %eq3A_74 : i32
    %convert_element_type3A_76 = arith.extui %eq3A_75 : i1 to i32
    %cond3A_77 = arith.constant 0 : i32
    %cond3A_78 = arith.cmpi ne, %convert_element_type3A_76, %cond3A_77 : i32
    scf.if %cond3A_78 {
      "tpu.region"() ({
        %run_scoped3A_79 = tpu.sem_alloc : memref<!tpu.dma_semaphore, #tpu.memory_space<semaphore_mem>>
        %dma_start3A_80 = arith.constant 0 : i32
        %dma_start3A_81 = tpu.memref_slice %arg7[%mul3A_0, %dma_start3A_80] : memref<10240x64xf32, #tpu.memory_space<hbm>> -> memref<640x64xf32, #tpu.memory_space<hbm>>
        %dma_start3A_82 = arith.constant 0 : i32
        %dma_start3A_83 = tpu.memref_slice %arg18[%mul3A_0, %dma_start3A_82] : memref<10240x64xf32, #tpu.memory_space<vmem_shared>> -> memref<640x64xf32, #tpu.memory_space<vmem_shared>>
        tpu.enqueue_dma source(%dma_start3A_83 : memref<640x64xf32, #tpu.memory_space<vmem_shared>>) target(%dma_start3A_81 : memref<640x64xf32, #tpu.memory_space<hbm>>) target_semaphore(%run_scoped3A_79 : memref<!tpu.dma_semaphore, #tpu.memory_space<semaphore_mem>>)
        %dma_wait3A_84 = arith.constant 0 : i32
        %dma_wait3A_85 = tpu.memref_slice %arg7[%mul3A_0, %dma_wait3A_84] : memref<10240x64xf32, #tpu.memory_space<hbm>> -> memref<640x64xf32, #tpu.memory_space<hbm>>
        %dma_wait3A_86 = arith.constant 0 : i32
        %dma_wait3A_87 = tpu.memref_slice %arg18[%mul3A_0, %dma_wait3A_86] : memref<10240x64xf32, #tpu.memory_space<vmem_shared>> -> memref<640x64xf32, #tpu.memory_space<vmem_shared>>
        tpu.wait_dma2 semaphore(%run_scoped3A_79 : memref<!tpu.dma_semaphore, #tpu.memory_space<semaphore_mem>>) src(%dma_wait3A_87 : memref<640x64xf32, #tpu.memory_space<vmem_shared>>) dst(%dma_wait3A_85 : memref<640x64xf32, #tpu.memory_space<hbm>>)
        tpu.yield
      }) : () -> ()
    } else {
    }
    return
  }
}

#map = affine_map<(d0, d1) -> (0, 0, 0)>
#map1 = affine_map<(d0, d1) -> (0)>
module attributes {stable_mosaic.version = 14 : i64} {
  func.func @_deg_body(%arg0: i32, %arg1: i32, %arg2: memref<32x80x128xi32, #tpu.memory_space<hbm>>, %arg3: memref<10240xf32, #tpu.memory_space<hbm>>, %arg4: memref<10240xf32, #tpu.memory_space<hbm>>, %arg5: memref<80x128xi32, #tpu.memory_space<vmem>>, %arg6: memref<128xf32, #tpu.memory_space<vmem>>, %arg7: memref<640xf32, #tpu.memory_space<vmem>>, %arg8: memref<10240xf32, #tpu.memory_space<vmem_shared>>) attributes {dimension_semantics = [#tpu.dimension_semantics<core_parallel>, #tpu.dimension_semantics<subcore_parallel>], iteration_bounds = array<i64: 2, 16>, scalar_prefetch = 0 : i64, scratch_operands = 4 : i64, tpu.core_type = #tpu.core_type<sc_vector_subcore>, window_params = [{transform_indices = #map}, {transform_indices = #map1}, {transform_indices = #map1}]} {
    %mul3A = arith.constant 16 : i32
    %mul3A_0 = arith.muli %arg0, %mul3A : i32
    %add3A = arith.addi %mul3A_0, %arg1 : i32
    %mul3A_1 = arith.constant 640 : i32
    %mul3A_2 = arith.muli %arg1, %mul3A_1 : i32
    %broadcast_in_dim3A = arith.constant 1.000000e+00 : f32
    %broadcast_in_dim3A_3 = vector.broadcast %broadcast_in_dim3A : f32 to vector<16xf32>
    %swap3A = arith.constant 0 : index
    %swap3A_4 = tpu.vector_load %arg6[%swap3A] {strides = array<i32>} : memref<128xf32, #tpu.memory_space<vmem>>, vector<16xf32>,
    %swap3A_5 = vector.shape_cast %swap3A_4 : vector<16xf32> to vector<16xf32>
    %swap3A_6 = vector.shape_cast %broadcast_in_dim3A_3 : vector<16xf32> to vector<16xf32>
    tpu.vector_store %arg6[%swap3A], %swap3A_6 {strides = array<i32>} : memref<128xf32, #tpu.memory_space<vmem>>, vector<16xf32>,
    %broadcast_in_dim3A_7 = arith.constant 1.000000e+00 : f32
    %broadcast_in_dim3A_8 = vector.broadcast %broadcast_in_dim3A_7 : f32 to vector<16xf32>
    %swap3A_9 = arith.constant 16 : index
    %swap3A_10 = tpu.vector_load %arg6[%swap3A_9] {strides = array<i32>} : memref<128xf32, #tpu.memory_space<vmem>>, vector<16xf32>,
    %swap3A_11 = vector.shape_cast %swap3A_10 : vector<16xf32> to vector<16xf32>
    %swap3A_12 = vector.shape_cast %broadcast_in_dim3A_8 : vector<16xf32> to vector<16xf32>
    tpu.vector_store %arg6[%swap3A_9], %swap3A_12 {strides = array<i32>} : memref<128xf32, #tpu.memory_space<vmem>>, vector<16xf32>,
    %broadcast_in_dim3A_13 = arith.constant 1.000000e+00 : f32
    %broadcast_in_dim3A_14 = vector.broadcast %broadcast_in_dim3A_13 : f32 to vector<16xf32>
    %swap3A_15 = arith.constant 32 : index
    %swap3A_16 = tpu.vector_load %arg6[%swap3A_15] {strides = array<i32>} : memref<128xf32, #tpu.memory_space<vmem>>, vector<16xf32>,
    %swap3A_17 = vector.shape_cast %swap3A_16 : vector<16xf32> to vector<16xf32>
    %swap3A_18 = vector.shape_cast %broadcast_in_dim3A_14 : vector<16xf32> to vector<16xf32>
    tpu.vector_store %arg6[%swap3A_15], %swap3A_18 {strides = array<i32>} : memref<128xf32, #tpu.memory_space<vmem>>, vector<16xf32>,
    %broadcast_in_dim3A_19 = arith.constant 1.000000e+00 : f32
    %broadcast_in_dim3A_20 = vector.broadcast %broadcast_in_dim3A_19 : f32 to vector<16xf32>
    %swap3A_21 = arith.constant 48 : index
    %swap3A_22 = tpu.vector_load %arg6[%swap3A_21] {strides = array<i32>} : memref<128xf32, #tpu.memory_space<vmem>>, vector<16xf32>,
    %swap3A_23 = vector.shape_cast %swap3A_22 : vector<16xf32> to vector<16xf32>
    %swap3A_24 = vector.shape_cast %broadcast_in_dim3A_20 : vector<16xf32> to vector<16xf32>
    tpu.vector_store %arg6[%swap3A_21], %swap3A_24 {strides = array<i32>} : memref<128xf32, #tpu.memory_space<vmem>>, vector<16xf32>,
    %broadcast_in_dim3A_25 = arith.constant 1.000000e+00 : f32
    %broadcast_in_dim3A_26 = vector.broadcast %broadcast_in_dim3A_25 : f32 to vector<16xf32>
    %swap3A_27 = arith.constant 64 : index
    %swap3A_28 = tpu.vector_load %arg6[%swap3A_27] {strides = array<i32>} : memref<128xf32, #tpu.memory_space<vmem>>, vector<16xf32>,
    %swap3A_29 = vector.shape_cast %swap3A_28 : vector<16xf32> to vector<16xf32>
    %swap3A_30 = vector.shape_cast %broadcast_in_dim3A_26 : vector<16xf32> to vector<16xf32>
    tpu.vector_store %arg6[%swap3A_27], %swap3A_30 {strides = array<i32>} : memref<128xf32, #tpu.memory_space<vmem>>, vector<16xf32>,
    %broadcast_in_dim3A_31 = arith.constant 1.000000e+00 : f32
    %broadcast_in_dim3A_32 = vector.broadcast %broadcast_in_dim3A_31 : f32 to vector<16xf32>
    %swap3A_33 = arith.constant 80 : index
    %swap3A_34 = tpu.vector_load %arg6[%swap3A_33] {strides = array<i32>} : memref<128xf32, #tpu.memory_space<vmem>>, vector<16xf32>,
    %swap3A_35 = vector.shape_cast %swap3A_34 : vector<16xf32> to vector<16xf32>
    %swap3A_36 = vector.shape_cast %broadcast_in_dim3A_32 : vector<16xf32> to vector<16xf32>
    tpu.vector_store %arg6[%swap3A_33], %swap3A_36 {strides = array<i32>} : memref<128xf32, #tpu.memory_space<vmem>>, vector<16xf32>,
    %broadcast_in_dim3A_37 = arith.constant 1.000000e+00 : f32
    %broadcast_in_dim3A_38 = vector.broadcast %broadcast_in_dim3A_37 : f32 to vector<16xf32>
    %swap3A_39 = arith.constant 96 : index
    %swap3A_40 = tpu.vector_load %arg6[%swap3A_39] {strides = array<i32>} : memref<128xf32, #tpu.memory_space<vmem>>, vector<16xf32>,
    %swap3A_41 = vector.shape_cast %swap3A_40 : vector<16xf32> to vector<16xf32>
    %swap3A_42 = vector.shape_cast %broadcast_in_dim3A_38 : vector<16xf32> to vector<16xf32>
    tpu.vector_store %arg6[%swap3A_39], %swap3A_42 {strides = array<i32>} : memref<128xf32, #tpu.memory_space<vmem>>, vector<16xf32>,
    %broadcast_in_dim3A_43 = arith.constant 1.000000e+00 : f32
    %broadcast_in_dim3A_44 = vector.broadcast %broadcast_in_dim3A_43 : f32 to vector<16xf32>
    %swap3A_45 = arith.constant 112 : index
    %swap3A_46 = tpu.vector_load %arg6[%swap3A_45] {strides = array<i32>} : memref<128xf32, #tpu.memory_space<vmem>>, vector<16xf32>,
    %swap3A_47 = vector.shape_cast %swap3A_46 : vector<16xf32> to vector<16xf32>
    %swap3A_48 = vector.shape_cast %broadcast_in_dim3A_44 : vector<16xf32> to vector<16xf32>
    tpu.vector_store %arg6[%swap3A_45], %swap3A_48 {strides = array<i32>} : memref<128xf32, #tpu.memory_space<vmem>>, vector<16xf32>,
    %broadcast_in_dim3A_49 = arith.constant 0.000000e+00 : f32
    %broadcast_in_dim3A_50 = vector.broadcast %broadcast_in_dim3A_49 : f32 to vector<16xf32>
    %swap3A_51 = arith.constant 0 : index
    %swap3A_52 = tpu.vector_load %arg7[%swap3A_51] {strides = array<i32>} : memref<640xf32, #tpu.memory_space<vmem>>, vector<16xf32>,
    %swap3A_53 = vector.shape_cast %swap3A_52 : vector<16xf32> to vector<16xf32>
    %swap3A_54 = vector.shape_cast %broadcast_in_dim3A_50 : vector<16xf32> to vector<16xf32>
    tpu.vector_store %arg7[%swap3A_51], %swap3A_54 {strides = array<i32>} : memref<640xf32, #tpu.memory_space<vmem>>, vector<16xf32>,
    %broadcast_in_dim3A_55 = arith.constant 0.000000e+00 : f32
    %broadcast_in_dim3A_56 = vector.broadcast %broadcast_in_dim3A_55 : f32 to vector<16xf32>
    %swap3A_57 = arith.constant 16 : index
    %swap3A_58 = tpu.vector_load %arg7[%swap3A_57] {strides = array<i32>} : memref<640xf32, #tpu.memory_space<vmem>>, vector<16xf32>,
    %swap3A_59 = vector.shape_cast %swap3A_58 : vector<16xf32> to vector<16xf32>
    %swap3A_60 = vector.shape_cast %broadcast_in_dim3A_56 : vector<16xf32> to vector<16xf32>
    tpu.vector_store %arg7[%swap3A_57], %swap3A_60 {strides = array<i32>} : memref<640xf32, #tpu.memory_space<vmem>>, vector<16xf32>,
    %broadcast_in_dim3A_61 = arith.constant 0.000000e+00 : f32
    %broadcast_in_dim3A_62 = vector.broadcast %broadcast_in_dim3A_61 : f32 to vector<16xf32>
    %swap3A_63 = arith.constant 32 : index
    %swap3A_64 = tpu.vector_load %arg7[%swap3A_63] {strides = array<i32>} : memref<640xf32, #tpu.memory_space<vmem>>, vector<16xf32>,
    %swap3A_65 = vector.shape_cast %swap3A_64 : vector<16xf32> to vector<16xf32>
    %swap3A_66 = vector.shape_cast %broadcast_in_dim3A_62 : vector<16xf32> to vector<16xf32>
    tpu.vector_store %arg7[%swap3A_63], %swap3A_66 {strides = array<i32>} : memref<640xf32, #tpu.memory_space<vmem>>, vector<16xf32>,
    %broadcast_in_dim3A_67 = arith.constant 0.000000e+00 : f32
    %broadcast_in_dim3A_68 = vector.broadcast %broadcast_in_dim3A_67 : f32 to vector<16xf32>
    %swap3A_69 = arith.constant 48 : index
    %swap3A_70 = tpu.vector_load %arg7[%swap3A_69] {strides = array<i32>} : memref<640xf32, #tpu.memory_space<vmem>>, vector<16xf32>,
    %swap3A_71 = vector.shape_cast %swap3A_70 : vector<16xf32> to vector<16xf32>
    %swap3A_72 = vector.shape_cast %broadcast_in_dim3A_68 : vector<16xf32> to vector<16xf32>
    tpu.vector_store %arg7[%swap3A_69], %swap3A_72 {strides = array<i32>} : memref<640xf32, #tpu.memory_space<vmem>>, vector<16xf32>,
    %broadcast_in_dim3A_73 = arith.constant 0.000000e+00 : f32
    %broadcast_in_dim3A_74 = vector.broadcast %broadcast_in_dim3A_73 : f32 to vector<16xf32>
    %swap3A_75 = arith.constant 64 : index
    %swap3A_76 = tpu.vector_load %arg7[%swap3A_75] {strides = array<i32>} : memref<640xf32, #tpu.memory_space<vmem>>, vector<16xf32>,
    %swap3A_77 = vector.shape_cast %swap3A_76 : vector<16xf32> to vector<16xf32>
    %swap3A_78 = vector.shape_cast %broadcast_in_dim3A_74 : vector<16xf32> to vector<16xf32>
    tpu.vector_store %arg7[%swap3A_75], %swap3A_78 {strides = array<i32>} : memref<640xf32, #tpu.memory_space<vmem>>, vector<16xf32>,
    %broadcast_in_dim3A_79 = arith.constant 0.000000e+00 : f32
    %broadcast_in_dim3A_80 = vector.broadcast %broadcast_in_dim3A_79 : f32 to vector<16xf32>
    %swap3A_81 = arith.constant 80 : index
    %swap3A_82 = tpu.vector_load %arg7[%swap3A_81] {strides = array<i32>} : memref<640xf32, #tpu.memory_space<vmem>>, vector<16xf32>,
    %swap3A_83 = vector.shape_cast %swap3A_82 : vector<16xf32> to vector<16xf32>
    %swap3A_84 = vector.shape_cast %broadcast_in_dim3A_80 : vector<16xf32> to vector<16xf32>
    tpu.vector_store %arg7[%swap3A_81], %swap3A_84 {strides = array<i32>} : memref<640xf32, #tpu.memory_space<vmem>>, vector<16xf32>,
    %broadcast_in_dim3A_85 = arith.constant 0.000000e+00 : f32
    %broadcast_in_dim3A_86 = vector.broadcast %broadcast_in_dim3A_85 : f32 to vector<16xf32>
    %swap3A_87 = arith.constant 96 : index
    %swap3A_88 = tpu.vector_load %arg7[%swap3A_87] {strides = array<i32>} : memref<640xf32, #tpu.memory_space<vmem>>, vector<16xf32>,
    %swap3A_89 = vector.shape_cast %swap3A_88 : vector<16xf32> to vector<16xf32>
    %swap3A_90 = vector.shape_cast %broadcast_in_dim3A_86 : vector<16xf32> to vector<16xf32>
    tpu.vector_store %arg7[%swap3A_87], %swap3A_90 {strides = array<i32>} : memref<640xf32, #tpu.memory_space<vmem>>, vector<16xf32>,
    %broadcast_in_dim3A_91 = arith.constant 0.000000e+00 : f32
    %broadcast_in_dim3A_92 = vector.broadcast %broadcast_in_dim3A_91 : f32 to vector<16xf32>
    %swap3A_93 = arith.constant 112 : index
    %swap3A_94 = tpu.vector_load %arg7[%swap3A_93] {strides = array<i32>} : memref<640xf32, #tpu.memory_space<vmem>>, vector<16xf32>,
    %swap3A_95 = vector.shape_cast %swap3A_94 : vector<16xf32> to vector<16xf32>
    %swap3A_96 = vector.shape_cast %broadcast_in_dim3A_92 : vector<16xf32> to vector<16xf32>
    tpu.vector_store %arg7[%swap3A_93], %swap3A_96 {strides = array<i32>} : memref<640xf32, #tpu.memory_space<vmem>>, vector<16xf32>,
    %broadcast_in_dim3A_97 = arith.constant 0.000000e+00 : f32
    %broadcast_in_dim3A_98 = vector.broadcast %broadcast_in_dim3A_97 : f32 to vector<16xf32>
    %swap3A_99 = arith.constant 128 : index
    %swap3A_100 = tpu.vector_load %arg7[%swap3A_99] {strides = array<i32>} : memref<640xf32, #tpu.memory_space<vmem>>, vector<16xf32>,
    %swap3A_101 = vector.shape_cast %swap3A_100 : vector<16xf32> to vector<16xf32>
    %swap3A_102 = vector.shape_cast %broadcast_in_dim3A_98 : vector<16xf32> to vector<16xf32>
    tpu.vector_store %arg7[%swap3A_99], %swap3A_102 {strides = array<i32>} : memref<640xf32, #tpu.memory_space<vmem>>, vector<16xf32>,
    %broadcast_in_dim3A_103 = arith.constant 0.000000e+00 : f32
    %broadcast_in_dim3A_104 = vector.broadcast %broadcast_in_dim3A_103 : f32 to vector<16xf32>
    %swap3A_105 = arith.constant 144 : index
    %swap3A_106 = tpu.vector_load %arg7[%swap3A_105] {strides = array<i32>} : memref<640xf32, #tpu.memory_space<vmem>>, vector<16xf32>,
    %swap3A_107 = vector.shape_cast %swap3A_106 : vector<16xf32> to vector<16xf32>
    %swap3A_108 = vector.shape_cast %broadcast_in_dim3A_104 : vector<16xf32> to vector<16xf32>
    tpu.vector_store %arg7[%swap3A_105], %swap3A_108 {strides = array<i32>} : memref<640xf32, #tpu.memory_space<vmem>>, vector<16xf32>,
    %broadcast_in_dim3A_109 = arith.constant 0.000000e+00 : f32
    %broadcast_in_dim3A_110 = vector.broadcast %broadcast_in_dim3A_109 : f32 to vector<16xf32>
    %swap3A_111 = arith.constant 160 : index
    %swap3A_112 = tpu.vector_load %arg7[%swap3A_111] {strides = array<i32>} : memref<640xf32, #tpu.memory_space<vmem>>, vector<16xf32>,
    %swap3A_113 = vector.shape_cast %swap3A_112 : vector<16xf32> to vector<16xf32>
    %swap3A_114 = vector.shape_cast %broadcast_in_dim3A_110 : vector<16xf32> to vector<16xf32>
    tpu.vector_store %arg7[%swap3A_111], %swap3A_114 {strides = array<i32>} : memref<640xf32, #tpu.memory_space<vmem>>, vector<16xf32>,
    %broadcast_in_dim3A_115 = arith.constant 0.000000e+00 : f32
    %broadcast_in_dim3A_116 = vector.broadcast %broadcast_in_dim3A_115 : f32 to vector<16xf32>
    %swap3A_117 = arith.constant 176 : index
    %swap3A_118 = tpu.vector_load %arg7[%swap3A_117] {strides = array<i32>} : memref<640xf32, #tpu.memory_space<vmem>>, vector<16xf32>,
    %swap3A_119 = vector.shape_cast %swap3A_118 : vector<16xf32> to vector<16xf32>
    %swap3A_120 = vector.shape_cast %broadcast_in_dim3A_116 : vector<16xf32> to vector<16xf32>
    tpu.vector_store %arg7[%swap3A_117], %swap3A_120 {strides = array<i32>} : memref<640xf32, #tpu.memory_space<vmem>>, vector<16xf32>,
    %broadcast_in_dim3A_121 = arith.constant 0.000000e+00 : f32
    %broadcast_in_dim3A_122 = vector.broadcast %broadcast_in_dim3A_121 : f32 to vector<16xf32>
    %swap3A_123 = arith.constant 192 : index
    %swap3A_124 = tpu.vector_load %arg7[%swap3A_123] {strides = array<i32>} : memref<640xf32, #tpu.memory_space<vmem>>, vector<16xf32>,
    %swap3A_125 = vector.shape_cast %swap3A_124 : vector<16xf32> to vector<16xf32>
    %swap3A_126 = vector.shape_cast %broadcast_in_dim3A_122 : vector<16xf32> to vector<16xf32>
    tpu.vector_store %arg7[%swap3A_123], %swap3A_126 {strides = array<i32>} : memref<640xf32, #tpu.memory_space<vmem>>, vector<16xf32>,
    %broadcast_in_dim3A_127 = arith.constant 0.000000e+00 : f32
    %broadcast_in_dim3A_128 = vector.broadcast %broadcast_in_dim3A_127 : f32 to vector<16xf32>
    %swap3A_129 = arith.constant 208 : index
    %swap3A_130 = tpu.vector_load %arg7[%swap3A_129] {strides = array<i32>} : memref<640xf32, #tpu.memory_space<vmem>>, vector<16xf32>,
    %swap3A_131 = vector.shape_cast %swap3A_130 : vector<16xf32> to vector<16xf32>
    %swap3A_132 = vector.shape_cast %broadcast_in_dim3A_128 : vector<16xf32> to vector<16xf32>
    tpu.vector_store %arg7[%swap3A_129], %swap3A_132 {strides = array<i32>} : memref<640xf32, #tpu.memory_space<vmem>>, vector<16xf32>,
    %broadcast_in_dim3A_133 = arith.constant 0.000000e+00 : f32
    %broadcast_in_dim3A_134 = vector.broadcast %broadcast_in_dim3A_133 : f32 to vector<16xf32>
    %swap3A_135 = arith.constant 224 : index
    %swap3A_136 = tpu.vector_load %arg7[%swap3A_135] {strides = array<i32>} : memref<640xf32, #tpu.memory_space<vmem>>, vector<16xf32>,
    %swap3A_137 = vector.shape_cast %swap3A_136 : vector<16xf32> to vector<16xf32>
    %swap3A_138 = vector.shape_cast %broadcast_in_dim3A_134 : vector<16xf32> to vector<16xf32>
    tpu.vector_store %arg7[%swap3A_135], %swap3A_138 {strides = array<i32>} : memref<640xf32, #tpu.memory_space<vmem>>, vector<16xf32>,
    %broadcast_in_dim3A_139 = arith.constant 0.000000e+00 : f32
    %broadcast_in_dim3A_140 = vector.broadcast %broadcast_in_dim3A_139 : f32 to vector<16xf32>
    %swap3A_141 = arith.constant 240 : index
    %swap3A_142 = tpu.vector_load %arg7[%swap3A_141] {strides = array<i32>} : memref<640xf32, #tpu.memory_space<vmem>>, vector<16xf32>,
    %swap3A_143 = vector.shape_cast %swap3A_142 : vector<16xf32> to vector<16xf32>
    %swap3A_144 = vector.shape_cast %broadcast_in_dim3A_140 : vector<16xf32> to vector<16xf32>
    tpu.vector_store %arg7[%swap3A_141], %swap3A_144 {strides = array<i32>} : memref<640xf32, #tpu.memory_space<vmem>>, vector<16xf32>,
    %broadcast_in_dim3A_145 = arith.constant 0.000000e+00 : f32
    %broadcast_in_dim3A_146 = vector.broadcast %broadcast_in_dim3A_145 : f32 to vector<16xf32>
    %swap3A_147 = arith.constant 256 : index
    %swap3A_148 = tpu.vector_load %arg7[%swap3A_147] {strides = array<i32>} : memref<640xf32, #tpu.memory_space<vmem>>, vector<16xf32>,
    %swap3A_149 = vector.shape_cast %swap3A_148 : vector<16xf32> to vector<16xf32>
    %swap3A_150 = vector.shape_cast %broadcast_in_dim3A_146 : vector<16xf32> to vector<16xf32>
    tpu.vector_store %arg7[%swap3A_147], %swap3A_150 {strides = array<i32>} : memref<640xf32, #tpu.memory_space<vmem>>, vector<16xf32>,
    %broadcast_in_dim3A_151 = arith.constant 0.000000e+00 : f32
    %broadcast_in_dim3A_152 = vector.broadcast %broadcast_in_dim3A_151 : f32 to vector<16xf32>
    %swap3A_153 = arith.constant 272 : index
    %swap3A_154 = tpu.vector_load %arg7[%swap3A_153] {strides = array<i32>} : memref<640xf32, #tpu.memory_space<vmem>>, vector<16xf32>,
    %swap3A_155 = vector.shape_cast %swap3A_154 : vector<16xf32> to vector<16xf32>
    %swap3A_156 = vector.shape_cast %broadcast_in_dim3A_152 : vector<16xf32> to vector<16xf32>
    tpu.vector_store %arg7[%swap3A_153], %swap3A_156 {strides = array<i32>} : memref<640xf32, #tpu.memory_space<vmem>>, vector<16xf32>,
    %broadcast_in_dim3A_157 = arith.constant 0.000000e+00 : f32
    %broadcast_in_dim3A_158 = vector.broadcast %broadcast_in_dim3A_157 : f32 to vector<16xf32>
    %swap3A_159 = arith.constant 288 : index
    %swap3A_160 = tpu.vector_load %arg7[%swap3A_159] {strides = array<i32>} : memref<640xf32, #tpu.memory_space<vmem>>, vector<16xf32>,
    %swap3A_161 = vector.shape_cast %swap3A_160 : vector<16xf32> to vector<16xf32>
    %swap3A_162 = vector.shape_cast %broadcast_in_dim3A_158 : vector<16xf32> to vector<16xf32>
    tpu.vector_store %arg7[%swap3A_159], %swap3A_162 {strides = array<i32>} : memref<640xf32, #tpu.memory_space<vmem>>, vector<16xf32>,
    %broadcast_in_dim3A_163 = arith.constant 0.000000e+00 : f32
    %broadcast_in_dim3A_164 = vector.broadcast %broadcast_in_dim3A_163 : f32 to vector<16xf32>
    %swap3A_165 = arith.constant 304 : index
    %swap3A_166 = tpu.vector_load %arg7[%swap3A_165] {strides = array<i32>} : memref<640xf32, #tpu.memory_space<vmem>>, vector<16xf32>,
    %swap3A_167 = vector.shape_cast %swap3A_166 : vector<16xf32> to vector<16xf32>
    %swap3A_168 = vector.shape_cast %broadcast_in_dim3A_164 : vector<16xf32> to vector<16xf32>
    tpu.vector_store %arg7[%swap3A_165], %swap3A_168 {strides = array<i32>} : memref<640xf32, #tpu.memory_space<vmem>>, vector<16xf32>,
    %broadcast_in_dim3A_169 = arith.constant 0.000000e+00 : f32
    %broadcast_in_dim3A_170 = vector.broadcast %broadcast_in_dim3A_169 : f32 to vector<16xf32>
    %swap3A_171 = arith.constant 320 : index
    %swap3A_172 = tpu.vector_load %arg7[%swap3A_171] {strides = array<i32>} : memref<640xf32, #tpu.memory_space<vmem>>, vector<16xf32>,
    %swap3A_173 = vector.shape_cast %swap3A_172 : vector<16xf32> to vector<16xf32>
    %swap3A_174 = vector.shape_cast %broadcast_in_dim3A_170 : vector<16xf32> to vector<16xf32>
    tpu.vector_store %arg7[%swap3A_171], %swap3A_174 {strides = array<i32>} : memref<640xf32, #tpu.memory_space<vmem>>, vector<16xf32>,
    %broadcast_in_dim3A_175 = arith.constant 0.000000e+00 : f32
    %broadcast_in_dim3A_176 = vector.broadcast %broadcast_in_dim3A_175 : f32 to vector<16xf32>
    %swap3A_177 = arith.constant 336 : index
    %swap3A_178 = tpu.vector_load %arg7[%swap3A_177] {strides = array<i32>} : memref<640xf32, #tpu.memory_space<vmem>>, vector<16xf32>,
    %swap3A_179 = vector.shape_cast %swap3A_178 : vector<16xf32> to vector<16xf32>
    %swap3A_180 = vector.shape_cast %broadcast_in_dim3A_176 : vector<16xf32> to vector<16xf32>
    tpu.vector_store %arg7[%swap3A_177], %swap3A_180 {strides = array<i32>} : memref<640xf32, #tpu.memory_space<vmem>>, vector<16xf32>,
    %broadcast_in_dim3A_181 = arith.constant 0.000000e+00 : f32
    %broadcast_in_dim3A_182 = vector.broadcast %broadcast_in_dim3A_181 : f32 to vector<16xf32>
    %swap3A_183 = arith.constant 352 : index
    %swap3A_184 = tpu.vector_load %arg7[%swap3A_183] {strides = array<i32>} : memref<640xf32, #tpu.memory_space<vmem>>, vector<16xf32>,
    %swap3A_185 = vector.shape_cast %swap3A_184 : vector<16xf32> to vector<16xf32>
    %swap3A_186 = vector.shape_cast %broadcast_in_dim3A_182 : vector<16xf32> to vector<16xf32>
    tpu.vector_store %arg7[%swap3A_183], %swap3A_186 {strides = array<i32>} : memref<640xf32, #tpu.memory_space<vmem>>, vector<16xf32>,
    %broadcast_in_dim3A_187 = arith.constant 0.000000e+00 : f32
    %broadcast_in_dim3A_188 = vector.broadcast %broadcast_in_dim3A_187 : f32 to vector<16xf32>
    %swap3A_189 = arith.constant 368 : index
    %swap3A_190 = tpu.vector_load %arg7[%swap3A_189] {strides = array<i32>} : memref<640xf32, #tpu.memory_space<vmem>>, vector<16xf32>,
    %swap3A_191 = vector.shape_cast %swap3A_190 : vector<16xf32> to vector<16xf32>
    %swap3A_192 = vector.shape_cast %broadcast_in_dim3A_188 : vector<16xf32> to vector<16xf32>
    tpu.vector_store %arg7[%swap3A_189], %swap3A_192 {strides = array<i32>} : memref<640xf32, #tpu.memory_space<vmem>>, vector<16xf32>,
    %broadcast_in_dim3A_193 = arith.constant 0.000000e+00 : f32
    %broadcast_in_dim3A_194 = vector.broadcast %broadcast_in_dim3A_193 : f32 to vector<16xf32>
    %swap3A_195 = arith.constant 384 : index
    %swap3A_196 = tpu.vector_load %arg7[%swap3A_195] {strides = array<i32>} : memref<640xf32, #tpu.memory_space<vmem>>, vector<16xf32>,
    %swap3A_197 = vector.shape_cast %swap3A_196 : vector<16xf32> to vector<16xf32>
    %swap3A_198 = vector.shape_cast %broadcast_in_dim3A_194 : vector<16xf32> to vector<16xf32>
    tpu.vector_store %arg7[%swap3A_195], %swap3A_198 {strides = array<i32>} : memref<640xf32, #tpu.memory_space<vmem>>, vector<16xf32>,
    %broadcast_in_dim3A_199 = arith.constant 0.000000e+00 : f32
    %broadcast_in_dim3A_200 = vector.broadcast %broadcast_in_dim3A_199 : f32 to vector<16xf32>
    %swap3A_201 = arith.constant 400 : index
    %swap3A_202 = tpu.vector_load %arg7[%swap3A_201] {strides = array<i32>} : memref<640xf32, #tpu.memory_space<vmem>>, vector<16xf32>,
    %swap3A_203 = vector.shape_cast %swap3A_202 : vector<16xf32> to vector<16xf32>
    %swap3A_204 = vector.shape_cast %broadcast_in_dim3A_200 : vector<16xf32> to vector<16xf32>
    tpu.vector_store %arg7[%swap3A_201], %swap3A_204 {strides = array<i32>} : memref<640xf32, #tpu.memory_space<vmem>>, vector<16xf32>,
    %broadcast_in_dim3A_205 = arith.constant 0.000000e+00 : f32
    %broadcast_in_dim3A_206 = vector.broadcast %broadcast_in_dim3A_205 : f32 to vector<16xf32>
    %swap3A_207 = arith.constant 416 : index
    %swap3A_208 = tpu.vector_load %arg7[%swap3A_207] {strides = array<i32>} : memref<640xf32, #tpu.memory_space<vmem>>, vector<16xf32>,
    %swap3A_209 = vector.shape_cast %swap3A_208 : vector<16xf32> to vector<16xf32>
    %swap3A_210 = vector.shape_cast %broadcast_in_dim3A_206 : vector<16xf32> to vector<16xf32>
    tpu.vector_store %arg7[%swap3A_207], %swap3A_210 {strides = array<i32>} : memref<640xf32, #tpu.memory_space<vmem>>, vector<16xf32>,
    %broadcast_in_dim3A_211 = arith.constant 0.000000e+00 : f32
    %broadcast_in_dim3A_212 = vector.broadcast %broadcast_in_dim3A_211 : f32 to vector<16xf32>
    %swap3A_213 = arith.constant 432 : index
    %swap3A_214 = tpu.vector_load %arg7[%swap3A_213] {strides = array<i32>} : memref<640xf32, #tpu.memory_space<vmem>>, vector<16xf32>,
    %swap3A_215 = vector.shape_cast %swap3A_214 : vector<16xf32> to vector<16xf32>
    %swap3A_216 = vector.shape_cast %broadcast_in_dim3A_212 : vector<16xf32> to vector<16xf32>
    tpu.vector_store %arg7[%swap3A_213], %swap3A_216 {strides = array<i32>} : memref<640xf32, #tpu.memory_space<vmem>>, vector<16xf32>,
    %broadcast_in_dim3A_217 = arith.constant 0.000000e+00 : f32
    %broadcast_in_dim3A_218 = vector.broadcast %broadcast_in_dim3A_217 : f32 to vector<16xf32>
    %swap3A_219 = arith.constant 448 : index
    %swap3A_220 = tpu.vector_load %arg7[%swap3A_219] {strides = array<i32>} : memref<640xf32, #tpu.memory_space<vmem>>, vector<16xf32>,
    %swap3A_221 = vector.shape_cast %swap3A_220 : vector<16xf32> to vector<16xf32>
    %swap3A_222 = vector.shape_cast %broadcast_in_dim3A_218 : vector<16xf32> to vector<16xf32>
    tpu.vector_store %arg7[%swap3A_219], %swap3A_222 {strides = array<i32>} : memref<640xf32, #tpu.memory_space<vmem>>, vector<16xf32>,
    %broadcast_in_dim3A_223 = arith.constant 0.000000e+00 : f32
    %broadcast_in_dim3A_224 = vector.broadcast %broadcast_in_dim3A_223 : f32 to vector<16xf32>
    %swap3A_225 = arith.constant 464 : index
    %swap3A_226 = tpu.vector_load %arg7[%swap3A_225] {strides = array<i32>} : memref<640xf32, #tpu.memory_space<vmem>>, vector<16xf32>,
    %swap3A_227 = vector.shape_cast %swap3A_226 : vector<16xf32> to vector<16xf32>
    %swap3A_228 = vector.shape_cast %broadcast_in_dim3A_224 : vector<16xf32> to vector<16xf32>
    tpu.vector_store %arg7[%swap3A_225], %swap3A_228 {strides = array<i32>} : memref<640xf32, #tpu.memory_space<vmem>>, vector<16xf32>,
    %broadcast_in_dim3A_229 = arith.constant 0.000000e+00 : f32
    %broadcast_in_dim3A_230 = vector.broadcast %broadcast_in_dim3A_229 : f32 to vector<16xf32>
    %swap3A_231 = arith.constant 480 : index
    %swap3A_232 = tpu.vector_load %arg7[%swap3A_231] {strides = array<i32>} : memref<640xf32, #tpu.memory_space<vmem>>, vector<16xf32>,
    %swap3A_233 = vector.shape_cast %swap3A_232 : vector<16xf32> to vector<16xf32>
    %swap3A_234 = vector.shape_cast %broadcast_in_dim3A_230 : vector<16xf32> to vector<16xf32>
    tpu.vector_store %arg7[%swap3A_231], %swap3A_234 {strides = array<i32>} : memref<640xf32, #tpu.memory_space<vmem>>, vector<16xf32>,
    %broadcast_in_dim3A_235 = arith.constant 0.000000e+00 : f32
    %broadcast_in_dim3A_236 = vector.broadcast %broadcast_in_dim3A_235 : f32 to vector<16xf32>
    %swap3A_237 = arith.constant 496 : index
    %swap3A_238 = tpu.vector_load %arg7[%swap3A_237] {strides = array<i32>} : memref<640xf32, #tpu.memory_space<vmem>>, vector<16xf32>,
    %swap3A_239 = vector.shape_cast %swap3A_238 : vector<16xf32> to vector<16xf32>
    %swap3A_240 = vector.shape_cast %broadcast_in_dim3A_236 : vector<16xf32> to vector<16xf32>
    tpu.vector_store %arg7[%swap3A_237], %swap3A_240 {strides = array<i32>} : memref<640xf32, #tpu.memory_space<vmem>>, vector<16xf32>,
    %broadcast_in_dim3A_241 = arith.constant 0.000000e+00 : f32
    %broadcast_in_dim3A_242 = vector.broadcast %broadcast_in_dim3A_241 : f32 to vector<16xf32>
    %swap3A_243 = arith.constant 512 : index
    %swap3A_244 = tpu.vector_load %arg7[%swap3A_243] {strides = array<i32>} : memref<640xf32, #tpu.memory_space<vmem>>, vector<16xf32>,
    %swap3A_245 = vector.shape_cast %swap3A_244 : vector<16xf32> to vector<16xf32>
    %swap3A_246 = vector.shape_cast %broadcast_in_dim3A_242 : vector<16xf32> to vector<16xf32>
    tpu.vector_store %arg7[%swap3A_243], %swap3A_246 {strides = array<i32>} : memref<640xf32, #tpu.memory_space<vmem>>, vector<16xf32>,
    %broadcast_in_dim3A_247 = arith.constant 0.000000e+00 : f32
    %broadcast_in_dim3A_248 = vector.broadcast %broadcast_in_dim3A_247 : f32 to vector<16xf32>
    %swap3A_249 = arith.constant 528 : index
    %swap3A_250 = tpu.vector_load %arg7[%swap3A_249] {strides = array<i32>} : memref<640xf32, #tpu.memory_space<vmem>>, vector<16xf32>,
    %swap3A_251 = vector.shape_cast %swap3A_250 : vector<16xf32> to vector<16xf32>
    %swap3A_252 = vector.shape_cast %broadcast_in_dim3A_248 : vector<16xf32> to vector<16xf32>
    tpu.vector_store %arg7[%swap3A_249], %swap3A_252 {strides = array<i32>} : memref<640xf32, #tpu.memory_space<vmem>>, vector<16xf32>,
    %broadcast_in_dim3A_253 = arith.constant 0.000000e+00 : f32
    %broadcast_in_dim3A_254 = vector.broadcast %broadcast_in_dim3A_253 : f32 to vector<16xf32>
    %swap3A_255 = arith.constant 544 : index
    %swap3A_256 = tpu.vector_load %arg7[%swap3A_255] {strides = array<i32>} : memref<640xf32, #tpu.memory_space<vmem>>, vector<16xf32>,
    %swap3A_257 = vector.shape_cast %swap3A_256 : vector<16xf32> to vector<16xf32>
    %swap3A_258 = vector.shape_cast %broadcast_in_dim3A_254 : vector<16xf32> to vector<16xf32>
    tpu.vector_store %arg7[%swap3A_255], %swap3A_258 {strides = array<i32>} : memref<640xf32, #tpu.memory_space<vmem>>, vector<16xf32>,
    %broadcast_in_dim3A_259 = arith.constant 0.000000e+00 : f32
    %broadcast_in_dim3A_260 = vector.broadcast %broadcast_in_dim3A_259 : f32 to vector<16xf32>
    %swap3A_261 = arith.constant 560 : index
    %swap3A_262 = tpu.vector_load %arg7[%swap3A_261] {strides = array<i32>} : memref<640xf32, #tpu.memory_space<vmem>>, vector<16xf32>,
    %swap3A_263 = vector.shape_cast %swap3A_262 : vector<16xf32> to vector<16xf32>
    %swap3A_264 = vector.shape_cast %broadcast_in_dim3A_260 : vector<16xf32> to vector<16xf32>
    tpu.vector_store %arg7[%swap3A_261], %swap3A_264 {strides = array<i32>} : memref<640xf32, #tpu.memory_space<vmem>>, vector<16xf32>,
    %broadcast_in_dim3A_265 = arith.constant 0.000000e+00 : f32
    %broadcast_in_dim3A_266 = vector.broadcast %broadcast_in_dim3A_265 : f32 to vector<16xf32>
    %swap3A_267 = arith.constant 576 : index
    %swap3A_268 = tpu.vector_load %arg7[%swap3A_267] {strides = array<i32>} : memref<640xf32, #tpu.memory_space<vmem>>, vector<16xf32>,
    %swap3A_269 = vector.shape_cast %swap3A_268 : vector<16xf32> to vector<16xf32>
    %swap3A_270 = vector.shape_cast %broadcast_in_dim3A_266 : vector<16xf32> to vector<16xf32>
    tpu.vector_store %arg7[%swap3A_267], %swap3A_270 {strides = array<i32>} : memref<640xf32, #tpu.memory_space<vmem>>, vector<16xf32>,
    %broadcast_in_dim3A_271 = arith.constant 0.000000e+00 : f32
    %broadcast_in_dim3A_272 = vector.broadcast %broadcast_in_dim3A_271 : f32 to vector<16xf32>
    %swap3A_273 = arith.constant 592 : index
    %swap3A_274 = tpu.vector_load %arg7[%swap3A_273] {strides = array<i32>} : memref<640xf32, #tpu.memory_space<vmem>>, vector<16xf32>,
    %swap3A_275 = vector.shape_cast %swap3A_274 : vector<16xf32> to vector<16xf32>
    %swap3A_276 = vector.shape_cast %broadcast_in_dim3A_272 : vector<16xf32> to vector<16xf32>
    tpu.vector_store %arg7[%swap3A_273], %swap3A_276 {strides = array<i32>} : memref<640xf32, #tpu.memory_space<vmem>>, vector<16xf32>,
    %broadcast_in_dim3A_277 = arith.constant 0.000000e+00 : f32
    %broadcast_in_dim3A_278 = vector.broadcast %broadcast_in_dim3A_277 : f32 to vector<16xf32>
    %swap3A_279 = arith.constant 608 : index
    %swap3A_280 = tpu.vector_load %arg7[%swap3A_279] {strides = array<i32>} : memref<640xf32, #tpu.memory_space<vmem>>, vector<16xf32>,
    %swap3A_281 = vector.shape_cast %swap3A_280 : vector<16xf32> to vector<16xf32>
    %swap3A_282 = vector.shape_cast %broadcast_in_dim3A_278 : vector<16xf32> to vector<16xf32>
    tpu.vector_store %arg7[%swap3A_279], %swap3A_282 {strides = array<i32>} : memref<640xf32, #tpu.memory_space<vmem>>, vector<16xf32>,
    %broadcast_in_dim3A_283 = arith.constant 0.000000e+00 : f32
    %broadcast_in_dim3A_284 = vector.broadcast %broadcast_in_dim3A_283 : f32 to vector<16xf32>
    %swap3A_285 = arith.constant 624 : index
    %swap3A_286 = tpu.vector_load %arg7[%swap3A_285] {strides = array<i32>} : memref<640xf32, #tpu.memory_space<vmem>>, vector<16xf32>,
    %swap3A_287 = vector.shape_cast %swap3A_286 : vector<16xf32> to vector<16xf32>
    %swap3A_288 = vector.shape_cast %broadcast_in_dim3A_284 : vector<16xf32> to vector<16xf32>
    tpu.vector_store %arg7[%swap3A_285], %swap3A_288 {strides = array<i32>} : memref<640xf32, #tpu.memory_space<vmem>>, vector<16xf32>,
    "tpu.region"() ({
      %run_scoped3A = tpu.sem_alloc : memref<!tpu.dma_semaphore, #tpu.memory_space<semaphore_mem>>
      %dma_start3A = arith.constant 0 : i32
      %dma_start3A_303 = tpu.memref_slice %arg7[%dma_start3A] : memref<640xf32, #tpu.memory_space<vmem>> -> memref<640xf32, #tpu.memory_space<vmem>>
      %dma_start3A_304 = tpu.memref_slice %arg8[%mul3A_2] : memref<10240xf32, #tpu.memory_space<vmem_shared>> -> memref<640xf32, #tpu.memory_space<vmem_shared>>
      %dma_start3A_305 = tpu.memref_slice %arg8[%mul3A_2] : memref<10240xf32, #tpu.memory_space<vmem_shared>> -> memref<640xf32, #tpu.memory_space<vmem_shared>>
      %dma_start3A_306 = arith.constant 0 : i32
      %dma_start3A_307 = tpu.memref_slice %arg7[%dma_start3A_306] : memref<640xf32, #tpu.memory_space<vmem>> -> memref<640xf32, #tpu.memory_space<vmem>>
      tpu.enqueue_dma source(%dma_start3A_307 : memref<640xf32, #tpu.memory_space<vmem>>) target(%dma_start3A_305 : memref<640xf32, #tpu.memory_space<vmem_shared>>) target_semaphore(%run_scoped3A : memref<!tpu.dma_semaphore, #tpu.memory_space<semaphore_mem>>)
      %dma_wait3A = arith.constant 0 : i32
      %dma_wait3A_308 = tpu.memref_slice %arg7[%dma_wait3A] : memref<640xf32, #tpu.memory_space<vmem>> -> memref<640xf32, #tpu.memory_space<vmem>>
      %dma_wait3A_309 = tpu.memref_slice %arg8[%mul3A_2] : memref<10240xf32, #tpu.memory_space<vmem_shared>> -> memref<640xf32, #tpu.memory_space<vmem_shared>>
      %dma_wait3A_310 = tpu.memref_slice %arg8[%mul3A_2] : memref<10240xf32, #tpu.memory_space<vmem_shared>> -> memref<640xf32, #tpu.memory_space<vmem_shared>>
      %dma_wait3A_311 = arith.constant 0 : i32
      %dma_wait3A_312 = tpu.memref_slice %arg7[%dma_wait3A_311] : memref<640xf32, #tpu.memory_space<vmem>> -> memref<640xf32, #tpu.memory_space<vmem>>
      tpu.wait_dma2 semaphore(%run_scoped3A : memref<!tpu.dma_semaphore, #tpu.memory_space<semaphore_mem>>) src(%dma_wait3A_312 : memref<640xf32, #tpu.memory_space<vmem>>) dst(%dma_wait3A_310 : memref<640xf32, #tpu.memory_space<vmem_shared>>)
      tpu.yield
    }) : () -> ()
    "tpu.region"() ({
      %run_scoped3A = tpu.sem_alloc : memref<!tpu.dma_semaphore, #tpu.memory_space<semaphore_mem>>
      %dma_start3A = arith.constant 0 : i32
      %dma_start3A_303 = arith.constant 0 : i32
      %dma_start3A_304 = tpu.memref_slice %arg2[%add3A, %dma_start3A, %dma_start3A_303] : memref<32x80x128xi32, #tpu.memory_space<hbm>> -> memref<1x80x128xi32, #tpu.memory_space<hbm>>
      %dma_start3A_305 = tpu.memref_squeeze %dma_start3A_304 : memref<1x80x128xi32, #tpu.memory_space<hbm>> -> memref<80x128xi32, #tpu.memory_space<hbm>>
      %dma_start3A_306 = arith.constant 0 : i32
      %dma_start3A_307 = arith.constant 0 : i32
      %dma_start3A_308 = tpu.memref_slice %arg2[%add3A, %dma_start3A_306, %dma_start3A_307] : memref<32x80x128xi32, #tpu.memory_space<hbm>> -> memref<1x80x128xi32, #tpu.memory_space<hbm>>
      %dma_start3A_309 = tpu.memref_squeeze %dma_start3A_308 : memref<1x80x128xi32, #tpu.memory_space<hbm>> -> memref<80x128xi32, #tpu.memory_space<hbm>>
      tpu.enqueue_dma source(%dma_start3A_309 : memref<80x128xi32, #tpu.memory_space<hbm>>) target(%arg5 : memref<80x128xi32, #tpu.memory_space<vmem>>) target_semaphore(%run_scoped3A : memref<!tpu.dma_semaphore, #tpu.memory_space<semaphore_mem>>)
      %dma_wait3A = arith.constant 0 : i32
      %dma_wait3A_310 = arith.constant 0 : i32
      %dma_wait3A_311 = tpu.memref_slice %arg2[%add3A, %dma_wait3A, %dma_wait3A_310] : memref<32x80x128xi32, #tpu.memory_space<hbm>> -> memref<1x80x128xi32, #tpu.memory_space<hbm>>
      %dma_wait3A_312 = tpu.memref_squeeze %dma_wait3A_311 : memref<1x80x128xi32, #tpu.memory_space<hbm>> -> memref<80x128xi32, #tpu.memory_space<hbm>>
      %dma_wait3A_313 = arith.constant 0 : i32
      %dma_wait3A_314 = arith.constant 0 : i32
      %dma_wait3A_315 = tpu.memref_slice %arg2[%add3A, %dma_wait3A_313, %dma_wait3A_314] : memref<32x80x128xi32, #tpu.memory_space<hbm>> -> memref<1x80x128xi32, #tpu.memory_space<hbm>>
      %dma_wait3A_316 = tpu.memref_squeeze %dma_wait3A_315 : memref<1x80x128xi32, #tpu.memory_space<hbm>> -> memref<80x128xi32, #tpu.memory_space<hbm>>
      tpu.wait_dma2 semaphore(%run_scoped3A : memref<!tpu.dma_semaphore, #tpu.memory_space<semaphore_mem>>) src(%dma_wait3A_316 : memref<80x128xi32, #tpu.memory_space<hbm>>) dst(%arg5 : memref<80x128xi32, #tpu.memory_space<vmem>>)
      tpu.yield
    }) : () -> ()
    %barrier3A = arith.constant 0 : index
    tpu.barrier barrier_id(%barrier3A)
    %scan3A = arith.constant 0 : i32
    %scan3A_289 = arith.constant 0 : i32
    %scan3A_290 = arith.constant 80 : i32
    %scan3A_291 = arith.addi %scan3A_289, %scan3A_290 : i32
    %scan3A_292 = arith.constant 1 : i32
    %scan3A_293 = scf.for %scan3A_303 = %scan3A_289 to %scan3A_291 step %scan3A_292 iter_args(%scan3A_304 = %scan3A) -> (i32)  : i32 {
      "tpu.region"() ({
        %run_scoped3A = tpu.sem_alloc : memref<!tpu.dma_semaphore, #tpu.memory_space<semaphore_mem>>
        %dma_start3A = arith.constant 0 : i32
        %dma_start3A_306 = tpu.memref_slice %arg5[%scan3A_303, %dma_start3A] : memref<80x128xi32, #tpu.memory_space<vmem>> -> memref<1x128xi32, #tpu.memory_space<vmem>>
        %dma_start3A_307 = tpu.memref_squeeze %dma_start3A_306 : memref<1x128xi32, #tpu.memory_space<vmem>> -> memref<128xi32, #tpu.memory_space<vmem>>
        %dma_start3A_308 = arith.constant 0 : i32
        %dma_start3A_309 = tpu.memref_slice %arg8[%dma_start3A_308] : memref<10240xf32, #tpu.memory_space<vmem_shared>> -> memref<10240xf32, #tpu.memory_space<vmem_shared>>
        tpu.enqueue_indirect_dma source(%arg6 : memref<128xf32, #tpu.memory_space<vmem>>) target(%dma_start3A_309 : memref<10240xf32, #tpu.memory_space<vmem_shared>>) offsets(%dma_start3A_307 : memref<128xi32, #tpu.memory_space<vmem>>) semaphore(%run_scoped3A : memref<!tpu.dma_semaphore, #tpu.memory_space<semaphore_mem>>) {add = true}
        %dma_wait3A = arith.constant 0 : i32
        %dma_wait3A_310 = tpu.memref_slice %arg5[%scan3A_303, %dma_wait3A] : memref<80x128xi32, #tpu.memory_space<vmem>> -> memref<1x128xi32, #tpu.memory_space<vmem>>
        %dma_wait3A_311 = tpu.memref_squeeze %dma_wait3A_310 : memref<1x128xi32, #tpu.memory_space<vmem>> -> memref<128xi32, #tpu.memory_space<vmem>>
        %dma_wait3A_312 = arith.constant 0 : i32
        %dma_wait3A_313 = tpu.memref_slice %arg8[%dma_wait3A_312] : memref<10240xf32, #tpu.memory_space<vmem_shared>> -> memref<10240xf32, #tpu.memory_space<vmem_shared>>
        tpu.wait_indirect_dma semaphore(%run_scoped3A : memref<!tpu.dma_semaphore, #tpu.memory_space<semaphore_mem>>) src(%arg6 : memref<128xf32, #tpu.memory_space<vmem>>) dst(%dma_wait3A_313 : memref<10240xf32, #tpu.memory_space<vmem_shared>>)
        tpu.yield
      }) : () -> ()
      %scan3A_305 = arith.constant 0 : i32
      scf.yield %scan3A_305 : i32
    }
    %scan3A_294 = arith.constant 80 : i32
    %barrier3A_295 = arith.constant 0 : index
    tpu.barrier barrier_id(%barrier3A_295)
    %eq3A = arith.constant 0 : i32
    %eq3A_296 = arith.cmpi eq, %arg0, %eq3A : i32
    %convert_element_type3A = arith.extui %eq3A_296 : i1 to i32
    %cond3A = arith.constant 0 : i32
    %cond3A_297 = arith.cmpi ne, %convert_element_type3A, %cond3A : i32
    scf.if %cond3A_297 {
      "tpu.region"() ({
        %run_scoped3A = tpu.sem_alloc : memref<!tpu.dma_semaphore, #tpu.memory_space<semaphore_mem>>
        %dma_start3A = tpu.memref_slice %arg3[%mul3A_2] : memref<10240xf32, #tpu.memory_space<hbm>> -> memref<640xf32, #tpu.memory_space<hbm>>
        %dma_start3A_303 = tpu.memref_slice %arg8[%mul3A_2] : memref<10240xf32, #tpu.memory_space<vmem_shared>> -> memref<640xf32, #tpu.memory_space<vmem_shared>>
        tpu.enqueue_dma source(%dma_start3A_303 : memref<640xf32, #tpu.memory_space<vmem_shared>>) target(%dma_start3A : memref<640xf32, #tpu.memory_space<hbm>>) target_semaphore(%run_scoped3A : memref<!tpu.dma_semaphore, #tpu.memory_space<semaphore_mem>>)
        %dma_wait3A = tpu.memref_slice %arg3[%mul3A_2] : memref<10240xf32, #tpu.memory_space<hbm>> -> memref<640xf32, #tpu.memory_space<hbm>>
        %dma_wait3A_304 = tpu.memref_slice %arg8[%mul3A_2] : memref<10240xf32, #tpu.memory_space<vmem_shared>> -> memref<640xf32, #tpu.memory_space<vmem_shared>>
        tpu.wait_dma2 semaphore(%run_scoped3A : memref<!tpu.dma_semaphore, #tpu.memory_space<semaphore_mem>>) src(%dma_wait3A_304 : memref<640xf32, #tpu.memory_space<vmem_shared>>) dst(%dma_wait3A : memref<640xf32, #tpu.memory_space<hbm>>)
        tpu.yield
      }) : () -> ()
    } else {
    }
    %eq3A_298 = arith.constant 1 : i32
    %eq3A_299 = arith.cmpi eq, %arg0, %eq3A_298 : i32
    %convert_element_type3A_300 = arith.extui %eq3A_299 : i1 to i32
    %cond3A_301 = arith.constant 0 : i32
    %cond3A_302 = arith.cmpi ne, %convert_element_type3A_300, %cond3A_301 : i32
    scf.if %cond3A_302 {
      "tpu.region"() ({
        %run_scoped3A = tpu.sem_alloc : memref<!tpu.dma_semaphore, #tpu.memory_space<semaphore_mem>>
        %dma_start3A = tpu.memref_slice %arg4[%mul3A_2] : memref<10240xf32, #tpu.memory_space<hbm>> -> memref<640xf32, #tpu.memory_space<hbm>>
        %dma_start3A_303 = tpu.memref_slice %arg8[%mul3A_2] : memref<10240xf32, #tpu.memory_space<vmem_shared>> -> memref<640xf32, #tpu.memory_space<vmem_shared>>
        tpu.enqueue_dma source(%dma_start3A_303 : memref<640xf32, #tpu.memory_space<vmem_shared>>) target(%dma_start3A : memref<640xf32, #tpu.memory_space<hbm>>) target_semaphore(%run_scoped3A : memref<!tpu.dma_semaphore, #tpu.memory_space<semaphore_mem>>)
        %dma_wait3A = tpu.memref_slice %arg4[%mul3A_2] : memref<10240xf32, #tpu.memory_space<hbm>> -> memref<640xf32, #tpu.memory_space<hbm>>
        %dma_wait3A_304 = tpu.memref_slice %arg8[%mul3A_2] : memref<10240xf32, #tpu.memory_space<vmem_shared>> -> memref<640xf32, #tpu.memory_space<vmem_shared>>
        tpu.wait_dma2 semaphore(%run_scoped3A : memref<!tpu.dma_semaphore, #tpu.memory_space<semaphore_mem>>) src(%dma_wait3A_304 : memref<640xf32, #tpu.memory_space<vmem_shared>>) dst(%dma_wait3A : memref<640xf32, #tpu.memory_space<hbm>>)
        tpu.yield
      }) : () -> ()
    } else {
    }
    return
  }
}

#map = affine_map<(d0, d1) -> (0, 0)>
#map1 = affine_map<(d0, d1) -> (0, 0, 0)>
module attributes {stable_mosaic.version = 14 : i64} {
  func.func @_segsum_body(%arg0: i32, %arg1: i32, %arg2: memref<20480x64xf32, #tpu.memory_space<hbm>>, %arg3: memref<16x160x128xi32, #tpu.memory_space<hbm>>, %arg4: memref<16x160x128xi32, #tpu.memory_space<hbm>>, %arg5: memref<10240x64xf32, #tpu.memory_space<hbm>>, %arg6: memref<10240x64xf32, #tpu.memory_space<hbm>>, %arg7: memref<10240x64xf32, #tpu.memory_space<hbm>>, %arg8: memref<160x128xi32, #tpu.memory_space<vmem>>, %arg9: memref<160x128xi32, #tpu.memory_space<vmem>>, %arg10: memref<128x64xf32, #tpu.memory_space<vmem>>, %arg11: memref<128x64xf32, #tpu.memory_space<vmem>>, %arg12: memref<128x64xf32, #tpu.memory_space<vmem>>, %arg13: memref<128x64xf32, #tpu.memory_space<vmem>>, %arg14: memref<!tpu.dma_semaphore, #tpu.memory_space<semaphore_mem>>, %arg15: memref<!tpu.dma_semaphore, #tpu.memory_space<semaphore_mem>>, %arg16: memref<!tpu.dma_semaphore, #tpu.memory_space<semaphore_mem>>, %arg17: memref<!tpu.dma_semaphore, #tpu.memory_space<semaphore_mem>>, %arg18: memref<10240x64xf32, #tpu.memory_space<vmem_shared>>) attributes {dimension_semantics = [#tpu.dimension_semantics<core_parallel>, #tpu.dimension_semantics<subcore_parallel>], iteration_bounds = array<i64: 2, 16>, scalar_prefetch = 0 : i64, scratch_operands = 11 : i64, tpu.core_type = #tpu.core_type<sc_vector_subcore>, window_params = [{transform_indices = #map}, {transform_indices = #map1}, {transform_indices = #map1}, {transform_indices = #map}, {transform_indices = #map}, {transform_indices = #map}]} {
    %mul3A = arith.constant 640 : i32
    %mul3A_0 = arith.muli %arg1, %mul3A : i32
    "tpu.region"() ({
      %run_scoped3A_79 = tpu.sem_alloc : memref<!tpu.dma_semaphore, #tpu.memory_space<semaphore_mem>>
      %dma_start3A_80 = arith.constant 0 : i32
      %dma_start3A_81 = arith.constant 0 : i32
      %dma_start3A_82 = tpu.memref_slice %arg3[%arg1, %dma_start3A_80, %dma_start3A_81] : memref<16x160x128xi32, #tpu.memory_space<hbm>> -> memref<1x160x128xi32, #tpu.memory_space<hbm>>
      %dma_start3A_83 = tpu.memref_squeeze %dma_start3A_82 : memref<1x160x128xi32, #tpu.memory_space<hbm>> -> memref<160x128xi32, #tpu.memory_space<hbm>>
      %dma_start3A_84 = arith.constant 0 : i32
      %dma_start3A_85 = arith.constant 0 : i32
      %dma_start3A_86 = tpu.memref_slice %arg3[%arg1, %dma_start3A_84, %dma_start3A_85] : memref<16x160x128xi32, #tpu.memory_space<hbm>> -> memref<1x160x128xi32, #tpu.memory_space<hbm>>
      %dma_start3A_87 = tpu.memref_squeeze %dma_start3A_86 : memref<1x160x128xi32, #tpu.memory_space<hbm>> -> memref<160x128xi32, #tpu.memory_space<hbm>>
      tpu.enqueue_dma source(%dma_start3A_87 : memref<160x128xi32, #tpu.memory_space<hbm>>) target(%arg8 : memref<160x128xi32, #tpu.memory_space<vmem>>) target_semaphore(%run_scoped3A_79 : memref<!tpu.dma_semaphore, #tpu.memory_space<semaphore_mem>>)
      %dma_wait3A_88 = arith.constant 0 : i32
      %dma_wait3A_89 = arith.constant 0 : i32
      %dma_wait3A_90 = tpu.memref_slice %arg3[%arg1, %dma_wait3A_88, %dma_wait3A_89] : memref<16x160x128xi32, #tpu.memory_space<hbm>> -> memref<1x160x128xi32, #tpu.memory_space<hbm>>
      %dma_wait3A_91 = tpu.memref_squeeze %dma_wait3A_90 : memref<1x160x128xi32, #tpu.memory_space<hbm>> -> memref<160x128xi32, #tpu.memory_space<hbm>>
      %dma_wait3A_92 = arith.constant 0 : i32
      %dma_wait3A_93 = arith.constant 0 : i32
      %dma_wait3A_94 = tpu.memref_slice %arg3[%arg1, %dma_wait3A_92, %dma_wait3A_93] : memref<16x160x128xi32, #tpu.memory_space<hbm>> -> memref<1x160x128xi32, #tpu.memory_space<hbm>>
      %dma_wait3A_95 = tpu.memref_squeeze %dma_wait3A_94 : memref<1x160x128xi32, #tpu.memory_space<hbm>> -> memref<160x128xi32, #tpu.memory_space<hbm>>
      tpu.wait_dma2 semaphore(%run_scoped3A_79 : memref<!tpu.dma_semaphore, #tpu.memory_space<semaphore_mem>>) src(%dma_wait3A_95 : memref<160x128xi32, #tpu.memory_space<hbm>>) dst(%arg8 : memref<160x128xi32, #tpu.memory_space<vmem>>)
      tpu.yield
    }) : () -> ()
    "tpu.region"() ({
      %run_scoped3A_79 = tpu.sem_alloc : memref<!tpu.dma_semaphore, #tpu.memory_space<semaphore_mem>>
      %dma_start3A_80 = arith.constant 0 : i32
      %dma_start3A_81 = arith.constant 0 : i32
      %dma_start3A_82 = tpu.memref_slice %arg4[%arg1, %dma_start3A_80, %dma_start3A_81] : memref<16x160x128xi32, #tpu.memory_space<hbm>> -> memref<1x160x128xi32, #tpu.memory_space<hbm>>
      %dma_start3A_83 = tpu.memref_squeeze %dma_start3A_82 : memref<1x160x128xi32, #tpu.memory_space<hbm>> -> memref<160x128xi32, #tpu.memory_space<hbm>>
      %dma_start3A_84 = arith.constant 0 : i32
      %dma_start3A_85 = arith.constant 0 : i32
      %dma_start3A_86 = tpu.memref_slice %arg4[%arg1, %dma_start3A_84, %dma_start3A_85] : memref<16x160x128xi32, #tpu.memory_space<hbm>> -> memref<1x160x128xi32, #tpu.memory_space<hbm>>
      %dma_start3A_87 = tpu.memref_squeeze %dma_start3A_86 : memref<1x160x128xi32, #tpu.memory_space<hbm>> -> memref<160x128xi32, #tpu.memory_space<hbm>>
      tpu.enqueue_dma source(%dma_start3A_87 : memref<160x128xi32, #tpu.memory_space<hbm>>) target(%arg9 : memref<160x128xi32, #tpu.memory_space<vmem>>) target_semaphore(%run_scoped3A_79 : memref<!tpu.dma_semaphore, #tpu.memory_space<semaphore_mem>>)
      %dma_wait3A_88 = arith.constant 0 : i32
      %dma_wait3A_89 = arith.constant 0 : i32
      %dma_wait3A_90 = tpu.memref_slice %arg4[%arg1, %dma_wait3A_88, %dma_wait3A_89] : memref<16x160x128xi32, #tpu.memory_space<hbm>> -> memref<1x160x128xi32, #tpu.memory_space<hbm>>
      %dma_wait3A_91 = tpu.memref_squeeze %dma_wait3A_90 : memref<1x160x128xi32, #tpu.memory_space<hbm>> -> memref<160x128xi32, #tpu.memory_space<hbm>>
      %dma_wait3A_92 = arith.constant 0 : i32
      %dma_wait3A_93 = arith.constant 0 : i32
      %dma_wait3A_94 = tpu.memref_slice %arg4[%arg1, %dma_wait3A_92, %dma_wait3A_93] : memref<16x160x128xi32, #tpu.memory_space<hbm>> -> memref<1x160x128xi32, #tpu.memory_space<hbm>>
      %dma_wait3A_95 = tpu.memref_squeeze %dma_wait3A_94 : memref<1x160x128xi32, #tpu.memory_space<hbm>> -> memref<160x128xi32, #tpu.memory_space<hbm>>
      tpu.wait_dma2 semaphore(%run_scoped3A_79 : memref<!tpu.dma_semaphore, #tpu.memory_space<semaphore_mem>>) src(%dma_wait3A_95 : memref<160x128xi32, #tpu.memory_space<hbm>>) dst(%arg9 : memref<160x128xi32, #tpu.memory_space<vmem>>)
      tpu.yield
    }) : () -> ()
    "tpu.region"() ({
      %run_scoped3A_79 = tpu.sem_alloc : memref<!tpu.dma_semaphore, #tpu.memory_space<semaphore_mem>>
      %dma_start3A_80 = arith.constant 0 : i32
      %dma_start3A_81 = tpu.memref_slice %arg18[%mul3A_0, %dma_start3A_80] : memref<10240x64xf32, #tpu.memory_space<vmem_shared>> -> memref<640x64xf32, #tpu.memory_space<vmem_shared>>
      %dma_start3A_82 = arith.constant 0 : i32
      %dma_start3A_83 = tpu.memref_slice %arg5[%mul3A_0, %dma_start3A_82] : memref<10240x64xf32, #tpu.memory_space<hbm>> -> memref<640x64xf32, #tpu.memory_space<hbm>>
      tpu.enqueue_dma source(%dma_start3A_83 : memref<640x64xf32, #tpu.memory_space<hbm>>) target(%dma_start3A_81 : memref<640x64xf32, #tpu.memory_space<vmem_shared>>) target_semaphore(%run_scoped3A_79 : memref<!tpu.dma_semaphore, #tpu.memory_space<semaphore_mem>>)
      %dma_wait3A_84 = arith.constant 0 : i32
      %dma_wait3A_85 = tpu.memref_slice %arg18[%mul3A_0, %dma_wait3A_84] : memref<10240x64xf32, #tpu.memory_space<vmem_shared>> -> memref<640x64xf32, #tpu.memory_space<vmem_shared>>
      %dma_wait3A_86 = arith.constant 0 : i32
      %dma_wait3A_87 = tpu.memref_slice %arg5[%mul3A_0, %dma_wait3A_86] : memref<10240x64xf32, #tpu.memory_space<hbm>> -> memref<640x64xf32, #tpu.memory_space<hbm>>
      tpu.wait_dma2 semaphore(%run_scoped3A_79 : memref<!tpu.dma_semaphore, #tpu.memory_space<semaphore_mem>>) src(%dma_wait3A_87 : memref<640x64xf32, #tpu.memory_space<hbm>>) dst(%dma_wait3A_85 : memref<640x64xf32, #tpu.memory_space<vmem_shared>>)
      tpu.yield
    }) : () -> ()
    %scan3A = arith.constant 0 : i32
    %scan3A_1 = arith.constant 0 : i32
    %scan3A_2 = arith.constant 160 : i32
    %scan3A_3 = arith.addi %scan3A_1, %scan3A_2 : i32
    %scan3A_4 = arith.constant 1 : i32
    %scan3A_5 = scf.for %scan3A_79 = %scan3A_1 to %scan3A_3 step %scan3A_4 iter_args(%scan3A_80 = %scan3A) -> (i32)  : i32 {
      %get3A = arith.index_cast %scan3A_79 : i32 to index
      %get3A_81 = arith.constant 0 : index
      %get3A_82 = tpu.vector_load %arg8[%get3A, %get3A_81] {strides = array<i32>} : memref<160x128xi32, #tpu.memory_space<vmem>>, vector<1x16xi32>,
      %get3A_83 = vector.shape_cast %get3A_82 : vector<1x16xi32> to vector<16xi32>
      %mul3A_84 = arith.constant 2 : i32
      %mul3A_85 = vector.broadcast %mul3A_84 : i32 to vector<16xi32>
      %mul3A_86 = arith.muli %mul3A_85, %get3A_83 : vector<16xi32>
      %add3A = vector.broadcast %arg0 : i32 to vector<16xi32>
      %add3A_87 = arith.addi %mul3A_86, %add3A : vector<16xi32>
      %swap3A = arith.index_cast %scan3A_79 : i32 to index
      %swap3A_88 = arith.constant 0 : index
      %swap3A_89 = tpu.vector_load %arg8[%swap3A, %swap3A_88] {strides = array<i32>} : memref<160x128xi32, #tpu.memory_space<vmem>>, vector<1x16xi32>,
      %swap3A_90 = vector.shape_cast %swap3A_89 : vector<1x16xi32> to vector<16xi32>
      %swap3A_91 = vector.shape_cast %add3A_87 : vector<16xi32> to vector<1x16xi32>
      tpu.vector_store %arg8[%swap3A, %swap3A_88], %swap3A_91 {strides = array<i32>} : memref<160x128xi32, #tpu.memory_space<vmem>>, vector<1x16xi32>,
      %get3A_92 = arith.index_cast %scan3A_79 : i32 to index
      %get3A_93 = arith.constant 16 : index
      %get3A_94 = tpu.vector_load %arg8[%get3A_92, %get3A_93] {strides = array<i32>} : memref<160x128xi32, #tpu.memory_space<vmem>>, vector<1x16xi32>,
      %get3A_95 = vector.shape_cast %get3A_94 : vector<1x16xi32> to vector<16xi32>
      %mul3A_96 = arith.constant 2 : i32
      %mul3A_97 = vector.broadcast %mul3A_96 : i32 to vector<16xi32>
      %mul3A_98 = arith.muli %mul3A_97, %get3A_95 : vector<16xi32>
      %add3A_99 = vector.broadcast %arg0 : i32 to vector<16xi32>
      %add3A_100 = arith.addi %mul3A_98, %add3A_99 : vector<16xi32>
      %swap3A_101 = arith.index_cast %scan3A_79 : i32 to index
      %swap3A_102 = arith.constant 16 : index
      %swap3A_103 = tpu.vector_load %arg8[%swap3A_101, %swap3A_102] {strides = array<i32>} : memref<160x128xi32, #tpu.memory_space<vmem>>, vector<1x16xi32>,
      %swap3A_104 = vector.shape_cast %swap3A_103 : vector<1x16xi32> to vector<16xi32>
      %swap3A_105 = vector.shape_cast %add3A_100 : vector<16xi32> to vector<1x16xi32>
      tpu.vector_store %arg8[%swap3A_101, %swap3A_102], %swap3A_105 {strides = array<i32>} : memref<160x128xi32, #tpu.memory_space<vmem>>, vector<1x16xi32>,
      %get3A_106 = arith.index_cast %scan3A_79 : i32 to index
      %get3A_107 = arith.constant 32 : index
      %get3A_108 = tpu.vector_load %arg8[%get3A_106, %get3A_107] {strides = array<i32>} : memref<160x128xi32, #tpu.memory_space<vmem>>, vector<1x16xi32>,
      %get3A_109 = vector.shape_cast %get3A_108 : vector<1x16xi32> to vector<16xi32>
      %mul3A_110 = arith.constant 2 : i32
      %mul3A_111 = vector.broadcast %mul3A_110 : i32 to vector<16xi32>
      %mul3A_112 = arith.muli %mul3A_111, %get3A_109 : vector<16xi32>
      %add3A_113 = vector.broadcast %arg0 : i32 to vector<16xi32>
      %add3A_114 = arith.addi %mul3A_112, %add3A_113 : vector<16xi32>
      %swap3A_115 = arith.index_cast %scan3A_79 : i32 to index
      %swap3A_116 = arith.constant 32 : index
      %swap3A_117 = tpu.vector_load %arg8[%swap3A_115, %swap3A_116] {strides = array<i32>} : memref<160x128xi32, #tpu.memory_space<vmem>>, vector<1x16xi32>,
      %swap3A_118 = vector.shape_cast %swap3A_117 : vector<1x16xi32> to vector<16xi32>
      %swap3A_119 = vector.shape_cast %add3A_114 : vector<16xi32> to vector<1x16xi32>
      tpu.vector_store %arg8[%swap3A_115, %swap3A_116], %swap3A_119 {strides = array<i32>} : memref<160x128xi32, #tpu.memory_space<vmem>>, vector<1x16xi32>,
      %get3A_120 = arith.index_cast %scan3A_79 : i32 to index
      %get3A_121 = arith.constant 48 : index
      %get3A_122 = tpu.vector_load %arg8[%get3A_120, %get3A_121] {strides = array<i32>} : memref<160x128xi32, #tpu.memory_space<vmem>>, vector<1x16xi32>,
      %get3A_123 = vector.shape_cast %get3A_122 : vector<1x16xi32> to vector<16xi32>
      %mul3A_124 = arith.constant 2 : i32
      %mul3A_125 = vector.broadcast %mul3A_124 : i32 to vector<16xi32>
      %mul3A_126 = arith.muli %mul3A_125, %get3A_123 : vector<16xi32>
      %add3A_127 = vector.broadcast %arg0 : i32 to vector<16xi32>
      %add3A_128 = arith.addi %mul3A_126, %add3A_127 : vector<16xi32>
      %swap3A_129 = arith.index_cast %scan3A_79 : i32 to index
      %swap3A_130 = arith.constant 48 : index
      %swap3A_131 = tpu.vector_load %arg8[%swap3A_129, %swap3A_130] {strides = array<i32>} : memref<160x128xi32, #tpu.memory_space<vmem>>, vector<1x16xi32>,
      %swap3A_132 = vector.shape_cast %swap3A_131 : vector<1x16xi32> to vector<16xi32>
      %swap3A_133 = vector.shape_cast %add3A_128 : vector<16xi32> to vector<1x16xi32>
      tpu.vector_store %arg8[%swap3A_129, %swap3A_130], %swap3A_133 {strides = array<i32>} : memref<160x128xi32, #tpu.memory_space<vmem>>, vector<1x16xi32>,
      %get3A_134 = arith.index_cast %scan3A_79 : i32 to index
      %get3A_135 = arith.constant 64 : index
      %get3A_136 = tpu.vector_load %arg8[%get3A_134, %get3A_135] {strides = array<i32>} : memref<160x128xi32, #tpu.memory_space<vmem>>, vector<1x16xi32>,
      %get3A_137 = vector.shape_cast %get3A_136 : vector<1x16xi32> to vector<16xi32>
      %mul3A_138 = arith.constant 2 : i32
      %mul3A_139 = vector.broadcast %mul3A_138 : i32 to vector<16xi32>
      %mul3A_140 = arith.muli %mul3A_139, %get3A_137 : vector<16xi32>
      %add3A_141 = vector.broadcast %arg0 : i32 to vector<16xi32>
      %add3A_142 = arith.addi %mul3A_140, %add3A_141 : vector<16xi32>
      %swap3A_143 = arith.index_cast %scan3A_79 : i32 to index
      %swap3A_144 = arith.constant 64 : index
      %swap3A_145 = tpu.vector_load %arg8[%swap3A_143, %swap3A_144] {strides = array<i32>} : memref<160x128xi32, #tpu.memory_space<vmem>>, vector<1x16xi32>,
      %swap3A_146 = vector.shape_cast %swap3A_145 : vector<1x16xi32> to vector<16xi32>
      %swap3A_147 = vector.shape_cast %add3A_142 : vector<16xi32> to vector<1x16xi32>
      tpu.vector_store %arg8[%swap3A_143, %swap3A_144], %swap3A_147 {strides = array<i32>} : memref<160x128xi32, #tpu.memory_space<vmem>>, vector<1x16xi32>,
      %get3A_148 = arith.index_cast %scan3A_79 : i32 to index
      %get3A_149 = arith.constant 80 : index
      %get3A_150 = tpu.vector_load %arg8[%get3A_148, %get3A_149] {strides = array<i32>} : memref<160x128xi32, #tpu.memory_space<vmem>>, vector<1x16xi32>,
      %get3A_151 = vector.shape_cast %get3A_150 : vector<1x16xi32> to vector<16xi32>
      %mul3A_152 = arith.constant 2 : i32
      %mul3A_153 = vector.broadcast %mul3A_152 : i32 to vector<16xi32>
      %mul3A_154 = arith.muli %mul3A_153, %get3A_151 : vector<16xi32>
      %add3A_155 = vector.broadcast %arg0 : i32 to vector<16xi32>
      %add3A_156 = arith.addi %mul3A_154, %add3A_155 : vector<16xi32>
      %swap3A_157 = arith.index_cast %scan3A_79 : i32 to index
      %swap3A_158 = arith.constant 80 : index
      %swap3A_159 = tpu.vector_load %arg8[%swap3A_157, %swap3A_158] {strides = array<i32>} : memref<160x128xi32, #tpu.memory_space<vmem>>, vector<1x16xi32>,
      %swap3A_160 = vector.shape_cast %swap3A_159 : vector<1x16xi32> to vector<16xi32>
      %swap3A_161 = vector.shape_cast %add3A_156 : vector<16xi32> to vector<1x16xi32>
      tpu.vector_store %arg8[%swap3A_157, %swap3A_158], %swap3A_161 {strides = array<i32>} : memref<160x128xi32, #tpu.memory_space<vmem>>, vector<1x16xi32>,
      %get3A_162 = arith.index_cast %scan3A_79 : i32 to index
      %get3A_163 = arith.constant 96 : index
      %get3A_164 = tpu.vector_load %arg8[%get3A_162, %get3A_163] {strides = array<i32>} : memref<160x128xi32, #tpu.memory_space<vmem>>, vector<1x16xi32>,
      %get3A_165 = vector.shape_cast %get3A_164 : vector<1x16xi32> to vector<16xi32>
      %mul3A_166 = arith.constant 2 : i32
      %mul3A_167 = vector.broadcast %mul3A_166 : i32 to vector<16xi32>
      %mul3A_168 = arith.muli %mul3A_167, %get3A_165 : vector<16xi32>
      %add3A_169 = vector.broadcast %arg0 : i32 to vector<16xi32>
      %add3A_170 = arith.addi %mul3A_168, %add3A_169 : vector<16xi32>
      %swap3A_171 = arith.index_cast %scan3A_79 : i32 to index
      %swap3A_172 = arith.constant 96 : index
      %swap3A_173 = tpu.vector_load %arg8[%swap3A_171, %swap3A_172] {strides = array<i32>} : memref<160x128xi32, #tpu.memory_space<vmem>>, vector<1x16xi32>,
      %swap3A_174 = vector.shape_cast %swap3A_173 : vector<1x16xi32> to vector<16xi32>
      %swap3A_175 = vector.shape_cast %add3A_170 : vector<16xi32> to vector<1x16xi32>
      tpu.vector_store %arg8[%swap3A_171, %swap3A_172], %swap3A_175 {strides = array<i32>} : memref<160x128xi32, #tpu.memory_space<vmem>>, vector<1x16xi32>,
      %get3A_176 = arith.index_cast %scan3A_79 : i32 to index
      %get3A_177 = arith.constant 112 : index
      %get3A_178 = tpu.vector_load %arg8[%get3A_176, %get3A_177] {strides = array<i32>} : memref<160x128xi32, #tpu.memory_space<vmem>>, vector<1x16xi32>,
      %get3A_179 = vector.shape_cast %get3A_178 : vector<1x16xi32> to vector<16xi32>
      %mul3A_180 = arith.constant 2 : i32
      %mul3A_181 = vector.broadcast %mul3A_180 : i32 to vector<16xi32>
      %mul3A_182 = arith.muli %mul3A_181, %get3A_179 : vector<16xi32>
      %add3A_183 = vector.broadcast %arg0 : i32 to vector<16xi32>
      %add3A_184 = arith.addi %mul3A_182, %add3A_183 : vector<16xi32>
      %swap3A_185 = arith.index_cast %scan3A_79 : i32 to index
      %swap3A_186 = arith.constant 112 : index
      %swap3A_187 = tpu.vector_load %arg8[%swap3A_185, %swap3A_186] {strides = array<i32>} : memref<160x128xi32, #tpu.memory_space<vmem>>, vector<1x16xi32>,
      %swap3A_188 = vector.shape_cast %swap3A_187 : vector<1x16xi32> to vector<16xi32>
      %swap3A_189 = vector.shape_cast %add3A_184 : vector<16xi32> to vector<1x16xi32>
      tpu.vector_store %arg8[%swap3A_185, %swap3A_186], %swap3A_189 {strides = array<i32>} : memref<160x128xi32, #tpu.memory_space<vmem>>, vector<1x16xi32>,
      %scan3A_190 = arith.constant 0 : i32
      scf.yield %scan3A_190 : i32
    }
    %scan3A_6 = arith.constant 160 : i32
    %barrier3A = arith.constant 0 : index
    tpu.barrier barrier_id(%barrier3A)
    %dma_start3A = arith.constant 0 : i32
    %dma_start3A_7 = arith.constant 0 : i32
    %dma_start3A_8 = tpu.memref_slice %arg8[%dma_start3A, %dma_start3A_7] : memref<160x128xi32, #tpu.memory_space<vmem>> -> memref<1x128xi32, #tpu.memory_space<vmem>>
    %dma_start3A_9 = tpu.memref_squeeze %dma_start3A_8 : memref<1x128xi32, #tpu.memory_space<vmem>> -> memref<128xi32, #tpu.memory_space<vmem>>
    %dma_start3A_10 = arith.constant 0 : i32
    %dma_start3A_11 = arith.constant 0 : i32
    %dma_start3A_12 = tpu.memref_slice %arg2[%dma_start3A_10, %dma_start3A_11] : memref<20480x64xf32, #tpu.memory_space<hbm>> -> memref<20480x64xf32, #tpu.memory_space<hbm>>
    tpu.enqueue_indirect_dma source(%dma_start3A_12 : memref<20480x64xf32, #tpu.memory_space<hbm>>) target(%arg10 : memref<128x64xf32, #tpu.memory_space<vmem>>) offsets(%dma_start3A_9 : memref<128xi32, #tpu.memory_space<vmem>>) semaphore(%arg14 : memref<!tpu.dma_semaphore, #tpu.memory_space<semaphore_mem>>)
    %dma_start3A_13 = arith.constant 1 : i32
    %dma_start3A_14 = arith.constant 0 : i32
    %dma_start3A_15 = tpu.memref_slice %arg8[%dma_start3A_13, %dma_start3A_14] : memref<160x128xi32, #tpu.memory_space<vmem>> -> memref<1x128xi32, #tpu.memory_space<vmem>>
    %dma_start3A_16 = tpu.memref_squeeze %dma_start3A_15 : memref<1x128xi32, #tpu.memory_space<vmem>> -> memref<128xi32, #tpu.memory_space<vmem>>
    %dma_start3A_17 = arith.constant 0 : i32
    %dma_start3A_18 = arith.constant 0 : i32
    %dma_start3A_19 = tpu.memref_slice %arg2[%dma_start3A_17, %dma_start3A_18] : memref<20480x64xf32, #tpu.memory_space<hbm>> -> memref<20480x64xf32, #tpu.memory_space<hbm>>
    tpu.enqueue_indirect_dma source(%dma_start3A_19 : memref<20480x64xf32, #tpu.memory_space<hbm>>) target(%arg11 : memref<128x64xf32, #tpu.memory_space<vmem>>) offsets(%dma_start3A_16 : memref<128xi32, #tpu.memory_space<vmem>>) semaphore(%arg15 : memref<!tpu.dma_semaphore, #tpu.memory_space<semaphore_mem>>)
    %dma_start3A_20 = arith.constant 2 : i32
    %dma_start3A_21 = arith.constant 0 : i32
    %dma_start3A_22 = tpu.memref_slice %arg8[%dma_start3A_20, %dma_start3A_21] : memref<160x128xi32, #tpu.memory_space<vmem>> -> memref<1x128xi32, #tpu.memory_space<vmem>>
    %dma_start3A_23 = tpu.memref_squeeze %dma_start3A_22 : memref<1x128xi32, #tpu.memory_space<vmem>> -> memref<128xi32, #tpu.memory_space<vmem>>
    %dma_start3A_24 = arith.constant 0 : i32
    %dma_start3A_25 = arith.constant 0 : i32
    %dma_start3A_26 = tpu.memref_slice %arg2[%dma_start3A_24, %dma_start3A_25] : memref<20480x64xf32, #tpu.memory_space<hbm>> -> memref<20480x64xf32, #tpu.memory_space<hbm>>
    tpu.enqueue_indirect_dma source(%dma_start3A_26 : memref<20480x64xf32, #tpu.memory_space<hbm>>) target(%arg12 : memref<128x64xf32, #tpu.memory_space<vmem>>) offsets(%dma_start3A_23 : memref<128xi32, #tpu.memory_space<vmem>>) semaphore(%arg16 : memref<!tpu.dma_semaphore, #tpu.memory_space<semaphore_mem>>)
    %dma_start3A_27 = arith.constant 3 : i32
    %dma_start3A_28 = arith.constant 0 : i32
    %dma_start3A_29 = tpu.memref_slice %arg8[%dma_start3A_27, %dma_start3A_28] : memref<160x128xi32, #tpu.memory_space<vmem>> -> memref<1x128xi32, #tpu.memory_space<vmem>>
    %dma_start3A_30 = tpu.memref_squeeze %dma_start3A_29 : memref<1x128xi32, #tpu.memory_space<vmem>> -> memref<128xi32, #tpu.memory_space<vmem>>
    %dma_start3A_31 = arith.constant 0 : i32
    %dma_start3A_32 = arith.constant 0 : i32
    %dma_start3A_33 = tpu.memref_slice %arg2[%dma_start3A_31, %dma_start3A_32] : memref<20480x64xf32, #tpu.memory_space<hbm>> -> memref<20480x64xf32, #tpu.memory_space<hbm>>
    tpu.enqueue_indirect_dma source(%dma_start3A_33 : memref<20480x64xf32, #tpu.memory_space<hbm>>) target(%arg13 : memref<128x64xf32, #tpu.memory_space<vmem>>) offsets(%dma_start3A_30 : memref<128xi32, #tpu.memory_space<vmem>>) semaphore(%arg17 : memref<!tpu.dma_semaphore, #tpu.memory_space<semaphore_mem>>)
    %scan3A_34 = arith.constant 0 : i32
    %scan3A_35 = arith.constant 0 : i32
    %scan3A_36 = arith.constant 39 : i32
    %scan3A_37 = arith.addi %scan3A_35, %scan3A_36 : i32
    %scan3A_38 = arith.constant 1 : i32
    %scan3A_39 = scf.for %scan3A_79 = %scan3A_35 to %scan3A_37 step %scan3A_38 iter_args(%scan3A_80 = %scan3A_34) -> (i32)  : i32 {
      %mul3A_81 = arith.constant 4 : i32
      %mul3A_82 = arith.muli %mul3A_81, %scan3A_79 : i32
      %add3A = arith.constant 0 : i32
      %add3A_83 = arith.addi %mul3A_82, %add3A : i32
      %dma_wait3A_84 = arith.constant 0 : i32
      %dma_wait3A_85 = tpu.memref_slice %arg8[%add3A_83, %dma_wait3A_84] : memref<160x128xi32, #tpu.memory_space<vmem>> -> memref<1x128xi32, #tpu.memory_space<vmem>>
      %dma_wait3A_86 = tpu.memref_squeeze %dma_wait3A_85 : memref<1x128xi32, #tpu.memory_space<vmem>> -> memref<128xi32, #tpu.memory_space<vmem>>
      %dma_wait3A_87 = arith.constant 0 : i32
      %dma_wait3A_88 = arith.constant 0 : i32
      %dma_wait3A_89 = tpu.memref_slice %arg2[%dma_wait3A_87, %dma_wait3A_88] : memref<20480x64xf32, #tpu.memory_space<hbm>> -> memref<20480x64xf32, #tpu.memory_space<hbm>>
      tpu.wait_indirect_dma semaphore(%arg14 : memref<!tpu.dma_semaphore, #tpu.memory_space<semaphore_mem>>) src(%dma_wait3A_89 : memref<20480x64xf32, #tpu.memory_space<hbm>>) dst(%arg10 : memref<128x64xf32, #tpu.memory_space<vmem>>)
      "tpu.region"() ({
        %run_scoped3A_153 = tpu.sem_alloc : memref<!tpu.dma_semaphore, #tpu.memory_space<semaphore_mem>>
        %dma_start3A_154 = arith.constant 0 : i32
        %dma_start3A_155 = tpu.memref_slice %arg9[%add3A_83, %dma_start3A_154] : memref<160x128xi32, #tpu.memory_space<vmem>> -> memref<1x128xi32, #tpu.memory_space<vmem>>
        %dma_start3A_156 = tpu.memref_squeeze %dma_start3A_155 : memref<1x128xi32, #tpu.memory_space<vmem>> -> memref<128xi32, #tpu.memory_space<vmem>>
        %dma_start3A_157 = arith.constant 0 : i32
        %dma_start3A_158 = arith.constant 0 : i32
        %dma_start3A_159 = tpu.memref_slice %arg18[%dma_start3A_157, %dma_start3A_158] : memref<10240x64xf32, #tpu.memory_space<vmem_shared>> -> memref<10240x64xf32, #tpu.memory_space<vmem_shared>>
        tpu.enqueue_indirect_dma source(%arg10 : memref<128x64xf32, #tpu.memory_space<vmem>>) target(%dma_start3A_159 : memref<10240x64xf32, #tpu.memory_space<vmem_shared>>) offsets(%dma_start3A_156 : memref<128xi32, #tpu.memory_space<vmem>>) semaphore(%run_scoped3A_153 : memref<!tpu.dma_semaphore, #tpu.memory_space<semaphore_mem>>) {add = true}
        %dma_wait3A_160 = arith.constant 0 : i32
        %dma_wait3A_161 = tpu.memref_slice %arg9[%add3A_83, %dma_wait3A_160] : memref<160x128xi32, #tpu.memory_space<vmem>> -> memref<1x128xi32, #tpu.memory_space<vmem>>
        %dma_wait3A_162 = tpu.memref_squeeze %dma_wait3A_161 : memref<1x128xi32, #tpu.memory_space<vmem>> -> memref<128xi32, #tpu.memory_space<vmem>>
        %dma_wait3A_163 = arith.constant 0 : i32
        %dma_wait3A_164 = arith.constant 0 : i32
        %dma_wait3A_165 = tpu.memref_slice %arg18[%dma_wait3A_163, %dma_wait3A_164] : memref<10240x64xf32, #tpu.memory_space<vmem_shared>> -> memref<10240x64xf32, #tpu.memory_space<vmem_shared>>
        tpu.wait_indirect_dma semaphore(%run_scoped3A_153 : memref<!tpu.dma_semaphore, #tpu.memory_space<semaphore_mem>>) src(%arg10 : memref<128x64xf32, #tpu.memory_space<vmem>>) dst(%dma_wait3A_165 : memref<10240x64xf32, #tpu.memory_space<vmem_shared>>)
        tpu.yield
      }) : () -> ()
      %add3A_90 = arith.constant 4 : i32
      %add3A_91 = arith.addi %add3A_83, %add3A_90 : i32
      %dma_start3A_92 = arith.constant 0 : i32
      %dma_start3A_93 = tpu.memref_slice %arg8[%add3A_91, %dma_start3A_92] : memref<160x128xi32, #tpu.memory_space<vmem>> -> memref<1x128xi32, #tpu.memory_space<vmem>>
      %dma_start3A_94 = tpu.memref_squeeze %dma_start3A_93 : memref<1x128xi32, #tpu.memory_space<vmem>> -> memref<128xi32, #tpu.memory_space<vmem>>
      %dma_start3A_95 = arith.constant 0 : i32
      %dma_start3A_96 = arith.constant 0 : i32
      %dma_start3A_97 = tpu.memref_slice %arg2[%dma_start3A_95, %dma_start3A_96] : memref<20480x64xf32, #tpu.memory_space<hbm>> -> memref<20480x64xf32, #tpu.memory_space<hbm>>
      tpu.enqueue_indirect_dma source(%dma_start3A_97 : memref<20480x64xf32, #tpu.memory_space<hbm>>) target(%arg10 : memref<128x64xf32, #tpu.memory_space<vmem>>) offsets(%dma_start3A_94 : memref<128xi32, #tpu.memory_space<vmem>>) semaphore(%arg14 : memref<!tpu.dma_semaphore, #tpu.memory_space<semaphore_mem>>)
      %mul3A_98 = arith.constant 4 : i32
      %mul3A_99 = arith.muli %mul3A_98, %scan3A_79 : i32
      %add3A_100 = arith.constant 1 : i32
      %add3A_101 = arith.addi %mul3A_99, %add3A_100 : i32
      %dma_wait3A_102 = arith.constant 0 : i32
      %dma_wait3A_103 = tpu.memref_slice %arg8[%add3A_101, %dma_wait3A_102] : memref<160x128xi32, #tpu.memory_space<vmem>> -> memref<1x128xi32, #tpu.memory_space<vmem>>
      %dma_wait3A_104 = tpu.memref_squeeze %dma_wait3A_103 : memref<1x128xi32, #tpu.memory_space<vmem>> -> memref<128xi32, #tpu.memory_space<vmem>>
      %dma_wait3A_105 = arith.constant 0 : i32
      %dma_wait3A_106 = arith.constant 0 : i32
      %dma_wait3A_107 = tpu.memref_slice %arg2[%dma_wait3A_105, %dma_wait3A_106] : memref<20480x64xf32, #tpu.memory_space<hbm>> -> memref<20480x64xf32, #tpu.memory_space<hbm>>
      tpu.wait_indirect_dma semaphore(%arg15 : memref<!tpu.dma_semaphore, #tpu.memory_space<semaphore_mem>>) src(%dma_wait3A_107 : memref<20480x64xf32, #tpu.memory_space<hbm>>) dst(%arg11 : memref<128x64xf32, #tpu.memory_space<vmem>>)
      "tpu.region"() ({
        %run_scoped3A_153 = tpu.sem_alloc : memref<!tpu.dma_semaphore, #tpu.memory_space<semaphore_mem>>
        %dma_start3A_154 = arith.constant 0 : i32
        %dma_start3A_155 = tpu.memref_slice %arg9[%add3A_101, %dma_start3A_154] : memref<160x128xi32, #tpu.memory_space<vmem>> -> memref<1x128xi32, #tpu.memory_space<vmem>>
        %dma_start3A_156 = tpu.memref_squeeze %dma_start3A_155 : memref<1x128xi32, #tpu.memory_space<vmem>> -> memref<128xi32, #tpu.memory_space<vmem>>
        %dma_start3A_157 = arith.constant 0 : i32
        %dma_start3A_158 = arith.constant 0 : i32
        %dma_start3A_159 = tpu.memref_slice %arg18[%dma_start3A_157, %dma_start3A_158] : memref<10240x64xf32, #tpu.memory_space<vmem_shared>> -> memref<10240x64xf32, #tpu.memory_space<vmem_shared>>
        tpu.enqueue_indirect_dma source(%arg11 : memref<128x64xf32, #tpu.memory_space<vmem>>) target(%dma_start3A_159 : memref<10240x64xf32, #tpu.memory_space<vmem_shared>>) offsets(%dma_start3A_156 : memref<128xi32, #tpu.memory_space<vmem>>) semaphore(%run_scoped3A_153 : memref<!tpu.dma_semaphore, #tpu.memory_space<semaphore_mem>>) {add = true}
        %dma_wait3A_160 = arith.constant 0 : i32
        %dma_wait3A_161 = tpu.memref_slice %arg9[%add3A_101, %dma_wait3A_160] : memref<160x128xi32, #tpu.memory_space<vmem>> -> memref<1x128xi32, #tpu.memory_space<vmem>>
        %dma_wait3A_162 = tpu.memref_squeeze %dma_wait3A_161 : memref<1x128xi32, #tpu.memory_space<vmem>> -> memref<128xi32, #tpu.memory_space<vmem>>
        %dma_wait3A_163 = arith.constant 0 : i32
        %dma_wait3A_164 = arith.constant 0 : i32
        %dma_wait3A_165 = tpu.memref_slice %arg18[%dma_wait3A_163, %dma_wait3A_164] : memref<10240x64xf32, #tpu.memory_space<vmem_shared>> -> memref<10240x64xf32, #tpu.memory_space<vmem_shared>>
        tpu.wait_indirect_dma semaphore(%run_scoped3A_153 : memref<!tpu.dma_semaphore, #tpu.memory_space<semaphore_mem>>) src(%arg11 : memref<128x64xf32, #tpu.memory_space<vmem>>) dst(%dma_wait3A_165 : memref<10240x64xf32, #tpu.memory_space<vmem_shared>>)
        tpu.yield
      }) : () -> ()
      %add3A_108 = arith.constant 4 : i32
      %add3A_109 = arith.addi %add3A_101, %add3A_108 : i32
      %dma_start3A_110 = arith.constant 0 : i32
      %dma_start3A_111 = tpu.memref_slice %arg8[%add3A_109, %dma_start3A_110] : memref<160x128xi32, #tpu.memory_space<vmem>> -> memref<1x128xi32, #tpu.memory_space<vmem>>
      %dma_start3A_112 = tpu.memref_squeeze %dma_start3A_111 : memref<1x128xi32, #tpu.memory_space<vmem>> -> memref<128xi32, #tpu.memory_space<vmem>>
      %dma_start3A_113 = arith.constant 0 : i32
      %dma_start3A_114 = arith.constant 0 : i32
      %dma_start3A_115 = tpu.memref_slice %arg2[%dma_start3A_113, %dma_start3A_114] : memref<20480x64xf32, #tpu.memory_space<hbm>> -> memref<20480x64xf32, #tpu.memory_space<hbm>>
      tpu.enqueue_indirect_dma source(%dma_start3A_115 : memref<20480x64xf32, #tpu.memory_space<hbm>>) target(%arg11 : memref<128x64xf32, #tpu.memory_space<vmem>>) offsets(%dma_start3A_112 : memref<128xi32, #tpu.memory_space<vmem>>) semaphore(%arg15 : memref<!tpu.dma_semaphore, #tpu.memory_space<semaphore_mem>>)
      %mul3A_116 = arith.constant 4 : i32
      %mul3A_117 = arith.muli %mul3A_116, %scan3A_79 : i32
      %add3A_118 = arith.constant 2 : i32
      %add3A_119 = arith.addi %mul3A_117, %add3A_118 : i32
      %dma_wait3A_120 = arith.constant 0 : i32
      %dma_wait3A_121 = tpu.memref_slice %arg8[%add3A_119, %dma_wait3A_120] : memref<160x128xi32, #tpu.memory_space<vmem>> -> memref<1x128xi32, #tpu.memory_space<vmem>>
      %dma_wait3A_122 = tpu.memref_squeeze %dma_wait3A_121 : memref<1x128xi32, #tpu.memory_space<vmem>> -> memref<128xi32, #tpu.memory_space<vmem>>
      %dma_wait3A_123 = arith.constant 0 : i32
      %dma_wait3A_124 = arith.constant 0 : i32
      %dma_wait3A_125 = tpu.memref_slice %arg2[%dma_wait3A_123, %dma_wait3A_124] : memref<20480x64xf32, #tpu.memory_space<hbm>> -> memref<20480x64xf32, #tpu.memory_space<hbm>>
      tpu.wait_indirect_dma semaphore(%arg16 : memref<!tpu.dma_semaphore, #tpu.memory_space<semaphore_mem>>) src(%dma_wait3A_125 : memref<20480x64xf32, #tpu.memory_space<hbm>>) dst(%arg12 : memref<128x64xf32, #tpu.memory_space<vmem>>)
      "tpu.region"() ({
        %run_scoped3A_153 = tpu.sem_alloc : memref<!tpu.dma_semaphore, #tpu.memory_space<semaphore_mem>>
        %dma_start3A_154 = arith.constant 0 : i32
        %dma_start3A_155 = tpu.memref_slice %arg9[%add3A_119, %dma_start3A_154] : memref<160x128xi32, #tpu.memory_space<vmem>> -> memref<1x128xi32, #tpu.memory_space<vmem>>
        %dma_start3A_156 = tpu.memref_squeeze %dma_start3A_155 : memref<1x128xi32, #tpu.memory_space<vmem>> -> memref<128xi32, #tpu.memory_space<vmem>>
        %dma_start3A_157 = arith.constant 0 : i32
        %dma_start3A_158 = arith.constant 0 : i32
        %dma_start3A_159 = tpu.memref_slice %arg18[%dma_start3A_157, %dma_start3A_158] : memref<10240x64xf32, #tpu.memory_space<vmem_shared>> -> memref<10240x64xf32, #tpu.memory_space<vmem_shared>>
        tpu.enqueue_indirect_dma source(%arg12 : memref<128x64xf32, #tpu.memory_space<vmem>>) target(%dma_start3A_159 : memref<10240x64xf32, #tpu.memory_space<vmem_shared>>) offsets(%dma_start3A_156 : memref<128xi32, #tpu.memory_space<vmem>>) semaphore(%run_scoped3A_153 : memref<!tpu.dma_semaphore, #tpu.memory_space<semaphore_mem>>) {add = true}
        %dma_wait3A_160 = arith.constant 0 : i32
        %dma_wait3A_161 = tpu.memref_slice %arg9[%add3A_119, %dma_wait3A_160] : memref<160x128xi32, #tpu.memory_space<vmem>> -> memref<1x128xi32, #tpu.memory_space<vmem>>
        %dma_wait3A_162 = tpu.memref_squeeze %dma_wait3A_161 : memref<1x128xi32, #tpu.memory_space<vmem>> -> memref<128xi32, #tpu.memory_space<vmem>>
        %dma_wait3A_163 = arith.constant 0 : i32
        %dma_wait3A_164 = arith.constant 0 : i32
        %dma_wait3A_165 = tpu.memref_slice %arg18[%dma_wait3A_163, %dma_wait3A_164] : memref<10240x64xf32, #tpu.memory_space<vmem_shared>> -> memref<10240x64xf32, #tpu.memory_space<vmem_shared>>
        tpu.wait_indirect_dma semaphore(%run_scoped3A_153 : memref<!tpu.dma_semaphore, #tpu.memory_space<semaphore_mem>>) src(%arg12 : memref<128x64xf32, #tpu.memory_space<vmem>>) dst(%dma_wait3A_165 : memref<10240x64xf32, #tpu.memory_space<vmem_shared>>)
        tpu.yield
      }) : () -> ()
      %add3A_126 = arith.constant 4 : i32
      %add3A_127 = arith.addi %add3A_119, %add3A_126 : i32
      %dma_start3A_128 = arith.constant 0 : i32
      %dma_start3A_129 = tpu.memref_slice %arg8[%add3A_127, %dma_start3A_128] : memref<160x128xi32, #tpu.memory_space<vmem>> -> memref<1x128xi32, #tpu.memory_space<vmem>>
      %dma_start3A_130 = tpu.memref_squeeze %dma_start3A_129 : memref<1x128xi32, #tpu.memory_space<vmem>> -> memref<128xi32, #tpu.memory_space<vmem>>
      %dma_start3A_131 = arith.constant 0 : i32
      %dma_start3A_132 = arith.constant 0 : i32
      %dma_start3A_133 = tpu.memref_slice %arg2[%dma_start3A_131, %dma_start3A_132] : memref<20480x64xf32, #tpu.memory_space<hbm>> -> memref<20480x64xf32, #tpu.memory_space<hbm>>
      tpu.enqueue_indirect_dma source(%dma_start3A_133 : memref<20480x64xf32, #tpu.memory_space<hbm>>) target(%arg12 : memref<128x64xf32, #tpu.memory_space<vmem>>) offsets(%dma_start3A_130 : memref<128xi32, #tpu.memory_space<vmem>>) semaphore(%arg16 : memref<!tpu.dma_semaphore, #tpu.memory_space<semaphore_mem>>)
      %mul3A_134 = arith.constant 4 : i32
      %mul3A_135 = arith.muli %mul3A_134, %scan3A_79 : i32
      %add3A_136 = arith.constant 3 : i32
      %add3A_137 = arith.addi %mul3A_135, %add3A_136 : i32
      %dma_wait3A_138 = arith.constant 0 : i32
      %dma_wait3A_139 = tpu.memref_slice %arg8[%add3A_137, %dma_wait3A_138] : memref<160x128xi32, #tpu.memory_space<vmem>> -> memref<1x128xi32, #tpu.memory_space<vmem>>
      %dma_wait3A_140 = tpu.memref_squeeze %dma_wait3A_139 : memref<1x128xi32, #tpu.memory_space<vmem>> -> memref<128xi32, #tpu.memory_space<vmem>>
      %dma_wait3A_141 = arith.constant 0 : i32
      %dma_wait3A_142 = arith.constant 0 : i32
      %dma_wait3A_143 = tpu.memref_slice %arg2[%dma_wait3A_141, %dma_wait3A_142] : memref<20480x64xf32, #tpu.memory_space<hbm>> -> memref<20480x64xf32, #tpu.memory_space<hbm>>
      tpu.wait_indirect_dma semaphore(%arg17 : memref<!tpu.dma_semaphore, #tpu.memory_space<semaphore_mem>>) src(%dma_wait3A_143 : memref<20480x64xf32, #tpu.memory_space<hbm>>) dst(%arg13 : memref<128x64xf32, #tpu.memory_space<vmem>>)
      "tpu.region"() ({
        %run_scoped3A_153 = tpu.sem_alloc : memref<!tpu.dma_semaphore, #tpu.memory_space<semaphore_mem>>
        %dma_start3A_154 = arith.constant 0 : i32
        %dma_start3A_155 = tpu.memref_slice %arg9[%add3A_137, %dma_start3A_154] : memref<160x128xi32, #tpu.memory_space<vmem>> -> memref<1x128xi32, #tpu.memory_space<vmem>>
        %dma_start3A_156 = tpu.memref_squeeze %dma_start3A_155 : memref<1x128xi32, #tpu.memory_space<vmem>> -> memref<128xi32, #tpu.memory_space<vmem>>
        %dma_start3A_157 = arith.constant 0 : i32
        %dma_start3A_158 = arith.constant 0 : i32
        %dma_start3A_159 = tpu.memref_slice %arg18[%dma_start3A_157, %dma_start3A_158] : memref<10240x64xf32, #tpu.memory_space<vmem_shared>> -> memref<10240x64xf32, #tpu.memory_space<vmem_shared>>
        tpu.enqueue_indirect_dma source(%arg13 : memref<128x64xf32, #tpu.memory_space<vmem>>) target(%dma_start3A_159 : memref<10240x64xf32, #tpu.memory_space<vmem_shared>>) offsets(%dma_start3A_156 : memref<128xi32, #tpu.memory_space<vmem>>) semaphore(%run_scoped3A_153 : memref<!tpu.dma_semaphore, #tpu.memory_space<semaphore_mem>>) {add = true}
        %dma_wait3A_160 = arith.constant 0 : i32
        %dma_wait3A_161 = tpu.memref_slice %arg9[%add3A_137, %dma_wait3A_160] : memref<160x128xi32, #tpu.memory_space<vmem>> -> memref<1x128xi32, #tpu.memory_space<vmem>>
        %dma_wait3A_162 = tpu.memref_squeeze %dma_wait3A_161 : memref<1x128xi32, #tpu.memory_space<vmem>> -> memref<128xi32, #tpu.memory_space<vmem>>
        %dma_wait3A_163 = arith.constant 0 : i32
        %dma_wait3A_164 = arith.constant 0 : i32
        %dma_wait3A_165 = tpu.memref_slice %arg18[%dma_wait3A_163, %dma_wait3A_164] : memref<10240x64xf32, #tpu.memory_space<vmem_shared>> -> memref<10240x64xf32, #tpu.memory_space<vmem_shared>>
        tpu.wait_indirect_dma semaphore(%run_scoped3A_153 : memref<!tpu.dma_semaphore, #tpu.memory_space<semaphore_mem>>) src(%arg13 : memref<128x64xf32, #tpu.memory_space<vmem>>) dst(%dma_wait3A_165 : memref<10240x64xf32, #tpu.memory_space<vmem_shared>>)
        tpu.yield
      }) : () -> ()
      %add3A_144 = arith.constant 4 : i32
      %add3A_145 = arith.addi %add3A_137, %add3A_144 : i32
      %dma_start3A_146 = arith.constant 0 : i32
      %dma_start3A_147 = tpu.memref_slice %arg8[%add3A_145, %dma_start3A_146] : memref<160x128xi32, #tpu.memory_space<vmem>> -> memref<1x128xi32, #tpu.memory_space<vmem>>
      %dma_start3A_148 = tpu.memref_squeeze %dma_start3A_147 : memref<1x128xi32, #tpu.memory_space<vmem>> -> memref<128xi32, #tpu.memory_space<vmem>>
      %dma_start3A_149 = arith.constant 0 : i32
      %dma_start3A_150 = arith.constant 0 : i32
      %dma_start3A_151 = tpu.memref_slice %arg2[%dma_start3A_149, %dma_start3A_150] : memref<20480x64xf32, #tpu.memory_space<hbm>> -> memref<20480x64xf32, #tpu.memory_space<hbm>>
      tpu.enqueue_indirect_dma source(%dma_start3A_151 : memref<20480x64xf32, #tpu.memory_space<hbm>>) target(%arg13 : memref<128x64xf32, #tpu.memory_space<vmem>>) offsets(%dma_start3A_148 : memref<128xi32, #tpu.memory_space<vmem>>) semaphore(%arg17 : memref<!tpu.dma_semaphore, #tpu.memory_space<semaphore_mem>>)
      %scan3A_152 = arith.constant 0 : i32
      scf.yield %scan3A_152 : i32
    }
    %scan3A_40 = arith.constant 39 : i32
    %dma_wait3A = arith.constant 156 : i32
    %dma_wait3A_41 = arith.constant 0 : i32
    %dma_wait3A_42 = tpu.memref_slice %arg8[%dma_wait3A, %dma_wait3A_41] : memref<160x128xi32, #tpu.memory_space<vmem>> -> memref<1x128xi32, #tpu.memory_space<vmem>>
    %dma_wait3A_43 = tpu.memref_squeeze %dma_wait3A_42 : memref<1x128xi32, #tpu.memory_space<vmem>> -> memref<128xi32, #tpu.memory_space<vmem>>
    %dma_wait3A_44 = arith.constant 0 : i32
    %dma_wait3A_45 = arith.constant 0 : i32
    %dma_wait3A_46 = tpu.memref_slice %arg2[%dma_wait3A_44, %dma_wait3A_45] : memref<20480x64xf32, #tpu.memory_space<hbm>> -> memref<20480x64xf32, #tpu.memory_space<hbm>>
    tpu.wait_indirect_dma semaphore(%arg14 : memref<!tpu.dma_semaphore, #tpu.memory_space<semaphore_mem>>) src(%dma_wait3A_46 : memref<20480x64xf32, #tpu.memory_space<hbm>>) dst(%arg10 : memref<128x64xf32, #tpu.memory_space<vmem>>)
    %run_scoped3A = arith.constant 156 : i32
    "tpu.region"() ({
      %run_scoped3A_79 = tpu.sem_alloc : memref<!tpu.dma_semaphore, #tpu.memory_space<semaphore_mem>>
      %dma_start3A_80 = arith.constant 0 : i32
      %dma_start3A_81 = tpu.memref_slice %arg9[%run_scoped3A, %dma_start3A_80] : memref<160x128xi32, #tpu.memory_space<vmem>> -> memref<1x128xi32, #tpu.memory_space<vmem>>
      %dma_start3A_82 = tpu.memref_squeeze %dma_start3A_81 : memref<1x128xi32, #tpu.memory_space<vmem>> -> memref<128xi32, #tpu.memory_space<vmem>>
      %dma_start3A_83 = arith.constant 0 : i32
      %dma_start3A_84 = arith.constant 0 : i32
      %dma_start3A_85 = tpu.memref_slice %arg18[%dma_start3A_83, %dma_start3A_84] : memref<10240x64xf32, #tpu.memory_space<vmem_shared>> -> memref<10240x64xf32, #tpu.memory_space<vmem_shared>>
      tpu.enqueue_indirect_dma source(%arg10 : memref<128x64xf32, #tpu.memory_space<vmem>>) target(%dma_start3A_85 : memref<10240x64xf32, #tpu.memory_space<vmem_shared>>) offsets(%dma_start3A_82 : memref<128xi32, #tpu.memory_space<vmem>>) semaphore(%run_scoped3A_79 : memref<!tpu.dma_semaphore, #tpu.memory_space<semaphore_mem>>) {add = true}
      %dma_wait3A_86 = arith.constant 0 : i32
      %dma_wait3A_87 = tpu.memref_slice %arg9[%run_scoped3A, %dma_wait3A_86] : memref<160x128xi32, #tpu.memory_space<vmem>> -> memref<1x128xi32, #tpu.memory_space<vmem>>
      %dma_wait3A_88 = tpu.memref_squeeze %dma_wait3A_87 : memref<1x128xi32, #tpu.memory_space<vmem>> -> memref<128xi32, #tpu.memory_space<vmem>>
      %dma_wait3A_89 = arith.constant 0 : i32
      %dma_wait3A_90 = arith.constant 0 : i32
      %dma_wait3A_91 = tpu.memref_slice %arg18[%dma_wait3A_89, %dma_wait3A_90] : memref<10240x64xf32, #tpu.memory_space<vmem_shared>> -> memref<10240x64xf32, #tpu.memory_space<vmem_shared>>
      tpu.wait_indirect_dma semaphore(%run_scoped3A_79 : memref<!tpu.dma_semaphore, #tpu.memory_space<semaphore_mem>>) src(%arg10 : memref<128x64xf32, #tpu.memory_space<vmem>>) dst(%dma_wait3A_91 : memref<10240x64xf32, #tpu.memory_space<vmem_shared>>)
      tpu.yield
    }) : () -> ()
    %dma_wait3A_47 = arith.constant 157 : i32
    %dma_wait3A_48 = arith.constant 0 : i32
    %dma_wait3A_49 = tpu.memref_slice %arg8[%dma_wait3A_47, %dma_wait3A_48] : memref<160x128xi32, #tpu.memory_space<vmem>> -> memref<1x128xi32, #tpu.memory_space<vmem>>
    %dma_wait3A_50 = tpu.memref_squeeze %dma_wait3A_49 : memref<1x128xi32, #tpu.memory_space<vmem>> -> memref<128xi32, #tpu.memory_space<vmem>>
    %dma_wait3A_51 = arith.constant 0 : i32
    %dma_wait3A_52 = arith.constant 0 : i32
    %dma_wait3A_53 = tpu.memref_slice %arg2[%dma_wait3A_51, %dma_wait3A_52] : memref<20480x64xf32, #tpu.memory_space<hbm>> -> memref<20480x64xf32, #tpu.memory_space<hbm>>
    tpu.wait_indirect_dma semaphore(%arg15 : memref<!tpu.dma_semaphore, #tpu.memory_space<semaphore_mem>>) src(%dma_wait3A_53 : memref<20480x64xf32, #tpu.memory_space<hbm>>) dst(%arg11 : memref<128x64xf32, #tpu.memory_space<vmem>>)
    %run_scoped3A_54 = arith.constant 157 : i32
    "tpu.region"() ({
      %run_scoped3A_79 = tpu.sem_alloc : memref<!tpu.dma_semaphore, #tpu.memory_space<semaphore_mem>>
      %dma_start3A_80 = arith.constant 0 : i32
      %dma_start3A_81 = tpu.memref_slice %arg9[%run_scoped3A_54, %dma_start3A_80] : memref<160x128xi32, #tpu.memory_space<vmem>> -> memref<1x128xi32, #tpu.memory_space<vmem>>
      %dma_start3A_82 = tpu.memref_squeeze %dma_start3A_81 : memref<1x128xi32, #tpu.memory_space<vmem>> -> memref<128xi32, #tpu.memory_space<vmem>>
      %dma_start3A_83 = arith.constant 0 : i32
      %dma_start3A_84 = arith.constant 0 : i32
      %dma_start3A_85 = tpu.memref_slice %arg18[%dma_start3A_83, %dma_start3A_84] : memref<10240x64xf32, #tpu.memory_space<vmem_shared>> -> memref<10240x64xf32, #tpu.memory_space<vmem_shared>>
      tpu.enqueue_indirect_dma source(%arg11 : memref<128x64xf32, #tpu.memory_space<vmem>>) target(%dma_start3A_85 : memref<10240x64xf32, #tpu.memory_space<vmem_shared>>) offsets(%dma_start3A_82 : memref<128xi32, #tpu.memory_space<vmem>>) semaphore(%run_scoped3A_79 : memref<!tpu.dma_semaphore, #tpu.memory_space<semaphore_mem>>) {add = true}
      %dma_wait3A_86 = arith.constant 0 : i32
      %dma_wait3A_87 = tpu.memref_slice %arg9[%run_scoped3A_54, %dma_wait3A_86] : memref<160x128xi32, #tpu.memory_space<vmem>> -> memref<1x128xi32, #tpu.memory_space<vmem>>
      %dma_wait3A_88 = tpu.memref_squeeze %dma_wait3A_87 : memref<1x128xi32, #tpu.memory_space<vmem>> -> memref<128xi32, #tpu.memory_space<vmem>>
      %dma_wait3A_89 = arith.constant 0 : i32
      %dma_wait3A_90 = arith.constant 0 : i32
      %dma_wait3A_91 = tpu.memref_slice %arg18[%dma_wait3A_89, %dma_wait3A_90] : memref<10240x64xf32, #tpu.memory_space<vmem_shared>> -> memref<10240x64xf32, #tpu.memory_space<vmem_shared>>
      tpu.wait_indirect_dma semaphore(%run_scoped3A_79 : memref<!tpu.dma_semaphore, #tpu.memory_space<semaphore_mem>>) src(%arg11 : memref<128x64xf32, #tpu.memory_space<vmem>>) dst(%dma_wait3A_91 : memref<10240x64xf32, #tpu.memory_space<vmem_shared>>)
      tpu.yield
    }) : () -> ()
    %dma_wait3A_55 = arith.constant 158 : i32
    %dma_wait3A_56 = arith.constant 0 : i32
    %dma_wait3A_57 = tpu.memref_slice %arg8[%dma_wait3A_55, %dma_wait3A_56] : memref<160x128xi32, #tpu.memory_space<vmem>> -> memref<1x128xi32, #tpu.memory_space<vmem>>
    %dma_wait3A_58 = tpu.memref_squeeze %dma_wait3A_57 : memref<1x128xi32, #tpu.memory_space<vmem>> -> memref<128xi32, #tpu.memory_space<vmem>>
    %dma_wait3A_59 = arith.constant 0 : i32
    %dma_wait3A_60 = arith.constant 0 : i32
    %dma_wait3A_61 = tpu.memref_slice %arg2[%dma_wait3A_59, %dma_wait3A_60] : memref<20480x64xf32, #tpu.memory_space<hbm>> -> memref<20480x64xf32, #tpu.memory_space<hbm>>
    tpu.wait_indirect_dma semaphore(%arg16 : memref<!tpu.dma_semaphore, #tpu.memory_space<semaphore_mem>>) src(%dma_wait3A_61 : memref<20480x64xf32, #tpu.memory_space<hbm>>) dst(%arg12 : memref<128x64xf32, #tpu.memory_space<vmem>>)
    %run_scoped3A_62 = arith.constant 158 : i32
    "tpu.region"() ({
      %run_scoped3A_79 = tpu.sem_alloc : memref<!tpu.dma_semaphore, #tpu.memory_space<semaphore_mem>>
      %dma_start3A_80 = arith.constant 0 : i32
      %dma_start3A_81 = tpu.memref_slice %arg9[%run_scoped3A_62, %dma_start3A_80] : memref<160x128xi32, #tpu.memory_space<vmem>> -> memref<1x128xi32, #tpu.memory_space<vmem>>
      %dma_start3A_82 = tpu.memref_squeeze %dma_start3A_81 : memref<1x128xi32, #tpu.memory_space<vmem>> -> memref<128xi32, #tpu.memory_space<vmem>>
      %dma_start3A_83 = arith.constant 0 : i32
      %dma_start3A_84 = arith.constant 0 : i32
      %dma_start3A_85 = tpu.memref_slice %arg18[%dma_start3A_83, %dma_start3A_84] : memref<10240x64xf32, #tpu.memory_space<vmem_shared>> -> memref<10240x64xf32, #tpu.memory_space<vmem_shared>>
      tpu.enqueue_indirect_dma source(%arg12 : memref<128x64xf32, #tpu.memory_space<vmem>>) target(%dma_start3A_85 : memref<10240x64xf32, #tpu.memory_space<vmem_shared>>) offsets(%dma_start3A_82 : memref<128xi32, #tpu.memory_space<vmem>>) semaphore(%run_scoped3A_79 : memref<!tpu.dma_semaphore, #tpu.memory_space<semaphore_mem>>) {add = true}
      %dma_wait3A_86 = arith.constant 0 : i32
      %dma_wait3A_87 = tpu.memref_slice %arg9[%run_scoped3A_62, %dma_wait3A_86] : memref<160x128xi32, #tpu.memory_space<vmem>> -> memref<1x128xi32, #tpu.memory_space<vmem>>
      %dma_wait3A_88 = tpu.memref_squeeze %dma_wait3A_87 : memref<1x128xi32, #tpu.memory_space<vmem>> -> memref<128xi32, #tpu.memory_space<vmem>>
      %dma_wait3A_89 = arith.constant 0 : i32
      %dma_wait3A_90 = arith.constant 0 : i32
      %dma_wait3A_91 = tpu.memref_slice %arg18[%dma_wait3A_89, %dma_wait3A_90] : memref<10240x64xf32, #tpu.memory_space<vmem_shared>> -> memref<10240x64xf32, #tpu.memory_space<vmem_shared>>
      tpu.wait_indirect_dma semaphore(%run_scoped3A_79 : memref<!tpu.dma_semaphore, #tpu.memory_space<semaphore_mem>>) src(%arg12 : memref<128x64xf32, #tpu.memory_space<vmem>>) dst(%dma_wait3A_91 : memref<10240x64xf32, #tpu.memory_space<vmem_shared>>)
      tpu.yield
    }) : () -> ()
    %dma_wait3A_63 = arith.constant 159 : i32
    %dma_wait3A_64 = arith.constant 0 : i32
    %dma_wait3A_65 = tpu.memref_slice %arg8[%dma_wait3A_63, %dma_wait3A_64] : memref<160x128xi32, #tpu.memory_space<vmem>> -> memref<1x128xi32, #tpu.memory_space<vmem>>
    %dma_wait3A_66 = tpu.memref_squeeze %dma_wait3A_65 : memref<1x128xi32, #tpu.memory_space<vmem>> -> memref<128xi32, #tpu.memory_space<vmem>>
    %dma_wait3A_67 = arith.constant 0 : i32
    %dma_wait3A_68 = arith.constant 0 : i32
    %dma_wait3A_69 = tpu.memref_slice %arg2[%dma_wait3A_67, %dma_wait3A_68] : memref<20480x64xf32, #tpu.memory_space<hbm>> -> memref<20480x64xf32, #tpu.memory_space<hbm>>
    tpu.wait_indirect_dma semaphore(%arg17 : memref<!tpu.dma_semaphore, #tpu.memory_space<semaphore_mem>>) src(%dma_wait3A_69 : memref<20480x64xf32, #tpu.memory_space<hbm>>) dst(%arg13 : memref<128x64xf32, #tpu.memory_space<vmem>>)
    %run_scoped3A_70 = arith.constant 159 : i32
    "tpu.region"() ({
      %run_scoped3A_79 = tpu.sem_alloc : memref<!tpu.dma_semaphore, #tpu.memory_space<semaphore_mem>>
      %dma_start3A_80 = arith.constant 0 : i32
      %dma_start3A_81 = tpu.memref_slice %arg9[%run_scoped3A_70, %dma_start3A_80] : memref<160x128xi32, #tpu.memory_space<vmem>> -> memref<1x128xi32, #tpu.memory_space<vmem>>
      %dma_start3A_82 = tpu.memref_squeeze %dma_start3A_81 : memref<1x128xi32, #tpu.memory_space<vmem>> -> memref<128xi32, #tpu.memory_space<vmem>>
      %dma_start3A_83 = arith.constant 0 : i32
      %dma_start3A_84 = arith.constant 0 : i32
      %dma_start3A_85 = tpu.memref_slice %arg18[%dma_start3A_83, %dma_start3A_84] : memref<10240x64xf32, #tpu.memory_space<vmem_shared>> -> memref<10240x64xf32, #tpu.memory_space<vmem_shared>>
      tpu.enqueue_indirect_dma source(%arg13 : memref<128x64xf32, #tpu.memory_space<vmem>>) target(%dma_start3A_85 : memref<10240x64xf32, #tpu.memory_space<vmem_shared>>) offsets(%dma_start3A_82 : memref<128xi32, #tpu.memory_space<vmem>>) semaphore(%run_scoped3A_79 : memref<!tpu.dma_semaphore, #tpu.memory_space<semaphore_mem>>) {add = true}
      %dma_wait3A_86 = arith.constant 0 : i32
      %dma_wait3A_87 = tpu.memref_slice %arg9[%run_scoped3A_70, %dma_wait3A_86] : memref<160x128xi32, #tpu.memory_space<vmem>> -> memref<1x128xi32, #tpu.memory_space<vmem>>
      %dma_wait3A_88 = tpu.memref_squeeze %dma_wait3A_87 : memref<1x128xi32, #tpu.memory_space<vmem>> -> memref<128xi32, #tpu.memory_space<vmem>>
      %dma_wait3A_89 = arith.constant 0 : i32
      %dma_wait3A_90 = arith.constant 0 : i32
      %dma_wait3A_91 = tpu.memref_slice %arg18[%dma_wait3A_89, %dma_wait3A_90] : memref<10240x64xf32, #tpu.memory_space<vmem_shared>> -> memref<10240x64xf32, #tpu.memory_space<vmem_shared>>
      tpu.wait_indirect_dma semaphore(%run_scoped3A_79 : memref<!tpu.dma_semaphore, #tpu.memory_space<semaphore_mem>>) src(%arg13 : memref<128x64xf32, #tpu.memory_space<vmem>>) dst(%dma_wait3A_91 : memref<10240x64xf32, #tpu.memory_space<vmem_shared>>)
      tpu.yield
    }) : () -> ()
    %barrier3A_71 = arith.constant 0 : index
    tpu.barrier barrier_id(%barrier3A_71)
    %eq3A = arith.constant 0 : i32
    %eq3A_72 = arith.cmpi eq, %arg0, %eq3A : i32
    %convert_element_type3A = arith.extui %eq3A_72 : i1 to i32
    %cond3A = arith.constant 0 : i32
    %cond3A_73 = arith.cmpi ne, %convert_element_type3A, %cond3A : i32
    scf.if %cond3A_73 {
      "tpu.region"() ({
        %run_scoped3A_79 = tpu.sem_alloc : memref<!tpu.dma_semaphore, #tpu.memory_space<semaphore_mem>>
        %dma_start3A_80 = arith.constant 0 : i32
        %dma_start3A_81 = tpu.memref_slice %arg6[%mul3A_0, %dma_start3A_80] : memref<10240x64xf32, #tpu.memory_space<hbm>> -> memref<640x64xf32, #tpu.memory_space<hbm>>
        %dma_start3A_82 = arith.constant 0 : i32
        %dma_start3A_83 = tpu.memref_slice %arg18[%mul3A_0, %dma_start3A_82] : memref<10240x64xf32, #tpu.memory_space<vmem_shared>> -> memref<640x64xf32, #tpu.memory_space<vmem_shared>>
        tpu.enqueue_dma source(%dma_start3A_83 : memref<640x64xf32, #tpu.memory_space<vmem_shared>>) target(%dma_start3A_81 : memref<640x64xf32, #tpu.memory_space<hbm>>) target_semaphore(%run_scoped3A_79 : memref<!tpu.dma_semaphore, #tpu.memory_space<semaphore_mem>>)
        %dma_wait3A_84 = arith.constant 0 : i32
        %dma_wait3A_85 = tpu.memref_slice %arg6[%mul3A_0, %dma_wait3A_84] : memref<10240x64xf32, #tpu.memory_space<hbm>> -> memref<640x64xf32, #tpu.memory_space<hbm>>
        %dma_wait3A_86 = arith.constant 0 : i32
        %dma_wait3A_87 = tpu.memref_slice %arg18[%mul3A_0, %dma_wait3A_86] : memref<10240x64xf32, #tpu.memory_space<vmem_shared>> -> memref<640x64xf32, #tpu.memory_space<vmem_shared>>
        tpu.wait_dma2 semaphore(%run_scoped3A_79 : memref<!tpu.dma_semaphore, #tpu.memory_space<semaphore_mem>>) src(%dma_wait3A_87 : memref<640x64xf32, #tpu.memory_space<vmem_shared>>) dst(%dma_wait3A_85 : memref<640x64xf32, #tpu.memory_space<hbm>>)
        tpu.yield
      }) : () -> ()
    } else {
    }
    %eq3A_74 = arith.constant 1 : i32
    %eq3A_75 = arith.cmpi eq, %arg0, %eq3A_74 : i32
    %convert_element_type3A_76 = arith.extui %eq3A_75 : i1 to i32
    %cond3A_77 = arith.constant 0 : i32
    %cond3A_78 = arith.cmpi ne, %convert_element_type3A_76, %cond3A_77 : i32
    scf.if %cond3A_78 {
      "tpu.region"() ({
        %run_scoped3A_79 = tpu.sem_alloc : memref<!tpu.dma_semaphore, #tpu.memory_space<semaphore_mem>>
        %dma_start3A_80 = arith.constant 0 : i32
        %dma_start3A_81 = tpu.memref_slice %arg7[%mul3A_0, %dma_start3A_80] : memref<10240x64xf32, #tpu.memory_space<hbm>> -> memref<640x64xf32, #tpu.memory_space<hbm>>
        %dma_start3A_82 = arith.constant 0 : i32
        %dma_start3A_83 = tpu.memref_slice %arg18[%mul3A_0, %dma_start3A_82] : memref<10240x64xf32, #tpu.memory_space<vmem_shared>> -> memref<640x64xf32, #tpu.memory_space<vmem_shared>>
        tpu.enqueue_dma source(%dma_start3A_83 : memref<640x64xf32, #tpu.memory_space<vmem_shared>>) target(%dma_start3A_81 : memref<640x64xf32, #tpu.memory_space<hbm>>) target_semaphore(%run_scoped3A_79 : memref<!tpu.dma_semaphore, #tpu.memory_space<semaphore_mem>>)
        %dma_wait3A_84 = arith.constant 0 : i32
        %dma_wait3A_85 = tpu.memref_slice %arg7[%mul3A_0, %dma_wait3A_84] : memref<10240x64xf32, #tpu.memory_space<hbm>> -> memref<640x64xf32, #tpu.memory_space<hbm>>
        %dma_wait3A_86 = arith.constant 0 : i32
        %dma_wait3A_87 = tpu.memref_slice %arg18[%mul3A_0, %dma_wait3A_86] : memref<10240x64xf32, #tpu.memory_space<vmem_shared>> -> memref<640x64xf32, #tpu.memory_space<vmem_shared>>
        tpu.wait_dma2 semaphore(%run_scoped3A_79 : memref<!tpu.dma_semaphore, #tpu.memory_space<semaphore_mem>>) src(%dma_wait3A_87 : memref<640x64xf32, #tpu.memory_space<vmem_shared>>) dst(%dma_wait3A_85 : memref<640x64xf32, #tpu.memory_space<hbm>>)
        tpu.yield
      }) : () -> ()
    } else {
    }
    return
  }
}

module attributes {stable_mosaic.version = 14 : i64} {
  func.func @_mm_scale_body(%arg0: i32, %arg1: memref<640x128xf32, #tpu.memory_space<vmem>>, %arg2: memref<128x128xf32, #tpu.memory_space<vmem>>, %arg3: memref<640x1xf32, #tpu.memory_space<vmem>>, %arg4: memref<640x1xf32, #tpu.memory_space<vmem>>, %arg5: memref<640x128xf32, #tpu.memory_space<vmem>>) attributes {dimension_semantics = [#tpu.dimension_semantics<arbitrary>], iteration_bounds = array<i64: 16>, scalar_prefetch = 0 : i64, scratch_operands = 0 : i64, tpu.core_type = #tpu.core_type<tc>, window_params = [{transform_indices = @transform_0, window_bounds = array<i64: 640, 128>}, {pipeline_mode = #tpu.pipeline_mode<synchronous>, transform_indices = @transform_1, window_bounds = array<i64: 128, 128>}, {transform_indices = @transform_2, window_bounds = array<i64: 640, 1>}, {transform_indices = @transform_3, window_bounds = array<i64: 640, 1>}, {transform_indices = @transform_4, window_bounds = array<i64: 640, 128>}]} {
    %get3A = arith.constant 0 : index
    %get3A_0 = arith.constant 0 : index
    %get3A_1 = vector.load %arg3[%get3A, %get3A_0] : memref<640x1xf32, #tpu.memory_space<vmem>>, vector<640x1xf32>
    %get3A_2 = arith.constant 0 : index
    %get3A_3 = arith.constant 0 : index
    %get3A_4 = vector.load %arg4[%get3A_2, %get3A_3] : memref<640x1xf32, #tpu.memory_space<vmem>>, vector<640x1xf32>
    %add3A = arith.addf %get3A_1, %get3A_4 : vector<640x1xf32>
    %add3A_5 = arith.constant 1.000000e+00 : f32
    %add3A_6 = vector.broadcast %add3A_5 : f32 to vector<640x1xf32>
    %add3A_7 = arith.addf %add3A, %add3A_6 : vector<640x1xf32>
    %rsqrt3A = math.rsqrt %add3A_7 : vector<640x1xf32>
    %get3A_8 = arith.constant 0 : index
    %get3A_9 = arith.constant 0 : index
    %get3A_10 = vector.load %arg1[%get3A_8, %get3A_9] : memref<640x128xf32, #tpu.memory_space<vmem>>, vector<640x128xf32>
    %get3A_11 = arith.constant 0 : index
    %get3A_12 = arith.constant 0 : index
    %get3A_13 = vector.load %arg2[%get3A_11, %get3A_12] : memref<128x128xf32, #tpu.memory_space<vmem>>, vector<128x128xf32>
    %dot_general3A = arith.constant dense<0.000000e+00> : vector<640x128xf32>
    %dot_general3A_14 = tpu.matmul %get3A_10, %get3A_13, %dot_general3A {dimension_numbers = #tpu.dot_dimension_numbers<[1], [0], [0], [1], [0, 0, 1, 1], [], []>, transpose_lhs_hint = false} : vector<640x128xf32>, vector<128x128xf32>, vector<640x128xf32> -> vector<640x128xf32>
    %mul3A = vector.broadcast %rsqrt3A : vector<640x1xf32> to vector<640x128xf32>
    %mul3A_15 = arith.mulf %dot_general3A_14, %mul3A : vector<640x128xf32>
    %swap3A = arith.constant 0 : index
    %swap3A_16 = arith.constant 0 : index
    %swap3A_17 = vector.load %arg5[%swap3A, %swap3A_16] : memref<640x128xf32, #tpu.memory_space<vmem>>, vector<640x128xf32>
    tpu.vector_store %arg5[%swap3A, %swap3A_16], %mul3A_15 {strides = array<i32>} : memref<640x128xf32, #tpu.memory_space<vmem>>, vector<640x128xf32>,
    return
  }
  func.func @transform_0(%arg0: i32) -> (i32, i32) {
    %c0_i32 = arith.constant 0 : i32
    %c0_i32_0 = arith.constant 0 : i32
    return %arg0, %c0_i32 : i32, i32
  }
  func.func @transform_1(%arg0: i32) -> (i32, i32) {
    %c0_i32 = arith.constant 0 : i32
    %c0_i32_0 = arith.constant 0 : i32
    %c0_i32_1 = arith.constant 0 : i32
    return %c0_i32, %c0_i32_0 : i32, i32
  }
  func.func @transform_2(%arg0: i32) -> (i32, i32) {
    %c0_i32 = arith.constant 0 : i32
    %c0_i32_0 = arith.constant 0 : i32
    return %arg0, %c0_i32 : i32, i32
  }
  func.func @transform_3(%arg0: i32) -> (i32, i32) {
    %c0_i32 = arith.constant 0 : i32
    %c0_i32_0 = arith.constant 0 : i32
    return %arg0, %c0_i32 : i32, i32
  }
  func.func @transform_4(%arg0: i32) -> (i32, i32) {
    %c0_i32 = arith.constant 0 : i32
    %c0_i32_0 = arith.constant 0 : i32
    return %arg0, %c0_i32 : i32, i32
  }
}

module attributes {stable_mosaic.version = 14 : i64} {
  func.func @_post_body_mm(%arg0: i32, %arg1: i32, %arg2: memref<640x64xf32, #tpu.memory_space<vmem>>, %arg3: memref<640x64xf32, #tpu.memory_space<vmem>>, %arg4: memref<640x128xf32, #tpu.memory_space<vmem>>, %arg5: memref<640x1xf32, #tpu.memory_space<vmem>>, %arg6: memref<640x1xf32, #tpu.memory_space<vmem>>, %arg7: memref<1x128xf32, #tpu.memory_space<vmem>>, %arg8: memref<640x128xf32, #tpu.memory_space<vmem>>, %arg9: memref<1x128xf32, #tpu.memory_space<vmem>>, %arg10: memref<1x128xf32, #tpu.memory_space<vmem>>, %arg11: memref<128x128xf32, #tpu.memory_space<vmem>>, %arg12: memref<640x128xf32, #tpu.memory_space<vmem>>, %arg13: memref<640x128xf32, #tpu.memory_space<vmem>>, %arg14: memref<10240x128xf32, #tpu.memory_space<vmem>>, %arg15: memref<1x128xf32, #tpu.memory_space<vmem>>, %arg16: memref<1x128xf32, #tpu.memory_space<vmem>>) attributes {dimension_semantics = [#tpu.dimension_semantics<arbitrary>, #tpu.dimension_semantics<arbitrary>], iteration_bounds = array<i64: 2, 16>, scalar_prefetch = 0 : i64, scratch_operands = 3 : i64, tpu.core_type = #tpu.core_type<tc>, window_params = [{transform_indices = @transform_0, window_bounds = array<i64: 640, 64>}, {transform_indices = @transform_1, window_bounds = array<i64: 640, 64>}, {transform_indices = @transform_2, window_bounds = array<i64: 640, 128>}, {transform_indices = @transform_3, window_bounds = array<i64: 640, 1>}, {transform_indices = @transform_4, window_bounds = array<i64: 640, 1>}, {pipeline_mode = #tpu.pipeline_mode<synchronous>, transform_indices = @transform_5, window_bounds = array<i64: 1, 128>}, {transform_indices = @transform_6, window_bounds = array<i64: 640, 128>}, {pipeline_mode = #tpu.pipeline_mode<synchronous>, transform_indices = @transform_7, window_bounds = array<i64: 1, 128>}, {pipeline_mode = #tpu.pipeline_mode<synchronous>, transform_indices = @transform_8, window_bounds = array<i64: 1, 128>}, {pipeline_mode = #tpu.pipeline_mode<synchronous>, transform_indices = @transform_9, window_bounds = array<i64: 128, 128>}, {transform_indices = @transform_10, window_bounds = array<i64: 640, 128>}, {transform_indices = @transform_11, window_bounds = array<i64: 640, 128>}]} {
    %get3A = arith.constant 0 : index
    %get3A_0 = arith.constant 0 : index
    %get3A_1 = vector.load %arg5[%get3A, %get3A_0] : memref<640x1xf32, #tpu.memory_space<vmem>>, vector<640x1xf32>
    %get3A_2 = arith.constant 0 : index
    %get3A_3 = arith.constant 0 : index
    %get3A_4 = vector.load %arg6[%get3A_2, %get3A_3] : memref<640x1xf32, #tpu.memory_space<vmem>>, vector<640x1xf32>
    %add3A = arith.addf %get3A_1, %get3A_4 : vector<640x1xf32>
    %add3A_5 = arith.constant 1.000000e+00 : f32
    %add3A_6 = vector.broadcast %add3A_5 : f32 to vector<640x1xf32>
    %add3A_7 = arith.addf %add3A, %add3A_6 : vector<640x1xf32>
    %rsqrt3A = math.rsqrt %add3A_7 : vector<640x1xf32>
    %iota3A = tpu.iota {dimensions = array<i32: 0>} : vector<640x1xi32>
    %mul3A = arith.constant 640 : i32
    %mul3A_8 = arith.muli %arg1, %mul3A : i32
    %add3A_9 = vector.broadcast %mul3A_8 : i32 to vector<640x1xi32>
    %add3A_10 = arith.addi %iota3A, %add3A_9 : vector<640x1xi32>
    %eq3A = arith.constant 0 : i32
    %eq3A_11 = arith.cmpi eq, %arg0, %eq3A : i32
    %convert_element_type3A = arith.extui %eq3A_11 : i1 to i32
    %cond3A = arith.constant 0 : i32
    %cond3A_12 = arith.cmpi ne, %convert_element_type3A, %cond3A : i32
    scf.if %cond3A_12 {
      %get3A_18 = arith.constant 0 : index
      %get3A_19 = arith.constant 0 : index
      %get3A_20 = vector.load %arg2[%get3A_18, %get3A_19] : memref<640x64xf32, #tpu.memory_space<vmem>>, vector<640x64xf32>
      %get3A_21 = arith.constant 0 : index
      %get3A_22 = arith.constant 0 : index
      %get3A_23 = vector.load %arg3[%get3A_21, %get3A_22] : memref<640x64xf32, #tpu.memory_space<vmem>>, vector<640x64xf32>
      %concatenate3A = tpu.concatenate %get3A_20, %get3A_23 in 1 : vector<640x64xf32>, vector<640x64xf32> -> vector<640x128xf32>
      %get3A_24 = arith.constant 0 : index
      %get3A_25 = arith.constant 0 : index
      %get3A_26 = vector.load %arg4[%get3A_24, %get3A_25] : memref<640x128xf32, #tpu.memory_space<vmem>>, vector<640x128xf32>
      %add3A_27 = arith.addf %concatenate3A, %get3A_26 : vector<640x128xf32>
      %mul3A_28 = vector.broadcast %rsqrt3A : vector<640x1xf32> to vector<640x128xf32>
      %mul3A_29 = arith.mulf %add3A_27, %mul3A_28 : vector<640x128xf32>
      %get3A_30 = arith.constant 0 : index
      %get3A_31 = arith.constant 0 : index
      %get3A_32 = vector.load %arg7[%get3A_30, %get3A_31] : memref<1x128xf32, #tpu.memory_space<vmem>>, vector<1x128xf32>
      %add3A_33 = vector.broadcast %get3A_32 : vector<1x128xf32> to vector<640x128xf32>
      %add3A_34 = arith.addf %mul3A_29, %add3A_33 : vector<640x128xf32>
      %lt3A = arith.constant 10000 : i32
      %lt3A_35 = vector.broadcast %lt3A : i32 to vector<640x1xi32>
      %lt3A_36 = arith.cmpi slt, %add3A_10, %lt3A_35 : vector<640x1xi32>
      %jit3A = arith.constant 0.000000e+00 : f32
      %broadcast_in_dim3A = vector.shape_cast %lt3A_36 : vector<640x1xi1> to vector<640x1xi1>
      %broadcast_in_dim3A_37 = vector.broadcast %broadcast_in_dim3A : vector<640x1xi1> to vector<640x128xi1>
      %broadcast_in_dim3A_38 = vector.broadcast %jit3A : f32 to vector<640x128xf32>
      %select_n3A = arith.select %broadcast_in_dim3A_37, %add3A_34, %broadcast_in_dim3A_38 : vector<640x128xi1>, vector<640x128xf32>
      %mul3A_39 = arith.constant 640 : i32
      %mul3A_40 = arith.muli %arg1, %mul3A_39 : i32
      %swap3A = arith.index_cast %mul3A_40 : i32 to index
      %swap3A_41 = arith.constant 0 : index
      %swap3A_42 = vector.load %arg14[%swap3A, %swap3A_41] : memref<10240x128xf32, #tpu.memory_space<vmem>>, vector<640x128xf32>
      tpu.vector_store %arg14[%swap3A, %swap3A_41], %select_n3A {strides = array<i32>} : memref<10240x128xf32, #tpu.memory_space<vmem>>, vector<640x128xf32>,
      %reduce_sum3A = arith.constant dense<0.000000e+00> : vector<128xf32>
      %reduce_sum3A_43 = vector.multi_reduction <add>, %select_n3A, %reduce_sum3A [0] : vector<640x128xf32> to vector<128xf32>
      %broadcast_in_dim3A_44 = vector.shape_cast %reduce_sum3A_43 : vector<128xf32> to vector<1x128xf32>
      %mul3A_45 = arith.mulf %select_n3A, %select_n3A : vector<640x128xf32>
      %reduce_sum3A_46 = arith.constant dense<0.000000e+00> : vector<128xf32>
      %reduce_sum3A_47 = vector.multi_reduction <add>, %mul3A_45, %reduce_sum3A_46 [0] : vector<640x128xf32> to vector<128xf32>
      %broadcast_in_dim3A_48 = vector.shape_cast %reduce_sum3A_47 : vector<128xf32> to vector<1x128xf32>
      %eq3A_49 = arith.constant 0 : i32
      %eq3A_50 = arith.cmpi eq, %arg1, %eq3A_49 : i32
      %convert_element_type3A_51 = arith.extui %eq3A_50 : i1 to i32
      %cond3A_52 = arith.constant 0 : i32
      %cond3A_53 = arith.cmpi ne, %convert_element_type3A_51, %cond3A_52 : i32
      scf.if %cond3A_53 {
        %swap3A_58 = arith.constant 0 : index
        %swap3A_59 = arith.constant 0 : index
        %swap3A_60 = vector.load %arg15[%swap3A_58, %swap3A_59] : memref<1x128xf32, #tpu.memory_space<vmem>>, vector<1x128xf32>
        tpu.vector_store %arg15[%swap3A_58, %swap3A_59], %broadcast_in_dim3A_44 {strides = array<i32>} : memref<1x128xf32, #tpu.memory_space<vmem>>, vector<1x128xf32>,
        %swap3A_61 = arith.constant 0 : index
        %swap3A_62 = arith.constant 0 : index
        %swap3A_63 = vector.load %arg16[%swap3A_61, %swap3A_62] : memref<1x128xf32, #tpu.memory_space<vmem>>, vector<1x128xf32>
        tpu.vector_store %arg16[%swap3A_61, %swap3A_62], %broadcast_in_dim3A_48 {strides = array<i32>} : memref<1x128xf32, #tpu.memory_space<vmem>>, vector<1x128xf32>,
      } else {
      }
      %gt3A = arith.constant 0 : i32
      %gt3A_54 = arith.cmpi sgt, %arg1, %gt3A : i32
      %convert_element_type3A_55 = arith.extui %gt3A_54 : i1 to i32
      %cond3A_56 = arith.constant 0 : i32
      %cond3A_57 = arith.cmpi ne, %convert_element_type3A_55, %cond3A_56 : i32
      scf.if %cond3A_57 {
        %get3A_58 = arith.constant 0 : index
        %get3A_59 = arith.constant 0 : index
        %get3A_60 = vector.load %arg15[%get3A_58, %get3A_59] : memref<1x128xf32, #tpu.memory_space<vmem>>, vector<1x128xf32>
        %add3A_61 = arith.addf %get3A_60, %broadcast_in_dim3A_44 : vector<1x128xf32>
        %swap3A_62 = arith.constant 0 : index
        %swap3A_63 = arith.constant 0 : index
        %swap3A_64 = vector.load %arg15[%swap3A_62, %swap3A_63] : memref<1x128xf32, #tpu.memory_space<vmem>>, vector<1x128xf32>
        tpu.vector_store %arg15[%swap3A_62, %swap3A_63], %add3A_61 {strides = array<i32>} : memref<1x128xf32, #tpu.memory_space<vmem>>, vector<1x128xf32>,
        %get3A_65 = arith.constant 0 : index
        %get3A_66 = arith.constant 0 : index
        %get3A_67 = vector.load %arg16[%get3A_65, %get3A_66] : memref<1x128xf32, #tpu.memory_space<vmem>>, vector<1x128xf32>
        %add3A_68 = arith.addf %get3A_67, %broadcast_in_dim3A_48 : vector<1x128xf32>
        %swap3A_69 = arith.constant 0 : index
        %swap3A_70 = arith.constant 0 : index
        %swap3A_71 = vector.load %arg16[%swap3A_69, %swap3A_70] : memref<1x128xf32, #tpu.memory_space<vmem>>, vector<1x128xf32>
        tpu.vector_store %arg16[%swap3A_69, %swap3A_70], %add3A_68 {strides = array<i32>} : memref<1x128xf32, #tpu.memory_space<vmem>>, vector<1x128xf32>,
      } else {
      }
    } else {
    }
    %eq3A_13 = arith.constant 1 : i32
    %eq3A_14 = arith.cmpi eq, %arg0, %eq3A_13 : i32
    %convert_element_type3A_15 = arith.extui %eq3A_14 : i1 to i32
    %cond3A_16 = arith.constant 0 : i32
    %cond3A_17 = arith.cmpi ne, %convert_element_type3A_15, %cond3A_16 : i32
    scf.if %cond3A_17 {
      %get3A_18 = arith.constant 0 : index
      %get3A_19 = arith.constant 0 : index
      %get3A_20 = vector.load %arg15[%get3A_18, %get3A_19] : memref<1x128xf32, #tpu.memory_space<vmem>>, vector<1x128xf32>
      %mul3A_21 = arith.constant 9.99999974E-5 : f32
      %mul3A_22 = vector.broadcast %mul3A_21 : f32 to vector<1x128xf32>
      %mul3A_23 = arith.mulf %get3A_20, %mul3A_22 : vector<1x128xf32>
      %get3A_24 = arith.constant 0 : index
      %get3A_25 = arith.constant 0 : index
      %get3A_26 = vector.load %arg16[%get3A_24, %get3A_25] : memref<1x128xf32, #tpu.memory_space<vmem>>, vector<1x128xf32>
      %mul3A_27 = arith.constant 9.99999974E-5 : f32
      %mul3A_28 = vector.broadcast %mul3A_27 : f32 to vector<1x128xf32>
      %mul3A_29 = arith.mulf %get3A_26, %mul3A_28 : vector<1x128xf32>
      %mul3A_30 = arith.mulf %mul3A_23, %mul3A_23 : vector<1x128xf32>
      %sub3A = arith.subf %mul3A_29, %mul3A_30 : vector<1x128xf32>
      %add3A_31 = arith.constant 9.99999974E-6 : f32
      %add3A_32 = vector.broadcast %add3A_31 : f32 to vector<1x128xf32>
      %add3A_33 = arith.addf %sub3A, %add3A_32 : vector<1x128xf32>
      %rsqrt3A_34 = math.rsqrt %add3A_33 : vector<1x128xf32>
      %get3A_35 = arith.constant 0 : index
      %get3A_36 = arith.constant 0 : index
      %get3A_37 = vector.load %arg9[%get3A_35, %get3A_36] : memref<1x128xf32, #tpu.memory_space<vmem>>, vector<1x128xf32>
      %mul3A_38 = arith.constant 640 : i32
      %mul3A_39 = arith.muli %arg1, %mul3A_38 : i32
      %get3A_40 = arith.index_cast %mul3A_39 : i32 to index
      %get3A_41 = arith.constant 0 : index
      %get3A_42 = vector.load %arg14[%get3A_40, %get3A_41] : memref<10240x128xf32, #tpu.memory_space<vmem>>, vector<640x128xf32>
      %sub3A_43 = vector.broadcast %mul3A_23 : vector<1x128xf32> to vector<640x128xf32>
      %sub3A_44 = arith.subf %get3A_42, %sub3A_43 : vector<640x128xf32>
      %mul3A_45 = vector.broadcast %get3A_37 : vector<1x128xf32> to vector<640x128xf32>
      %mul3A_46 = arith.mulf %mul3A_45, %sub3A_44 : vector<640x128xf32>
      %mul3A_47 = vector.broadcast %rsqrt3A_34 : vector<1x128xf32> to vector<640x128xf32>
      %mul3A_48 = arith.mulf %mul3A_46, %mul3A_47 : vector<640x128xf32>
      %get3A_49 = arith.constant 0 : index
      %get3A_50 = arith.constant 0 : index
      %get3A_51 = vector.load %arg10[%get3A_49, %get3A_50] : memref<1x128xf32, #tpu.memory_space<vmem>>, vector<1x128xf32>
      %add3A_52 = vector.broadcast %get3A_51 : vector<1x128xf32> to vector<640x128xf32>
      %add3A_53 = arith.addf %mul3A_48, %add3A_52 : vector<640x128xf32>
      %max3A = arith.constant 0.000000e+00 : f32
      %max3A_54 = vector.broadcast %max3A : f32 to vector<640x128xf32>
      %max3A_55 = arith.maximumf %add3A_53, %max3A_54 : vector<640x128xf32>
      %mul3A_56 = arith.mulf %max3A_55, %max3A_55 : vector<640x128xf32>
      %reduce_sum3A = arith.constant dense<0.000000e+00> : vector<640xf32>
      %reduce_sum3A_57 = vector.multi_reduction <add>, %mul3A_56, %reduce_sum3A [1] : vector<640x128xf32> to vector<640xf32>
      %broadcast_in_dim3A = vector.shape_cast %reduce_sum3A_57 : vector<640xf32> to vector<640x1xf32>
      %sqrt3A = math.sqrt %broadcast_in_dim3A : vector<640x1xf32>
      %max3A_58 = arith.constant 9.99999996E-13 : f32
      %max3A_59 = vector.broadcast %max3A_58 : f32 to vector<640x1xf32>
      %max3A_60 = arith.maximumf %sqrt3A, %max3A_59 : vector<640x1xf32>
      %div3A = vector.broadcast %max3A_60 : vector<640x1xf32> to vector<640x128xf32>
      %div3A_61 = arith.divf %max3A_55, %div3A : vector<640x128xf32>
      %get3A_62 = arith.constant 0 : index
      %get3A_63 = arith.constant 0 : index
      %get3A_64 = vector.load %arg8[%get3A_62, %get3A_63] : memref<640x128xf32, #tpu.memory_space<vmem>>, vector<640x128xf32>
      %add3A_65 = arith.addf %get3A_64, %div3A_61 : vector<640x128xf32>
      %lt3A = arith.constant 10000 : i32
      %lt3A_66 = vector.broadcast %lt3A : i32 to vector<640x1xi32>
      %lt3A_67 = arith.cmpi slt, %add3A_10, %lt3A_66 : vector<640x1xi32>
      %jit3A = arith.constant 0.000000e+00 : f32
      %broadcast_in_dim3A_68 = vector.shape_cast %lt3A_67 : vector<640x1xi1> to vector<640x1xi1>
      %broadcast_in_dim3A_69 = vector.broadcast %broadcast_in_dim3A_68 : vector<640x1xi1> to vector<640x128xi1>
      %broadcast_in_dim3A_70 = vector.broadcast %jit3A : f32 to vector<640x128xf32>
      %select_n3A = arith.select %broadcast_in_dim3A_69, %add3A_65, %broadcast_in_dim3A_70 : vector<640x128xi1>, vector<640x128xf32>
      %swap3A = arith.constant 0 : index
      %swap3A_71 = arith.constant 0 : index
      %swap3A_72 = vector.load %arg12[%swap3A, %swap3A_71] : memref<640x128xf32, #tpu.memory_space<vmem>>, vector<640x128xf32>
      tpu.vector_store %arg12[%swap3A, %swap3A_71], %select_n3A {strides = array<i32>} : memref<640x128xf32, #tpu.memory_space<vmem>>, vector<640x128xf32>,
      %get3A_73 = arith.constant 0 : index
      %get3A_74 = arith.constant 0 : index
      %get3A_75 = vector.load %arg11[%get3A_73, %get3A_74] : memref<128x128xf32, #tpu.memory_space<vmem>>, vector<128x128xf32>
      %dot_general3A = arith.constant dense<0.000000e+00> : vector<640x128xf32>
      %dot_general3A_76 = tpu.matmul %select_n3A, %get3A_75, %dot_general3A {dimension_numbers = #tpu.dot_dimension_numbers<[1], [0], [0], [1], [0, 0, 1, 1], [], []>, transpose_lhs_hint = false} : vector<640x128xf32>, vector<128x128xf32>, vector<640x128xf32> -> vector<640x128xf32>
      %mul3A_77 = vector.broadcast %rsqrt3A : vector<640x1xf32> to vector<640x128xf32>
      %mul3A_78 = arith.mulf %dot_general3A_76, %mul3A_77 : vector<640x128xf32>
      %swap3A_79 = arith.constant 0 : index
      %swap3A_80 = arith.constant 0 : index
      %swap3A_81 = vector.load %arg13[%swap3A_79, %swap3A_80] : memref<640x128xf32, #tpu.memory_space<vmem>>, vector<640x128xf32>
      tpu.vector_store %arg13[%swap3A_79, %swap3A_80], %mul3A_78 {strides = array<i32>} : memref<640x128xf32, #tpu.memory_space<vmem>>, vector<640x128xf32>,
    } else {
    }
    return
  }
  func.func @transform_0(%arg0: i32, %arg1: i32) -> (i32, i32) {
    %sub3A = arith.constant 1 : i32
    %sub3A_0 = arith.subi %sub3A, %arg0 : i32
    %mul3A = arith.muli %sub3A_0, %arg1 : i32
    %c0_i32 = arith.constant 0 : i32
    %c0_i32_1 = arith.constant 0 : i32
    return %mul3A, %c0_i32 : i32, i32
  }
  func.func @transform_1(%arg0: i32, %arg1: i32) -> (i32, i32) {
    %sub3A = arith.constant 1 : i32
    %sub3A_0 = arith.subi %sub3A, %arg0 : i32
    %mul3A = arith.muli %sub3A_0, %arg1 : i32
    %c0_i32 = arith.constant 0 : i32
    %c0_i32_1 = arith.constant 0 : i32
    return %mul3A, %c0_i32 : i32, i32
  }
  func.func @transform_2(%arg0: i32, %arg1: i32) -> (i32, i32) {
    %sub3A = arith.constant 1 : i32
    %sub3A_0 = arith.subi %sub3A, %arg0 : i32
    %mul3A = arith.muli %sub3A_0, %arg1 : i32
    %c0_i32 = arith.constant 0 : i32
    %c0_i32_1 = arith.constant 0 : i32
    return %mul3A, %c0_i32 : i32, i32
  }
  func.func @transform_3(%arg0: i32, %arg1: i32) -> (i32, i32) {
    %c0_i32 = arith.constant 0 : i32
    %c0_i32_0 = arith.constant 0 : i32
    return %arg1, %c0_i32 : i32, i32
  }
  func.func @transform_4(%arg0: i32, %arg1: i32) -> (i32, i32) {
    %c0_i32 = arith.constant 0 : i32
    %c0_i32_0 = arith.constant 0 : i32
    return %arg1, %c0_i32 : i32, i32
  }
  func.func @transform_5(%arg0: i32, %arg1: i32) -> (i32, i32) {
    %c0_i32 = arith.constant 0 : i32
    %c0_i32_0 = arith.constant 0 : i32
    %c0_i32_1 = arith.constant 0 : i32
    return %c0_i32, %c0_i32_0 : i32, i32
  }
  func.func @transform_6(%arg0: i32, %arg1: i32) -> (i32, i32) {
    %mul3A = arith.muli %arg0, %arg1 : i32
    %c0_i32 = arith.constant 0 : i32
    %c0_i32_0 = arith.constant 0 : i32
    return %mul3A, %c0_i32 : i32, i32
  }
  func.func @transform_7(%arg0: i32, %arg1: i32) -> (i32, i32) {
    %c0_i32 = arith.constant 0 : i32
    %c0_i32_0 = arith.constant 0 : i32
    %c0_i32_1 = arith.constant 0 : i32
    return %c0_i32, %c0_i32_0 : i32, i32
  }
  func.func @transform_8(%arg0: i32, %arg1: i32) -> (i32, i32) {
    %c0_i32 = arith.constant 0 : i32
    %c0_i32_0 = arith.constant 0 : i32
    %c0_i32_1 = arith.constant 0 : i32
    return %c0_i32, %c0_i32_0 : i32, i32
  }
  func.func @transform_9(%arg0: i32, %arg1: i32) -> (i32, i32) {
    %c0_i32 = arith.constant 0 : i32
    %c0_i32_0 = arith.constant 0 : i32
    %c0_i32_1 = arith.constant 0 : i32
    return %c0_i32, %c0_i32_0 : i32, i32
  }
  func.func @transform_10(%arg0: i32, %arg1: i32) -> (i32, i32) {
    %mul3A = arith.muli %arg0, %arg1 : i32
    %c0_i32 = arith.constant 0 : i32
    %c0_i32_0 = arith.constant 0 : i32
    return %mul3A, %c0_i32 : i32, i32
  }
  func.func @transform_11(%arg0: i32, %arg1: i32) -> (i32, i32) {
    %mul3A = arith.muli %arg0, %arg1 : i32
    %c0_i32 = arith.constant 0 : i32
    %c0_i32_0 = arith.constant 0 : i32
    return %mul3A, %c0_i32 : i32, i32
  }
}

module attributes {stable_mosaic.version = 14 : i64} {
  func.func @_post_body_final(%arg0: i32, %arg1: i32, %arg2: memref<640x64xf32, #tpu.memory_space<vmem>>, %arg3: memref<640x64xf32, #tpu.memory_space<vmem>>, %arg4: memref<640x128xf32, #tpu.memory_space<vmem>>, %arg5: memref<640x1xf32, #tpu.memory_space<vmem>>, %arg6: memref<640x1xf32, #tpu.memory_space<vmem>>, %arg7: memref<1x128xf32, #tpu.memory_space<vmem>>, %arg8: memref<640x128xf32, #tpu.memory_space<vmem>>, %arg9: memref<1x128xf32, #tpu.memory_space<vmem>>, %arg10: memref<1x128xf32, #tpu.memory_space<vmem>>, %arg11: memref<128x128xf32, #tpu.memory_space<vmem>>, %arg12: memref<640x128xf32, #tpu.memory_space<vmem>>, %arg13: memref<10240x128xf32, #tpu.memory_space<vmem>>, %arg14: memref<1x128xf32, #tpu.memory_space<vmem>>, %arg15: memref<1x128xf32, #tpu.memory_space<vmem>>) attributes {dimension_semantics = [#tpu.dimension_semantics<arbitrary>, #tpu.dimension_semantics<arbitrary>], iteration_bounds = array<i64: 2, 16>, scalar_prefetch = 0 : i64, scratch_operands = 3 : i64, tpu.core_type = #tpu.core_type<tc>, window_params = [{transform_indices = @transform_0, window_bounds = array<i64: 640, 64>}, {transform_indices = @transform_1, window_bounds = array<i64: 640, 64>}, {transform_indices = @transform_2, window_bounds = array<i64: 640, 128>}, {transform_indices = @transform_3, window_bounds = array<i64: 640, 1>}, {transform_indices = @transform_4, window_bounds = array<i64: 640, 1>}, {pipeline_mode = #tpu.pipeline_mode<synchronous>, transform_indices = @transform_5, window_bounds = array<i64: 1, 128>}, {transform_indices = @transform_6, window_bounds = array<i64: 640, 128>}, {pipeline_mode = #tpu.pipeline_mode<synchronous>, transform_indices = @transform_7, window_bounds = array<i64: 1, 128>}, {pipeline_mode = #tpu.pipeline_mode<synchronous>, transform_indices = @transform_8, window_bounds = array<i64: 1, 128>}, {pipeline_mode = #tpu.pipeline_mode<synchronous>, transform_indices = @transform_9, window_bounds = array<i64: 128, 128>}, {transform_indices = @transform_10, window_bounds = array<i64: 640, 128>}]} {
    %get3A = arith.constant 0 : index
    %get3A_0 = arith.constant 0 : index
    %get3A_1 = vector.load %arg5[%get3A, %get3A_0] : memref<640x1xf32, #tpu.memory_space<vmem>>, vector<640x1xf32>
    %get3A_2 = arith.constant 0 : index
    %get3A_3 = arith.constant 0 : index
    %get3A_4 = vector.load %arg6[%get3A_2, %get3A_3] : memref<640x1xf32, #tpu.memory_space<vmem>>, vector<640x1xf32>
    %add3A = arith.addf %get3A_1, %get3A_4 : vector<640x1xf32>
    %add3A_5 = arith.constant 1.000000e+00 : f32
    %add3A_6 = vector.broadcast %add3A_5 : f32 to vector<640x1xf32>
    %add3A_7 = arith.addf %add3A, %add3A_6 : vector<640x1xf32>
    %rsqrt3A = math.rsqrt %add3A_7 : vector<640x1xf32>
    %iota3A = tpu.iota {dimensions = array<i32: 0>} : vector<640x1xi32>
    %mul3A = arith.constant 640 : i32
    %mul3A_8 = arith.muli %arg1, %mul3A : i32
    %add3A_9 = vector.broadcast %mul3A_8 : i32 to vector<640x1xi32>
    %add3A_10 = arith.addi %iota3A, %add3A_9 : vector<640x1xi32>
    %eq3A = arith.constant 0 : i32
    %eq3A_11 = arith.cmpi eq, %arg0, %eq3A : i32
    %convert_element_type3A = arith.extui %eq3A_11 : i1 to i32
    %cond3A = arith.constant 0 : i32
    %cond3A_12 = arith.cmpi ne, %convert_element_type3A, %cond3A : i32
    scf.if %cond3A_12 {
      %get3A_18 = arith.constant 0 : index
      %get3A_19 = arith.constant 0 : index
      %get3A_20 = vector.load %arg2[%get3A_18, %get3A_19] : memref<640x64xf32, #tpu.memory_space<vmem>>, vector<640x64xf32>
      %get3A_21 = arith.constant 0 : index
      %get3A_22 = arith.constant 0 : index
      %get3A_23 = vector.load %arg3[%get3A_21, %get3A_22] : memref<640x64xf32, #tpu.memory_space<vmem>>, vector<640x64xf32>
      %concatenate3A = tpu.concatenate %get3A_20, %get3A_23 in 1 : vector<640x64xf32>, vector<640x64xf32> -> vector<640x128xf32>
      %get3A_24 = arith.constant 0 : index
      %get3A_25 = arith.constant 0 : index
      %get3A_26 = vector.load %arg4[%get3A_24, %get3A_25] : memref<640x128xf32, #tpu.memory_space<vmem>>, vector<640x128xf32>
      %add3A_27 = arith.addf %concatenate3A, %get3A_26 : vector<640x128xf32>
      %mul3A_28 = vector.broadcast %rsqrt3A : vector<640x1xf32> to vector<640x128xf32>
      %mul3A_29 = arith.mulf %add3A_27, %mul3A_28 : vector<640x128xf32>
      %get3A_30 = arith.constant 0 : index
      %get3A_31 = arith.constant 0 : index
      %get3A_32 = vector.load %arg7[%get3A_30, %get3A_31] : memref<1x128xf32, #tpu.memory_space<vmem>>, vector<1x128xf32>
      %add3A_33 = vector.broadcast %get3A_32 : vector<1x128xf32> to vector<640x128xf32>
      %add3A_34 = arith.addf %mul3A_29, %add3A_33 : vector<640x128xf32>
      %lt3A = arith.constant 10000 : i32
      %lt3A_35 = vector.broadcast %lt3A : i32 to vector<640x1xi32>
      %lt3A_36 = arith.cmpi slt, %add3A_10, %lt3A_35 : vector<640x1xi32>
      %jit3A = arith.constant 0.000000e+00 : f32
      %broadcast_in_dim3A = vector.shape_cast %lt3A_36 : vector<640x1xi1> to vector<640x1xi1>
      %broadcast_in_dim3A_37 = vector.broadcast %broadcast_in_dim3A : vector<640x1xi1> to vector<640x128xi1>
      %broadcast_in_dim3A_38 = vector.broadcast %jit3A : f32 to vector<640x128xf32>
      %select_n3A = arith.select %broadcast_in_dim3A_37, %add3A_34, %broadcast_in_dim3A_38 : vector<640x128xi1>, vector<640x128xf32>
      %mul3A_39 = arith.constant 640 : i32
      %mul3A_40 = arith.muli %arg1, %mul3A_39 : i32
      %swap3A = arith.index_cast %mul3A_40 : i32 to index
      %swap3A_41 = arith.constant 0 : index
      %swap3A_42 = vector.load %arg13[%swap3A, %swap3A_41] : memref<10240x128xf32, #tpu.memory_space<vmem>>, vector<640x128xf32>
      tpu.vector_store %arg13[%swap3A, %swap3A_41], %select_n3A {strides = array<i32>} : memref<10240x128xf32, #tpu.memory_space<vmem>>, vector<640x128xf32>,
      %reduce_sum3A = arith.constant dense<0.000000e+00> : vector<128xf32>
      %reduce_sum3A_43 = vector.multi_reduction <add>, %select_n3A, %reduce_sum3A [0] : vector<640x128xf32> to vector<128xf32>
      %broadcast_in_dim3A_44 = vector.shape_cast %reduce_sum3A_43 : vector<128xf32> to vector<1x128xf32>
      %mul3A_45 = arith.mulf %select_n3A, %select_n3A : vector<640x128xf32>
      %reduce_sum3A_46 = arith.constant dense<0.000000e+00> : vector<128xf32>
      %reduce_sum3A_47 = vector.multi_reduction <add>, %mul3A_45, %reduce_sum3A_46 [0] : vector<640x128xf32> to vector<128xf32>
      %broadcast_in_dim3A_48 = vector.shape_cast %reduce_sum3A_47 : vector<128xf32> to vector<1x128xf32>
      %eq3A_49 = arith.constant 0 : i32
      %eq3A_50 = arith.cmpi eq, %arg1, %eq3A_49 : i32
      %convert_element_type3A_51 = arith.extui %eq3A_50 : i1 to i32
      %cond3A_52 = arith.constant 0 : i32
      %cond3A_53 = arith.cmpi ne, %convert_element_type3A_51, %cond3A_52 : i32
      scf.if %cond3A_53 {
        %swap3A_58 = arith.constant 0 : index
        %swap3A_59 = arith.constant 0 : index
        %swap3A_60 = vector.load %arg14[%swap3A_58, %swap3A_59] : memref<1x128xf32, #tpu.memory_space<vmem>>, vector<1x128xf32>
        tpu.vector_store %arg14[%swap3A_58, %swap3A_59], %broadcast_in_dim3A_44 {strides = array<i32>} : memref<1x128xf32, #tpu.memory_space<vmem>>, vector<1x128xf32>,
        %swap3A_61 = arith.constant 0 : index
        %swap3A_62 = arith.constant 0 : index
        %swap3A_63 = vector.load %arg15[%swap3A_61, %swap3A_62] : memref<1x128xf32, #tpu.memory_space<vmem>>, vector<1x128xf32>
        tpu.vector_store %arg15[%swap3A_61, %swap3A_62], %broadcast_in_dim3A_48 {strides = array<i32>} : memref<1x128xf32, #tpu.memory_space<vmem>>, vector<1x128xf32>,
      } else {
      }
      %gt3A = arith.constant 0 : i32
      %gt3A_54 = arith.cmpi sgt, %arg1, %gt3A : i32
      %convert_element_type3A_55 = arith.extui %gt3A_54 : i1 to i32
      %cond3A_56 = arith.constant 0 : i32
      %cond3A_57 = arith.cmpi ne, %convert_element_type3A_55, %cond3A_56 : i32
      scf.if %cond3A_57 {
        %get3A_58 = arith.constant 0 : index
        %get3A_59 = arith.constant 0 : index
        %get3A_60 = vector.load %arg14[%get3A_58, %get3A_59] : memref<1x128xf32, #tpu.memory_space<vmem>>, vector<1x128xf32>
        %add3A_61 = arith.addf %get3A_60, %broadcast_in_dim3A_44 : vector<1x128xf32>
        %swap3A_62 = arith.constant 0 : index
        %swap3A_63 = arith.constant 0 : index
        %swap3A_64 = vector.load %arg14[%swap3A_62, %swap3A_63] : memref<1x128xf32, #tpu.memory_space<vmem>>, vector<1x128xf32>
        tpu.vector_store %arg14[%swap3A_62, %swap3A_63], %add3A_61 {strides = array<i32>} : memref<1x128xf32, #tpu.memory_space<vmem>>, vector<1x128xf32>,
        %get3A_65 = arith.constant 0 : index
        %get3A_66 = arith.constant 0 : index
        %get3A_67 = vector.load %arg15[%get3A_65, %get3A_66] : memref<1x128xf32, #tpu.memory_space<vmem>>, vector<1x128xf32>
        %add3A_68 = arith.addf %get3A_67, %broadcast_in_dim3A_48 : vector<1x128xf32>
        %swap3A_69 = arith.constant 0 : index
        %swap3A_70 = arith.constant 0 : index
        %swap3A_71 = vector.load %arg15[%swap3A_69, %swap3A_70] : memref<1x128xf32, #tpu.memory_space<vmem>>, vector<1x128xf32>
        tpu.vector_store %arg15[%swap3A_69, %swap3A_70], %add3A_68 {strides = array<i32>} : memref<1x128xf32, #tpu.memory_space<vmem>>, vector<1x128xf32>,
      } else {
      }
    } else {
    }
    %eq3A_13 = arith.constant 1 : i32
    %eq3A_14 = arith.cmpi eq, %arg0, %eq3A_13 : i32
    %convert_element_type3A_15 = arith.extui %eq3A_14 : i1 to i32
    %cond3A_16 = arith.constant 0 : i32
    %cond3A_17 = arith.cmpi ne, %convert_element_type3A_15, %cond3A_16 : i32
    scf.if %cond3A_17 {
      %get3A_18 = arith.constant 0 : index
      %get3A_19 = arith.constant 0 : index
      %get3A_20 = vector.load %arg14[%get3A_18, %get3A_19] : memref<1x128xf32, #tpu.memory_space<vmem>>, vector<1x128xf32>
      %mul3A_21 = arith.constant 9.99999974E-5 : f32
      %mul3A_22 = vector.broadcast %mul3A_21 : f32 to vector<1x128xf32>
      %mul3A_23 = arith.mulf %get3A_20, %mul3A_22 : vector<1x128xf32>
      %get3A_24 = arith.constant 0 : index
      %get3A_25 = arith.constant 0 : index
      %get3A_26 = vector.load %arg15[%get3A_24, %get3A_25] : memref<1x128xf32, #tpu.memory_space<vmem>>, vector<1x128xf32>
      %mul3A_27 = arith.constant 9.99999974E-5 : f32
      %mul3A_28 = vector.broadcast %mul3A_27 : f32 to vector<1x128xf32>
      %mul3A_29 = arith.mulf %get3A_26, %mul3A_28 : vector<1x128xf32>
      %mul3A_30 = arith.mulf %mul3A_23, %mul3A_23 : vector<1x128xf32>
      %sub3A = arith.subf %mul3A_29, %mul3A_30 : vector<1x128xf32>
      %add3A_31 = arith.constant 9.99999974E-6 : f32
      %add3A_32 = vector.broadcast %add3A_31 : f32 to vector<1x128xf32>
      %add3A_33 = arith.addf %sub3A, %add3A_32 : vector<1x128xf32>
      %rsqrt3A_34 = math.rsqrt %add3A_33 : vector<1x128xf32>
      %get3A_35 = arith.constant 0 : index
      %get3A_36 = arith.constant 0 : index
      %get3A_37 = vector.load %arg9[%get3A_35, %get3A_36] : memref<1x128xf32, #tpu.memory_space<vmem>>, vector<1x128xf32>
      %mul3A_38 = arith.constant 640 : i32
      %mul3A_39 = arith.muli %arg1, %mul3A_38 : i32
      %get3A_40 = arith.index_cast %mul3A_39 : i32 to index
      %get3A_41 = arith.constant 0 : index
      %get3A_42 = vector.load %arg13[%get3A_40, %get3A_41] : memref<10240x128xf32, #tpu.memory_space<vmem>>, vector<640x128xf32>
      %sub3A_43 = vector.broadcast %mul3A_23 : vector<1x128xf32> to vector<640x128xf32>
      %sub3A_44 = arith.subf %get3A_42, %sub3A_43 : vector<640x128xf32>
      %mul3A_45 = vector.broadcast %get3A_37 : vector<1x128xf32> to vector<640x128xf32>
      %mul3A_46 = arith.mulf %mul3A_45, %sub3A_44 : vector<640x128xf32>
      %mul3A_47 = vector.broadcast %rsqrt3A_34 : vector<1x128xf32> to vector<640x128xf32>
      %mul3A_48 = arith.mulf %mul3A_46, %mul3A_47 : vector<640x128xf32>
      %get3A_49 = arith.constant 0 : index
      %get3A_50 = arith.constant 0 : index
      %get3A_51 = vector.load %arg10[%get3A_49, %get3A_50] : memref<1x128xf32, #tpu.memory_space<vmem>>, vector<1x128xf32>
      %add3A_52 = vector.broadcast %get3A_51 : vector<1x128xf32> to vector<640x128xf32>
      %add3A_53 = arith.addf %mul3A_48, %add3A_52 : vector<640x128xf32>
      %max3A = arith.constant 0.000000e+00 : f32
      %max3A_54 = vector.broadcast %max3A : f32 to vector<640x128xf32>
      %max3A_55 = arith.maximumf %add3A_53, %max3A_54 : vector<640x128xf32>
      %mul3A_56 = arith.mulf %max3A_55, %max3A_55 : vector<640x128xf32>
      %reduce_sum3A = arith.constant dense<0.000000e+00> : vector<640xf32>
      %reduce_sum3A_57 = vector.multi_reduction <add>, %mul3A_56, %reduce_sum3A [1] : vector<640x128xf32> to vector<640xf32>
      %broadcast_in_dim3A = vector.shape_cast %reduce_sum3A_57 : vector<640xf32> to vector<640x1xf32>
      %sqrt3A = math.sqrt %broadcast_in_dim3A : vector<640x1xf32>
      %max3A_58 = arith.constant 9.99999996E-13 : f32
      %max3A_59 = vector.broadcast %max3A_58 : f32 to vector<640x1xf32>
      %max3A_60 = arith.maximumf %sqrt3A, %max3A_59 : vector<640x1xf32>
      %div3A = vector.broadcast %max3A_60 : vector<640x1xf32> to vector<640x128xf32>
      %div3A_61 = arith.divf %max3A_55, %div3A : vector<640x128xf32>
      %get3A_62 = arith.constant 0 : index
      %get3A_63 = arith.constant 0 : index
      %get3A_64 = vector.load %arg8[%get3A_62, %get3A_63] : memref<640x128xf32, #tpu.memory_space<vmem>>, vector<640x128xf32>
      %add3A_65 = arith.addf %get3A_64, %div3A_61 : vector<640x128xf32>
      %mul3A_66 = arith.mulf %add3A_65, %add3A_65 : vector<640x128xf32>
      %reduce_sum3A_67 = arith.constant dense<0.000000e+00> : vector<640xf32>
      %reduce_sum3A_68 = vector.multi_reduction <add>, %mul3A_66, %reduce_sum3A_67 [1] : vector<640x128xf32> to vector<640xf32>
      %broadcast_in_dim3A_69 = vector.shape_cast %reduce_sum3A_68 : vector<640xf32> to vector<640x1xf32>
      %sqrt3A_70 = math.sqrt %broadcast_in_dim3A_69 : vector<640x1xf32>
      %max3A_71 = arith.constant 9.99999996E-13 : f32
      %max3A_72 = vector.broadcast %max3A_71 : f32 to vector<640x1xf32>
      %max3A_73 = arith.maximumf %sqrt3A_70, %max3A_72 : vector<640x1xf32>
      %div3A_74 = vector.broadcast %max3A_73 : vector<640x1xf32> to vector<640x128xf32>
      %div3A_75 = arith.divf %add3A_65, %div3A_74 : vector<640x128xf32>
      %lt3A = arith.constant 10000 : i32
      %lt3A_76 = vector.broadcast %lt3A : i32 to vector<640x1xi32>
      %lt3A_77 = arith.cmpi slt, %add3A_10, %lt3A_76 : vector<640x1xi32>
      %jit3A = arith.constant 0.000000e+00 : f32
      %broadcast_in_dim3A_78 = vector.shape_cast %lt3A_77 : vector<640x1xi1> to vector<640x1xi1>
      %broadcast_in_dim3A_79 = vector.broadcast %broadcast_in_dim3A_78 : vector<640x1xi1> to vector<640x128xi1>
      %broadcast_in_dim3A_80 = vector.broadcast %jit3A : f32 to vector<640x128xf32>
      %select_n3A = arith.select %broadcast_in_dim3A_79, %div3A_75, %broadcast_in_dim3A_80 : vector<640x128xi1>, vector<640x128xf32>
      %swap3A = arith.constant 0 : index
      %swap3A_81 = arith.constant 0 : index
      %swap3A_82 = vector.load %arg12[%swap3A, %swap3A_81] : memref<640x128xf32, #tpu.memory_space<vmem>>, vector<640x128xf32>
      tpu.vector_store %arg12[%swap3A, %swap3A_81], %select_n3A {strides = array<i32>} : memref<640x128xf32, #tpu.memory_space<vmem>>, vector<640x128xf32>,
    } else {
    }
    return
  }
  func.func @transform_0(%arg0: i32, %arg1: i32) -> (i32, i32) {
    %sub3A = arith.constant 1 : i32
    %sub3A_0 = arith.subi %sub3A, %arg0 : i32
    %mul3A = arith.muli %sub3A_0, %arg1 : i32
    %c0_i32 = arith.constant 0 : i32
    %c0_i32_1 = arith.constant 0 : i32
    return %mul3A, %c0_i32 : i32, i32
  }
  func.func @transform_1(%arg0: i32, %arg1: i32) -> (i32, i32) {
    %sub3A = arith.constant 1 : i32
    %sub3A_0 = arith.subi %sub3A, %arg0 : i32
    %mul3A = arith.muli %sub3A_0, %arg1 : i32
    %c0_i32 = arith.constant 0 : i32
    %c0_i32_1 = arith.constant 0 : i32
    return %mul3A, %c0_i32 : i32, i32
  }
  func.func @transform_2(%arg0: i32, %arg1: i32) -> (i32, i32) {
    %sub3A = arith.constant 1 : i32
    %sub3A_0 = arith.subi %sub3A, %arg0 : i32
    %mul3A = arith.muli %sub3A_0, %arg1 : i32
    %c0_i32 = arith.constant 0 : i32
    %c0_i32_1 = arith.constant 0 : i32
    return %mul3A, %c0_i32 : i32, i32
  }
  func.func @transform_3(%arg0: i32, %arg1: i32) -> (i32, i32) {
    %c0_i32 = arith.constant 0 : i32
    %c0_i32_0 = arith.constant 0 : i32
    return %arg1, %c0_i32 : i32, i32
  }
  func.func @transform_4(%arg0: i32, %arg1: i32) -> (i32, i32) {
    %c0_i32 = arith.constant 0 : i32
    %c0_i32_0 = arith.constant 0 : i32
    return %arg1, %c0_i32 : i32, i32
  }
  func.func @transform_5(%arg0: i32, %arg1: i32) -> (i32, i32) {
    %c0_i32 = arith.constant 0 : i32
    %c0_i32_0 = arith.constant 0 : i32
    %c0_i32_1 = arith.constant 0 : i32
    return %c0_i32, %c0_i32_0 : i32, i32
  }
  func.func @transform_6(%arg0: i32, %arg1: i32) -> (i32, i32) {
    %mul3A = arith.muli %arg0, %arg1 : i32
    %c0_i32 = arith.constant 0 : i32
    %c0_i32_0 = arith.constant 0 : i32
    return %mul3A, %c0_i32 : i32, i32
  }
  func.func @transform_7(%arg0: i32, %arg1: i32) -> (i32, i32) {
    %c0_i32 = arith.constant 0 : i32
    %c0_i32_0 = arith.constant 0 : i32
    %c0_i32_1 = arith.constant 0 : i32
    return %c0_i32, %c0_i32_0 : i32, i32
  }
  func.func @transform_8(%arg0: i32, %arg1: i32) -> (i32, i32) {
    %c0_i32 = arith.constant 0 : i32
    %c0_i32_0 = arith.constant 0 : i32
    %c0_i32_1 = arith.constant 0 : i32
    return %c0_i32, %c0_i32_0 : i32, i32
  }
  func.func @transform_9(%arg0: i32, %arg1: i32) -> (i32, i32) {
    %c0_i32 = arith.constant 0 : i32
    %c0_i32_0 = arith.constant 0 : i32
    %c0_i32_1 = arith.constant 0 : i32
    return %c0_i32, %c0_i32_0 : i32, i32
  }
  func.func @transform_10(%arg0: i32, %arg1: i32) -> (i32, i32) {
    %mul3A = arith.muli %arg0, %arg1 : i32
    %c0_i32 = arith.constant 0 : i32
    %c0_i32_0 = arith.constant 0 : i32
    return %mul3A, %c0_i32 : i32, i32
  }
}

</mosaic_0001>

<sc_bundles>
// kernel: kernel.10.cloned.1.call-start
scs
__scs_entry_jumppad:
0x0: {  	(pc) =	sbr.rel $0x88, $3  }
0x1: {  	(tag) =	ssettag $0x0;
	lr =	simm.s32 $0x1  }
0x2: {  	[smem:$0x3F9B] =	sst lr;
	_ =	strace $0xD0000000  }
0x3: {  	_ = 	snop  }
0x4: {  	_ = 	snop  }
0x5: {  	_ = 	snop  }
0x6: {  	_ = 	snop  }
0x7: {  	_ = 	snop  }
__scs_overlays_trampoline_lowered:
0x8: {  	[smem:$0x3FAA] =	sst s0  }
0x9: {  	[smem:$0x3FAB] =	sst s1  }
0xa: {  	[smem:$0x3FAC] =	sst s2  }
0xb: {  	[smem:$0x3FAD] =	sst s3  }
0xc: {  	[smem:$0x3FAE] =	sst s4  }
0xd: {  	[smem:$0x3FAF] =	sst s5  }
0xe: {  	[smem:$0x3FB0] =	sst s6  }
0xf: {  	[smem:$0x3FB1] =	sst s7  }
0x10: {  	[smem:$0x3FB2] =	sst s8  }
0x11: {  	[smem:$0x3FB3] =	sst s9;
	s0 =	simm.s32 @!p0 $0x0  }
0x12: {  	s1 =	sld [smem:$0x3F99];
	s0 =	simm.s32 @p0 $0x1  }
0x13: {  	[smem:$0x3FB4] =	sst s0;
	s0 =	simm.s32 @!p1 $0x0  }
0x14: {  	s2 =	sld [smem:$0x3F98];
	s0 =	simm.s32 @p1 $0x1  }
0x15: {  	[smem:$0x3FB5] =	sst s0;
	s0 =	simm.s32 @!p2 $0x0  }
0x16: {  	s3 =	sld [smem:$0x3FDB];
	s0 =	simm.s32 @p2 $0x1  }
0x17: {  	s4 =	simm.s32 $0x1BF5;
	[smem:$0x3FB7] =	sst s0  }
0x18: {  	s0 =	sld [smem:$0x3F9A];
	_ =	swait.ge [sflag:s4], $0x0  }
0x19: {  	s7 =	sld [smem:$0x3F9B]  }
0x1a: {  	s8 =	sadd.s32 $0xFFFFE003, lr  }
0x1b: {  	s9 =	sadd.s32 $0xFFFFFEF7, lr;
	s5 =	simm.s32 $0xFFFFFFFF;
	p2 =	slt.u32 s8, $0xFFFFF086  }
0x1c: {  	p1 =	slt.u32 s9, $0xF7A;
	s5 =	simm.s32 @!p2 $0x0  }
0x1d: {  	s5 =	simm.s32 @p1 $0x1;
	p0 =	seq.s32 s7, s2  }
0x1e: {  	s7 =	smul.u32 @!p0 $0xF7A, s2;
	p2 =	seq.s32 @!p0 s5, $0x0  }
0x1f: {  	s9 =	smul.u32 $0xF7A, s1;
	s8 =	simm.s32 @!p0 $0x1BF5;
	p2 =	por !p2, p0  }
0x20: {  	[sflag:s8] =	ssyncset.s32 @!p0 $0xFFFFF086;
	s6 =	sadd.s32 @!p0 s3, s7;
	s7 =	simm.s32 @!p0 $0x108  }
0x21: {  	s3 =	sadd.s32 s3, s9;
	s6 =	sadd.s32 @!p0 $0x88, s6;
	s7 =	simm.s32 @p2 $0x1082  }
0x22: {  	[simem:s7], [sflag:s8] =	dma.local @!p0 [hbm:s6], $0xF7A  }
0x23: {  	s9 =	sor.u32 $0xD0000000, s2;
	s6 =	simm.s32 $0x108;
	_ =	swait.ge @!p0 [sflag:s8], $0x0  }
0x24: {  	s3 =	sadd.s32 $0x88, s3;
	s6 =	simm.s32 @!p1 $0x1082;
	[sflag:s4] =	ssyncset.s32 $0xFFFFF086  }
0x25: {  	[simem:s6], [sflag:s4] =	dma.local [hbm:s3], $0xF7A  }
0x26: {  	[smem:$0x3F9B] =	sst s1;
	(tag) =	ssettag s2;
	_ =	strace s9  }
0x27: {  	s1 =	sld [smem:$0x3FAB]  }
0x28: {  	s2 =	sld [smem:$0x3FAC]  }
0x29: {  	s4 =	sld [smem:$0x3FAE]  }
0x2a: {  	p0 =	seq.s32 s5, $0x0;
	s5 =	sld [smem:$0x3FAF]  }
0x2b: {  	s6 =	sld [smem:$0x3FB0]  }
0x2c: {  	s7 =	sld [smem:$0x3FB1]  }
0x2d: {  	s3 =	simm.s32 $0x108;
	s8 =	sld [smem:$0x3FB2]  }
0x2e: {  	s3 =	simm.s32 @!p0 $0x1082;
	s9 =	sld [smem:$0x3FB3]  }
0x2f: {  	lr =	sadd.s32 s0, s3;
	s0 =	sld [smem:$0x3FAA]  }
0x30: {  	s3 =	sld [smem:$0x3FAD]  }
0x31: {  	[smem:$0x3FB6] =	sst s10  }
0x32: {  	s10 =	sld [smem:$0x3FB4];
	_ =	sdelay $0x3  }
0x33: {  	p0 =	seq.s32 s10, $0x1;
	s10 =	sld [smem:$0x3FB6];
	_ =	sdelay $0x3  }
0x34: {  	[smem:$0x3FB6] =	sst s10  }
0x35: {  	s10 =	sld [smem:$0x3FB5];
	_ =	sdelay $0x3  }
0x36: {  	p1 =	seq.s32 s10, $0x1;
	s10 =	sld [smem:$0x3FB6];
	_ =	sdelay $0x3  }
0x37: {  	[smem:$0x3FB6] =	sst s10  }
0x38: {  	s10 =	sld [smem:$0x3FB7]  }
0x39: {  	_ = 	snop;
	(pc) =	sbr.ind lr, $3  }
0x3a: {  	_ = 	snop  }
0x3b: {  	_ = 	snop  }
0x3c: {  	p2 =	seq.s32 s10, $0x1;
	s10 =	sld [smem:$0x3FB6]  }
0x3d: {  	_ =	shalt  }
0x3e: {  	_ =	shalt  }
0x3f: {  	_ =	shalt  }
0x40: {  	_ =	shalt  }
0x41: {  	_ =	shalt  }
0x42: {  	_ =	shalt  }
0x43: {  	_ =	shalt  }
0x44: {  	_ =	shalt  }
0x45: {  	_ =	shalt  }
0x46: {  	_ =	shalt  }
0x47: {  	_ =	shalt  }
0x48: {  	_ =	shalt  }
0x49: {  	_ =	shalt  }
0x4a: {  	_ =	shalt  }
0x4b: {  	_ =	shalt  }
0x4c: {  	_ =	shalt  }
0x4d: {  	_ =	shalt  }
0x4e: {  	_ =	shalt  }
0x4f: {  	_ =	shalt  }
0x50: {  	_ =	shalt  }
0x51: {  	_ =	shalt  }
0x52: {  	_ =	shalt  }
0x53: {  	_ =	shalt  }
0x54: {  	_ =	shalt  }
0x55: {  	_ =	shalt  }
0x56: {  	_ =	shalt  }
0x57: {  	_ =	shalt  }
0x58: {  	_ =	shalt  }
0x59: {  	_ =	shalt  }
0x5a: {  	_ =	shalt  }
0x5b: {  	_ =	shalt  }
0x5c: {  	_ =	shalt  }
0x5d: {  	_ =	shalt  }
0x5e: {  	_ =	shalt  }
0x5f: {  	_ =	shalt  }
0x60: {  	_ =	shalt  }
0x61: {  	_ =	shalt  }
0x62: {  	_ =	shalt  }
0x63: {  	_ =	shalt  }
0x64: {  	_ =	shalt  }
0x65: {  	_ =	shalt  }
0x66: {  	_ =	shalt  }
0x67: {  	_ =	shalt  }
0x68: {  	_ =	shalt  }
0x69: {  	_ =	shalt  }
0x6a: {  	_ =	shalt  }
0x6b: {  	_ =	shalt  }
0x6c: {  	_ =	shalt  }
0x6d: {  	_ =	shalt  }
0x6e: {  	_ =	shalt  }
0x6f: {  	_ =	shalt  }
0x70: {  	_ =	shalt  }
0x71: {  	_ =	shalt  }
0x72: {  	_ =	shalt  }
0x73: {  	_ =	shalt  }
0x74: {  	_ =	shalt  }
0x75: {  	_ =	shalt  }
0x76: {  	_ =	shalt  }
0x77: {  	_ =	shalt  }
0x78: {  	_ =	shalt  }
0x79: {  	_ =	shalt  }
0x7a: {  	_ =	shalt  }
0x7b: {  	_ =	shalt  }
0x7c: {  	_ =	shalt  }
0x7d: {  	_ =	shalt  }
0x7e: {  	_ =	shalt  }
0x7f: {  	_ =	shalt  }
0x80: {  	_ =	shalt  }
0x81: {  	_ =	shalt  }
0x82: {  	_ =	shalt  }
0x83: {  	_ =	shalt  }
0x84: {  	_ =	shalt  }
0x85: {  	_ =	shalt  }
0x86: {  	_ =	shalt  }
0x87: {  	_ =	shalt  }
.Lfunc_end0:
.L_simem_size_0:
called_computation_lowered:
.L_overlay_start_0:
0x88: {  	s2 =	sld [smem:$0x3FD9]  }
0x89: {  	s3 =	sld [smem:$0x3FFE];
	_ =	sdelay $0x1  }
0x8a: {  	s1 =	srdreg.scid  }
0x8b: {  	s0 =	sand.u32 $0x1, s1  }
0x8c: {  	s17 =	sshll.u32 s0, $0xA;
	s2 =	sadd.s32 s3, s2  }
0x8d: {  	s2 =	sadd.s32 s2, s17  }
0x8e: {  	[smem:$0x3FC2] =	sst s2  }
0x8f: {  	_ = 	snop  }
0x90: {  	s2 =	sld [smem:$0x3FD0];
	(tm) =	ssettm $0x1  }
0x91: {  	s18 =	sld [smem:$0x3FFB];
	_ =	sdelay $0x3  }
0x92: {  	_ =	strace s18  }
0x93: {  	s3 =	sld [smem:$0x3FFC];
	_ =	sdelay $0x3  }
0x94: {  	_ =	strace s3  }
0x95: {  	s3 =	sld [smem:$0x3FFD];
	_ =	sdelay $0x3  }
0x96: {  	_ =	strace s3  }
0x97: {  	_ =	strace $0x8FFFFFFF  }
0x98: {  	s19 =	sld [smem:$0x3FDB];
	_ =	sdelay $0x1  }
0x99: {  	s4 =	simm.s32 $_scs_section_size  }
0x9a: {  	s5 =	simm.s32 $_size__tile_overlayer_lowered;
	s6 =	simm.s32 $_tile_overlayer_lowered  }
0x9b: {  	s22 =	simm.s32 $0x1BFF;
	s21 =	sshll.u32 s6, $0x1;
	s3 =	sadd.s32 s4, s19  }
0x9c: {  	s7 =	simm.s32 $0x0;
	s20 =	sshll.u32 s5, $0x1;
	s5 =	sadd.s32 s21, s3  }
0x9d: {  	[timem:s7], [sflag:s22] =	dma.local [hbm:s5], s20  }
0x9e: {  	_ =	swait.ge [sflag:s22], s20  }
0x9f: {  	s4 =	ssub.s32 $0x0, s20;
	[sflag:s22] =	ssyncset.done $0x0  }
0xa0: {  	[sflag:s22] =	ssyncadd.s32 s4;
	_ =	sdelay $0x1  }
0xa1: {  	s23 =	simm.s32 $0x1B8B  }
0xa2: {  	_ =	swait.ge [sflag:s23], $0x1  }
0xa3: {  	[sflag:s23] =	ssyncset.done $0x0  }
0xa4: {  	s25 =	simm.s32 $0x1B8E;
	s24 =	sld [smem:$0x3FFE];
	[sflag:s23] =	ssyncadd.s32 $0xFFFFFFFF  }
0xa5: {  	s26 =	simm.s32 $execute0_lowered;
	[smem:$0x3FD2] =	sst s25  }
0xa6: {  	s5 =	sshll.u32 s26, $0x1;
	_ =	strace $0x80000046;
	[dreg:$0x1] =	wrdreg $0xFFFFFFFF  }
0xa7: {  	s28 =	simm.s32 $_size_execute0_lowered;
	s3 =	sadd.s32 s3, s5;
	[dreg:$0x0] =	wrdreg $0x0  }
0xa8: {  	s5 =	sshll.u32 s28, $0x1;
	[dreg:$0x2] =	wrdreg s3  }
0xa9: {  	[dreg:$0x3] =	wrdreg s5  }
0xaa: {  	[dreg:$0x4] =	wrdreg $0xC0  }
0xab: {  	_ =	task [dreg:s7], $0x5FFFF  }
0xac: {  	[dreg:$0x1] =	wrdreg $0xFFFFFFFF  }
0xad: {  	[dreg:$0x0] =	wrdreg $0x60  }
0xae: {  	[dreg:$0x2] =	wrdreg s24  }
0xaf: {  	[dreg:$0x3] =	wrdreg s2  }
0xb0: {  	[dreg:$0x4] =	wrdreg $0x2B000  }
0xb1: {  	[dreg:$0x5] =	wrdreg $0x9  }
0xb2: {  	_ =	task.clear_ibuf [dreg:s7], $0x6FFFF;
	_ =	strace $0x90000046  }
0xb3: {  	s29 =	simm.s32 $0x9;
	_ =	strace $0x80000048  }
0xb4: {  	_ =	swait.ge [sflag:s29], $0x1  }
0xb5: {  	[sflag:s29] =	ssyncadd.s32 $0xFFFFFFFF  }
0xb6: {  	_ =	strace $0x90000048  }
0xb7: {  	_ =	sfence  }
0xb8: {  	s30 =	sld [smem:$0x0];
	_ =	sdelay $0x2  }
0xb9: {  	s31 =	sshll.u32 s1, $0xD;
	s1 =	sshrl.u32 s1, $0x2  }
0xba: {  	s3 =	sand.u32 $0x4000, s31;
	s1 =	sadd.s32 s1, s30  }
0xbb: {  	s0 =	sor.u32 s3, s0;
	s1 =	sshll.u32 s1, $0x11  }
0xbc: {  	s0 =	sor.u32 s1, s0  }
0xbd: {  	s0 =	sadd.s32 $0x8F2B, s0  }
0xbe: {  	[sflag:s0] =	ssyncadd.remote.s32 $0x1  }
0xbf: {  	_ =	sfence.sel $0xFFFF  }
0xc0: {  	[dreg:$0x0] =	wrdreg $0xFFFFFFFF;
	(pc) =	sbr.abs _section_cstart, $3  }
0xc1: {  	[dreg:$0x1] =	wrdreg $0xFFFFFFFF  }
0xc2: {  	_ =	task.clear_ibuf [dreg:s7], $0x2FFFF;
	_ =	strace $0x9FFFFFFF  }
0xc3: {  	(tm) =	ssettm $0x7FFFFFFF  }
tec
execute0_lowered:
.L_overlay_start_1:
0x0: {  	(tag) =	ssettag $0x1  }
0x1: {  	s4 =	rddreg [dreg:$0x0]  }
0x2: {  	s7 =	rddreg [dreg:$0x1]  }
0x3: {  	s0 =	srdreg.scid;
	s2 =	rddreg [dreg:$0x2]  }
0x4: {  	s3 =	simm.s32 $0x0;
	s6 =	sand.u32 $0x1, s0;
	s0 =	rddreg [dreg:$0x3]  }
0x5: {  	s1 =	stileid.u32;
	s14 =	simm.s32 $0x0;
	[smem:$0x7FF] =	sst s3  }
0x6: {  	s10 =	smul.u32 $0x280, s1;
	s11 =	sadd.s32 $0x19400, s4;
	s12 =	sshll.u32 s1, $0x6  }
0x7: {  	s5 =	sshll.u32 s6, $0x4;
	s8 =	ssub.s32 $0x2, s6;
	_ =	strace $0x80000047  }
0x8: {  	p0 =	seq.s32 s6, $0x1;
	s12 =	sor.u32 $0x1C01, s12;
	s5 =	sor.u32 s1, s5  }
0x9: {  	s9 =	sshrl.u32 s8, $0x1;
	s31 =	sshrl.u32 s10, $0x3;
	s7 =	smov.u32 @p0 s11  }
0xa: {  	s11 =	simm.s32 $0x2800;
	s5 =	smul.u32 $0x500, s5;
	s8 =	ssub.s32 s8, s9  }
0xb: {  	s7 =	sadd.s32 s7, s31;
	s9 =	simm.s32 $0x1;
	s6 =	smax.u32 s8, $0x1  }
0xc: {  	s8 =	simm.s32 $0x2880;
	s5 =	sadd.s32 s5, s4;
	s4 =	sadd.s32 s10, s2  }
0xd: {  	v0 =	vimm.f32 $1.000000000e+00;
	v1 =	vimm.f32 $0.0e+00;
	s10 =	simm.s32 $0x80;
	s5 =	sadd.s32 $0xF400, s5;
	s13 =	sshrl.u32 s4, $0x3  }
.LBB2_1:
0xe: {  	[tilespmem:$0x2800] =	vst v0  }
0xf: {  	[tilespmem:$0x2810] =	vst v0  }
0x10: {  	[tilespmem:$0x2820] =	vst v0  }
0x11: {  	[tilespmem:$0x2830] =	vst v0  }
0x12: {  	[tilespmem:$0x2840] =	vst v0  }
0x13: {  	[tilespmem:$0x2850] =	vst v0  }
0x14: {  	[tilespmem:$0x2860] =	vst v0  }
0x15: {  	[tilespmem:$0x2870] =	vst v0  }
0x16: {  	[tilespmem:$0x2880] =	vst v1  }
0x17: {  	[tilespmem:$0x2890] =	vst v1  }
0x18: {  	[tilespmem:$0x28A0] =	vst v1  }
0x19: {  	[tilespmem:$0x28B0] =	vst v1  }
0x1a: {  	[tilespmem:$0x28C0] =	vst v1  }
0x1b: {  	[tilespmem:$0x28D0] =	vst v1  }
0x1c: {  	[tilespmem:$0x28E0] =	vst v1  }
0x1d: {  	[tilespmem:$0x28F0] =	vst v1  }
0x1e: {  	[tilespmem:$0x2900] =	vst v1  }
0x1f: {  	[tilespmem:$0x2910] =	vst v1  }
0x20: {  	[tilespmem:$0x2920] =	vst v1  }
0x21: {  	[tilespmem:$0x2930] =	vst v1  }
0x22: {  	[tilespmem:$0x2940] =	vst v1  }
0x23: {  	[tilespmem:$0x2950] =	vst v1  }
0x24: {  	[tilespmem:$0x2960] =	vst v1  }
0x25: {  	[tilespmem:$0x2970] =	vst v1  }
0x26: {  	[tilespmem:$0x2980] =	vst v1  }
0x27: {  	[tilespmem:$0x2990] =	vst v1  }
0x28: {  	[tilespmem:$0x29A0] =	vst v1  }
0x29: {  	[tilespmem:$0x29B0] =	vst v1  }
0x2a: {  	[tilespmem:$0x29C0] =	vst v1  }
0x2b: {  	[tilespmem:$0x29D0] =	vst v1  }
0x2c: {  	[tilespmem:$0x29E0] =	vst v1  }
0x2d: {  	[tilespmem:$0x29F0] =	vst v1  }
0x2e: {  	[tilespmem:$0x2A00] =	vst v1  }
0x2f: {  	[tilespmem:$0x2A10] =	vst v1  }
0x30: {  	[tilespmem:$0x2A20] =	vst v1  }
0x31: {  	[tilespmem:$0x2A30] =	vst v1  }
0x32: {  	[tilespmem:$0x2A40] =	vst v1  }
0x33: {  	[tilespmem:$0x2A50] =	vst v1  }
0x34: {  	[tilespmem:$0x2A60] =	vst v1  }
0x35: {  	[tilespmem:$0x2A70] =	vst v1  }
0x36: {  	[tilespmem:$0x2A80] =	vst v1  }
0x37: {  	[tilespmem:$0x2A90] =	vst v1  }
0x38: {  	[tilespmem:$0x2AA0] =	vst v1  }
0x39: {  	[tilespmem:$0x2AB0] =	vst v1  }
0x3a: {  	[tilespmem:$0x2AC0] =	vst v1  }
0x3b: {  	[tilespmem:$0x2AD0] =	vst v1  }
0x3c: {  	[tilespmem:$0x2AE0] =	vst v1  }
0x3d: {  	[tilespmem:$0x2AF0] =	vst v1  }
0x3e: {  	[spmem:s4] =	stream.linear.scatter [tilespmem:s8], [sflag:$0x1], $0x280, $0x38;
	[tilespmem:$0x2D80] =	vst v63  }
0x3f: {  	_ =	swait.ge [sflag:s9], $0x280  }
0x40: {  	[sflag:s9] =	ssyncset.done $0x0  }
0x41: {  	[sflag:s9] =	ssyncadd.s32 $0xFFFFFD80  }
0x42: {  	[tilespmem:s3], [sflag:$0x1] =	stream.linear.gather [hbm4b:s5+s3], $0x2800, $0x38;
	[tilespmem:$0x2D80] =	vst v63  }
0x43: {  	_ =	swait.ge [sflag:s9], $0x2800  }
0x44: {  	[sflag:s9] =	ssyncset.done $0x0  }
0x45: {  	[sflag:s9] =	ssyncadd.s32 $0xFFFFD800  }
0x46: {  	s15 =	simm.s32 $0x0;
	[bflag:$0x0] =	sbarrier.arrive $0xFFFF  }
0x47: {  	[spmem:s2] =	stream.indirect.scatter.add.f32 [tilespmem:s11], [sflag:$0x1], $0x1, s15, s10, $0xb8;
	[tilespmem:$0x2D80] =	vst v63  }
0x48: {  	_ =	swait.ge [sflag:s9], $0x80  }
0x49: {  	s15 =	simm.s32 $0x200;
	[sflag:s9] =	ssyncset.done $0x0  }
.LBB2_2:
0x4a: {  	s16 =	sshra.s32 s15, $0x2;
	[sflag:s9] =	ssyncadd.s32 $0xFFFFFF80;
	p0 =	sne.s32 s15, $0x9E00  }
0x4b: {  	[spmem:s2] =	stream.indirect.scatter.add.f32 [tilespmem:s11], [sflag:$0x1], $0x1, s16, s10, $0xb8;
	[tilespmem:$0x2D80] =	vst v63  }
.Ltmp0:
0x4c: {  	_ = 	snop;
	(pc) =	sbr.rel @p0 .LBB2_2-.Ltmp0, $4  }
0x4d: {  	_ = 	snop  }
0x4e: {  	s15 =	sadd.s32 $0x200, s15  }
0x4f: {  	_ =	swait.ge [sflag:s9], $0x80  }
0x50: {  	[sflag:s9] =	ssyncset.done $0x0  }
0x51: {  	s14 =	sadd.s32 $0x1, s14  }
0x52: {  	[sflag:s9] =	ssyncadd.s32 $0xFFFFFF80;
	p0 =	sne.s32 s14, s6  }
.Ltmp1:
0x53: {  	[bflag:$0x0] =	sbarrier.arrive $0xFFFF;
	(pc) =	sbr.rel @p0 .LBB2_1-.Ltmp1, $4  }
0x54: {  	[hbm:s7], [sflag:s12] =	dma.local [spmem:s13], $0x50  }
0x55: {  	_ =	swait.ge [sflag:s9], $0x50  }
0x56: {  	[sflag:s9] =	ssyncset.done $0x0  }
0x57: {  	[sflag:s9] =	ssyncadd.s32 $0xFFFFFFB0  }
0x58: {  	_ =	sfence.sel $0x180000  }
0x59: {  	[bflag:$0x0] =	sbarrier.arrive $0xFFFF  }
0x5a: {  	p0 =	sne.s32 s1, $0x0;
	_ =	strace $0x90000047  }
0x5b: {  	s0 =	sadd.s32 @!p0 $0x100000, s0;
	[bflag:$0x2] =	sbarrier.arrive $0xFFFF  }
0x5c: {  	[sflag:s0] =	ssyncadd.tile.s32 @!p0 $0x1;
	_ =	shalt  }
.Lfunc_end2:
_tile_overlayer_lowered:
.L_overlay_start_2:
0x5d: {  	(tag) =	ssettag $0x2  }
0x5e: {  	s0 =	rddreg [dreg:$0x0];
	s2 =	stileid.u32  }
0x5f: {  	s1 =	rddreg [dreg:$0x1];
	p0 =	sne.s32 s2, $0x0  }
0x60: {  	s3 =	rddreg [dreg:$0x2];
	[bflag:$0x3] =	sbarrier.arrive $0xFFFF;
	s2 =	simm.s32 @!p0 $0x1C01  }
0x61: {  	[timem:s3], [sflag:s2] =	dma.local @!p0 [hbm:s0], s1  }
0x62: {  	s0 =	simm.s32 @!p0 $0x1  }
0x63: {  	_ =	swait.ge @!p0 [sflag:s0], s1  }
0x64: {  	s1 =	ssub.s32 @!p0 $0x0, s1;
	[sflag:s0] =	ssyncset.done @!p0 $0x0  }
0x65: {  	[sflag:s0] =	ssyncadd.s32 @!p0 s1  }
0x66: {  	[bflag:$0x3] =	sbarrier.arrive $0xFFFF  }
0x67: {  	_ =	shalt  }

// kernel: kernel.13.cloned.1.call-start
scs
__scs_entry_jumppad:
0x0: {  	(pc) =	sbr.rel $0x88, $3  }
0x1: {  	(tag) =	ssettag $0x0;
	lr =	simm.s32 $0x1  }
0x2: {  	[smem:$0x3F9B] =	sst lr;
	_ =	strace $0xD0000000  }
0x3: {  	_ = 	snop  }
0x4: {  	_ = 	snop  }
0x5: {  	_ = 	snop  }
0x6: {  	_ = 	snop  }
0x7: {  	_ = 	snop  }
__scs_overlays_trampoline_lowered:
0x8: {  	[smem:$0x3FAA] =	sst s0  }
0x9: {  	[smem:$0x3FAB] =	sst s1  }
0xa: {  	[smem:$0x3FAC] =	sst s2  }
0xb: {  	[smem:$0x3FAD] =	sst s3  }
0xc: {  	[smem:$0x3FAE] =	sst s4  }
0xd: {  	[smem:$0x3FAF] =	sst s5  }
0xe: {  	[smem:$0x3FB0] =	sst s6  }
0xf: {  	[smem:$0x3FB1] =	sst s7  }
0x10: {  	[smem:$0x3FB2] =	sst s8  }
0x11: {  	[smem:$0x3FB3] =	sst s9;
	s0 =	simm.s32 @!p0 $0x0  }
0x12: {  	s1 =	sld [smem:$0x3F99];
	s0 =	simm.s32 @p0 $0x1  }
0x13: {  	[smem:$0x3FB4] =	sst s0;
	s0 =	simm.s32 @!p1 $0x0  }
0x14: {  	s2 =	sld [smem:$0x3F98];
	s0 =	simm.s32 @p1 $0x1  }
0x15: {  	[smem:$0x3FB5] =	sst s0;
	s0 =	simm.s32 @!p2 $0x0  }
0x16: {  	s3 =	sld [smem:$0x3FDB];
	s0 =	simm.s32 @p2 $0x1  }
0x17: {  	s4 =	simm.s32 $0x1BF5;
	[smem:$0x3FB7] =	sst s0  }
0x18: {  	s0 =	sld [smem:$0x3F9A];
	_ =	swait.ge [sflag:s4], $0x0  }
0x19: {  	s7 =	sld [smem:$0x3F9B]  }
0x1a: {  	s8 =	sadd.s32 $0xFFFFE003, lr  }
0x1b: {  	s9 =	sadd.s32 $0xFFFFFEF7, lr;
	s5 =	simm.s32 $0xFFFFFFFF;
	p2 =	slt.u32 s8, $0xFFFFF086  }
0x1c: {  	p1 =	slt.u32 s9, $0xF7A;
	s5 =	simm.s32 @!p2 $0x0  }
0x1d: {  	s5 =	simm.s32 @p1 $0x1;
	p0 =	seq.s32 s7, s2  }
0x1e: {  	s7 =	smul.u32 @!p0 $0xF7A, s2;
	p2 =	seq.s32 @!p0 s5, $0x0  }
0x1f: {  	s9 =	smul.u32 $0xF7A, s1;
	s8 =	simm.s32 @!p0 $0x1BF5;
	p2 =	por !p2, p0  }
0x20: {  	[sflag:s8] =	ssyncset.s32 @!p0 $0xFFFFF086;
	s6 =	sadd.s32 @!p0 s3, s7;
	s7 =	simm.s32 @!p0 $0x108  }
0x21: {  	s3 =	sadd.s32 s3, s9;
	s6 =	sadd.s32 @!p0 $0x88, s6;
	s7 =	simm.s32 @p2 $0x1082  }
0x22: {  	[simem:s7], [sflag:s8] =	dma.local @!p0 [hbm:s6], $0xF7A  }
0x23: {  	s9 =	sor.u32 $0xD0000000, s2;
	s6 =	simm.s32 $0x108;
	_ =	swait.ge @!p0 [sflag:s8], $0x0  }
0x24: {  	s3 =	sadd.s32 $0x88, s3;
	s6 =	simm.s32 @!p1 $0x1082;
	[sflag:s4] =	ssyncset.s32 $0xFFFFF086  }
0x25: {  	[simem:s6], [sflag:s4] =	dma.local [hbm:s3], $0xF7A  }
0x26: {  	[smem:$0x3F9B] =	sst s1;
	(tag) =	ssettag s2;
	_ =	strace s9  }
0x27: {  	s1 =	sld [smem:$0x3FAB]  }
0x28: {  	s2 =	sld [smem:$0x3FAC]  }
0x29: {  	s4 =	sld [smem:$0x3FAE]  }
0x2a: {  	p0 =	seq.s32 s5, $0x0;
	s5 =	sld [smem:$0x3FAF]  }
0x2b: {  	s6 =	sld [smem:$0x3FB0]  }
0x2c: {  	s7 =	sld [smem:$0x3FB1]  }
0x2d: {  	s3 =	simm.s32 $0x108;
	s8 =	sld [smem:$0x3FB2]  }
0x2e: {  	s3 =	simm.s32 @!p0 $0x1082;
	s9 =	sld [smem:$0x3FB3]  }
0x2f: {  	lr =	sadd.s32 s0, s3;
	s0 =	sld [smem:$0x3FAA]  }
0x30: {  	s3 =	sld [smem:$0x3FAD]  }
0x31: {  	[smem:$0x3FB6] =	sst s10  }
0x32: {  	s10 =	sld [smem:$0x3FB4];
	_ =	sdelay $0x3  }
0x33: {  	p0 =	seq.s32 s10, $0x1;
	s10 =	sld [smem:$0x3FB6];
	_ =	sdelay $0x3  }
0x34: {  	[smem:$0x3FB6] =	sst s10  }
0x35: {  	s10 =	sld [smem:$0x3FB5];
	_ =	sdelay $0x3  }
0x36: {  	p1 =	seq.s32 s10, $0x1;
	s10 =	sld [smem:$0x3FB6];
	_ =	sdelay $0x3  }
0x37: {  	[smem:$0x3FB6] =	sst s10  }
0x38: {  	s10 =	sld [smem:$0x3FB7]  }
0x39: {  	_ = 	snop;
	(pc) =	sbr.ind lr, $3  }
0x3a: {  	_ = 	snop  }
0x3b: {  	_ = 	snop  }
0x3c: {  	p2 =	seq.s32 s10, $0x1;
	s10 =	sld [smem:$0x3FB6]  }
0x3d: {  	_ =	shalt  }
0x3e: {  	_ =	shalt  }
0x3f: {  	_ =	shalt  }
0x40: {  	_ =	shalt  }
0x41: {  	_ =	shalt  }
0x42: {  	_ =	shalt  }
0x43: {  	_ =	shalt  }
0x44: {  	_ =	shalt  }
0x45: {  	_ =	shalt  }
0x46: {  	_ =	shalt  }
0x47: {  	_ =	shalt  }
0x48: {  	_ =	shalt  }
0x49: {  	_ =	shalt  }
0x4a: {  	_ =	shalt  }
0x4b: {  	_ =	shalt  }
0x4c: {  	_ =	shalt  }
0x4d: {  	_ =	shalt  }
0x4e: {  	_ =	shalt  }
0x4f: {  	_ =	shalt  }
0x50: {  	_ =	shalt  }
0x51: {  	_ =	shalt  }
0x52: {  	_ =	shalt  }
0x53: {  	_ =	shalt  }
0x54: {  	_ =	shalt  }
0x55: {  	_ =	shalt  }
0x56: {  	_ =	shalt  }
0x57: {  	_ =	shalt  }
0x58: {  	_ =	shalt  }
0x59: {  	_ =	shalt  }
0x5a: {  	_ =	shalt  }
0x5b: {  	_ =	shalt  }
0x5c: {  	_ =	shalt  }
0x5d: {  	_ =	shalt  }
0x5e: {  	_ =	shalt  }
0x5f: {  	_ =	shalt  }
0x60: {  	_ =	shalt  }
0x61: {  	_ =	shalt  }
0x62: {  	_ =	shalt  }
0x63: {  	_ =	shalt  }
0x64: {  	_ =	shalt  }
0x65: {  	_ =	shalt  }
0x66: {  	_ =	shalt  }
0x67: {  	_ =	shalt  }
0x68: {  	_ =	shalt  }
0x69: {  	_ =	shalt  }
0x6a: {  	_ =	shalt  }
0x6b: {  	_ =	shalt  }
0x6c: {  	_ =	shalt  }
0x6d: {  	_ =	shalt  }
0x6e: {  	_ =	shalt  }
0x6f: {  	_ =	shalt  }
0x70: {  	_ =	shalt  }
0x71: {  	_ =	shalt  }
0x72: {  	_ =	shalt  }
0x73: {  	_ =	shalt  }
0x74: {  	_ =	shalt  }
0x75: {  	_ =	shalt  }
0x76: {  	_ =	shalt  }
0x77: {  	_ =	shalt  }
0x78: {  	_ =	shalt  }
0x79: {  	_ =	shalt  }
0x7a: {  	_ =	shalt  }
0x7b: {  	_ =	shalt  }
0x7c: {  	_ =	shalt  }
0x7d: {  	_ =	shalt  }
0x7e: {  	_ =	shalt  }
0x7f: {  	_ =	shalt  }
0x80: {  	_ =	shalt  }
0x81: {  	_ =	shalt  }
0x82: {  	_ =	shalt  }
0x83: {  	_ =	shalt  }
0x84: {  	_ =	shalt  }
0x85: {  	_ =	shalt  }
0x86: {  	_ =	shalt  }
0x87: {  	_ =	shalt  }
.Lfunc_end0:
.L_simem_size_0:
called_computation.1_lowered:
.L_overlay_start_0:
0x88: {  	s2 =	sld [smem:$0x3FD9]  }
0x89: {  	s3 =	sld [smem:$0x3FFE];
	_ =	sdelay $0x1  }
0x8a: {  	s1 =	srdreg.scid  }
0x8b: {  	s0 =	sand.u32 $0x1, s1  }
0x8c: {  	s17 =	sshll.u32 s0, $0xA;
	s2 =	sadd.s32 s3, s2  }
0x8d: {  	s2 =	sadd.s32 s2, s17  }
0x8e: {  	[smem:$0x3FC2] =	sst s2  }
0x8f: {  	_ = 	snop  }
0x90: {  	s2 =	sld [smem:$0x3FD0];
	(tm) =	ssettm $0x1  }
0x91: {  	s18 =	sld [smem:$0x3FFB];
	_ =	sdelay $0x3  }
0x92: {  	_ =	strace s18  }
0x93: {  	s3 =	sld [smem:$0x3FFC];
	_ =	sdelay $0x3  }
0x94: {  	_ =	strace s3  }
0x95: {  	s3 =	sld [smem:$0x3FFD];
	_ =	sdelay $0x3  }
0x96: {  	_ =	strace s3  }
0x97: {  	_ =	strace $0x8FFFFFFF  }
0x98: {  	s19 =	sld [smem:$0x3FDB];
	_ =	sdelay $0x1  }
0x99: {  	s4 =	simm.s32 $_scs_section_size  }
0x9a: {  	s5 =	simm.s32 $_size__tile_overlayer_lowered;
	s6 =	simm.s32 $_tile_overlayer_lowered  }
0x9b: {  	s22 =	simm.s32 $0x1BFF;
	s21 =	sshll.u32 s6, $0x1;
	s3 =	sadd.s32 s4, s19  }
0x9c: {  	s7 =	simm.s32 $0x0;
	s20 =	sshll.u32 s5, $0x1;
	s5 =	sadd.s32 s21, s3  }
0x9d: {  	[timem:s7], [sflag:s22] =	dma.local [hbm:s5], s20  }
0x9e: {  	_ =	swait.ge [sflag:s22], s20  }
0x9f: {  	s4 =	ssub.s32 $0x0, s20;
	[sflag:s22] =	ssyncset.done $0x0  }
0xa0: {  	[sflag:s22] =	ssyncadd.s32 s4;
	_ =	sdelay $0x1  }
0xa1: {  	s23 =	simm.s32 $0x1B8B  }
0xa2: {  	_ =	swait.ge [sflag:s23], $0x1  }
0xa3: {  	[sflag:s23] =	ssyncset.done $0x0  }
0xa4: {  	s25 =	simm.s32 $0x1B8E;
	s24 =	sld [smem:$0x3FFE];
	[sflag:s23] =	ssyncadd.s32 $0xFFFFFFFF  }
0xa5: {  	s26 =	simm.s32 $execute0_lowered;
	[smem:$0x3FD2] =	sst s25  }
0xa6: {  	s5 =	sshll.u32 s26, $0x1;
	_ =	strace $0x80000049;
	[dreg:$0x1] =	wrdreg $0xFFFFFFFF  }
0xa7: {  	s28 =	simm.s32 $_size_execute0_lowered;
	s3 =	sadd.s32 s3, s5;
	[dreg:$0x0] =	wrdreg $0x0  }
0xa8: {  	s5 =	sshll.u32 s28, $0x1;
	[dreg:$0x2] =	wrdreg s3  }
0xa9: {  	[dreg:$0x3] =	wrdreg s5  }
0xaa: {  	[dreg:$0x4] =	wrdreg $0xC0  }
0xab: {  	_ =	task [dreg:s7], $0x5FFFF  }
0xac: {  	[dreg:$0x1] =	wrdreg $0xFFFFFFFF  }
0xad: {  	[dreg:$0x0] =	wrdreg $0x60  }
0xae: {  	[dreg:$0x2] =	wrdreg s24  }
0xaf: {  	[dreg:$0x3] =	wrdreg s2  }
0xb0: {  	[dreg:$0x4] =	wrdreg $0x120000  }
0xb1: {  	[dreg:$0x5] =	wrdreg $0x9  }
0xb2: {  	_ =	task.clear_ibuf [dreg:s7], $0x6FFFF;
	_ =	strace $0x90000049  }
0xb3: {  	s29 =	simm.s32 $0x9;
	_ =	strace $0x8000004B  }
0xb4: {  	_ =	swait.ge [sflag:s29], $0x1  }
0xb5: {  	[sflag:s29] =	ssyncadd.s32 $0xFFFFFFFF  }
0xb6: {  	_ =	strace $0x9000004B  }
0xb7: {  	_ =	sfence  }
0xb8: {  	s30 =	sld [smem:$0x0];
	_ =	sdelay $0x2  }
0xb9: {  	s31 =	sshll.u32 s1, $0xD;
	s1 =	sshrl.u32 s1, $0x2  }
0xba: {  	s3 =	sand.u32 $0x4000, s31;
	s1 =	sadd.s32 s1, s30  }
0xbb: {  	s0 =	sor.u32 s3, s0;
	s1 =	sshll.u32 s1, $0x11  }
0xbc: {  	s0 =	sor.u32 s1, s0  }
0xbd: {  	s0 =	sadd.s32 $0x8F2B, s0  }
0xbe: {  	[sflag:s0] =	ssyncadd.remote.s32 $0x1  }
0xbf: {  	_ =	sfence.sel $0xFFFF  }
0xc0: {  	[dreg:$0x0] =	wrdreg $0xFFFFFFFF;
	(pc) =	sbr.abs _section_cstart, $3  }
0xc1: {  	[dreg:$0x1] =	wrdreg $0xFFFFFFFF  }
0xc2: {  	_ =	task.clear_ibuf [dreg:s7], $0x2FFFF;
	_ =	strace $0x9FFFFFFF  }
0xc3: {  	(tm) =	ssettm $0x7FFFFFFF  }
tec
execute0_lowered:
.L_overlay_start_1:
0x0: {  	(tag) =	ssettag $0x1  }
0x1: {  	s0 =	rddreg [dreg:$0x0]  }
0x2: {  	s7 =	rddreg [dreg:$0x1]  }
0x3: {  	s2 =	rddreg [dreg:$0x2]  }
0x4: {  	s4 =	srdreg.scid;
	s3 =	simm.s32 $0x0;
	s1 =	stileid.u32  }
0x5: {  	s11 =	simm.s32 $0xB9A00;
	s14 =	simm.s32 $0x80;
	s15 =	simm.s32 $0xA000  }
0x6: {  	s16 =	simm.s32 $0xC000;
	s17 =	simm.s32 $0x100;
	s18 =	simm.s32 $0xE000  }
0x7: {  	s19 =	simm.s32 $0x180;
	s20 =	simm.s32 $0x10000;
	s21 =	simm.s32 $0x1  }
0x8: {  	s22 =	simm.s32 $0x2;
	s23 =	simm.s32 $0x3;
	s24 =	simm.s32 $0x4  }
0x9: {  	s25 =	simm.s32 $0x9E00;
	s29 =	simm.s32 $0x9F80;
	s30 =	simm.s32 $0x0  }
0xa: {  	s28 =	sand.u32 $0x1, s4;
	[smem:$0x7FF] =	sst s3;
	s5 =	smul.u32 $0xA00, s1  }
0xb: {  	s4 =	sadd.s32 $0x91A00, s0;
	s10 =	smul.u32 $0xA000, s1;
	s31 =	sshll.u32 s1, $0x6  }
0xc: {  	s6 =	ssub.s32 $0x2, s28;
	_ =	strace $0x8000004A;
	p0 =	seq.s32 s28, $0x1  }
0xd: {  	s12 =	sor.u32 $0x1C05, s31;
	v0 =	vmov s28;
	s28 =	simm.s32 $0x9F00;
	s8 =	sshrl.u32 s6, $0x1  }
0xe: {  	s9 =	sadd.s32 s5, s0;
	s11 =	simm.s32 @!p0 $0xCDA00;
	s13 =	sadd.s32 s10, s2  }
0xf: {  	s26 =	sshrl.u32 s10, $0x3;
	s10 =	simm.s32 $0x5;
	s8 =	ssub.s32 s6, s8  }
0x10: {  	s5 =	sadd.s32 $0x5400, s9;
	s6 =	sadd.s32 $0xF400, s9;
	s0 =	sadd.s32 s11, s0  }
0x11: {  	s7 =	sadd.s32 s7, s26;
	s11 =	simm.s32 $0x5000;
	s13 =	sshrl.u32 s13, $0x3  }
0x12: {  	s8 =	smax.u32 s8, $0x1;
	s9 =	sadd.s32 s0, s26;
	s26 =	simm.s32 $0x9E80  }
.LBB2_1:
0x13: {  	[tilespmem:s3], [sflag:$0x5] =	stream.linear.gather [hbm4b:s5+s3], $0x5000, $0x38;
	[tilespmem:$0x1C000] =	vst v63  }
0x14: {  	_ =	swait.ge [sflag:s10], $0x5000  }
0x15: {  	[sflag:s10] =	ssyncset.done $0x0  }
0x16: {  	[sflag:s10] =	ssyncadd.s32 $0xFFFFB000  }
0x17: {  	[tilespmem:s11], [sflag:$0x5] =	stream.linear.gather [hbm4b:s6+s3], $0x5000, $0x38;
	[tilespmem:$0x1C000] =	vst v63  }
0x18: {  	_ =	swait.ge [sflag:s10], $0x5000  }
0x19: {  	[sflag:s10] =	ssyncset.done $0x0  }
0x1a: {  	[sflag:s10] =	ssyncadd.s32 $0xFFFFB000  }
0x1b: {  	[spmem:s13], [sflag:s12] =	dma.local [hbm:s7], $0x1400  }
0x1c: {  	_ =	swait.ge [sflag:s10], $0x1400  }
0x1d: {  	[sflag:s10] =	ssyncset.done $0x0  }
0x1e: {  	s31 =	simm.s32 $0x0;
	[sflag:s10] =	ssyncadd.s32 $0xFFFFEC00  }
0x1f: {  	v2 =	vld [tilespmem:s31+$0x0]  }
0x20: {  	v3 =	vld [tilespmem:s31+$0x10]  }
0x21: {  	v5 =	vld [tilespmem:s31+$0x20]  }
0x22: {  	v4 =	vld [tilespmem:s31+$0x30]  }
0x23: {  	v1 =	vld [tilespmem:s31+$0x40]  }
0x24: {  	v6 =	vshll.u32 v2, $0x1;
	v2 =	vld [tilespmem:s31+$0x50]  }
0x25: {  	s0 =	simm.s32 $0x200;
	v7 =	vshll.u32 v3, $0x1;
	v3 =	vld [tilespmem:s31+$0x60];
	v6 =	vor.u32 v0, v6  }
.LBB2_2:
0x26: {  	s1 =	sshra.s32 s0, $0x2;
	p0 =	sne.s32 s0, $0x13E00;
	[tilespmem:s31+$0x0] =	vst v6;
	v6 =	vor.u32 v0, v7;
	v5 =	vshll.u32 v5, $0x1;
	v7 =	vld [tilespmem:s31+$0x70]  }
0x27: {  	v8 =	vld [tilespmem:s1+$0x0];
	[tilespmem:s31+$0x10] =	vst v6;
	v5 =	vor.u32 v0, v5;
	v4 =	vshll.u32 v4, $0x1  }
0x28: {  	v9 =	vld [tilespmem:s1+$0x10];
	[tilespmem:s31+$0x20] =	vst v5;
	v4 =	vor.u32 v0, v4;
	v1 =	vshll.u32 v1, $0x1  }
.Ltmp0:
0x29: {  	v5 =	vld [tilespmem:s1+$0x20];
	[tilespmem:s31+$0x30] =	vst v4;
	v1 =	vor.u32 v0, v1;
	v2 =	vshll.u32 v2, $0x1;
	(pc) =	sbr.rel @p0 .LBB2_2-.Ltmp0, $4  }
0x2a: {  	v4 =	vld [tilespmem:s1+$0x30];
	[tilespmem:s31+$0x40] =	vst v1;
	v2 =	vor.u32 v0, v2;
	v3 =	vshll.u32 v3, $0x1  }
0x2b: {  	v1 =	vld [tilespmem:s1+$0x40];
	[tilespmem:s31+$0x50] =	vst v2;
	v3 =	vor.u32 v0, v3;
	v6 =	vshll.u32 v7, $0x1  }
0x2c: {  	v7 =	vshll.u32 v8, $0x1;
	v2 =	vld [tilespmem:s1+$0x50];
	[tilespmem:s31+$0x60] =	vst v3;
	v8 =	vor.u32 v0, v6  }
0x2d: {  	s0 =	sadd.s32 $0x200, s0;
	v6 =	vor.u32 v0, v7;
	v7 =	vshll.u32 v9, $0x1;
	v3 =	vld [tilespmem:s1+$0x60];
	[tilespmem:s31+$0x70] =	vst v8;
	s31 =	smov.u32 s1  }
0x2e: {  	[tilespmem:s31+$0x0] =	vst v6;
	v62 =	vor.u32 v0, v7;
	v5 =	vshll.u32 v5, $0x1;
	v63 =	vld [tilespmem:s31+$0x70]  }
0x2f: {  	[tilespmem:s31+$0x10] =	vst v62;
	v5 =	vor.u32 v0, v5;
	v4 =	vshll.u32 v4, $0x1  }
0x30: {  	[tilespmem:s31+$0x20] =	vst v5;
	v4 =	vor.u32 v0, v4;
	v1 =	vshll.u32 v1, $0x1  }
0x31: {  	[tilespmem:s31+$0x30] =	vst v4;
	v1 =	vor.u32 v0, v1;
	v2 =	vshll.u32 v2, $0x1  }
0x32: {  	[tilespmem:s31+$0x40] =	vst v1;
	v1 =	vor.u32 v0, v2;
	v2 =	vshll.u32 v3, $0x1  }
0x33: {  	[tilespmem:s31+$0x50] =	vst v1;
	v1 =	vor.u32 v0, v2;
	v2 =	vshll.u32 v63, $0x1  }
0x34: {  	[tilespmem:s31+$0x60] =	vst v1;
	v1 =	vor.u32 v0, v2  }
0x35: {  	[tilespmem:s31+$0x70] =	vst v1  }
0x36: {  	s0 =	simm.s32 $0x0;
	[bflag:$0x0] =	sbarrier.arrive $0xFFFF  }
0x37: {  	[tilespmem:s15], [sflag:$0x1] =	stream.indirect.gather [hbm4b:s4+s14], $0x40, s0, s14, $0xb8;
	[tilespmem:$0x1C000] =	vst v63  }
0x38: {  	_ = 	snop  }
0x39: {  	[tilespmem:s16], [sflag:$0x2] =	stream.indirect.gather [hbm4b:s4+s14], $0x40, s14, s14, $0xb8;
	[tilespmem:$0x1C000] =	vst v63  }
0x3a: {  	_ = 	snop  }
0x3b: {  	[tilespmem:s18], [sflag:$0x3] =	stream.indirect.gather [hbm4b:s4+s14], $0x40, s17, s14, $0xb8;
	[tilespmem:$0x1C000] =	vst v63  }
0x3c: {  	_ = 	snop  }
0x3d: {  	[tilespmem:s20], [sflag:$0x4] =	stream.indirect.gather [hbm4b:s4+s14], $0x40, s19, s14, $0xb8;
	[tilespmem:$0x1C000] =	vst v63  }
0x3e: {  	_ =	swait.ge [sflag:s21], $0x2000  }
0x3f: {  	[sflag:s21] =	ssyncset.done $0x0  }
0x40: {  	s1 =	simm.s32 $0x5000;
	[sflag:s21] =	ssyncadd.s32 $0xFFFFE000  }
0x41: {  	[spmem:s2] =	stream.indirect.scatter.add.f32 [tilespmem:s15], [sflag:$0x5], $0x40, s1, s14, $0xb8;
	[tilespmem:$0x1C000] =	vst v63  }
0x42: {  	_ =	swait.ge [sflag:s10], $0x2000  }
0x43: {  	[sflag:s10] =	ssyncset.done $0x0  }
0x44: {  	s1 =	simm.s32 $0x200;
	[sflag:s10] =	ssyncadd.s32 $0xFFFFE000  }
0x45: {  	[tilespmem:s15], [sflag:$0x1] =	stream.indirect.gather [hbm4b:s4+s14], $0x40, s1, s14, $0xb8;
	[tilespmem:$0x1C000] =	vst v63  }
0x46: {  	_ =	swait.ge [sflag:s22], $0x2000  }
0x47: {  	[sflag:s22] =	ssyncset.done $0x0  }
0x48: {  	s1 =	simm.s32 $0x5080;
	[sflag:s22] =	ssyncadd.s32 $0xFFFFE000  }
0x49: {  	[spmem:s2] =	stream.indirect.scatter.add.f32 [tilespmem:s16], [sflag:$0x5], $0x40, s1, s14, $0xb8;
	[tilespmem:$0x1C000] =	vst v63  }
0x4a: {  	_ =	swait.ge [sflag:s10], $0x2000  }
0x4b: {  	[sflag:s10] =	ssyncset.done $0x0  }
0x4c: {  	s1 =	simm.s32 $0x280;
	[sflag:s10] =	ssyncadd.s32 $0xFFFFE000  }
0x4d: {  	[tilespmem:s16], [sflag:$0x2] =	stream.indirect.gather [hbm4b:s4+s14], $0x40, s1, s14, $0xb8;
	[tilespmem:$0x1C000] =	vst v63  }
0x4e: {  	_ =	swait.ge [sflag:s23], $0x2000  }
0x4f: {  	[sflag:s23] =	ssyncset.done $0x0  }
0x50: {  	s1 =	simm.s32 $0x5100;
	[sflag:s23] =	ssyncadd.s32 $0xFFFFE000  }
0x51: {  	[spmem:s2] =	stream.indirect.scatter.add.f32 [tilespmem:s18], [sflag:$0x5], $0x40, s1, s14, $0xb8;
	[tilespmem:$0x1C000] =	vst v63  }
0x52: {  	_ =	swait.ge [sflag:s10], $0x2000  }
0x53: {  	[sflag:s10] =	ssyncset.done $0x0  }
0x54: {  	s1 =	simm.s32 $0x300;
	[sflag:s10] =	ssyncadd.s32 $0xFFFFE000  }
0x55: {  	[tilespmem:s18], [sflag:$0x3] =	stream.indirect.gather [hbm4b:s4+s14], $0x40, s1, s14, $0xb8;
	[tilespmem:$0x1C000] =	vst v63  }
0x56: {  	_ =	swait.ge [sflag:s24], $0x2000  }
0x57: {  	[sflag:s24] =	ssyncset.done $0x0  }
0x58: {  	s1 =	simm.s32 $0x5180;
	[sflag:s24] =	ssyncadd.s32 $0xFFFFE000  }
0x59: {  	[spmem:s2] =	stream.indirect.scatter.add.f32 [tilespmem:s20], [sflag:$0x5], $0x40, s1, s14, $0xb8;
	[tilespmem:$0x1C000] =	vst v63  }
0x5a: {  	_ =	swait.ge [sflag:s10], $0x2000  }
0x5b: {  	[sflag:s10] =	ssyncset.done $0x0  }
0x5c: {  	s31 =	simm.s32 $0x800;
	s0 =	simm.s32 $0x380;
	[sflag:s10] =	ssyncadd.s32 $0xFFFFE000  }
.LBB2_4:
0x5d: {  	[tilespmem:s20], [sflag:$0x4] =	stream.indirect.gather [hbm4b:s4+s14], $0x40, s0, s14, $0xb8;
	[tilespmem:$0x1C000] =	vst v63  }
0x5e: {  	s0 =	smov.u32 s31  }
0x5f: {  	p0 =	sne.s32 s31, $0x13000;
	s31 =	sadd.s32 $0x800, s31;
	_ =	swait.ge [sflag:s21], $0x2000  }
0x60: {  	s0 =	sshra.s32 s0, $0x2;
	[sflag:s21] =	ssyncset.done $0x0  }
0x61: {  	s1 =	sadd.s32 $0x5000, s0;
	[sflag:s21] =	ssyncadd.s32 $0xFFFFE000  }
0x62: {  	[spmem:s2] =	stream.indirect.scatter.add.f32 [tilespmem:s15], [sflag:$0x5], $0x40, s1, s14, $0xb8;
	[tilespmem:$0x1C000] =	vst v63  }
0x63: {  	_ =	swait.ge [sflag:s10], $0x2000  }
0x64: {  	[sflag:s10] =	ssyncset.done $0x0  }
0x65: {  	s1 =	sadd.s32 $0x200, s0;
	[sflag:s10] =	ssyncadd.s32 $0xFFFFE000  }
0x66: {  	[tilespmem:s15], [sflag:$0x1] =	stream.indirect.gather [hbm4b:s4+s14], $0x40, s1, s14, $0xb8;
	[tilespmem:$0x1C000] =	vst v63  }
0x67: {  	_ =	swait.ge [sflag:s22], $0x2000  }
0x68: {  	[sflag:s22] =	ssyncset.done $0x0  }
0x69: {  	s1 =	sadd.s32 $0x5080, s0;
	[sflag:s22] =	ssyncadd.s32 $0xFFFFE000  }
0x6a: {  	[spmem:s2] =	stream.indirect.scatter.add.f32 [tilespmem:s16], [sflag:$0x5], $0x40, s1, s14, $0xb8;
	[tilespmem:$0x1C000] =	vst v63  }
0x6b: {  	_ =	swait.ge [sflag:s10], $0x2000  }
0x6c: {  	[sflag:s10] =	ssyncset.done $0x0  }
0x6d: {  	s1 =	sadd.s32 $0x280, s0;
	[sflag:s10] =	ssyncadd.s32 $0xFFFFE000  }
0x6e: {  	[tilespmem:s16], [sflag:$0x2] =	stream.indirect.gather [hbm4b:s4+s14], $0x40, s1, s14, $0xb8;
	[tilespmem:$0x1C000] =	vst v63  }
0x6f: {  	_ =	swait.ge [sflag:s23], $0x2000  }
0x70: {  	[sflag:s23] =	ssyncset.done $0x0  }
0x71: {  	s1 =	sadd.s32 $0x5100, s0;
	[sflag:s23] =	ssyncadd.s32 $0xFFFFE000  }
0x72: {  	[spmem:s2] =	stream.indirect.scatter.add.f32 [tilespmem:s18], [sflag:$0x5], $0x40, s1, s14, $0xb8;
	[tilespmem:$0x1C000] =	vst v63  }
0x73: {  	_ =	swait.ge [sflag:s10], $0x2000  }
0x74: {  	[sflag:s10] =	ssyncset.done $0x0  }
0x75: {  	s1 =	sadd.s32 $0x300, s0;
	[sflag:s10] =	ssyncadd.s32 $0xFFFFE000  }
0x76: {  	[tilespmem:s18], [sflag:$0x3] =	stream.indirect.gather [hbm4b:s4+s14], $0x40, s1, s14, $0xb8;
	[tilespmem:$0x1C000] =	vst v63  }
0x77: {  	_ =	swait.ge [sflag:s24], $0x2000  }
0x78: {  	[sflag:s24] =	ssyncset.done $0x0  }
.Ltmp1:
0x79: {  	s1 =	sadd.s32 $0x5180, s0;
	[sflag:s24] =	ssyncadd.s32 $0xFFFFE000;
	(pc) =	sbr.rel @p0 .LBB2_4-.Ltmp1, $4  }
0x7a: {  	[spmem:s2] =	stream.indirect.scatter.add.f32 [tilespmem:s20], [sflag:$0x5], $0x40, s1, s14, $0xb8;
	[tilespmem:$0x1C000] =	vst v63  }
0x7b: {  	_ =	swait.ge [sflag:s10], $0x2000  }
0x7c: {  	[sflag:s10] =	ssyncset.done $0x0  }
0x7d: {  	s0 =	sadd.s32 $0x380, s0;
	[sflag:s10] =	ssyncadd.s32 $0xFFFFE000  }
0x7e: {  	[tilespmem:s20], [sflag:$0x4] =	stream.indirect.gather [hbm4b:s4+s14], $0x40, s0, s14, $0xb8;
	[tilespmem:$0x1C000] =	vst v63  }
0x7f: {  	_ =	swait.ge [sflag:s21], $0x2000  }
0x80: {  	[sflag:s21] =	ssyncset.done $0x0  }
0x81: {  	[sflag:s21] =	ssyncadd.s32 $0xFFFFE000  }
0x82: {  	[spmem:s2] =	stream.indirect.scatter.add.f32 [tilespmem:s15], [sflag:$0x5], $0x40, s25, s14, $0xb8;
	[tilespmem:$0x1C000] =	vst v63  }
0x83: {  	_ =	swait.ge [sflag:s10], $0x2000  }
0x84: {  	[sflag:s10] =	ssyncset.done $0x0  }
0x85: {  	[sflag:s10] =	ssyncadd.s32 $0xFFFFE000  }
0x86: {  	_ =	swait.ge [sflag:s22], $0x2000  }
0x87: {  	[sflag:s22] =	ssyncset.done $0x0  }
0x88: {  	[sflag:s22] =	ssyncadd.s32 $0xFFFFE000  }
0x89: {  	[spmem:s2] =	stream.indirect.scatter.add.f32 [tilespmem:s16], [sflag:$0x5], $0x40, s26, s14, $0xb8;
	[tilespmem:$0x1C000] =	vst v63  }
0x8a: {  	_ =	swait.ge [sflag:s10], $0x2000  }
0x8b: {  	[sflag:s10] =	ssyncset.done $0x0  }
0x8c: {  	[sflag:s10] =	ssyncadd.s32 $0xFFFFE000  }
0x8d: {  	_ =	swait.ge [sflag:s23], $0x2000  }
0x8e: {  	[sflag:s23] =	ssyncset.done $0x0  }
0x8f: {  	[sflag:s23] =	ssyncadd.s32 $0xFFFFE000  }
0x90: {  	[spmem:s2] =	stream.indirect.scatter.add.f32 [tilespmem:s18], [sflag:$0x5], $0x40, s28, s14, $0xb8;
	[tilespmem:$0x1C000] =	vst v63  }
0x91: {  	_ =	swait.ge [sflag:s10], $0x2000  }
0x92: {  	[sflag:s10] =	ssyncset.done $0x0  }
0x93: {  	[sflag:s10] =	ssyncadd.s32 $0xFFFFE000  }
0x94: {  	_ =	swait.ge [sflag:s24], $0x2000  }
0x95: {  	[sflag:s24] =	ssyncset.done $0x0  }
0x96: {  	[sflag:s24] =	ssyncadd.s32 $0xFFFFE000  }
0x97: {  	[spmem:s2] =	stream.indirect.scatter.add.f32 [tilespmem:s20], [sflag:$0x5], $0x40, s29, s14, $0xb8;
	[tilespmem:$0x1C000] =	vst v63  }
0x98: {  	_ =	swait.ge [sflag:s10], $0x2000  }
0x99: {  	s30 =	sadd.s32 $0x1, s30;
	[sflag:s10] =	ssyncset.done $0x0  }
0x9a: {  	p0 =	sne.s32 s30, s8;
	[sflag:s10] =	ssyncadd.s32 $0xFFFFE000  }
.Ltmp2:
0x9b: {  	[bflag:$0x0] =	sbarrier.arrive $0xFFFF;
	(pc) =	sbr.rel @p0 .LBB2_1-.Ltmp2, $4  }
0x9c: {  	[hbm:s9], [sflag:s12] =	dma.local [spmem:s13], $0x1400  }
0x9d: {  	_ =	swait.ge [sflag:s10], $0x1400  }
0x9e: {  	[sflag:s10] =	ssyncset.done $0x0  }
0x9f: {  	[sflag:s10] =	ssyncadd.s32 $0xFFFFEC00  }
0xa0: {  	_ =	sfence.sel $0x180000  }
0xa1: {  	[bflag:$0x0] =	sbarrier.arrive $0xFFFF  }
0xa2: {  	_ =	strace $0x9000004A  }
0xa3: {  	s0 =	stileid.u32;
	[bflag:$0x2] =	sbarrier.arrive $0xFFFF  }
0xa4: {  	p0 =	sne.s32 s0, $0x0;
	s0 =	rddreg [dreg:$0x3]  }
0xa5: {  	s0 =	sadd.s32 @!p0 $0x100000, s0  }
0xa6: {  	[sflag:s0] =	ssyncadd.tile.s32 @!p0 $0x1;
	_ =	shalt  }
.Lfunc_end2:
_tile_overlayer_lowered:
.L_overlay_start_2:
0xa7: {  	(tag) =	ssettag $0x2  }
0xa8: {  	s0 =	rddreg [dreg:$0x0];
	s2 =	stileid.u32  }
0xa9: {  	s1 =	rddreg [dreg:$0x1];
	p0 =	sne.s32 s2, $0x0  }
0xaa: {  	s3 =	rddreg [dreg:$0x2];
	[bflag:$0x3] =	sbarrier.arrive $0xFFFF;
	s2 =	simm.s32 @!p0 $0x1C05  }
0xab: {  	[timem:s3], [sflag:s2] =	dma.local @!p0 [hbm:s0], s1  }
0xac: {  	s0 =	simm.s32 @!p0 $0x5  }
0xad: {  	_ =	swait.ge @!p0 [sflag:s0], s1  }
0xae: {  	s1 =	ssub.s32 @!p0 $0x0, s1;
	[sflag:s0] =	ssyncset.done @!p0 $0x0  }
0xaf: {  	[sflag:s0] =	ssyncadd.s32 @!p0 s1  }
0xb0: {  	[bflag:$0x3] =	sbarrier.arrive $0xFFFF  }
0xb1: {  	_ =	shalt  }

// kernel: kernel.16.cloned.1.call-start
scs
__scs_entry_jumppad:
0x0: {  	(pc) =	sbr.rel $0x88, $3  }
0x1: {  	(tag) =	ssettag $0x0;
	lr =	simm.s32 $0x1  }
0x2: {  	[smem:$0x3F9B] =	sst lr;
	_ =	strace $0xD0000000  }
0x3: {  	_ = 	snop  }
0x4: {  	_ = 	snop  }
0x5: {  	_ = 	snop  }
0x6: {  	_ = 	snop  }
0x7: {  	_ = 	snop  }
__scs_overlays_trampoline_lowered:
0x8: {  	[smem:$0x3FAA] =	sst s0  }
0x9: {  	[smem:$0x3FAB] =	sst s1  }
0xa: {  	[smem:$0x3FAC] =	sst s2  }
0xb: {  	[smem:$0x3FAD] =	sst s3  }
0xc: {  	[smem:$0x3FAE] =	sst s4  }
0xd: {  	[smem:$0x3FAF] =	sst s5  }
0xe: {  	[smem:$0x3FB0] =	sst s6  }
0xf: {  	[smem:$0x3FB1] =	sst s7  }
0x10: {  	[smem:$0x3FB2] =	sst s8  }
0x11: {  	[smem:$0x3FB3] =	sst s9;
	s0 =	simm.s32 @!p0 $0x0  }
0x12: {  	s1 =	sld [smem:$0x3F99];
	s0 =	simm.s32 @p0 $0x1  }
0x13: {  	[smem:$0x3FB4] =	sst s0;
	s0 =	simm.s32 @!p1 $0x0  }
0x14: {  	s2 =	sld [smem:$0x3F98];
	s0 =	simm.s32 @p1 $0x1  }
0x15: {  	[smem:$0x3FB5] =	sst s0;
	s0 =	simm.s32 @!p2 $0x0  }
0x16: {  	s3 =	sld [smem:$0x3FDB];
	s0 =	simm.s32 @p2 $0x1  }
0x17: {  	s4 =	simm.s32 $0x1BF5;
	[smem:$0x3FB7] =	sst s0  }
0x18: {  	s0 =	sld [smem:$0x3F9A];
	_ =	swait.ge [sflag:s4], $0x0  }
0x19: {  	s7 =	sld [smem:$0x3F9B]  }
0x1a: {  	s8 =	sadd.s32 $0xFFFFE003, lr  }
0x1b: {  	s9 =	sadd.s32 $0xFFFFFEF7, lr;
	s5 =	simm.s32 $0xFFFFFFFF;
	p2 =	slt.u32 s8, $0xFFFFF086  }
0x1c: {  	p1 =	slt.u32 s9, $0xF7A;
	s5 =	simm.s32 @!p2 $0x0  }
0x1d: {  	s5 =	simm.s32 @p1 $0x1;
	p0 =	seq.s32 s7, s2  }
0x1e: {  	s7 =	smul.u32 @!p0 $0xF7A, s2;
	p2 =	seq.s32 @!p0 s5, $0x0  }
0x1f: {  	s9 =	smul.u32 $0xF7A, s1;
	s8 =	simm.s32 @!p0 $0x1BF5;
	p2 =	por !p2, p0  }
0x20: {  	[sflag:s8] =	ssyncset.s32 @!p0 $0xFFFFF086;
	s6 =	sadd.s32 @!p0 s3, s7;
	s7 =	simm.s32 @!p0 $0x108  }
0x21: {  	s3 =	sadd.s32 s3, s9;
	s6 =	sadd.s32 @!p0 $0x88, s6;
	s7 =	simm.s32 @p2 $0x1082  }
0x22: {  	[simem:s7], [sflag:s8] =	dma.local @!p0 [hbm:s6], $0xF7A  }
0x23: {  	s9 =	sor.u32 $0xD0000000, s2;
	s6 =	simm.s32 $0x108;
	_ =	swait.ge @!p0 [sflag:s8], $0x0  }
0x24: {  	s3 =	sadd.s32 $0x88, s3;
	s6 =	simm.s32 @!p1 $0x1082;
	[sflag:s4] =	ssyncset.s32 $0xFFFFF086  }
0x25: {  	[simem:s6], [sflag:s4] =	dma.local [hbm:s3], $0xF7A  }
0x26: {  	[smem:$0x3F9B] =	sst s1;
	(tag) =	ssettag s2;
	_ =	strace s9  }
0x27: {  	s1 =	sld [smem:$0x3FAB]  }
0x28: {  	s2 =	sld [smem:$0x3FAC]  }
0x29: {  	s4 =	sld [smem:$0x3FAE]  }
0x2a: {  	p0 =	seq.s32 s5, $0x0;
	s5 =	sld [smem:$0x3FAF]  }
0x2b: {  	s6 =	sld [smem:$0x3FB0]  }
0x2c: {  	s7 =	sld [smem:$0x3FB1]  }
0x2d: {  	s3 =	simm.s32 $0x108;
	s8 =	sld [smem:$0x3FB2]  }
0x2e: {  	s3 =	simm.s32 @!p0 $0x1082;
	s9 =	sld [smem:$0x3FB3]  }
0x2f: {  	lr =	sadd.s32 s0, s3;
	s0 =	sld [smem:$0x3FAA]  }
0x30: {  	s3 =	sld [smem:$0x3FAD]  }
0x31: {  	[smem:$0x3FB6] =	sst s10  }
0x32: {  	s10 =	sld [smem:$0x3FB4];
	_ =	sdelay $0x3  }
0x33: {  	p0 =	seq.s32 s10, $0x1;
	s10 =	sld [smem:$0x3FB6];
	_ =	sdelay $0x3  }
0x34: {  	[smem:$0x3FB6] =	sst s10  }
0x35: {  	s10 =	sld [smem:$0x3FB5];
	_ =	sdelay $0x3  }
0x36: {  	p1 =	seq.s32 s10, $0x1;
	s10 =	sld [smem:$0x3FB6];
	_ =	sdelay $0x3  }
0x37: {  	[smem:$0x3FB6] =	sst s10  }
0x38: {  	s10 =	sld [smem:$0x3FB7]  }
0x39: {  	_ = 	snop;
	(pc) =	sbr.ind lr, $3  }
0x3a: {  	_ = 	snop  }
0x3b: {  	_ = 	snop  }
0x3c: {  	p2 =	seq.s32 s10, $0x1;
	s10 =	sld [smem:$0x3FB6]  }
0x3d: {  	_ =	shalt  }
0x3e: {  	_ =	shalt  }
0x3f: {  	_ =	shalt  }
0x40: {  	_ =	shalt  }
0x41: {  	_ =	shalt  }
0x42: {  	_ =	shalt  }
0x43: {  	_ =	shalt  }
0x44: {  	_ =	shalt  }
0x45: {  	_ =	shalt  }
0x46: {  	_ =	shalt  }
0x47: {  	_ =	shalt  }
0x48: {  	_ =	shalt  }
0x49: {  	_ =	shalt  }
0x4a: {  	_ =	shalt  }
0x4b: {  	_ =	shalt  }
0x4c: {  	_ =	shalt  }
0x4d: {  	_ =	shalt  }
0x4e: {  	_ =	shalt  }
0x4f: {  	_ =	shalt  }
0x50: {  	_ =	shalt  }
0x51: {  	_ =	shalt  }
0x52: {  	_ =	shalt  }
0x53: {  	_ =	shalt  }
0x54: {  	_ =	shalt  }
0x55: {  	_ =	shalt  }
0x56: {  	_ =	shalt  }
0x57: {  	_ =	shalt  }
0x58: {  	_ =	shalt  }
0x59: {  	_ =	shalt  }
0x5a: {  	_ =	shalt  }
0x5b: {  	_ =	shalt  }
0x5c: {  	_ =	shalt  }
0x5d: {  	_ =	shalt  }
0x5e: {  	_ =	shalt  }
0x5f: {  	_ =	shalt  }
0x60: {  	_ =	shalt  }
0x61: {  	_ =	shalt  }
0x62: {  	_ =	shalt  }
0x63: {  	_ =	shalt  }
0x64: {  	_ =	shalt  }
0x65: {  	_ =	shalt  }
0x66: {  	_ =	shalt  }
0x67: {  	_ =	shalt  }
0x68: {  	_ =	shalt  }
0x69: {  	_ =	shalt  }
0x6a: {  	_ =	shalt  }
0x6b: {  	_ =	shalt  }
0x6c: {  	_ =	shalt  }
0x6d: {  	_ =	shalt  }
0x6e: {  	_ =	shalt  }
0x6f: {  	_ =	shalt  }
0x70: {  	_ =	shalt  }
0x71: {  	_ =	shalt  }
0x72: {  	_ =	shalt  }
0x73: {  	_ =	shalt  }
0x74: {  	_ =	shalt  }
0x75: {  	_ =	shalt  }
0x76: {  	_ =	shalt  }
0x77: {  	_ =	shalt  }
0x78: {  	_ =	shalt  }
0x79: {  	_ =	shalt  }
0x7a: {  	_ =	shalt  }
0x7b: {  	_ =	shalt  }
0x7c: {  	_ =	shalt  }
0x7d: {  	_ =	shalt  }
0x7e: {  	_ =	shalt  }
0x7f: {  	_ =	shalt  }
0x80: {  	_ =	shalt  }
0x81: {  	_ =	shalt  }
0x82: {  	_ =	shalt  }
0x83: {  	_ =	shalt  }
0x84: {  	_ =	shalt  }
0x85: {  	_ =	shalt  }
0x86: {  	_ =	shalt  }
0x87: {  	_ =	shalt  }
.Lfunc_end0:
.L_simem_size_0:
called_computation.2_lowered:
.L_overlay_start_0:
0x88: {  	s2 =	sld [smem:$0x3FD9]  }
0x89: {  	s3 =	sld [smem:$0x3FFE];
	_ =	sdelay $0x1  }
0x8a: {  	s1 =	srdreg.scid  }
0x8b: {  	s0 =	sand.u32 $0x1, s1  }
0x8c: {  	s17 =	sshll.u32 s0, $0xA;
	s2 =	sadd.s32 s3, s2  }
0x8d: {  	s2 =	sadd.s32 s2, s17  }
0x8e: {  	[smem:$0x3FC2] =	sst s2  }
0x8f: {  	_ = 	snop  }
0x90: {  	s2 =	sld [smem:$0x3FD0];
	(tm) =	ssettm $0x1  }
0x91: {  	s18 =	sld [smem:$0x3FFB];
	_ =	sdelay $0x3  }
0x92: {  	_ =	strace s18  }
0x93: {  	s3 =	sld [smem:$0x3FFC];
	_ =	sdelay $0x3  }
0x94: {  	_ =	strace s3  }
0x95: {  	s3 =	sld [smem:$0x3FFD];
	_ =	sdelay $0x3  }
0x96: {  	_ =	strace s3  }
0x97: {  	_ =	strace $0x8FFFFFFF  }
0x98: {  	s19 =	sld [smem:$0x3FDB];
	_ =	sdelay $0x1  }
0x99: {  	s4 =	simm.s32 $_scs_section_size  }
0x9a: {  	s5 =	simm.s32 $_size__tile_overlayer_lowered;
	s6 =	simm.s32 $_tile_overlayer_lowered  }
0x9b: {  	s22 =	simm.s32 $0x1BFF;
	s21 =	sshll.u32 s6, $0x1;
	s3 =	sadd.s32 s4, s19  }
0x9c: {  	s7 =	simm.s32 $0x0;
	s20 =	sshll.u32 s5, $0x1;
	s5 =	sadd.s32 s21, s3  }
0x9d: {  	[timem:s7], [sflag:s22] =	dma.local [hbm:s5], s20  }
0x9e: {  	_ =	swait.ge [sflag:s22], s20  }
0x9f: {  	s4 =	ssub.s32 $0x0, s20;
	[sflag:s22] =	ssyncset.done $0x0  }
0xa0: {  	[sflag:s22] =	ssyncadd.s32 s4;
	_ =	sdelay $0x1  }
0xa1: {  	s23 =	simm.s32 $0x1B8B  }
0xa2: {  	_ =	swait.ge [sflag:s23], $0x1  }
0xa3: {  	[sflag:s23] =	ssyncset.done $0x0  }
0xa4: {  	s25 =	simm.s32 $0x1B8E;
	s24 =	sld [smem:$0x3FFE];
	[sflag:s23] =	ssyncadd.s32 $0xFFFFFFFF  }
0xa5: {  	s26 =	simm.s32 $execute0_lowered;
	[smem:$0x3FD2] =	sst s25  }
0xa6: {  	s5 =	sshll.u32 s26, $0x1;
	_ =	strace $0x8000004C;
	[dreg:$0x1] =	wrdreg $0xFFFFFFFF  }
0xa7: {  	s28 =	simm.s32 $_size_execute0_lowered;
	s3 =	sadd.s32 s3, s5;
	[dreg:$0x0] =	wrdreg $0x0  }
0xa8: {  	s5 =	sshll.u32 s28, $0x1;
	[dreg:$0x2] =	wrdreg s3  }
0xa9: {  	[dreg:$0x3] =	wrdreg s5  }
0xaa: {  	[dreg:$0x4] =	wrdreg $0xC0  }
0xab: {  	_ =	task [dreg:s7], $0x5FFFF  }
0xac: {  	[dreg:$0x1] =	wrdreg $0xFFFFFFFF  }
0xad: {  	[dreg:$0x0] =	wrdreg $0x60  }
0xae: {  	[dreg:$0x2] =	wrdreg s24  }
0xaf: {  	[dreg:$0x3] =	wrdreg s2  }
0xb0: {  	[dreg:$0x4] =	wrdreg $0x120000  }
0xb1: {  	[dreg:$0x5] =	wrdreg $0x9  }
0xb2: {  	_ =	task.clear_ibuf [dreg:s7], $0x6FFFF;
	_ =	strace $0x9000004C  }
0xb3: {  	s29 =	simm.s32 $0x9;
	_ =	strace $0x8000004E  }
0xb4: {  	_ =	swait.ge [sflag:s29], $0x1  }
0xb5: {  	[sflag:s29] =	ssyncadd.s32 $0xFFFFFFFF  }
0xb6: {  	_ =	strace $0x9000004E  }
0xb7: {  	_ =	sfence  }
0xb8: {  	s30 =	sld [smem:$0x0];
	_ =	sdelay $0x2  }
0xb9: {  	s31 =	sshll.u32 s1, $0xD;
	s1 =	sshrl.u32 s1, $0x2  }
0xba: {  	s3 =	sand.u32 $0x4000, s31;
	s1 =	sadd.s32 s1, s30  }
0xbb: {  	s0 =	sor.u32 s3, s0;
	s1 =	sshll.u32 s1, $0x11  }
0xbc: {  	s0 =	sor.u32 s1, s0  }
0xbd: {  	s0 =	sadd.s32 $0x8F2B, s0  }
0xbe: {  	[sflag:s0] =	ssyncadd.remote.s32 $0x1  }
0xbf: {  	_ =	sfence.sel $0xFFFF  }
0xc0: {  	[dreg:$0x0] =	wrdreg $0xFFFFFFFF;
	(pc) =	sbr.abs _section_cstart, $3  }
0xc1: {  	[dreg:$0x1] =	wrdreg $0xFFFFFFFF  }
0xc2: {  	_ =	task.clear_ibuf [dreg:s7], $0x2FFFF;
	_ =	strace $0x9FFFFFFF  }
0xc3: {  	(tm) =	ssettm $0x7FFFFFFF  }
tec
execute0_lowered:
.L_overlay_start_1:
0x0: {  	(tag) =	ssettag $0x1  }
0x1: {  	s0 =	rddreg [dreg:$0x0]  }
0x2: {  	s7 =	rddreg [dreg:$0x1]  }
0x3: {  	s2 =	rddreg [dreg:$0x2]  }
0x4: {  	s4 =	srdreg.scid;
	s3 =	simm.s32 $0x0;
	s1 =	stileid.u32  }
0x5: {  	s11 =	simm.s32 $0xB9A00;
	s14 =	simm.s32 $0x80;
	s15 =	simm.s32 $0xA000  }
0x6: {  	s16 =	simm.s32 $0xC000;
	s17 =	simm.s32 $0x100;
	s18 =	simm.s32 $0xE000  }
0x7: {  	s19 =	simm.s32 $0x180;
	s20 =	simm.s32 $0x10000;
	s21 =	simm.s32 $0x1  }
0x8: {  	s22 =	simm.s32 $0x2;
	s23 =	simm.s32 $0x3;
	s24 =	simm.s32 $0x4  }
0x9: {  	s25 =	simm.s32 $0x9E00;
	s29 =	simm.s32 $0x9F80;
	s30 =	simm.s32 $0x0  }
0xa: {  	s28 =	sand.u32 $0x1, s4;
	[smem:$0x7FF] =	sst s3;
	s5 =	smul.u32 $0xA00, s1  }
0xb: {  	s4 =	sadd.s32 $0x19400, s0;
	s10 =	smul.u32 $0xA000, s1;
	s31 =	sshll.u32 s1, $0x6  }
0xc: {  	s6 =	ssub.s32 $0x2, s28;
	_ =	strace $0x8000004D;
	p0 =	seq.s32 s28, $0x1  }
0xd: {  	s12 =	sor.u32 $0x1C05, s31;
	v0 =	vmov s28;
	s28 =	simm.s32 $0x9F00;
	s8 =	sshrl.u32 s6, $0x1  }
0xe: {  	s9 =	sadd.s32 s5, s0;
	s11 =	simm.s32 @!p0 $0xCDA00;
	s13 =	sadd.s32 s10, s2  }
0xf: {  	s26 =	sshrl.u32 s10, $0x3;
	s10 =	simm.s32 $0x5;
	s8 =	ssub.s32 s6, s8  }
0x10: {  	s5 =	sadd.s32 $0x5400, s9;
	s6 =	sadd.s32 $0xF400, s9;
	s0 =	sadd.s32 s11, s0  }
0x11: {  	s7 =	sadd.s32 s7, s26;
	s11 =	simm.s32 $0x5000;
	s13 =	sshrl.u32 s13, $0x3  }
0x12: {  	s8 =	smax.u32 s8, $0x1;
	s9 =	sadd.s32 s0, s26;
	s26 =	simm.s32 $0x9E80  }
.LBB2_1:
0x13: {  	[tilespmem:s3], [sflag:$0x5] =	stream.linear.gather [hbm4b:s5+s3], $0x5000, $0x38;
	[tilespmem:$0x1C000] =	vst v63  }
0x14: {  	_ =	swait.ge [sflag:s10], $0x5000  }
0x15: {  	[sflag:s10] =	ssyncset.done $0x0  }
0x16: {  	[sflag:s10] =	ssyncadd.s32 $0xFFFFB000  }
0x17: {  	[tilespmem:s11], [sflag:$0x5] =	stream.linear.gather [hbm4b:s6+s3], $0x5000, $0x38;
	[tilespmem:$0x1C000] =	vst v63  }
0x18: {  	_ =	swait.ge [sflag:s10], $0x5000  }
0x19: {  	[sflag:s10] =	ssyncset.done $0x0  }
0x1a: {  	[sflag:s10] =	ssyncadd.s32 $0xFFFFB000  }
0x1b: {  	[spmem:s13], [sflag:s12] =	dma.local [hbm:s7], $0x1400  }
0x1c: {  	_ =	swait.ge [sflag:s10], $0x1400  }
0x1d: {  	[sflag:s10] =	ssyncset.done $0x0  }
0x1e: {  	s31 =	simm.s32 $0x0;
	[sflag:s10] =	ssyncadd.s32 $0xFFFFEC00  }
0x1f: {  	v2 =	vld [tilespmem:s31+$0x0]  }
0x20: {  	v3 =	vld [tilespmem:s31+$0x10]  }
0x21: {  	v5 =	vld [tilespmem:s31+$0x20]  }
0x22: {  	v4 =	vld [tilespmem:s31+$0x30]  }
0x23: {  	v1 =	vld [tilespmem:s31+$0x40]  }
0x24: {  	v6 =	vshll.u32 v2, $0x1;
	v2 =	vld [tilespmem:s31+$0x50]  }
0x25: {  	s0 =	simm.s32 $0x200;
	v7 =	vshll.u32 v3, $0x1;
	v3 =	vld [tilespmem:s31+$0x60];
	v6 =	vor.u32 v0, v6  }
.LBB2_2:
0x26: {  	s1 =	sshra.s32 s0, $0x2;
	p0 =	sne.s32 s0, $0x13E00;
	[tilespmem:s31+$0x0] =	vst v6;
	v6 =	vor.u32 v0, v7;
	v5 =	vshll.u32 v5, $0x1;
	v7 =	vld [tilespmem:s31+$0x70]  }
0x27: {  	v8 =	vld [tilespmem:s1+$0x0];
	[tilespmem:s31+$0x10] =	vst v6;
	v5 =	vor.u32 v0, v5;
	v4 =	vshll.u32 v4, $0x1  }
0x28: {  	v9 =	vld [tilespmem:s1+$0x10];
	[tilespmem:s31+$0x20] =	vst v5;
	v4 =	vor.u32 v0, v4;
	v1 =	vshll.u32 v1, $0x1  }
.Ltmp0:
0x29: {  	v5 =	vld [tilespmem:s1+$0x20];
	[tilespmem:s31+$0x30] =	vst v4;
	v1 =	vor.u32 v0, v1;
	v2 =	vshll.u32 v2, $0x1;
	(pc) =	sbr.rel @p0 .LBB2_2-.Ltmp0, $4  }
0x2a: {  	v4 =	vld [tilespmem:s1+$0x30];
	[tilespmem:s31+$0x40] =	vst v1;
	v2 =	vor.u32 v0, v2;
	v3 =	vshll.u32 v3, $0x1  }
0x2b: {  	v1 =	vld [tilespmem:s1+$0x40];
	[tilespmem:s31+$0x50] =	vst v2;
	v3 =	vor.u32 v0, v3;
	v6 =	vshll.u32 v7, $0x1  }
0x2c: {  	v7 =	vshll.u32 v8, $0x1;
	v2 =	vld [tilespmem:s1+$0x50];
	[tilespmem:s31+$0x60] =	vst v3;
	v8 =	vor.u32 v0, v6  }
0x2d: {  	s0 =	sadd.s32 $0x200, s0;
	v6 =	vor.u32 v0, v7;
	v7 =	vshll.u32 v9, $0x1;
	v3 =	vld [tilespmem:s1+$0x60];
	[tilespmem:s31+$0x70] =	vst v8;
	s31 =	smov.u32 s1  }
0x2e: {  	[tilespmem:s31+$0x0] =	vst v6;
	v62 =	vor.u32 v0, v7;
	v5 =	vshll.u32 v5, $0x1;
	v63 =	vld [tilespmem:s31+$0x70]  }
0x2f: {  	[tilespmem:s31+$0x10] =	vst v62;
	v5 =	vor.u32 v0, v5;
	v4 =	vshll.u32 v4, $0x1  }
0x30: {  	[tilespmem:s31+$0x20] =	vst v5;
	v4 =	vor.u32 v0, v4;
	v1 =	vshll.u32 v1, $0x1  }
0x31: {  	[tilespmem:s31+$0x30] =	vst v4;
	v1 =	vor.u32 v0, v1;
	v2 =	vshll.u32 v2, $0x1  }
0x32: {  	[tilespmem:s31+$0x40] =	vst v1;
	v1 =	vor.u32 v0, v2;
	v2 =	vshll.u32 v3, $0x1  }
0x33: {  	[tilespmem:s31+$0x50] =	vst v1;
	v1 =	vor.u32 v0, v2;
	v2 =	vshll.u32 v63, $0x1  }
0x34: {  	[tilespmem:s31+$0x60] =	vst v1;
	v1 =	vor.u32 v0, v2  }
0x35: {  	[tilespmem:s31+$0x70] =	vst v1  }
0x36: {  	s0 =	simm.s32 $0x0;
	[bflag:$0x0] =	sbarrier.arrive $0xFFFF  }
0x37: {  	[tilespmem:s15], [sflag:$0x1] =	stream.indirect.gather [hbm4b:s4+s14], $0x40, s0, s14, $0xb8;
	[tilespmem:$0x1C000] =	vst v63  }
0x38: {  	_ = 	snop  }
0x39: {  	[tilespmem:s16], [sflag:$0x2] =	stream.indirect.gather [hbm4b:s4+s14], $0x40, s14, s14, $0xb8;
	[tilespmem:$0x1C000] =	vst v63  }
0x3a: {  	_ = 	snop  }
0x3b: {  	[tilespmem:s18], [sflag:$0x3] =	stream.indirect.gather [hbm4b:s4+s14], $0x40, s17, s14, $0xb8;
	[tilespmem:$0x1C000] =	vst v63  }
0x3c: {  	_ = 	snop  }
0x3d: {  	[tilespmem:s20], [sflag:$0x4] =	stream.indirect.gather [hbm4b:s4+s14], $0x40, s19, s14, $0xb8;
	[tilespmem:$0x1C000] =	vst v63  }
0x3e: {  	_ =	swait.ge [sflag:s21], $0x2000  }
0x3f: {  	[sflag:s21] =	ssyncset.done $0x0  }
0x40: {  	s1 =	simm.s32 $0x5000;
	[sflag:s21] =	ssyncadd.s32 $0xFFFFE000  }
0x41: {  	[spmem:s2] =	stream.indirect.scatter.add.f32 [tilespmem:s15], [sflag:$0x5], $0x40, s1, s14, $0xb8;
	[tilespmem:$0x1C000] =	vst v63  }
0x42: {  	_ =	swait.ge [sflag:s10], $0x2000  }
0x43: {  	[sflag:s10] =	ssyncset.done $0x0  }
0x44: {  	s1 =	simm.s32 $0x200;
	[sflag:s10] =	ssyncadd.s32 $0xFFFFE000  }
0x45: {  	[tilespmem:s15], [sflag:$0x1] =	stream.indirect.gather [hbm4b:s4+s14], $0x40, s1, s14, $0xb8;
	[tilespmem:$0x1C000] =	vst v63  }
0x46: {  	_ =	swait.ge [sflag:s22], $0x2000  }
0x47: {  	[sflag:s22] =	ssyncset.done $0x0  }
0x48: {  	s1 =	simm.s32 $0x5080;
	[sflag:s22] =	ssyncadd.s32 $0xFFFFE000  }
0x49: {  	[spmem:s2] =	stream.indirect.scatter.add.f32 [tilespmem:s16], [sflag:$0x5], $0x40, s1, s14, $0xb8;
	[tilespmem:$0x1C000] =	vst v63  }
0x4a: {  	_ =	swait.ge [sflag:s10], $0x2000  }
0x4b: {  	[sflag:s10] =	ssyncset.done $0x0  }
0x4c: {  	s1 =	simm.s32 $0x280;
	[sflag:s10] =	ssyncadd.s32 $0xFFFFE000  }
0x4d: {  	[tilespmem:s16], [sflag:$0x2] =	stream.indirect.gather [hbm4b:s4+s14], $0x40, s1, s14, $0xb8;
	[tilespmem:$0x1C000] =	vst v63  }
0x4e: {  	_ =	swait.ge [sflag:s23], $0x2000  }
0x4f: {  	[sflag:s23] =	ssyncset.done $0x0  }
0x50: {  	s1 =	simm.s32 $0x5100;
	[sflag:s23] =	ssyncadd.s32 $0xFFFFE000  }
0x51: {  	[spmem:s2] =	stream.indirect.scatter.add.f32 [tilespmem:s18], [sflag:$0x5], $0x40, s1, s14, $0xb8;
	[tilespmem:$0x1C000] =	vst v63  }
0x52: {  	_ =	swait.ge [sflag:s10], $0x2000  }
0x53: {  	[sflag:s10] =	ssyncset.done $0x0  }
0x54: {  	s1 =	simm.s32 $0x300;
	[sflag:s10] =	ssyncadd.s32 $0xFFFFE000  }
0x55: {  	[tilespmem:s18], [sflag:$0x3] =	stream.indirect.gather [hbm4b:s4+s14], $0x40, s1, s14, $0xb8;
	[tilespmem:$0x1C000] =	vst v63  }
0x56: {  	_ =	swait.ge [sflag:s24], $0x2000  }
0x57: {  	[sflag:s24] =	ssyncset.done $0x0  }
0x58: {  	s1 =	simm.s32 $0x5180;
	[sflag:s24] =	ssyncadd.s32 $0xFFFFE000  }
0x59: {  	[spmem:s2] =	stream.indirect.scatter.add.f32 [tilespmem:s20], [sflag:$0x5], $0x40, s1, s14, $0xb8;
	[tilespmem:$0x1C000] =	vst v63  }
0x5a: {  	_ =	swait.ge [sflag:s10], $0x2000  }
0x5b: {  	[sflag:s10] =	ssyncset.done $0x0  }
0x5c: {  	s31 =	simm.s32 $0x800;
	s0 =	simm.s32 $0x380;
	[sflag:s10] =	ssyncadd.s32 $0xFFFFE000  }
.LBB2_4:
0x5d: {  	[tilespmem:s20], [sflag:$0x4] =	stream.indirect.gather [hbm4b:s4+s14], $0x40, s0, s14, $0xb8;
	[tilespmem:$0x1C000] =	vst v63  }
0x5e: {  	s0 =	smov.u32 s31  }
0x5f: {  	p0 =	sne.s32 s31, $0x13000;
	s31 =	sadd.s32 $0x800, s31;
	_ =	swait.ge [sflag:s21], $0x2000  }
0x60: {  	s0 =	sshra.s32 s0, $0x2;
	[sflag:s21] =	ssyncset.done $0x0  }
0x61: {  	s1 =	sadd.s32 $0x5000, s0;
	[sflag:s21] =	ssyncadd.s32 $0xFFFFE000  }
0x62: {  	[spmem:s2] =	stream.indirect.scatter.add.f32 [tilespmem:s15], [sflag:$0x5], $0x40, s1, s14, $0xb8;
	[tilespmem:$0x1C000] =	vst v63  }
0x63: {  	_ =	swait.ge [sflag:s10], $0x2000  }
0x64: {  	[sflag:s10] =	ssyncset.done $0x0  }
0x65: {  	s1 =	sadd.s32 $0x200, s0;
	[sflag:s10] =	ssyncadd.s32 $0xFFFFE000  }
0x66: {  	[tilespmem:s15], [sflag:$0x1] =	stream.indirect.gather [hbm4b:s4+s14], $0x40, s1, s14, $0xb8;
	[tilespmem:$0x1C000] =	vst v63  }
0x67: {  	_ =	swait.ge [sflag:s22], $0x2000  }
0x68: {  	[sflag:s22] =	ssyncset.done $0x0  }
0x69: {  	s1 =	sadd.s32 $0x5080, s0;
	[sflag:s22] =	ssyncadd.s32 $0xFFFFE000  }
0x6a: {  	[spmem:s2] =	stream.indirect.scatter.add.f32 [tilespmem:s16], [sflag:$0x5], $0x40, s1, s14, $0xb8;
	[tilespmem:$0x1C000] =	vst v63  }
0x6b: {  	_ =	swait.ge [sflag:s10], $0x2000  }
0x6c: {  	[sflag:s10] =	ssyncset.done $0x0  }
0x6d: {  	s1 =	sadd.s32 $0x280, s0;
	[sflag:s10] =	ssyncadd.s32 $0xFFFFE000  }
0x6e: {  	[tilespmem:s16], [sflag:$0x2] =	stream.indirect.gather [hbm4b:s4+s14], $0x40, s1, s14, $0xb8;
	[tilespmem:$0x1C000] =	vst v63  }
0x6f: {  	_ =	swait.ge [sflag:s23], $0x2000  }
0x70: {  	[sflag:s23] =	ssyncset.done $0x0  }
0x71: {  	s1 =	sadd.s32 $0x5100, s0;
	[sflag:s23] =	ssyncadd.s32 $0xFFFFE000  }
0x72: {  	[spmem:s2] =	stream.indirect.scatter.add.f32 [tilespmem:s18], [sflag:$0x5], $0x40, s1, s14, $0xb8;
	[tilespmem:$0x1C000] =	vst v63  }
0x73: {  	_ =	swait.ge [sflag:s10], $0x2000  }
0x74: {  	[sflag:s10] =	ssyncset.done $0x0  }
0x75: {  	s1 =	sadd.s32 $0x300, s0;
	[sflag:s10] =	ssyncadd.s32 $0xFFFFE000  }
0x76: {  	[tilespmem:s18], [sflag:$0x3] =	stream.indirect.gather [hbm4b:s4+s14], $0x40, s1, s14, $0xb8;
	[tilespmem:$0x1C000] =	vst v63  }
0x77: {  	_ =	swait.ge [sflag:s24], $0x2000  }
0x78: {  	[sflag:s24] =	ssyncset.done $0x0  }
.Ltmp1:
0x79: {  	s1 =	sadd.s32 $0x5180, s0;
	[sflag:s24] =	ssyncadd.s32 $0xFFFFE000;
	(pc) =	sbr.rel @p0 .LBB2_4-.Ltmp1, $4  }
0x7a: {  	[spmem:s2] =	stream.indirect.scatter.add.f32 [tilespmem:s20], [sflag:$0x5], $0x40, s1, s14, $0xb8;
	[tilespmem:$0x1C000] =	vst v63  }
0x7b: {  	_ =	swait.ge [sflag:s10], $0x2000  }
0x7c: {  	[sflag:s10] =	ssyncset.done $0x0  }
0x7d: {  	s0 =	sadd.s32 $0x380, s0;
	[sflag:s10] =	ssyncadd.s32 $0xFFFFE000  }
0x7e: {  	[tilespmem:s20], [sflag:$0x4] =	stream.indirect.gather [hbm4b:s4+s14], $0x40, s0, s14, $0xb8;
	[tilespmem:$0x1C000] =	vst v63  }
0x7f: {  	_ =	swait.ge [sflag:s21], $0x2000  }
0x80: {  	[sflag:s21] =	ssyncset.done $0x0  }
0x81: {  	[sflag:s21] =	ssyncadd.s32 $0xFFFFE000  }
0x82: {  	[spmem:s2] =	stream.indirect.scatter.add.f32 [tilespmem:s15], [sflag:$0x5], $0x40, s25, s14, $0xb8;
	[tilespmem:$0x1C000] =	vst v63  }
0x83: {  	_ =	swait.ge [sflag:s10], $0x2000  }
0x84: {  	[sflag:s10] =	ssyncset.done $0x0  }
0x85: {  	[sflag:s10] =	ssyncadd.s32 $0xFFFFE000  }
0x86: {  	_ =	swait.ge [sflag:s22], $0x2000  }
0x87: {  	[sflag:s22] =	ssyncset.done $0x0  }
0x88: {  	[sflag:s22] =	ssyncadd.s32 $0xFFFFE000  }
0x89: {  	[spmem:s2] =	stream.indirect.scatter.add.f32 [tilespmem:s16], [sflag:$0x5], $0x40, s26, s14, $0xb8;
	[tilespmem:$0x1C000] =	vst v63  }
0x8a: {  	_ =	swait.ge [sflag:s10], $0x2000  }
0x8b: {  	[sflag:s10] =	ssyncset.done $0x0  }
0x8c: {  	[sflag:s10] =	ssyncadd.s32 $0xFFFFE000  }
0x8d: {  	_ =	swait.ge [sflag:s23], $0x2000  }
0x8e: {  	[sflag:s23] =	ssyncset.done $0x0  }
0x8f: {  	[sflag:s23] =	ssyncadd.s32 $0xFFFFE000  }
0x90: {  	[spmem:s2] =	stream.indirect.scatter.add.f32 [tilespmem:s18], [sflag:$0x5], $0x40, s28, s14, $0xb8;
	[tilespmem:$0x1C000] =	vst v63  }
0x91: {  	_ =	swait.ge [sflag:s10], $0x2000  }
0x92: {  	[sflag:s10] =	ssyncset.done $0x0  }
0x93: {  	[sflag:s10] =	ssyncadd.s32 $0xFFFFE000  }
0x94: {  	_ =	swait.ge [sflag:s24], $0x2000  }
0x95: {  	[sflag:s24] =	ssyncset.done $0x0  }
0x96: {  	[sflag:s24] =	ssyncadd.s32 $0xFFFFE000  }
0x97: {  	[spmem:s2] =	stream.indirect.scatter.add.f32 [tilespmem:s20], [sflag:$0x5], $0x40, s29, s14, $0xb8;
	[tilespmem:$0x1C000] =	vst v63  }
0x98: {  	_ =	swait.ge [sflag:s10], $0x2000  }
0x99: {  	s30 =	sadd.s32 $0x1, s30;
	[sflag:s10] =	ssyncset.done $0x0  }
0x9a: {  	p0 =	sne.s32 s30, s8;
	[sflag:s10] =	ssyncadd.s32 $0xFFFFE000  }
.Ltmp2:
0x9b: {  	[bflag:$0x0] =	sbarrier.arrive $0xFFFF;
	(pc) =	sbr.rel @p0 .LBB2_1-.Ltmp2, $4  }
0x9c: {  	[hbm:s9], [sflag:s12] =	dma.local [spmem:s13], $0x1400  }
0x9d: {  	_ =	swait.ge [sflag:s10], $0x1400  }
0x9e: {  	[sflag:s10] =	ssyncset.done $0x0  }
0x9f: {  	[sflag:s10] =	ssyncadd.s32 $0xFFFFEC00  }
0xa0: {  	_ =	sfence.sel $0x180000  }
0xa1: {  	[bflag:$0x0] =	sbarrier.arrive $0xFFFF  }
0xa2: {  	_ =	strace $0x9000004D  }
0xa3: {  	s0 =	stileid.u32;
	[bflag:$0x2] =	sbarrier.arrive $0xFFFF  }
0xa4: {  	p0 =	sne.s32 s0, $0x0;
	s0 =	rddreg [dreg:$0x3]  }
0xa5: {  	s0 =	sadd.s32 @!p0 $0x100000, s0  }
0xa6: {  	[sflag:s0] =	ssyncadd.tile.s32 @!p0 $0x1;
	_ =	shalt  }
.Lfunc_end2:
_tile_overlayer_lowered:
.L_overlay_start_2:
0xa7: {  	(tag) =	ssettag $0x2  }
0xa8: {  	s0 =	rddreg [dreg:$0x0];
	s2 =	stileid.u32  }
0xa9: {  	s1 =	rddreg [dreg:$0x1];
	p0 =	sne.s32 s2, $0x0  }
0xaa: {  	s3 =	rddreg [dreg:$0x2];
	[bflag:$0x3] =	sbarrier.arrive $0xFFFF;
	s2 =	simm.s32 @!p0 $0x1C05  }
0xab: {  	[timem:s3], [sflag:s2] =	dma.local @!p0 [hbm:s0], s1  }
0xac: {  	s0 =	simm.s32 @!p0 $0x5  }
0xad: {  	_ =	swait.ge @!p0 [sflag:s0], s1  }
0xae: {  	s1 =	ssub.s32 @!p0 $0x0, s1;
	[sflag:s0] =	ssyncset.done @!p0 $0x0  }
0xaf: {  	[sflag:s0] =	ssyncadd.s32 @!p0 s1  }
0xb0: {  	[bflag:$0x3] =	sbarrier.arrive $0xFFFF  }
0xb1: {  	_ =	shalt  }

// kernel: kernel.19.cloned.1.call-start
scs
__scs_entry_jumppad:
0x0: {  	(pc) =	sbr.rel $0x88, $3  }
0x1: {  	(tag) =	ssettag $0x0;
	lr =	simm.s32 $0x1  }
0x2: {  	[smem:$0x3F9B] =	sst lr;
	_ =	strace $0xD0000000  }
0x3: {  	_ = 	snop  }
0x4: {  	_ = 	snop  }
0x5: {  	_ = 	snop  }
0x6: {  	_ = 	snop  }
0x7: {  	_ = 	snop  }
__scs_overlays_trampoline_lowered:
0x8: {  	[smem:$0x3FAA] =	sst s0  }
0x9: {  	[smem:$0x3FAB] =	sst s1  }
0xa: {  	[smem:$0x3FAC] =	sst s2  }
0xb: {  	[smem:$0x3FAD] =	sst s3  }
0xc: {  	[smem:$0x3FAE] =	sst s4  }
0xd: {  	[smem:$0x3FAF] =	sst s5  }
0xe: {  	[smem:$0x3FB0] =	sst s6  }
0xf: {  	[smem:$0x3FB1] =	sst s7  }
0x10: {  	[smem:$0x3FB2] =	sst s8  }
0x11: {  	[smem:$0x3FB3] =	sst s9;
	s0 =	simm.s32 @!p0 $0x0  }
0x12: {  	s1 =	sld [smem:$0x3F99];
	s0 =	simm.s32 @p0 $0x1  }
0x13: {  	[smem:$0x3FB4] =	sst s0;
	s0 =	simm.s32 @!p1 $0x0  }
0x14: {  	s2 =	sld [smem:$0x3F98];
	s0 =	simm.s32 @p1 $0x1  }
0x15: {  	[smem:$0x3FB5] =	sst s0;
	s0 =	simm.s32 @!p2 $0x0  }
0x16: {  	s3 =	sld [smem:$0x3FDB];
	s0 =	simm.s32 @p2 $0x1  }
0x17: {  	s4 =	simm.s32 $0x1BF5;
	[smem:$0x3FB7] =	sst s0  }
0x18: {  	s0 =	sld [smem:$0x3F9A];
	_ =	swait.ge [sflag:s4], $0x0  }
0x19: {  	s7 =	sld [smem:$0x3F9B]  }
0x1a: {  	s8 =	sadd.s32 $0xFFFFE003, lr  }
0x1b: {  	s9 =	sadd.s32 $0xFFFFFEF7, lr;
	s5 =	simm.s32 $0xFFFFFFFF;
	p2 =	slt.u32 s8, $0xFFFFF086  }
0x1c: {  	p1 =	slt.u32 s9, $0xF7A;
	s5 =	simm.s32 @!p2 $0x0  }
0x1d: {  	s5 =	simm.s32 @p1 $0x1;
	p0 =	seq.s32 s7, s2  }
0x1e: {  	s7 =	smul.u32 @!p0 $0xF7A, s2;
	p2 =	seq.s32 @!p0 s5, $0x0  }
0x1f: {  	s9 =	smul.u32 $0xF7A, s1;
	s8 =	simm.s32 @!p0 $0x1BF5;
	p2 =	por !p2, p0  }
0x20: {  	[sflag:s8] =	ssyncset.s32 @!p0 $0xFFFFF086;
	s6 =	sadd.s32 @!p0 s3, s7;
	s7 =	simm.s32 @!p0 $0x108  }
0x21: {  	s3 =	sadd.s32 s3, s9;
	s6 =	sadd.s32 @!p0 $0x88, s6;
	s7 =	simm.s32 @p2 $0x1082  }
0x22: {  	[simem:s7], [sflag:s8] =	dma.local @!p0 [hbm:s6], $0xF7A  }
0x23: {  	s9 =	sor.u32 $0xD0000000, s2;
	s6 =	simm.s32 $0x108;
	_ =	swait.ge @!p0 [sflag:s8], $0x0  }
0x24: {  	s3 =	sadd.s32 $0x88, s3;
	s6 =	simm.s32 @!p1 $0x1082;
	[sflag:s4] =	ssyncset.s32 $0xFFFFF086  }
0x25: {  	[simem:s6], [sflag:s4] =	dma.local [hbm:s3], $0xF7A  }
0x26: {  	[smem:$0x3F9B] =	sst s1;
	(tag) =	ssettag s2;
	_ =	strace s9  }
0x27: {  	s1 =	sld [smem:$0x3FAB]  }
0x28: {  	s2 =	sld [smem:$0x3FAC]  }
0x29: {  	s4 =	sld [smem:$0x3FAE]  }
0x2a: {  	p0 =	seq.s32 s5, $0x0;
	s5 =	sld [smem:$0x3FAF]  }
0x2b: {  	s6 =	sld [smem:$0x3FB0]  }
0x2c: {  	s7 =	sld [smem:$0x3FB1]  }
0x2d: {  	s3 =	simm.s32 $0x108;
	s8 =	sld [smem:$0x3FB2]  }
0x2e: {  	s3 =	simm.s32 @!p0 $0x1082;
	s9 =	sld [smem:$0x3FB3]  }
0x2f: {  	lr =	sadd.s32 s0, s3;
	s0 =	sld [smem:$0x3FAA]  }
0x30: {  	s3 =	sld [smem:$0x3FAD]  }
0x31: {  	[smem:$0x3FB6] =	sst s10  }
0x32: {  	s10 =	sld [smem:$0x3FB4];
	_ =	sdelay $0x3  }
0x33: {  	p0 =	seq.s32 s10, $0x1;
	s10 =	sld [smem:$0x3FB6];
	_ =	sdelay $0x3  }
0x34: {  	[smem:$0x3FB6] =	sst s10  }
0x35: {  	s10 =	sld [smem:$0x3FB5];
	_ =	sdelay $0x3  }
0x36: {  	p1 =	seq.s32 s10, $0x1;
	s10 =	sld [smem:$0x3FB6];
	_ =	sdelay $0x3  }
0x37: {  	[smem:$0x3FB6] =	sst s10  }
0x38: {  	s10 =	sld [smem:$0x3FB7]  }
0x39: {  	_ = 	snop;
	(pc) =	sbr.ind lr, $3  }
0x3a: {  	_ = 	snop  }
0x3b: {  	_ = 	snop  }
0x3c: {  	p2 =	seq.s32 s10, $0x1;
	s10 =	sld [smem:$0x3FB6]  }
0x3d: {  	_ =	shalt  }
0x3e: {  	_ =	shalt  }
0x3f: {  	_ =	shalt  }
0x40: {  	_ =	shalt  }
0x41: {  	_ =	shalt  }
0x42: {  	_ =	shalt  }
0x43: {  	_ =	shalt  }
0x44: {  	_ =	shalt  }
0x45: {  	_ =	shalt  }
0x46: {  	_ =	shalt  }
0x47: {  	_ =	shalt  }
0x48: {  	_ =	shalt  }
0x49: {  	_ =	shalt  }
0x4a: {  	_ =	shalt  }
0x4b: {  	_ =	shalt  }
0x4c: {  	_ =	shalt  }
0x4d: {  	_ =	shalt  }
0x4e: {  	_ =	shalt  }
0x4f: {  	_ =	shalt  }
0x50: {  	_ =	shalt  }
0x51: {  	_ =	shalt  }
0x52: {  	_ =	shalt  }
0x53: {  	_ =	shalt  }
0x54: {  	_ =	shalt  }
0x55: {  	_ =	shalt  }
0x56: {  	_ =	shalt  }
0x57: {  	_ =	shalt  }
0x58: {  	_ =	shalt  }
0x59: {  	_ =	shalt  }
0x5a: {  	_ =	shalt  }
0x5b: {  	_ =	shalt  }
0x5c: {  	_ =	shalt  }
0x5d: {  	_ =	shalt  }
0x5e: {  	_ =	shalt  }
0x5f: {  	_ =	shalt  }
0x60: {  	_ =	shalt  }
0x61: {  	_ =	shalt  }
0x62: {  	_ =	shalt  }
0x63: {  	_ =	shalt  }
0x64: {  	_ =	shalt  }
0x65: {  	_ =	shalt  }
0x66: {  	_ =	shalt  }
0x67: {  	_ =	shalt  }
0x68: {  	_ =	shalt  }
0x69: {  	_ =	shalt  }
0x6a: {  	_ =	shalt  }
0x6b: {  	_ =	shalt  }
0x6c: {  	_ =	shalt  }
0x6d: {  	_ =	shalt  }
0x6e: {  	_ =	shalt  }
0x6f: {  	_ =	shalt  }
0x70: {  	_ =	shalt  }
0x71: {  	_ =	shalt  }
0x72: {  	_ =	shalt  }
0x73: {  	_ =	shalt  }
0x74: {  	_ =	shalt  }
0x75: {  	_ =	shalt  }
0x76: {  	_ =	shalt  }
0x77: {  	_ =	shalt  }
0x78: {  	_ =	shalt  }
0x79: {  	_ =	shalt  }
0x7a: {  	_ =	shalt  }
0x7b: {  	_ =	shalt  }
0x7c: {  	_ =	shalt  }
0x7d: {  	_ =	shalt  }
0x7e: {  	_ =	shalt  }
0x7f: {  	_ =	shalt  }
0x80: {  	_ =	shalt  }
0x81: {  	_ =	shalt  }
0x82: {  	_ =	shalt  }
0x83: {  	_ =	shalt  }
0x84: {  	_ =	shalt  }
0x85: {  	_ =	shalt  }
0x86: {  	_ =	shalt  }
0x87: {  	_ =	shalt  }
.Lfunc_end0:
.L_simem_size_0:
called_computation.3_lowered:
.L_overlay_start_0:
0x88: {  	s2 =	sld [smem:$0x3FD9]  }
0x89: {  	s3 =	sld [smem:$0x3FFE];
	_ =	sdelay $0x1  }
0x8a: {  	s1 =	srdreg.scid  }
0x8b: {  	s0 =	sand.u32 $0x1, s1  }
0x8c: {  	s17 =	sshll.u32 s0, $0xA;
	s2 =	sadd.s32 s3, s2  }
0x8d: {  	s2 =	sadd.s32 s2, s17  }
0x8e: {  	[smem:$0x3FC2] =	sst s2  }
0x8f: {  	_ = 	snop  }
0x90: {  	s2 =	sld [smem:$0x3FD0];
	(tm) =	ssettm $0x1  }
0x91: {  	s18 =	sld [smem:$0x3FFB];
	_ =	sdelay $0x3  }
0x92: {  	_ =	strace s18  }
0x93: {  	s3 =	sld [smem:$0x3FFC];
	_ =	sdelay $0x3  }
0x94: {  	_ =	strace s3  }
0x95: {  	s3 =	sld [smem:$0x3FFD];
	_ =	sdelay $0x3  }
0x96: {  	_ =	strace s3  }
0x97: {  	_ =	strace $0x8FFFFFFF  }
0x98: {  	s19 =	sld [smem:$0x3FDB];
	_ =	sdelay $0x1  }
0x99: {  	s4 =	simm.s32 $_scs_section_size  }
0x9a: {  	s5 =	simm.s32 $_size__tile_overlayer_lowered;
	s6 =	simm.s32 $_tile_overlayer_lowered  }
0x9b: {  	s22 =	simm.s32 $0x1BFF;
	s21 =	sshll.u32 s6, $0x1;
	s3 =	sadd.s32 s4, s19  }
0x9c: {  	s7 =	simm.s32 $0x0;
	s20 =	sshll.u32 s5, $0x1;
	s5 =	sadd.s32 s21, s3  }
0x9d: {  	[timem:s7], [sflag:s22] =	dma.local [hbm:s5], s20  }
0x9e: {  	_ =	swait.ge [sflag:s22], s20  }
0x9f: {  	s4 =	ssub.s32 $0x0, s20;
	[sflag:s22] =	ssyncset.done $0x0  }
0xa0: {  	[sflag:s22] =	ssyncadd.s32 s4;
	_ =	sdelay $0x1  }
0xa1: {  	s23 =	simm.s32 $0x1B8B  }
0xa2: {  	_ =	swait.ge [sflag:s23], $0x1  }
0xa3: {  	[sflag:s23] =	ssyncset.done $0x0  }
0xa4: {  	s25 =	simm.s32 $0x1B8E;
	s24 =	sld [smem:$0x3FFE];
	[sflag:s23] =	ssyncadd.s32 $0xFFFFFFFF  }
0xa5: {  	s26 =	simm.s32 $execute0_lowered;
	[smem:$0x3FD2] =	sst s25  }
0xa6: {  	s5 =	sshll.u32 s26, $0x1;
	_ =	strace $0x8000004F;
	[dreg:$0x1] =	wrdreg $0xFFFFFFFF  }
0xa7: {  	s28 =	simm.s32 $_size_execute0_lowered;
	s3 =	sadd.s32 s3, s5;
	[dreg:$0x0] =	wrdreg $0x0  }
0xa8: {  	s5 =	sshll.u32 s28, $0x1;
	[dreg:$0x2] =	wrdreg s3  }
0xa9: {  	[dreg:$0x3] =	wrdreg s5  }
0xaa: {  	[dreg:$0x4] =	wrdreg $0xC0  }
0xab: {  	_ =	task [dreg:s7], $0x5FFFF  }
0xac: {  	[dreg:$0x1] =	wrdreg $0xFFFFFFFF  }
0xad: {  	[dreg:$0x0] =	wrdreg $0x60  }
0xae: {  	[dreg:$0x2] =	wrdreg s24  }
0xaf: {  	[dreg:$0x3] =	wrdreg s2  }
0xb0: {  	[dreg:$0x4] =	wrdreg $0x120000  }
0xb1: {  	[dreg:$0x5] =	wrdreg $0x9  }
0xb2: {  	_ =	task.clear_ibuf [dreg:s7], $0x6FFFF;
	_ =	strace $0x9000004F  }
0xb3: {  	s29 =	simm.s32 $0x9;
	_ =	strace $0x80000051  }
0xb4: {  	_ =	swait.ge [sflag:s29], $0x1  }
0xb5: {  	[sflag:s29] =	ssyncadd.s32 $0xFFFFFFFF  }
0xb6: {  	_ =	strace $0x90000051  }
0xb7: {  	_ =	sfence  }
0xb8: {  	s30 =	sld [smem:$0x0];
	_ =	sdelay $0x2  }
0xb9: {  	s31 =	sshll.u32 s1, $0xD;
	s1 =	sshrl.u32 s1, $0x2  }
0xba: {  	s3 =	sand.u32 $0x4000, s31;
	s1 =	sadd.s32 s1, s30  }
0xbb: {  	s0 =	sor.u32 s3, s0;
	s1 =	sshll.u32 s1, $0x11  }
0xbc: {  	s0 =	sor.u32 s1, s0  }
0xbd: {  	s0 =	sadd.s32 $0x8F2B, s0  }
0xbe: {  	[sflag:s0] =	ssyncadd.remote.s32 $0x1  }
0xbf: {  	_ =	sfence.sel $0xFFFF  }
0xc0: {  	[dreg:$0x0] =	wrdreg $0xFFFFFFFF;
	(pc) =	sbr.abs _section_cstart, $3  }
0xc1: {  	[dreg:$0x1] =	wrdreg $0xFFFFFFFF  }
0xc2: {  	_ =	task.clear_ibuf [dreg:s7], $0x2FFFF;
	_ =	strace $0x9FFFFFFF  }
0xc3: {  	(tm) =	ssettm $0x7FFFFFFF  }
tec
execute0_lowered:
.L_overlay_start_1:
0x0: {  	(tag) =	ssettag $0x1  }
0x1: {  	s0 =	rddreg [dreg:$0x0]  }
0x2: {  	s7 =	rddreg [dreg:$0x1]  }
0x3: {  	s2 =	rddreg [dreg:$0x2]  }
0x4: {  	s4 =	srdreg.scid;
	s3 =	simm.s32 $0x0;
	s1 =	stileid.u32  }
0x5: {  	s11 =	simm.s32 $0xB9A00;
	s14 =	simm.s32 $0x80;
	s15 =	simm.s32 $0xA000  }
0x6: {  	s16 =	simm.s32 $0xC000;
	s17 =	simm.s32 $0x100;
	s18 =	simm.s32 $0xE000  }
0x7: {  	s19 =	simm.s32 $0x180;
	s20 =	simm.s32 $0x10000;
	s21 =	simm.s32 $0x1  }
0x8: {  	s22 =	simm.s32 $0x2;
	s23 =	simm.s32 $0x3;
	s24 =	simm.s32 $0x4  }
0x9: {  	s25 =	simm.s32 $0x9E00;
	s29 =	simm.s32 $0x9F80;
	s30 =	simm.s32 $0x0  }
0xa: {  	s28 =	sand.u32 $0x1, s4;
	[smem:$0x7FF] =	sst s3;
	s5 =	smul.u32 $0xA00, s1  }
0xb: {  	s4 =	sadd.s32 $0x19400, s0;
	s10 =	smul.u32 $0xA000, s1;
	s31 =	sshll.u32 s1, $0x6  }
0xc: {  	s6 =	ssub.s32 $0x2, s28;
	_ =	strace $0x80000050;
	p0 =	seq.s32 s28, $0x1  }
0xd: {  	s12 =	sor.u32 $0x1C05, s31;
	v0 =	vmov s28;
	s28 =	simm.s32 $0x9F00;
	s8 =	sshrl.u32 s6, $0x1  }
0xe: {  	s9 =	sadd.s32 s5, s0;
	s11 =	simm.s32 @!p0 $0xCDA00;
	s13 =	sadd.s32 s10, s2  }
0xf: {  	s26 =	sshrl.u32 s10, $0x3;
	s10 =	simm.s32 $0x5;
	s8 =	ssub.s32 s6, s8  }
0x10: {  	s5 =	sadd.s32 $0x5400, s9;
	s6 =	sadd.s32 $0xF400, s9;
	s0 =	sadd.s32 s11, s0  }
0x11: {  	s7 =	sadd.s32 s7, s26;
	s11 =	simm.s32 $0x5000;
	s13 =	sshrl.u32 s13, $0x3  }
0x12: {  	s8 =	smax.u32 s8, $0x1;
	s9 =	sadd.s32 s0, s26;
	s26 =	simm.s32 $0x9E80  }
.LBB2_1:
0x13: {  	[tilespmem:s3], [sflag:$0x5] =	stream.linear.gather [hbm4b:s5+s3], $0x5000, $0x38;
	[tilespmem:$0x1C000] =	vst v63  }
0x14: {  	_ =	swait.ge [sflag:s10], $0x5000  }
0x15: {  	[sflag:s10] =	ssyncset.done $0x0  }
0x16: {  	[sflag:s10] =	ssyncadd.s32 $0xFFFFB000  }
0x17: {  	[tilespmem:s11], [sflag:$0x5] =	stream.linear.gather [hbm4b:s6+s3], $0x5000, $0x38;
	[tilespmem:$0x1C000] =	vst v63  }
0x18: {  	_ =	swait.ge [sflag:s10], $0x5000  }
0x19: {  	[sflag:s10] =	ssyncset.done $0x0  }
0x1a: {  	[sflag:s10] =	ssyncadd.s32 $0xFFFFB000  }
0x1b: {  	[spmem:s13], [sflag:s12] =	dma.local [hbm:s7], $0x1400  }
0x1c: {  	_ =	swait.ge [sflag:s10], $0x1400  }
0x1d: {  	[sflag:s10] =	ssyncset.done $0x0  }
0x1e: {  	s31 =	simm.s32 $0x0;
	[sflag:s10] =	ssyncadd.s32 $0xFFFFEC00  }
0x1f: {  	v2 =	vld [tilespmem:s31+$0x0]  }
0x20: {  	v3 =	vld [tilespmem:s31+$0x10]  }
0x21: {  	v5 =	vld [tilespmem:s31+$0x20]  }
0x22: {  	v4 =	vld [tilespmem:s31+$0x30]  }
0x23: {  	v1 =	vld [tilespmem:s31+$0x40]  }
0x24: {  	v6 =	vshll.u32 v2, $0x1;
	v2 =	vld [tilespmem:s31+$0x50]  }
0x25: {  	s0 =	simm.s32 $0x200;
	v7 =	vshll.u32 v3, $0x1;
	v3 =	vld [tilespmem:s31+$0x60];
	v6 =	vor.u32 v0, v6  }
.LBB2_2:
0x26: {  	s1 =	sshra.s32 s0, $0x2;
	p0 =	sne.s32 s0, $0x13E00;
	[tilespmem:s31+$0x0] =	vst v6;
	v6 =	vor.u32 v0, v7;
	v5 =	vshll.u32 v5, $0x1;
	v7 =	vld [tilespmem:s31+$0x70]  }
0x27: {  	v8 =	vld [tilespmem:s1+$0x0];
	[tilespmem:s31+$0x10] =	vst v6;
	v5 =	vor.u32 v0, v5;
	v4 =	vshll.u32 v4, $0x1  }
0x28: {  	v9 =	vld [tilespmem:s1+$0x10];
	[tilespmem:s31+$0x20] =	vst v5;
	v4 =	vor.u32 v0, v4;
	v1 =	vshll.u32 v1, $0x1  }
.Ltmp0:
0x29: {  	v5 =	vld [tilespmem:s1+$0x20];
	[tilespmem:s31+$0x30] =	vst v4;
	v1 =	vor.u32 v0, v1;
	v2 =	vshll.u32 v2, $0x1;
	(pc) =	sbr.rel @p0 .LBB2_2-.Ltmp0, $4  }
0x2a: {  	v4 =	vld [tilespmem:s1+$0x30];
	[tilespmem:s31+$0x40] =	vst v1;
	v2 =	vor.u32 v0, v2;
	v3 =	vshll.u32 v3, $0x1  }
0x2b: {  	v1 =	vld [tilespmem:s1+$0x40];
	[tilespmem:s31+$0x50] =	vst v2;
	v3 =	vor.u32 v0, v3;
	v6 =	vshll.u32 v7, $0x1  }
0x2c: {  	v7 =	vshll.u32 v8, $0x1;
	v2 =	vld [tilespmem:s1+$0x50];
	[tilespmem:s31+$0x60] =	vst v3;
	v8 =	vor.u32 v0, v6  }
0x2d: {  	s0 =	sadd.s32 $0x200, s0;
	v6 =	vor.u32 v0, v7;
	v7 =	vshll.u32 v9, $0x1;
	v3 =	vld [tilespmem:s1+$0x60];
	[tilespmem:s31+$0x70] =	vst v8;
	s31 =	smov.u32 s1  }
0x2e: {  	[tilespmem:s31+$0x0] =	vst v6;
	v62 =	vor.u32 v0, v7;
	v5 =	vshll.u32 v5, $0x1;
	v63 =	vld [tilespmem:s31+$0x70]  }
0x2f: {  	[tilespmem:s31+$0x10] =	vst v62;
	v5 =	vor.u32 v0, v5;
	v4 =	vshll.u32 v4, $0x1  }
0x30: {  	[tilespmem:s31+$0x20] =	vst v5;
	v4 =	vor.u32 v0, v4;
	v1 =	vshll.u32 v1, $0x1  }
0x31: {  	[tilespmem:s31+$0x30] =	vst v4;
	v1 =	vor.u32 v0, v1;
	v2 =	vshll.u32 v2, $0x1  }
0x32: {  	[tilespmem:s31+$0x40] =	vst v1;
	v1 =	vor.u32 v0, v2;
	v2 =	vshll.u32 v3, $0x1  }
0x33: {  	[tilespmem:s31+$0x50] =	vst v1;
	v1 =	vor.u32 v0, v2;
	v2 =	vshll.u32 v63, $0x1  }
0x34: {  	[tilespmem:s31+$0x60] =	vst v1;
	v1 =	vor.u32 v0, v2  }
0x35: {  	[tilespmem:s31+$0x70] =	vst v1  }
0x36: {  	s0 =	simm.s32 $0x0;
	[bflag:$0x0] =	sbarrier.arrive $0xFFFF  }
0x37: {  	[tilespmem:s15], [sflag:$0x1] =	stream.indirect.gather [hbm4b:s4+s14], $0x40, s0, s14, $0xb8;
	[tilespmem:$0x1C000] =	vst v63  }
0x38: {  	_ = 	snop  }
0x39: {  	[tilespmem:s16], [sflag:$0x2] =	stream.indirect.gather [hbm4b:s4+s14], $0x40, s14, s14, $0xb8;
	[tilespmem:$0x1C000] =	vst v63  }
0x3a: {  	_ = 	snop  }
0x3b: {  	[tilespmem:s18], [sflag:$0x3] =	stream.indirect.gather [hbm4b:s4+s14], $0x40, s17, s14, $0xb8;
	[tilespmem:$0x1C000] =	vst v63  }
0x3c: {  	_ = 	snop  }
0x3d: {  	[tilespmem:s20], [sflag:$0x4] =	stream.indirect.gather [hbm4b:s4+s14], $0x40, s19, s14, $0xb8;
	[tilespmem:$0x1C000] =	vst v63  }
0x3e: {  	_ =	swait.ge [sflag:s21], $0x2000  }
0x3f: {  	[sflag:s21] =	ssyncset.done $0x0  }
0x40: {  	s1 =	simm.s32 $0x5000;
	[sflag:s21] =	ssyncadd.s32 $0xFFFFE000  }
0x41: {  	[spmem:s2] =	stream.indirect.scatter.add.f32 [tilespmem:s15], [sflag:$0x5], $0x40, s1, s14, $0xb8;
	[tilespmem:$0x1C000] =	vst v63  }
0x42: {  	_ =	swait.ge [sflag:s10], $0x2000  }
0x43: {  	[sflag:s10] =	ssyncset.done $0x0  }
0x44: {  	s1 =	simm.s32 $0x200;
	[sflag:s10] =	ssyncadd.s32 $0xFFFFE000  }
0x45: {  	[tilespmem:s15], [sflag:$0x1] =	stream.indirect.gather [hbm4b:s4+s14], $0x40, s1, s14, $0xb8;
	[tilespmem:$0x1C000] =	vst v63  }
0x46: {  	_ =	swait.ge [sflag:s22], $0x2000  }
0x47: {  	[sflag:s22] =	ssyncset.done $0x0  }
0x48: {  	s1 =	simm.s32 $0x5080;
	[sflag:s22] =	ssyncadd.s32 $0xFFFFE000  }
0x49: {  	[spmem:s2] =	stream.indirect.scatter.add.f32 [tilespmem:s16], [sflag:$0x5], $0x40, s1, s14, $0xb8;
	[tilespmem:$0x1C000] =	vst v63  }
0x4a: {  	_ =	swait.ge [sflag:s10], $0x2000  }
0x4b: {  	[sflag:s10] =	ssyncset.done $0x0  }
0x4c: {  	s1 =	simm.s32 $0x280;
	[sflag:s10] =	ssyncadd.s32 $0xFFFFE000  }
0x4d: {  	[tilespmem:s16], [sflag:$0x2] =	stream.indirect.gather [hbm4b:s4+s14], $0x40, s1, s14, $0xb8;
	[tilespmem:$0x1C000] =	vst v63  }
0x4e: {  	_ =	swait.ge [sflag:s23], $0x2000  }
0x4f: {  	[sflag:s23] =	ssyncset.done $0x0  }
0x50: {  	s1 =	simm.s32 $0x5100;
	[sflag:s23] =	ssyncadd.s32 $0xFFFFE000  }
0x51: {  	[spmem:s2] =	stream.indirect.scatter.add.f32 [tilespmem:s18], [sflag:$0x5], $0x40, s1, s14, $0xb8;
	[tilespmem:$0x1C000] =	vst v63  }
0x52: {  	_ =	swait.ge [sflag:s10], $0x2000  }
0x53: {  	[sflag:s10] =	ssyncset.done $0x0  }
0x54: {  	s1 =	simm.s32 $0x300;
	[sflag:s10] =	ssyncadd.s32 $0xFFFFE000  }
0x55: {  	[tilespmem:s18], [sflag:$0x3] =	stream.indirect.gather [hbm4b:s4+s14], $0x40, s1, s14, $0xb8;
	[tilespmem:$0x1C000] =	vst v63  }
0x56: {  	_ =	swait.ge [sflag:s24], $0x2000  }
0x57: {  	[sflag:s24] =	ssyncset.done $0x0  }
0x58: {  	s1 =	simm.s32 $0x5180;
	[sflag:s24] =	ssyncadd.s32 $0xFFFFE000  }
0x59: {  	[spmem:s2] =	stream.indirect.scatter.add.f32 [tilespmem:s20], [sflag:$0x5], $0x40, s1, s14, $0xb8;
	[tilespmem:$0x1C000] =	vst v63  }
0x5a: {  	_ =	swait.ge [sflag:s10], $0x2000  }
0x5b: {  	[sflag:s10] =	ssyncset.done $0x0  }
0x5c: {  	s31 =	simm.s32 $0x800;
	s0 =	simm.s32 $0x380;
	[sflag:s10] =	ssyncadd.s32 $0xFFFFE000  }
.LBB2_4:
0x5d: {  	[tilespmem:s20], [sflag:$0x4] =	stream.indirect.gather [hbm4b:s4+s14], $0x40, s0, s14, $0xb8;
	[tilespmem:$0x1C000] =	vst v63  }
0x5e: {  	s0 =	smov.u32 s31  }
0x5f: {  	p0 =	sne.s32 s31, $0x13000;
	s31 =	sadd.s32 $0x800, s31;
	_ =	swait.ge [sflag:s21], $0x2000  }
0x60: {  	s0 =	sshra.s32 s0, $0x2;
	[sflag:s21] =	ssyncset.done $0x0  }
0x61: {  	s1 =	sadd.s32 $0x5000, s0;
	[sflag:s21] =	ssyncadd.s32 $0xFFFFE000  }
0x62: {  	[spmem:s2] =	stream.indirect.scatter.add.f32 [tilespmem:s15], [sflag:$0x5], $0x40, s1, s14, $0xb8;
	[tilespmem:$0x1C000] =	vst v63  }
0x63: {  	_ =	swait.ge [sflag:s10], $0x2000  }
0x64: {  	[sflag:s10] =	ssyncset.done $0x0  }
0x65: {  	s1 =	sadd.s32 $0x200, s0;
	[sflag:s10] =	ssyncadd.s32 $0xFFFFE000  }
0x66: {  	[tilespmem:s15], [sflag:$0x1] =	stream.indirect.gather [hbm4b:s4+s14], $0x40, s1, s14, $0xb8;
	[tilespmem:$0x1C000] =	vst v63  }
0x67: {  	_ =	swait.ge [sflag:s22], $0x2000  }
0x68: {  	[sflag:s22] =	ssyncset.done $0x0  }
0x69: {  	s1 =	sadd.s32 $0x5080, s0;
	[sflag:s22] =	ssyncadd.s32 $0xFFFFE000  }
0x6a: {  	[spmem:s2] =	stream.indirect.scatter.add.f32 [tilespmem:s16], [sflag:$0x5], $0x40, s1, s14, $0xb8;
	[tilespmem:$0x1C000] =	vst v63  }
0x6b: {  	_ =	swait.ge [sflag:s10], $0x2000  }
0x6c: {  	[sflag:s10] =	ssyncset.done $0x0  }
0x6d: {  	s1 =	sadd.s32 $0x280, s0;
	[sflag:s10] =	ssyncadd.s32 $0xFFFFE000  }
0x6e: {  	[tilespmem:s16], [sflag:$0x2] =	stream.indirect.gather [hbm4b:s4+s14], $0x40, s1, s14, $0xb8;
	[tilespmem:$0x1C000] =	vst v63  }
0x6f: {  	_ =	swait.ge [sflag:s23], $0x2000  }
0x70: {  	[sflag:s23] =	ssyncset.done $0x0  }
0x71: {  	s1 =	sadd.s32 $0x5100, s0;
	[sflag:s23] =	ssyncadd.s32 $0xFFFFE000  }
0x72: {  	[spmem:s2] =	stream.indirect.scatter.add.f32 [tilespmem:s18], [sflag:$0x5], $0x40, s1, s14, $0xb8;
	[tilespmem:$0x1C000] =	vst v63  }
0x73: {  	_ =	swait.ge [sflag:s10], $0x2000  }
0x74: {  	[sflag:s10] =	ssyncset.done $0x0  }
0x75: {  	s1 =	sadd.s32 $0x300, s0;
	[sflag:s10] =	ssyncadd.s32 $0xFFFFE000  }
0x76: {  	[tilespmem:s18], [sflag:$0x3] =	stream.indirect.gather [hbm4b:s4+s14], $0x40, s1, s14, $0xb8;
	[tilespmem:$0x1C000] =	vst v63  }
0x77: {  	_ =	swait.ge [sflag:s24], $0x2000  }
0x78: {  	[sflag:s24] =	ssyncset.done $0x0  }
.Ltmp1:
0x79: {  	s1 =	sadd.s32 $0x5180, s0;
	[sflag:s24] =	ssyncadd.s32 $0xFFFFE000;
	(pc) =	sbr.rel @p0 .LBB2_4-.Ltmp1, $4  }
0x7a: {  	[spmem:s2] =	stream.indirect.scatter.add.f32 [tilespmem:s20], [sflag:$0x5], $0x40, s1, s14, $0xb8;
	[tilespmem:$0x1C000] =	vst v63  }
0x7b: {  	_ =	swait.ge [sflag:s10], $0x2000  }
0x7c: {  	[sflag:s10] =	ssyncset.done $0x0  }
0x7d: {  	s0 =	sadd.s32 $0x380, s0;
	[sflag:s10] =	ssyncadd.s32 $0xFFFFE000  }
0x7e: {  	[tilespmem:s20], [sflag:$0x4] =	stream.indirect.gather [hbm4b:s4+s14], $0x40, s0, s14, $0xb8;
	[tilespmem:$0x1C000] =	vst v63  }
0x7f: {  	_ =	swait.ge [sflag:s21], $0x2000  }
0x80: {  	[sflag:s21] =	ssyncset.done $0x0  }
0x81: {  	[sflag:s21] =	ssyncadd.s32 $0xFFFFE000  }
0x82: {  	[spmem:s2] =	stream.indirect.scatter.add.f32 [tilespmem:s15], [sflag:$0x5], $0x40, s25, s14, $0xb8;
	[tilespmem:$0x1C000] =	vst v63  }
0x83: {  	_ =	swait.ge [sflag:s10], $0x2000  }
0x84: {  	[sflag:s10] =	ssyncset.done $0x0  }
0x85: {  	[sflag:s10] =	ssyncadd.s32 $0xFFFFE000  }
0x86: {  	_ =	swait.ge [sflag:s22], $0x2000  }
0x87: {  	[sflag:s22] =	ssyncset.done $0x0  }
0x88: {  	[sflag:s22] =	ssyncadd.s32 $0xFFFFE000  }
0x89: {  	[spmem:s2] =	stream.indirect.scatter.add.f32 [tilespmem:s16], [sflag:$0x5], $0x40, s26, s14, $0xb8;
	[tilespmem:$0x1C000] =	vst v63  }
0x8a: {  	_ =	swait.ge [sflag:s10], $0x2000  }
0x8b: {  	[sflag:s10] =	ssyncset.done $0x0  }
0x8c: {  	[sflag:s10] =	ssyncadd.s32 $0xFFFFE000  }
0x8d: {  	_ =	swait.ge [sflag:s23], $0x2000  }
0x8e: {  	[sflag:s23] =	ssyncset.done $0x0  }
0x8f: {  	[sflag:s23] =	ssyncadd.s32 $0xFFFFE000  }
0x90: {  	[spmem:s2] =	stream.indirect.scatter.add.f32 [tilespmem:s18], [sflag:$0x5], $0x40, s28, s14, $0xb8;
	[tilespmem:$0x1C000] =	vst v63  }
0x91: {  	_ =	swait.ge [sflag:s10], $0x2000  }
0x92: {  	[sflag:s10] =	ssyncset.done $0x0  }
0x93: {  	[sflag:s10] =	ssyncadd.s32 $0xFFFFE000  }
0x94: {  	_ =	swait.ge [sflag:s24], $0x2000  }
0x95: {  	[sflag:s24] =	ssyncset.done $0x0  }
0x96: {  	[sflag:s24] =	ssyncadd.s32 $0xFFFFE000  }
0x97: {  	[spmem:s2] =	stream.indirect.scatter.add.f32 [tilespmem:s20], [sflag:$0x5], $0x40, s29, s14, $0xb8;
	[tilespmem:$0x1C000] =	vst v63  }
0x98: {  	_ =	swait.ge [sflag:s10], $0x2000  }
0x99: {  	s30 =	sadd.s32 $0x1, s30;
	[sflag:s10] =	ssyncset.done $0x0  }
0x9a: {  	p0 =	sne.s32 s30, s8;
	[sflag:s10] =	ssyncadd.s32 $0xFFFFE000  }
.Ltmp2:
0x9b: {  	[bflag:$0x0] =	sbarrier.arrive $0xFFFF;
	(pc) =	sbr.rel @p0 .LBB2_1-.Ltmp2, $4  }
0x9c: {  	[hbm:s9], [sflag:s12] =	dma.local [spmem:s13], $0x1400  }
0x9d: {  	_ =	swait.ge [sflag:s10], $0x1400  }
0x9e: {  	[sflag:s10] =	ssyncset.done $0x0  }
0x9f: {  	[sflag:s10] =	ssyncadd.s32 $0xFFFFEC00  }
0xa0: {  	_ =	sfence.sel $0x180000  }
0xa1: {  	[bflag:$0x0] =	sbarrier.arrive $0xFFFF  }
0xa2: {  	_ =	strace $0x90000050  }
0xa3: {  	s0 =	stileid.u32;
	[bflag:$0x2] =	sbarrier.arrive $0xFFFF  }
0xa4: {  	p0 =	sne.s32 s0, $0x0;
	s0 =	rddreg [dreg:$0x3]  }
0xa5: {  	s0 =	sadd.s32 @!p0 $0x100000, s0  }
0xa6: {  	[sflag:s0] =	ssyncadd.tile.s32 @!p0 $0x1;
	_ =	shalt  }
.Lfunc_end2:
_tile_overlayer_lowered:
.L_overlay_start_2:
0xa7: {  	(tag) =	ssettag $0x2  }
0xa8: {  	s0 =	rddreg [dreg:$0x0];
	s2 =	stileid.u32  }
0xa9: {  	s1 =	rddreg [dreg:$0x1];
	p0 =	sne.s32 s2, $0x0  }
0xaa: {  	s3 =	rddreg [dreg:$0x2];
	[bflag:$0x3] =	sbarrier.arrive $0xFFFF;
	s2 =	simm.s32 @!p0 $0x1C05  }
0xab: {  	[timem:s3], [sflag:s2] =	dma.local @!p0 [hbm:s0], s1  }
0xac: {  	s0 =	simm.s32 @!p0 $0x5  }
0xad: {  	_ =	swait.ge @!p0 [sflag:s0], s1  }
0xae: {  	s1 =	ssub.s32 @!p0 $0x0, s1;
	[sflag:s0] =	ssyncset.done @!p0 $0x0  }
0xaf: {  	[sflag:s0] =	ssyncadd.s32 @!p0 s1  }
0xb0: {  	[bflag:$0x3] =	sbarrier.arrive $0xFFFF  }
0xb1: {  	_ =	shalt  }

</sc_bundles>
